<compile_context>
chip_gen: v7x
topology: tpu7x:2x2x1
jax: 0.10.2.dev20260603
libtpu: 0.0.44.dev20260713+nightly
codegen_flags: <defaults>
</compile_context>

<pallas_src>
import functools

import jax
import jax.numpy as jnp
from jax import lax
from jax.experimental import pallas as pl
from jax.experimental.pallas import tpu as pltpu
from jax.experimental.pallas import tpu_sc as plsc

TOPK = 8
SEQ = 8192
FEAT = 128
CHUNK = 16
NSC = 4
SHARDS = 8
SC_R = 512
_NEG = float("-inf")

_NET8 = (
    (0, 1), (2, 3), (4, 5), (6, 7),
    (0, 2), (1, 3), (4, 6), (5, 7),
    (1, 2), (5, 6), (0, 4), (3, 7),
    (1, 5), (2, 6),
    (1, 4), (3, 6),
    (2, 4), (3, 5),
    (3, 4),
)


def _sort8(v):
    v = list(v)
    for a, b in _NET8:
        hi = jnp.maximum(v[a], v[b])
        lo = jnp.minimum(v[a], v[b])
        v[a], v[b] = hi, lo
    return v


def _merge_top8(a, b):
    h = [jnp.maximum(a[j], b[7 - j]) for j in range(8)]
    for d in (4, 2, 1):
        nh = list(h)
        for s in range(0, 8, 2 * d):
            for t in range(s, s + d):
                nh[t] = jnp.maximum(h[t], h[t + d])
                nh[t + d] = jnp.minimum(h[t], h[t + d])
        h = nh
    return h


def _tree_collapse(acc, p):
    while p > 1:
        half = p // 2
        acc = _merge_top8([t[:half] for t in acc], [t[half:] for t in acc])
        p = half
    return acc



def _tc_body(x_ref, o_ref):
    group = 8 * CHUNK

    def body(i, acc):
        blk = x_ref[0, pl.ds(i * 2 * group, 2 * group), :]
        v1 = _sort8(blk[j * CHUNK:(j + 1) * CHUNK, :] for j in range(8))
        v2 = _sort8(blk[(8 + j) * CHUNK:(9 + j) * CHUNK, :] for j in range(8))
        w = _merge_top8(v1, v2)
        return tuple(_merge_top8(list(acc), w))

    init = tuple(jnp.full((CHUNK, FEAT), _NEG, jnp.float32) for _ in range(TOPK))
    acc = list(jax.lax.fori_loop(0, SEQ // (2 * group), body, init))
    top = jnp.concatenate(_tree_collapse(acc, CHUNK), axis=0)
    o_ref[0] = top.T


def _tc_topk(x, nb):
    _, s, f = x.shape
    return pl.pallas_call(
        _tc_body,
        grid=(nb,),
        in_specs=[pl.BlockSpec((1, s, f), lambda i: (i, 0, 0))],
        out_specs=pl.BlockSpec((1, f, TOPK), lambda i: (i, 0, 0)),
        out_shape=jax.ShapeDtypeStruct((nb, f, TOPK), x.dtype),
    )(x)



def _sc_partials(x):
    b_total = x.shape[0]
    shard_rows = SEQ // SHARDS
    mesh = plsc.VectorSubcoreMesh(core_axis_name="c", subcore_axis_name="s")

    @functools.partial(
        pl.kernel,
        mesh=mesh,
        out_type=jax.ShapeDtypeStruct((NSC, SHARDS, TOPK, FEAT), jnp.float32),
        scratch_types=[
            pltpu.VMEM((SC_R, FEAT), jnp.float32),
            pltpu.VMEM((TOPK, FEAT), jnp.float32),
        ],
    )
    def k(x_hbm, out_hbm, buf, obuf):
        wid = lax.axis_index("s") * 2 + lax.axis_index("c")
        bb = wid // SHARDS
        shard = wid % SHARDS
        b = b_total - NSC + bb
        row0 = shard * shard_rows
        neg = jnp.full((16,), _NEG, jnp.float32)

        def chunk_body(c, acc):
            pltpu.sync_copy(
                x_hbm.at[b, pl.ds(row0 + c * SC_R, SC_R), :], buf)
            accs = list(acc)
            for col in range(FEAT // 16):
                sl = pl.ds(col * 16, 16)

                def row_body(i, a):
                    base = i * 16
                    v1 = _sort8(buf[base + j, sl] for j in range(8))
                    v2 = _sort8(buf[base + 8 + j, sl] for j in range(8))
                    w = _merge_top8(v1, v2)
                    return tuple(_merge_top8(list(a), w))

                a = lax.fori_loop(0, SC_R // 16, row_body,
                                  tuple(accs[col * 8:(col + 1) * 8]))
                accs[col * 8:(col + 1) * 8] = list(a)
            return tuple(accs)

        acc = lax.fori_loop(0, shard_rows // SC_R, chunk_body,
                            (neg,) * (8 * (FEAT // 16)))
        for col in range(FEAT // 16):
            for kk in range(TOPK):
                obuf[kk, pl.ds(col * 16, 16)] = acc[col * 8 + kk]
        pltpu.sync_copy(obuf, out_hbm.at[bb, shard])

    return k(x)


def _sc_merge(parts):

    def body(p_ref, o_ref):
        acc = [jnp.concatenate([p_ref[0, sh, j:j + 1, :] for sh in range(SHARDS)],
                               axis=0) for j in range(TOPK)]
        top = jnp.concatenate(_tree_collapse(acc, SHARDS), axis=0)
        o_ref[0] = top.T

    return pl.pallas_call(
        body,
        grid=(NSC,),
        in_specs=[pl.BlockSpec((1, SHARDS, TOPK, FEAT), lambda i: (i, 0, 0, 0))],
        out_specs=pl.BlockSpec((1, FEAT, TOPK), lambda i: (i, 0, 0)),
        out_shape=jax.ShapeDtypeStruct((NSC, FEAT, TOPK), jnp.float32),
    )(parts)


def kernel(x):
    b, s, f = x.shape
    tc_out = _tc_topk(x, b - NSC)
    parts = _sc_partials(x)
    sc_out = _sc_merge(parts)
    out = jnp.concatenate([tc_out, sc_out], axis=0)
    return out.reshape(b, f * TOPK)

# --- scband reference (transcript-rebuilt; emitter-appended) ---
"""Pipeline reference for scband-kmax-pooling-79517024519001 (READ-ONLY COPY).

The authoritative reference and input builder live on the scoring server;
editing this copy changes nothing except your own understanding.
"""

import jax, jax.numpy as jnp
import numpy as np

K = 8

def setup_inputs(seed: int = 0) -> dict:
    key = jax.random.key(seed)
    x = jax.random.normal(key, (32, 8192, 128), dtype=jnp.float32)
    return {"x": x}

def reference(x):
    # KMaxPooling: transpose to (B, F, S), take top-k along steps, flatten
    shifted_x = jnp.transpose(x, (0, 2, 1))  # (B, F, S)
    top_k_vals = jax.lax.top_k(shifted_x, K)[0]  # (B, F, K), sorted descending
    out = top_k_vals.reshape(top_k_vals.shape[0], -1)  # (B, F*K)
    return out

if __name__ == "__main__":
    import jax
    _d = setup_inputs()
    print(jax.jit(kernel)(*tuple(_d.values())))

</pallas_src>

<mosaic_0001>
#map = affine_map<(d0, d1) -> (0, 0, 0)>
#map1 = affine_map<(d0, d1) -> (0, 0, 0, 0)>
module attributes {stable_mosaic.version = 14 : i64} {
  func.func @k(%arg0: i32, %arg1: i32, %arg2: memref<32x8192x128xf32, #tpu.memory_space<hbm>>, %arg3: memref<4x8x8x128xf32, #tpu.memory_space<hbm>>, %arg4: memref<512x128xf32, #tpu.memory_space<vmem>>, %arg5: memref<8x128xf32, #tpu.memory_space<vmem>>) attributes {dimension_semantics = [#tpu.dimension_semantics<core_parallel>, #tpu.dimension_semantics<subcore_parallel>], iteration_bounds = array<i64: 2, 16>, scalar_prefetch = 0 : i64, scratch_operands = 2 : i64, tpu.core_type = #tpu.core_type<sc_vector_subcore>, window_params = [{transform_indices = #map}, {transform_indices = #map1}]} {
    %mul3A = arith.constant 2 : i32
    %mul3A_0 = arith.muli %arg1, %mul3A : i32
    %add3A = arith.addi %mul3A_0, %arg0 : i32
    %jit3A = arith.constant 8 : i32
    %div3A = arith.divsi %add3A, %jit3A : i32
    %sign3A = arith.constant 0 : i32
    %sign3A_1 = arith.cmpi sgt, %add3A, %sign3A : i32
    %sign3A_2 = arith.extui %sign3A_1 : i1 to i32
    %sign3A_3 = arith.constant 0 : i32
    %sign3A_4 = arith.cmpi slt, %add3A, %sign3A_3 : i32
    %sign3A_5 = arith.extui %sign3A_4 : i1 to i32
    %sign3A_6 = arith.subi %sign3A_2, %sign3A_5 : i32
    %sign3A_7 = arith.constant 0 : i32
    %sign3A_8 = arith.cmpi sgt, %jit3A, %sign3A_7 : i32
    %sign3A_9 = arith.extui %sign3A_8 : i1 to i32
    %sign3A_10 = arith.constant 0 : i32
    %sign3A_11 = arith.cmpi slt, %jit3A, %sign3A_10 : i32
    %sign3A_12 = arith.extui %sign3A_11 : i1 to i32
    %sign3A_13 = arith.subi %sign3A_9, %sign3A_12 : i32
    %ne3A = arith.cmpi ne, %sign3A_6, %sign3A_13 : i32
    %rem3A = arith.remsi %add3A, %jit3A : i32
    %ne3A_14 = arith.constant 0 : i32
    %ne3A_15 = arith.cmpi ne, %rem3A, %ne3A_14 : i32
    %and3A = arith.andi %ne3A, %ne3A_15 : i1
    %sub3A = arith.constant 1 : i32
    %sub3A_16 = arith.subi %div3A, %sub3A : i32
    %select_n3A = arith.select %and3A, %sub3A_16, %div3A : i32
    %jit3A_17 = arith.constant 8 : i32
    %eq3A = arith.constant 0 : i32
    %eq3A_18 = arith.cmpi eq, %jit3A_17, %eq3A : i32
    %jit3A_19 = arith.constant 1 : i32
    %select_n3A_20 = arith.select %eq3A_18, %jit3A_19, %jit3A_17 : i32
    %rem3A_21 = arith.remsi %add3A, %select_n3A_20 : i32
    %ne3A_22 = arith.constant 0 : i32
    %ne3A_23 = arith.cmpi ne, %rem3A_21, %ne3A_22 : i32
    %lt3A = arith.constant 0 : i32
    %lt3A_24 = arith.cmpi slt, %rem3A_21, %lt3A : i32
    %lt3A_25 = arith.constant 0 : i32
    %lt3A_26 = arith.cmpi slt, %select_n3A_20, %lt3A_25 : i32
    %ne3A_27 = arith.xori %lt3A_24, %lt3A_26 : i1
    %and3A_28 = arith.andi %ne3A_27, %ne3A_23 : i1
    %add3A_29 = arith.addi %rem3A_21, %select_n3A_20 : i32
    %select_n3A_30 = arith.select %and3A_28, %add3A_29, %rem3A_21 : i32
    %add3A_31 = arith.constant 28 : i32
    %add3A_32 = arith.addi %add3A_31, %select_n3A : i32
    %mul3A_33 = arith.constant 1024 : i32
    %mul3A_34 = arith.muli %select_n3A_30, %mul3A_33 : i32
    %broadcast_in_dim3A = arith.constant 0xFF800000 : f32
    %broadcast_in_dim3A_35 = vector.broadcast %broadcast_in_dim3A : f32 to vector<16xf32>
    %scan3A = arith.constant 0 : i32
    %scan3A_36 = arith.constant 2 : i32
    %scan3A_37 = arith.addi %scan3A, %scan3A_36 : i32
    %scan3A_38 = arith.constant 1 : i32
    %scan3A_39:64 = scf.for %scan3A_424 = %scan3A to %scan3A_37 step %scan3A_38 iter_args(%scan3A_425 = %broadcast_in_dim3A_35, %scan3A_426 = %broadcast_in_dim3A_35, %scan3A_427 = %broadcast_in_dim3A_35, %scan3A_428 = %broadcast_in_dim3A_35, %scan3A_429 = %broadcast_in_dim3A_35, %scan3A_430 = %broadcast_in_dim3A_35, %scan3A_431 = %broadcast_in_dim3A_35, %scan3A_432 = %broadcast_in_dim3A_35, %scan3A_433 = %broadcast_in_dim3A_35, %scan3A_434 = %broadcast_in_dim3A_35, %scan3A_435 = %broadcast_in_dim3A_35, %scan3A_436 = %broadcast_in_dim3A_35, %scan3A_437 = %broadcast_in_dim3A_35, %scan3A_438 = %broadcast_in_dim3A_35, %scan3A_439 = %broadcast_in_dim3A_35, %scan3A_440 = %broadcast_in_dim3A_35, %scan3A_441 = %broadcast_in_dim3A_35, %scan3A_442 = %broadcast_in_dim3A_35, %scan3A_443 = %broadcast_in_dim3A_35, %scan3A_444 = %broadcast_in_dim3A_35, %scan3A_445 = %broadcast_in_dim3A_35, %scan3A_446 = %broadcast_in_dim3A_35, %scan3A_447 = %broadcast_in_dim3A_35, %scan3A_448 = %broadcast_in_dim3A_35, %scan3A_449 = %broadcast_in_dim3A_35, %scan3A_450 = %broadcast_in_dim3A_35, %scan3A_451 = %broadcast_in_dim3A_35, %scan3A_452 = %broadcast_in_dim3A_35, %scan3A_453 = %broadcast_in_dim3A_35, %scan3A_454 = %broadcast_in_dim3A_35, %scan3A_455 = %broadcast_in_dim3A_35, %scan3A_456 = %broadcast_in_dim3A_35, %scan3A_457 = %broadcast_in_dim3A_35, %scan3A_458 = %broadcast_in_dim3A_35, %scan3A_459 = %broadcast_in_dim3A_35, %scan3A_460 = %broadcast_in_dim3A_35, %scan3A_461 = %broadcast_in_dim3A_35, %scan3A_462 = %broadcast_in_dim3A_35, %scan3A_463 = %broadcast_in_dim3A_35, %scan3A_464 = %broadcast_in_dim3A_35, %scan3A_465 = %broadcast_in_dim3A_35, %scan3A_466 = %broadcast_in_dim3A_35, %scan3A_467 = %broadcast_in_dim3A_35, %scan3A_468 = %broadcast_in_dim3A_35, %scan3A_469 = %broadcast_in_dim3A_35, %scan3A_470 = %broadcast_in_dim3A_35, %scan3A_471 = %broadcast_in_dim3A_35, %scan3A_472 = %broadcast_in_dim3A_35, %scan3A_473 = %broadcast_in_dim3A_35, %scan3A_474 = %broadcast_in_dim3A_35, %scan3A_475 = %broadcast_in_dim3A_35, %scan3A_476 = %broadcast_in_dim3A_35, %scan3A_477 = %broadcast_in_dim3A_35, %scan3A_478 = %broadcast_in_dim3A_35, %scan3A_479 = %broadcast_in_dim3A_35, %scan3A_480 = %broadcast_in_dim3A_35, %scan3A_481 = %broadcast_in_dim3A_35, %scan3A_482 = %broadcast_in_dim3A_35, %scan3A_483 = %broadcast_in_dim3A_35, %scan3A_484 = %broadcast_in_dim3A_35, %scan3A_485 = %broadcast_in_dim3A_35, %scan3A_486 = %broadcast_in_dim3A_35, %scan3A_487 = %broadcast_in_dim3A_35, %scan3A_488 = %broadcast_in_dim3A_35) -> (vector<16xf32>, vector<16xf32>, vector<16xf32>, vector<16xf32>, vector<16xf32>, vector<16xf32>, vector<16xf32>, vector<16xf32>, vector<16xf32>, vector<16xf32>, vector<16xf32>, vector<16xf32>, vector<16xf32>, vector<16xf32>, vector<16xf32>, vector<16xf32>, vector<16xf32>, vector<16xf32>, vector<16xf32>, vector<16xf32>, vector<16xf32>, vector<16xf32>, vector<16xf32>, vector<16xf32>, vector<16xf32>, vector<16xf32>, vector<16xf32>, vector<16xf32>, vector<16xf32>, vector<16xf32>, vector<16xf32>, vector<16xf32>, vector<16xf32>, vector<16xf32>, vector<16xf32>, vector<16xf32>, vector<16xf32>, vector<16xf32>, vector<16xf32>, vector<16xf32>, vector<16xf32>, vector<16xf32>, vector<16xf32>, vector<16xf32>, vector<16xf32>, vector<16xf32>, vector<16xf32>, vector<16xf32>, vector<16xf32>, vector<16xf32>, vector<16xf32>, vector<16xf32>, vector<16xf32>, vector<16xf32>, vector<16xf32>, vector<16xf32>, vector<16xf32>, vector<16xf32>, vector<16xf32>, vector<16xf32>, vector<16xf32>, vector<16xf32>, vector<16xf32>, vector<16xf32>)  : i32 {
      %mul3A_489 = arith.constant 512 : i32
      %mul3A_490 = arith.muli %scan3A_424, %mul3A_489 : i32
      %add3A_491 = arith.addi %mul3A_34, %mul3A_490 : i32
      "tpu.region"() ({
        %run_scoped3A = tpu.sem_alloc : memref<!tpu.dma_semaphore, #tpu.memory_space<semaphore_mem>>
        %dma_start3A = arith.constant 0 : i32
        %dma_start3A_540 = tpu.memref_slice %arg2[%add3A_32, %add3A_491, %dma_start3A] : memref<32x8192x128xf32, #tpu.memory_space<hbm>> -> memref<1x512x128xf32, #tpu.memory_space<hbm>>
        %dma_start3A_541 = tpu.memref_squeeze %dma_start3A_540 : memref<1x512x128xf32, #tpu.memory_space<hbm>> -> memref<512x128xf32, #tpu.memory_space<hbm>>
        %dma_start3A_542 = arith.constant 0 : i32
        %dma_start3A_543 = tpu.memref_slice %arg2[%add3A_32, %add3A_491, %dma_start3A_542] : memref<32x8192x128xf32, #tpu.memory_space<hbm>> -> memref<1x512x128xf32, #tpu.memory_space<hbm>>
        %dma_start3A_544 = tpu.memref_squeeze %dma_start3A_543 : memref<1x512x128xf32, #tpu.memory_space<hbm>> -> memref<512x128xf32, #tpu.memory_space<hbm>>
        tpu.enqueue_dma source(%dma_start3A_544 : memref<512x128xf32, #tpu.memory_space<hbm>>) target(%arg4 : memref<512x128xf32, #tpu.memory_space<vmem>>) target_semaphore(%run_scoped3A : memref<!tpu.dma_semaphore, #tpu.memory_space<semaphore_mem>>)
        %dma_wait3A = arith.constant 0 : i32
        %dma_wait3A_545 = tpu.memref_slice %arg2[%add3A_32, %add3A_491, %dma_wait3A] : memref<32x8192x128xf32, #tpu.memory_space<hbm>> -> memref<1x512x128xf32, #tpu.memory_space<hbm>>
        %dma_wait3A_546 = tpu.memref_squeeze %dma_wait3A_545 : memref<1x512x128xf32, #tpu.memory_space<hbm>> -> memref<512x128xf32, #tpu.memory_space<hbm>>
        %dma_wait3A_547 = arith.constant 0 : i32
        %dma_wait3A_548 = tpu.memref_slice %arg2[%add3A_32, %add3A_491, %dma_wait3A_547] : memref<32x8192x128xf32, #tpu.memory_space<hbm>> -> memref<1x512x128xf32, #tpu.memory_space<hbm>>
        %dma_wait3A_549 = tpu.memref_squeeze %dma_wait3A_548 : memref<1x512x128xf32, #tpu.memory_space<hbm>> -> memref<512x128xf32, #tpu.memory_space<hbm>>
        tpu.wait_dma2 semaphore(%run_scoped3A : memref<!tpu.dma_semaphore, #tpu.memory_space<semaphore_mem>>) src(%dma_wait3A_549 : memref<512x128xf32, #tpu.memory_space<hbm>>) dst(%arg4 : memref<512x128xf32, #tpu.memory_space<vmem>>)
        tpu.yield
      }) : () -> ()
      %scan3A_492 = arith.constant 0 : i32
      %scan3A_493 = arith.constant 32 : i32
      %scan3A_494 = arith.addi %scan3A_492, %scan3A_493 : i32
      %scan3A_495 = arith.constant 1 : i32
      %scan3A_496:8 = scf.for %scan3A_540 = %scan3A_492 to %scan3A_494 step %scan3A_495 iter_args(%scan3A_541 = %scan3A_425, %scan3A_542 = %scan3A_426, %scan3A_543 = %scan3A_427, %scan3A_544 = %scan3A_428, %scan3A_545 = %scan3A_429, %scan3A_546 = %scan3A_430, %scan3A_547 = %scan3A_431, %scan3A_548 = %scan3A_432) -> (vector<16xf32>, vector<16xf32>, vector<16xf32>, vector<16xf32>, vector<16xf32>, vector<16xf32>, vector<16xf32>, vector<16xf32>)  : i32 {
        %mul3A_549 = arith.constant 16 : i32
        %mul3A_550 = arith.muli %scan3A_540, %mul3A_549 : i32
        %add3A_551 = arith.constant 0 : i32
        %add3A_552 = arith.addi %mul3A_550, %add3A_551 : i32
        %get3A = arith.index_cast %add3A_552 : i32 to index
        %get3A_553 = arith.constant 0 : index
        %get3A_554 = tpu.vector_load %arg4[%get3A, %get3A_553] {strides = array<i32>} : memref<512x128xf32, #tpu.memory_space<vmem>>, vector<1x16xf32>,
        %get3A_555 = vector.shape_cast %get3A_554 : vector<1x16xf32> to vector<16xf32>
        %add3A_556 = arith.constant 1 : i32
        %add3A_557 = arith.addi %mul3A_550, %add3A_556 : i32
        %get3A_558 = arith.index_cast %add3A_557 : i32 to index
        %get3A_559 = arith.constant 0 : index
        %get3A_560 = tpu.vector_load %arg4[%get3A_558, %get3A_559] {strides = array<i32>} : memref<512x128xf32, #tpu.memory_space<vmem>>, vector<1x16xf32>,
        %get3A_561 = vector.shape_cast %get3A_560 : vector<1x16xf32> to vector<16xf32>
        %add3A_562 = arith.constant 2 : i32
        %add3A_563 = arith.addi %mul3A_550, %add3A_562 : i32
        %get3A_564 = arith.index_cast %add3A_563 : i32 to index
        %get3A_565 = arith.constant 0 : index
        %get3A_566 = tpu.vector_load %arg4[%get3A_564, %get3A_565] {strides = array<i32>} : memref<512x128xf32, #tpu.memory_space<vmem>>, vector<1x16xf32>,
        %get3A_567 = vector.shape_cast %get3A_566 : vector<1x16xf32> to vector<16xf32>
        %add3A_568 = arith.constant 3 : i32
        %add3A_569 = arith.addi %mul3A_550, %add3A_568 : i32
        %get3A_570 = arith.index_cast %add3A_569 : i32 to index
        %get3A_571 = arith.constant 0 : index
        %get3A_572 = tpu.vector_load %arg4[%get3A_570, %get3A_571] {strides = array<i32>} : memref<512x128xf32, #tpu.memory_space<vmem>>, vector<1x16xf32>,
        %get3A_573 = vector.shape_cast %get3A_572 : vector<1x16xf32> to vector<16xf32>
        %add3A_574 = arith.constant 4 : i32
        %add3A_575 = arith.addi %mul3A_550, %add3A_574 : i32
        %get3A_576 = arith.index_cast %add3A_575 : i32 to index
        %get3A_577 = arith.constant 0 : index
        %get3A_578 = tpu.vector_load %arg4[%get3A_576, %get3A_577] {strides = array<i32>} : memref<512x128xf32, #tpu.memory_space<vmem>>, vector<1x16xf32>,
        %get3A_579 = vector.shape_cast %get3A_578 : vector<1x16xf32> to vector<16xf32>
        %add3A_580 = arith.constant 5 : i32
        %add3A_581 = arith.addi %mul3A_550, %add3A_580 : i32
        %get3A_582 = arith.index_cast %add3A_581 : i32 to index
        %get3A_583 = arith.constant 0 : index
        %get3A_584 = tpu.vector_load %arg4[%get3A_582, %get3A_583] {strides = array<i32>} : memref<512x128xf32, #tpu.memory_space<vmem>>, vector<1x16xf32>,
        %get3A_585 = vector.shape_cast %get3A_584 : vector<1x16xf32> to vector<16xf32>
        %add3A_586 = arith.constant 6 : i32
        %add3A_587 = arith.addi %mul3A_550, %add3A_586 : i32
        %get3A_588 = arith.index_cast %add3A_587 : i32 to index
        %get3A_589 = arith.constant 0 : index
        %get3A_590 = tpu.vector_load %arg4[%get3A_588, %get3A_589] {strides = array<i32>} : memref<512x128xf32, #tpu.memory_space<vmem>>, vector<1x16xf32>,
        %get3A_591 = vector.shape_cast %get3A_590 : vector<1x16xf32> to vector<16xf32>
        %add3A_592 = arith.constant 7 : i32
        %add3A_593 = arith.addi %mul3A_550, %add3A_592 : i32
        %get3A_594 = arith.index_cast %add3A_593 : i32 to index
        %get3A_595 = arith.constant 0 : index
        %get3A_596 = tpu.vector_load %arg4[%get3A_594, %get3A_595] {strides = array<i32>} : memref<512x128xf32, #tpu.memory_space<vmem>>, vector<1x16xf32>,
        %get3A_597 = vector.shape_cast %get3A_596 : vector<1x16xf32> to vector<16xf32>
        %max3A = arith.maximumf %get3A_555, %get3A_561 : vector<16xf32>
        %min3A = arith.minimumf %get3A_555, %get3A_561 : vector<16xf32>
        %max3A_598 = arith.maximumf %get3A_567, %get3A_573 : vector<16xf32>
        %min3A_599 = arith.minimumf %get3A_567, %get3A_573 : vector<16xf32>
        %max3A_600 = arith.maximumf %get3A_579, %get3A_585 : vector<16xf32>
        %min3A_601 = arith.minimumf %get3A_579, %get3A_585 : vector<16xf32>
        %max3A_602 = arith.maximumf %get3A_591, %get3A_597 : vector<16xf32>
        %min3A_603 = arith.minimumf %get3A_591, %get3A_597 : vector<16xf32>
        %max3A_604 = arith.maximumf %max3A, %max3A_598 : vector<16xf32>
        %min3A_605 = arith.minimumf %max3A, %max3A_598 : vector<16xf32>
        %max3A_606 = arith.maximumf %min3A, %min3A_599 : vector<16xf32>
        %min3A_607 = arith.minimumf %min3A, %min3A_599 : vector<16xf32>
        %max3A_608 = arith.maximumf %max3A_600, %max3A_602 : vector<16xf32>
        %min3A_609 = arith.minimumf %max3A_600, %max3A_602 : vector<16xf32>
        %max3A_610 = arith.maximumf %min3A_601, %min3A_603 : vector<16xf32>
        %min3A_611 = arith.minimumf %min3A_601, %min3A_603 : vector<16xf32>
        %max3A_612 = arith.maximumf %max3A_606, %min3A_605 : vector<16xf32>
        %min3A_613 = arith.minimumf %max3A_606, %min3A_605 : vector<16xf32>
        %max3A_614 = arith.maximumf %max3A_610, %min3A_609 : vector<16xf32>
        %min3A_615 = arith.minimumf %max3A_610, %min3A_609 : vector<16xf32>
        %max3A_616 = arith.maximumf %max3A_604, %max3A_608 : vector<16xf32>
        %min3A_617 = arith.minimumf %max3A_604, %max3A_608 : vector<16xf32>
        %max3A_618 = arith.maximumf %min3A_607, %min3A_611 : vector<16xf32>
        %min3A_619 = arith.minimumf %min3A_607, %min3A_611 : vector<16xf32>
        %max3A_620 = arith.maximumf %max3A_612, %max3A_614 : vector<16xf32>
        %min3A_621 = arith.minimumf %max3A_612, %max3A_614 : vector<16xf32>
        %max3A_622 = arith.maximumf %min3A_613, %min3A_615 : vector<16xf32>
        %min3A_623 = arith.minimumf %min3A_613, %min3A_615 : vector<16xf32>
        %max3A_624 = arith.maximumf %max3A_620, %min3A_617 : vector<16xf32>
        %min3A_625 = arith.minimumf %max3A_620, %min3A_617 : vector<16xf32>
        %max3A_626 = arith.maximumf %max3A_618, %min3A_623 : vector<16xf32>
        %min3A_627 = arith.minimumf %max3A_618, %min3A_623 : vector<16xf32>
        %max3A_628 = arith.maximumf %max3A_622, %min3A_625 : vector<16xf32>
        %min3A_629 = arith.minimumf %max3A_622, %min3A_625 : vector<16xf32>
        %max3A_630 = arith.maximumf %max3A_626, %min3A_621 : vector<16xf32>
        %min3A_631 = arith.minimumf %max3A_626, %min3A_621 : vector<16xf32>
        %max3A_632 = arith.maximumf %max3A_630, %min3A_629 : vector<16xf32>
        %min3A_633 = arith.minimumf %max3A_630, %min3A_629 : vector<16xf32>
        %add3A_634 = arith.constant 8 : i32
        %add3A_635 = arith.addi %mul3A_550, %add3A_634 : i32
        %add3A_636 = arith.constant 0 : i32
        %add3A_637 = arith.addi %add3A_635, %add3A_636 : i32
        %get3A_638 = arith.index_cast %add3A_637 : i32 to index
        %get3A_639 = arith.constant 0 : index
        %get3A_640 = tpu.vector_load %arg4[%get3A_638, %get3A_639] {strides = array<i32>} : memref<512x128xf32, #tpu.memory_space<vmem>>, vector<1x16xf32>,
        %get3A_641 = vector.shape_cast %get3A_640 : vector<1x16xf32> to vector<16xf32>
        %add3A_642 = arith.constant 8 : i32
        %add3A_643 = arith.addi %mul3A_550, %add3A_642 : i32
        %add3A_644 = arith.constant 1 : i32
        %add3A_645 = arith.addi %add3A_643, %add3A_644 : i32
        %get3A_646 = arith.index_cast %add3A_645 : i32 to index
        %get3A_647 = arith.constant 0 : index
        %get3A_648 = tpu.vector_load %arg4[%get3A_646, %get3A_647] {strides = array<i32>} : memref<512x128xf32, #tpu.memory_space<vmem>>, vector<1x16xf32>,
        %get3A_649 = vector.shape_cast %get3A_648 : vector<1x16xf32> to vector<16xf32>
        %add3A_650 = arith.constant 8 : i32
        %add3A_651 = arith.addi %mul3A_550, %add3A_650 : i32
        %add3A_652 = arith.constant 2 : i32
        %add3A_653 = arith.addi %add3A_651, %add3A_652 : i32
        %get3A_654 = arith.index_cast %add3A_653 : i32 to index
        %get3A_655 = arith.constant 0 : index
        %get3A_656 = tpu.vector_load %arg4[%get3A_654, %get3A_655] {strides = array<i32>} : memref<512x128xf32, #tpu.memory_space<vmem>>, vector<1x16xf32>,
        %get3A_657 = vector.shape_cast %get3A_656 : vector<1x16xf32> to vector<16xf32>
        %add3A_658 = arith.constant 8 : i32
        %add3A_659 = arith.addi %mul3A_550, %add3A_658 : i32
        %add3A_660 = arith.constant 3 : i32
        %add3A_661 = arith.addi %add3A_659, %add3A_660 : i32
        %get3A_662 = arith.index_cast %add3A_661 : i32 to index
        %get3A_663 = arith.constant 0 : index
        %get3A_664 = tpu.vector_load %arg4[%get3A_662, %get3A_663] {strides = array<i32>} : memref<512x128xf32, #tpu.memory_space<vmem>>, vector<1x16xf32>,
        %get3A_665 = vector.shape_cast %get3A_664 : vector<1x16xf32> to vector<16xf32>
        %add3A_666 = arith.constant 8 : i32
        %add3A_667 = arith.addi %mul3A_550, %add3A_666 : i32
        %add3A_668 = arith.constant 4 : i32
        %add3A_669 = arith.addi %add3A_667, %add3A_668 : i32
        %get3A_670 = arith.index_cast %add3A_669 : i32 to index
        %get3A_671 = arith.constant 0 : index
        %get3A_672 = tpu.vector_load %arg4[%get3A_670, %get3A_671] {strides = array<i32>} : memref<512x128xf32, #tpu.memory_space<vmem>>, vector<1x16xf32>,
        %get3A_673 = vector.shape_cast %get3A_672 : vector<1x16xf32> to vector<16xf32>
        %add3A_674 = arith.constant 8 : i32
        %add3A_675 = arith.addi %mul3A_550, %add3A_674 : i32
        %add3A_676 = arith.constant 5 : i32
        %add3A_677 = arith.addi %add3A_675, %add3A_676 : i32
        %get3A_678 = arith.index_cast %add3A_677 : i32 to index
        %get3A_679 = arith.constant 0 : index
        %get3A_680 = tpu.vector_load %arg4[%get3A_678, %get3A_679] {strides = array<i32>} : memref<512x128xf32, #tpu.memory_space<vmem>>, vector<1x16xf32>,
        %get3A_681 = vector.shape_cast %get3A_680 : vector<1x16xf32> to vector<16xf32>
        %add3A_682 = arith.constant 8 : i32
        %add3A_683 = arith.addi %mul3A_550, %add3A_682 : i32
        %add3A_684 = arith.constant 6 : i32
        %add3A_685 = arith.addi %add3A_683, %add3A_684 : i32
        %get3A_686 = arith.index_cast %add3A_685 : i32 to index
        %get3A_687 = arith.constant 0 : index
        %get3A_688 = tpu.vector_load %arg4[%get3A_686, %get3A_687] {strides = array<i32>} : memref<512x128xf32, #tpu.memory_space<vmem>>, vector<1x16xf32>,
        %get3A_689 = vector.shape_cast %get3A_688 : vector<1x16xf32> to vector<16xf32>
        %add3A_690 = arith.constant 8 : i32
        %add3A_691 = arith.addi %mul3A_550, %add3A_690 : i32
        %add3A_692 = arith.constant 7 : i32
        %add3A_693 = arith.addi %add3A_691, %add3A_692 : i32
        %get3A_694 = arith.index_cast %add3A_693 : i32 to index
        %get3A_695 = arith.constant 0 : index
        %get3A_696 = tpu.vector_load %arg4[%get3A_694, %get3A_695] {strides = array<i32>} : memref<512x128xf32, #tpu.memory_space<vmem>>, vector<1x16xf32>,
        %get3A_697 = vector.shape_cast %get3A_696 : vector<1x16xf32> to vector<16xf32>
        %max3A_698 = arith.maximumf %get3A_641, %get3A_649 : vector<16xf32>
        %min3A_699 = arith.minimumf %get3A_641, %get3A_649 : vector<16xf32>
        %max3A_700 = arith.maximumf %get3A_657, %get3A_665 : vector<16xf32>
        %min3A_701 = arith.minimumf %get3A_657, %get3A_665 : vector<16xf32>
        %max3A_702 = arith.maximumf %get3A_673, %get3A_681 : vector<16xf32>
        %min3A_703 = arith.minimumf %get3A_673, %get3A_681 : vector<16xf32>
        %max3A_704 = arith.maximumf %get3A_689, %get3A_697 : vector<16xf32>
        %min3A_705 = arith.minimumf %get3A_689, %get3A_697 : vector<16xf32>
        %max3A_706 = arith.maximumf %max3A_698, %max3A_700 : vector<16xf32>
        %min3A_707 = arith.minimumf %max3A_698, %max3A_700 : vector<16xf32>
        %max3A_708 = arith.maximumf %min3A_699, %min3A_701 : vector<16xf32>
        %min3A_709 = arith.minimumf %min3A_699, %min3A_701 : vector<16xf32>
        %max3A_710 = arith.maximumf %max3A_702, %max3A_704 : vector<16xf32>
        %min3A_711 = arith.minimumf %max3A_702, %max3A_704 : vector<16xf32>
        %max3A_712 = arith.maximumf %min3A_703, %min3A_705 : vector<16xf32>
        %min3A_713 = arith.minimumf %min3A_703, %min3A_705 : vector<16xf32>
        %max3A_714 = arith.maximumf %max3A_708, %min3A_707 : vector<16xf32>
        %min3A_715 = arith.minimumf %max3A_708, %min3A_707 : vector<16xf32>
        %max3A_716 = arith.maximumf %max3A_712, %min3A_711 : vector<16xf32>
        %min3A_717 = arith.minimumf %max3A_712, %min3A_711 : vector<16xf32>
        %max3A_718 = arith.maximumf %max3A_706, %max3A_710 : vector<16xf32>
        %min3A_719 = arith.minimumf %max3A_706, %max3A_710 : vector<16xf32>
        %max3A_720 = arith.maximumf %min3A_709, %min3A_713 : vector<16xf32>
        %min3A_721 = arith.minimumf %min3A_709, %min3A_713 : vector<16xf32>
        %max3A_722 = arith.maximumf %max3A_714, %max3A_716 : vector<16xf32>
        %min3A_723 = arith.minimumf %max3A_714, %max3A_716 : vector<16xf32>
        %max3A_724 = arith.maximumf %min3A_715, %min3A_717 : vector<16xf32>
        %min3A_725 = arith.minimumf %min3A_715, %min3A_717 : vector<16xf32>
        %max3A_726 = arith.maximumf %max3A_722, %min3A_719 : vector<16xf32>
        %min3A_727 = arith.minimumf %max3A_722, %min3A_719 : vector<16xf32>
        %max3A_728 = arith.maximumf %max3A_720, %min3A_725 : vector<16xf32>
        %min3A_729 = arith.minimumf %max3A_720, %min3A_725 : vector<16xf32>
        %max3A_730 = arith.maximumf %max3A_724, %min3A_727 : vector<16xf32>
        %min3A_731 = arith.minimumf %max3A_724, %min3A_727 : vector<16xf32>
        %max3A_732 = arith.maximumf %max3A_728, %min3A_723 : vector<16xf32>
        %min3A_733 = arith.minimumf %max3A_728, %min3A_723 : vector<16xf32>
        %max3A_734 = arith.maximumf %max3A_732, %min3A_731 : vector<16xf32>
        %min3A_735 = arith.minimumf %max3A_732, %min3A_731 : vector<16xf32>
        %max3A_736 = arith.maximumf %max3A_616, %min3A_721 : vector<16xf32>
        %max3A_737 = arith.maximumf %max3A_624, %min3A_729 : vector<16xf32>
        %max3A_738 = arith.maximumf %max3A_628, %min3A_733 : vector<16xf32>
        %max3A_739 = arith.maximumf %max3A_632, %min3A_735 : vector<16xf32>
        %max3A_740 = arith.maximumf %min3A_633, %max3A_734 : vector<16xf32>
        %max3A_741 = arith.maximumf %min3A_631, %max3A_730 : vector<16xf32>
        %max3A_742 = arith.maximumf %min3A_627, %max3A_726 : vector<16xf32>
        %max3A_743 = arith.maximumf %min3A_619, %max3A_718 : vector<16xf32>
        %max3A_744 = arith.maximumf %max3A_736, %max3A_740 : vector<16xf32>
        %min3A_745 = arith.minimumf %max3A_736, %max3A_740 : vector<16xf32>
        %max3A_746 = arith.maximumf %max3A_737, %max3A_741 : vector<16xf32>
        %min3A_747 = arith.minimumf %max3A_737, %max3A_741 : vector<16xf32>
        %max3A_748 = arith.maximumf %max3A_738, %max3A_742 : vector<16xf32>
        %min3A_749 = arith.minimumf %max3A_738, %max3A_742 : vector<16xf32>
        %max3A_750 = arith.maximumf %max3A_739, %max3A_743 : vector<16xf32>
        %min3A_751 = arith.minimumf %max3A_739, %max3A_743 : vector<16xf32>
        %max3A_752 = arith.maximumf %max3A_744, %max3A_748 : vector<16xf32>
        %min3A_753 = arith.minimumf %max3A_744, %max3A_748 : vector<16xf32>
        %max3A_754 = arith.maximumf %max3A_746, %max3A_750 : vector<16xf32>
        %min3A_755 = arith.minimumf %max3A_746, %max3A_750 : vector<16xf32>
        %max3A_756 = arith.maximumf %min3A_745, %min3A_749 : vector<16xf32>
        %min3A_757 = arith.minimumf %min3A_745, %min3A_749 : vector<16xf32>
        %max3A_758 = arith.maximumf %min3A_747, %min3A_751 : vector<16xf32>
        %min3A_759 = arith.minimumf %min3A_747, %min3A_751 : vector<16xf32>
        %max3A_760 = arith.maximumf %max3A_752, %max3A_754 : vector<16xf32>
        %min3A_761 = arith.minimumf %max3A_752, %max3A_754 : vector<16xf32>
        %max3A_762 = arith.maximumf %min3A_753, %min3A_755 : vector<16xf32>
        %min3A_763 = arith.minimumf %min3A_753, %min3A_755 : vector<16xf32>
        %max3A_764 = arith.maximumf %max3A_756, %max3A_758 : vector<16xf32>
        %min3A_765 = arith.minimumf %max3A_756, %max3A_758 : vector<16xf32>
        %max3A_766 = arith.maximumf %min3A_757, %min3A_759 : vector<16xf32>
        %min3A_767 = arith.minimumf %min3A_757, %min3A_759 : vector<16xf32>
        %max3A_768 = arith.maximumf %scan3A_541, %min3A_767 : vector<16xf32>
        %max3A_769 = arith.maximumf %scan3A_542, %max3A_766 : vector<16xf32>
        %max3A_770 = arith.maximumf %scan3A_543, %min3A_765 : vector<16xf32>
        %max3A_771 = arith.maximumf %scan3A_544, %max3A_764 : vector<16xf32>
        %max3A_772 = arith.maximumf %scan3A_545, %min3A_763 : vector<16xf32>
        %max3A_773 = arith.maximumf %scan3A_546, %max3A_762 : vector<16xf32>
        %max3A_774 = arith.maximumf %scan3A_547, %min3A_761 : vector<16xf32>
        %max3A_775 = arith.maximumf %scan3A_548, %max3A_760 : vector<16xf32>
        %max3A_776 = arith.maximumf %max3A_768, %max3A_772 : vector<16xf32>
        %min3A_777 = arith.minimumf %max3A_768, %max3A_772 : vector<16xf32>
        %max3A_778 = arith.maximumf %max3A_769, %max3A_773 : vector<16xf32>
        %min3A_779 = arith.minimumf %max3A_769, %max3A_773 : vector<16xf32>
        %max3A_780 = arith.maximumf %max3A_770, %max3A_774 : vector<16xf32>
        %min3A_781 = arith.minimumf %max3A_770, %max3A_774 : vector<16xf32>
        %max3A_782 = arith.maximumf %max3A_771, %max3A_775 : vector<16xf32>
        %min3A_783 = arith.minimumf %max3A_771, %max3A_775 : vector<16xf32>
        %max3A_784 = arith.maximumf %max3A_776, %max3A_780 : vector<16xf32>
        %min3A_785 = arith.minimumf %max3A_776, %max3A_780 : vector<16xf32>
        %max3A_786 = arith.maximumf %max3A_778, %max3A_782 : vector<16xf32>
        %min3A_787 = arith.minimumf %max3A_778, %max3A_782 : vector<16xf32>
        %max3A_788 = arith.maximumf %min3A_777, %min3A_781 : vector<16xf32>
        %min3A_789 = arith.minimumf %min3A_777, %min3A_781 : vector<16xf32>
        %max3A_790 = arith.maximumf %min3A_779, %min3A_783 : vector<16xf32>
        %min3A_791 = arith.minimumf %min3A_779, %min3A_783 : vector<16xf32>
        %max3A_792 = arith.maximumf %max3A_784, %max3A_786 : vector<16xf32>
        %min3A_793 = arith.minimumf %max3A_784, %max3A_786 : vector<16xf32>
        %max3A_794 = arith.maximumf %min3A_785, %min3A_787 : vector<16xf32>
        %min3A_795 = arith.minimumf %min3A_785, %min3A_787 : vector<16xf32>
        %max3A_796 = arith.maximumf %max3A_788, %max3A_790 : vector<16xf32>
        %min3A_797 = arith.minimumf %max3A_788, %max3A_790 : vector<16xf32>
        %max3A_798 = arith.maximumf %min3A_789, %min3A_791 : vector<16xf32>
        %min3A_799 = arith.minimumf %min3A_789, %min3A_791 : vector<16xf32>
        scf.yield %max3A_792, %min3A_793, %max3A_794, %min3A_795, %max3A_796, %min3A_797, %max3A_798, %min3A_799 : vector<16xf32>, vector<16xf32>, vector<16xf32>, vector<16xf32>, vector<16xf32>, vector<16xf32>, vector<16xf32>, vector<16xf32>
      }
      %scan3A_497 = arith.constant 32 : i32
      %scan3A_498 = arith.constant 0 : i32
      %scan3A_499 = arith.constant 32 : i32
      %scan3A_500 = arith.addi %scan3A_498, %scan3A_499 : i32
      %scan3A_501 = arith.constant 1 : i32
      %scan3A_502:8 = scf.for %scan3A_540 = %scan3A_498 to %scan3A_500 step %scan3A_501 iter_args(%scan3A_541 = %scan3A_433, %scan3A_542 = %scan3A_434, %scan3A_543 = %scan3A_435, %scan3A_544 = %scan3A_436, %scan3A_545 = %scan3A_437, %scan3A_546 = %scan3A_438, %scan3A_547 = %scan3A_439, %scan3A_548 = %scan3A_440) -> (vector<16xf32>, vector<16xf32>, vector<16xf32>, vector<16xf32>, vector<16xf32>, vector<16xf32>, vector<16xf32>, vector<16xf32>)  : i32 {
        %mul3A_549 = arith.constant 16 : i32
        %mul3A_550 = arith.muli %scan3A_540, %mul3A_549 : i32
        %add3A_551 = arith.constant 0 : i32
        %add3A_552 = arith.addi %mul3A_550, %add3A_551 : i32
        %get3A = arith.index_cast %add3A_552 : i32 to index
        %get3A_553 = arith.constant 16 : index
        %get3A_554 = tpu.vector_load %arg4[%get3A, %get3A_553] {strides = array<i32>} : memref<512x128xf32, #tpu.memory_space<vmem>>, vector<1x16xf32>,
        %get3A_555 = vector.shape_cast %get3A_554 : vector<1x16xf32> to vector<16xf32>
        %add3A_556 = arith.constant 1 : i32
        %add3A_557 = arith.addi %mul3A_550, %add3A_556 : i32
        %get3A_558 = arith.index_cast %add3A_557 : i32 to index
        %get3A_559 = arith.constant 16 : index
        %get3A_560 = tpu.vector_load %arg4[%get3A_558, %get3A_559] {strides = array<i32>} : memref<512x128xf32, #tpu.memory_space<vmem>>, vector<1x16xf32>,
        %get3A_561 = vector.shape_cast %get3A_560 : vector<1x16xf32> to vector<16xf32>
        %add3A_562 = arith.constant 2 : i32
        %add3A_563 = arith.addi %mul3A_550, %add3A_562 : i32
        %get3A_564 = arith.index_cast %add3A_563 : i32 to index
        %get3A_565 = arith.constant 16 : index
        %get3A_566 = tpu.vector_load %arg4[%get3A_564, %get3A_565] {strides = array<i32>} : memref<512x128xf32, #tpu.memory_space<vmem>>, vector<1x16xf32>,
        %get3A_567 = vector.shape_cast %get3A_566 : vector<1x16xf32> to vector<16xf32>
        %add3A_568 = arith.constant 3 : i32
        %add3A_569 = arith.addi %mul3A_550, %add3A_568 : i32
        %get3A_570 = arith.index_cast %add3A_569 : i32 to index
        %get3A_571 = arith.constant 16 : index
        %get3A_572 = tpu.vector_load %arg4[%get3A_570, %get3A_571] {strides = array<i32>} : memref<512x128xf32, #tpu.memory_space<vmem>>, vector<1x16xf32>,
        %get3A_573 = vector.shape_cast %get3A_572 : vector<1x16xf32> to vector<16xf32>
        %add3A_574 = arith.constant 4 : i32
        %add3A_575 = arith.addi %mul3A_550, %add3A_574 : i32
        %get3A_576 = arith.index_cast %add3A_575 : i32 to index
        %get3A_577 = arith.constant 16 : index
        %get3A_578 = tpu.vector_load %arg4[%get3A_576, %get3A_577] {strides = array<i32>} : memref<512x128xf32, #tpu.memory_space<vmem>>, vector<1x16xf32>,
        %get3A_579 = vector.shape_cast %get3A_578 : vector<1x16xf32> to vector<16xf32>
        %add3A_580 = arith.constant 5 : i32
        %add3A_581 = arith.addi %mul3A_550, %add3A_580 : i32
        %get3A_582 = arith.index_cast %add3A_581 : i32 to index
        %get3A_583 = arith.constant 16 : index
        %get3A_584 = tpu.vector_load %arg4[%get3A_582, %get3A_583] {strides = array<i32>} : memref<512x128xf32, #tpu.memory_space<vmem>>, vector<1x16xf32>,
        %get3A_585 = vector.shape_cast %get3A_584 : vector<1x16xf32> to vector<16xf32>
        %add3A_586 = arith.constant 6 : i32
        %add3A_587 = arith.addi %mul3A_550, %add3A_586 : i32
        %get3A_588 = arith.index_cast %add3A_587 : i32 to index
        %get3A_589 = arith.constant 16 : index
        %get3A_590 = tpu.vector_load %arg4[%get3A_588, %get3A_589] {strides = array<i32>} : memref<512x128xf32, #tpu.memory_space<vmem>>, vector<1x16xf32>,
        %get3A_591 = vector.shape_cast %get3A_590 : vector<1x16xf32> to vector<16xf32>
        %add3A_592 = arith.constant 7 : i32
        %add3A_593 = arith.addi %mul3A_550, %add3A_592 : i32
        %get3A_594 = arith.index_cast %add3A_593 : i32 to index
        %get3A_595 = arith.constant 16 : index
        %get3A_596 = tpu.vector_load %arg4[%get3A_594, %get3A_595] {strides = array<i32>} : memref<512x128xf32, #tpu.memory_space<vmem>>, vector<1x16xf32>,
        %get3A_597 = vector.shape_cast %get3A_596 : vector<1x16xf32> to vector<16xf32>
        %max3A = arith.maximumf %get3A_555, %get3A_561 : vector<16xf32>
        %min3A = arith.minimumf %get3A_555, %get3A_561 : vector<16xf32>
        %max3A_598 = arith.maximumf %get3A_567, %get3A_573 : vector<16xf32>
        %min3A_599 = arith.minimumf %get3A_567, %get3A_573 : vector<16xf32>
        %max3A_600 = arith.maximumf %get3A_579, %get3A_585 : vector<16xf32>
        %min3A_601 = arith.minimumf %get3A_579, %get3A_585 : vector<16xf32>
        %max3A_602 = arith.maximumf %get3A_591, %get3A_597 : vector<16xf32>
        %min3A_603 = arith.minimumf %get3A_591, %get3A_597 : vector<16xf32>
        %max3A_604 = arith.maximumf %max3A, %max3A_598 : vector<16xf32>
        %min3A_605 = arith.minimumf %max3A, %max3A_598 : vector<16xf32>
        %max3A_606 = arith.maximumf %min3A, %min3A_599 : vector<16xf32>
        %min3A_607 = arith.minimumf %min3A, %min3A_599 : vector<16xf32>
        %max3A_608 = arith.maximumf %max3A_600, %max3A_602 : vector<16xf32>
        %min3A_609 = arith.minimumf %max3A_600, %max3A_602 : vector<16xf32>
        %max3A_610 = arith.maximumf %min3A_601, %min3A_603 : vector<16xf32>
        %min3A_611 = arith.minimumf %min3A_601, %min3A_603 : vector<16xf32>
        %max3A_612 = arith.maximumf %max3A_606, %min3A_605 : vector<16xf32>
        %min3A_613 = arith.minimumf %max3A_606, %min3A_605 : vector<16xf32>
        %max3A_614 = arith.maximumf %max3A_610, %min3A_609 : vector<16xf32>
        %min3A_615 = arith.minimumf %max3A_610, %min3A_609 : vector<16xf32>
        %max3A_616 = arith.maximumf %max3A_604, %max3A_608 : vector<16xf32>
        %min3A_617 = arith.minimumf %max3A_604, %max3A_608 : vector<16xf32>
        %max3A_618 = arith.maximumf %min3A_607, %min3A_611 : vector<16xf32>
        %min3A_619 = arith.minimumf %min3A_607, %min3A_611 : vector<16xf32>
        %max3A_620 = arith.maximumf %max3A_612, %max3A_614 : vector<16xf32>
        %min3A_621 = arith.minimumf %max3A_612, %max3A_614 : vector<16xf32>
        %max3A_622 = arith.maximumf %min3A_613, %min3A_615 : vector<16xf32>
        %min3A_623 = arith.minimumf %min3A_613, %min3A_615 : vector<16xf32>
        %max3A_624 = arith.maximumf %max3A_620, %min3A_617 : vector<16xf32>
        %min3A_625 = arith.minimumf %max3A_620, %min3A_617 : vector<16xf32>
        %max3A_626 = arith.maximumf %max3A_618, %min3A_623 : vector<16xf32>
        %min3A_627 = arith.minimumf %max3A_618, %min3A_623 : vector<16xf32>
        %max3A_628 = arith.maximumf %max3A_622, %min3A_625 : vector<16xf32>
        %min3A_629 = arith.minimumf %max3A_622, %min3A_625 : vector<16xf32>
        %max3A_630 = arith.maximumf %max3A_626, %min3A_621 : vector<16xf32>
        %min3A_631 = arith.minimumf %max3A_626, %min3A_621 : vector<16xf32>
        %max3A_632 = arith.maximumf %max3A_630, %min3A_629 : vector<16xf32>
        %min3A_633 = arith.minimumf %max3A_630, %min3A_629 : vector<16xf32>
        %add3A_634 = arith.constant 8 : i32
        %add3A_635 = arith.addi %mul3A_550, %add3A_634 : i32
        %add3A_636 = arith.constant 0 : i32
        %add3A_637 = arith.addi %add3A_635, %add3A_636 : i32
        %get3A_638 = arith.index_cast %add3A_637 : i32 to index
        %get3A_639 = arith.constant 16 : index
        %get3A_640 = tpu.vector_load %arg4[%get3A_638, %get3A_639] {strides = array<i32>} : memref<512x128xf32, #tpu.memory_space<vmem>>, vector<1x16xf32>,
        %get3A_641 = vector.shape_cast %get3A_640 : vector<1x16xf32> to vector<16xf32>
        %add3A_642 = arith.constant 8 : i32
        %add3A_643 = arith.addi %mul3A_550, %add3A_642 : i32
        %add3A_644 = arith.constant 1 : i32
        %add3A_645 = arith.addi %add3A_643, %add3A_644 : i32
        %get3A_646 = arith.index_cast %add3A_645 : i32 to index
        %get3A_647 = arith.constant 16 : index
        %get3A_648 = tpu.vector_load %arg4[%get3A_646, %get3A_647] {strides = array<i32>} : memref<512x128xf32, #tpu.memory_space<vmem>>, vector<1x16xf32>,
        %get3A_649 = vector.shape_cast %get3A_648 : vector<1x16xf32> to vector<16xf32>
        %add3A_650 = arith.constant 8 : i32
        %add3A_651 = arith.addi %mul3A_550, %add3A_650 : i32
        %add3A_652 = arith.constant 2 : i32
        %add3A_653 = arith.addi %add3A_651, %add3A_652 : i32
        %get3A_654 = arith.index_cast %add3A_653 : i32 to index
        %get3A_655 = arith.constant 16 : index
        %get3A_656 = tpu.vector_load %arg4[%get3A_654, %get3A_655] {strides = array<i32>} : memref<512x128xf32, #tpu.memory_space<vmem>>, vector<1x16xf32>,
        %get3A_657 = vector.shape_cast %get3A_656 : vector<1x16xf32> to vector<16xf32>
        %add3A_658 = arith.constant 8 : i32
        %add3A_659 = arith.addi %mul3A_550, %add3A_658 : i32
        %add3A_660 = arith.constant 3 : i32
        %add3A_661 = arith.addi %add3A_659, %add3A_660 : i32
        %get3A_662 = arith.index_cast %add3A_661 : i32 to index
        %get3A_663 = arith.constant 16 : index
        %get3A_664 = tpu.vector_load %arg4[%get3A_662, %get3A_663] {strides = array<i32>} : memref<512x128xf32, #tpu.memory_space<vmem>>, vector<1x16xf32>,
        %get3A_665 = vector.shape_cast %get3A_664 : vector<1x16xf32> to vector<16xf32>
        %add3A_666 = arith.constant 8 : i32
        %add3A_667 = arith.addi %mul3A_550, %add3A_666 : i32
        %add3A_668 = arith.constant 4 : i32
        %add3A_669 = arith.addi %add3A_667, %add3A_668 : i32
        %get3A_670 = arith.index_cast %add3A_669 : i32 to index
        %get3A_671 = arith.constant 16 : index
        %get3A_672 = tpu.vector_load %arg4[%get3A_670, %get3A_671] {strides = array<i32>} : memref<512x128xf32, #tpu.memory_space<vmem>>, vector<1x16xf32>,
        %get3A_673 = vector.shape_cast %get3A_672 : vector<1x16xf32> to vector<16xf32>
        %add3A_674 = arith.constant 8 : i32
        %add3A_675 = arith.addi %mul3A_550, %add3A_674 : i32
        %add3A_676 = arith.constant 5 : i32
        %add3A_677 = arith.addi %add3A_675, %add3A_676 : i32
        %get3A_678 = arith.index_cast %add3A_677 : i32 to index
        %get3A_679 = arith.constant 16 : index
        %get3A_680 = tpu.vector_load %arg4[%get3A_678, %get3A_679] {strides = array<i32>} : memref<512x128xf32, #tpu.memory_space<vmem>>, vector<1x16xf32>,
        %get3A_681 = vector.shape_cast %get3A_680 : vector<1x16xf32> to vector<16xf32>
        %add3A_682 = arith.constant 8 : i32
        %add3A_683 = arith.addi %mul3A_550, %add3A_682 : i32
        %add3A_684 = arith.constant 6 : i32
        %add3A_685 = arith.addi %add3A_683, %add3A_684 : i32
        %get3A_686 = arith.index_cast %add3A_685 : i32 to index
        %get3A_687 = arith.constant 16 : index
        %get3A_688 = tpu.vector_load %arg4[%get3A_686, %get3A_687] {strides = array<i32>} : memref<512x128xf32, #tpu.memory_space<vmem>>, vector<1x16xf32>,
        %get3A_689 = vector.shape_cast %get3A_688 : vector<1x16xf32> to vector<16xf32>
        %add3A_690 = arith.constant 8 : i32
        %add3A_691 = arith.addi %mul3A_550, %add3A_690 : i32
        %add3A_692 = arith.constant 7 : i32
        %add3A_693 = arith.addi %add3A_691, %add3A_692 : i32
        %get3A_694 = arith.index_cast %add3A_693 : i32 to index
        %get3A_695 = arith.constant 16 : index
        %get3A_696 = tpu.vector_load %arg4[%get3A_694, %get3A_695] {strides = array<i32>} : memref<512x128xf32, #tpu.memory_space<vmem>>, vector<1x16xf32>,
        %get3A_697 = vector.shape_cast %get3A_696 : vector<1x16xf32> to vector<16xf32>
        %max3A_698 = arith.maximumf %get3A_641, %get3A_649 : vector<16xf32>
        %min3A_699 = arith.minimumf %get3A_641, %get3A_649 : vector<16xf32>
        %max3A_700 = arith.maximumf %get3A_657, %get3A_665 : vector<16xf32>
        %min3A_701 = arith.minimumf %get3A_657, %get3A_665 : vector<16xf32>
        %max3A_702 = arith.maximumf %get3A_673, %get3A_681 : vector<16xf32>
        %min3A_703 = arith.minimumf %get3A_673, %get3A_681 : vector<16xf32>
        %max3A_704 = arith.maximumf %get3A_689, %get3A_697 : vector<16xf32>
        %min3A_705 = arith.minimumf %get3A_689, %get3A_697 : vector<16xf32>
        %max3A_706 = arith.maximumf %max3A_698, %max3A_700 : vector<16xf32>
        %min3A_707 = arith.minimumf %max3A_698, %max3A_700 : vector<16xf32>
        %max3A_708 = arith.maximumf %min3A_699, %min3A_701 : vector<16xf32>
        %min3A_709 = arith.minimumf %min3A_699, %min3A_701 : vector<16xf32>
        %max3A_710 = arith.maximumf %max3A_702, %max3A_704 : vector<16xf32>
        %min3A_711 = arith.minimumf %max3A_702, %max3A_704 : vector<16xf32>
        %max3A_712 = arith.maximumf %min3A_703, %min3A_705 : vector<16xf32>
        %min3A_713 = arith.minimumf %min3A_703, %min3A_705 : vector<16xf32>
        %max3A_714 = arith.maximumf %max3A_708, %min3A_707 : vector<16xf32>
        %min3A_715 = arith.minimumf %max3A_708, %min3A_707 : vector<16xf32>
        %max3A_716 = arith.maximumf %max3A_712, %min3A_711 : vector<16xf32>
        %min3A_717 = arith.minimumf %max3A_712, %min3A_711 : vector<16xf32>
        %max3A_718 = arith.maximumf %max3A_706, %max3A_710 : vector<16xf32>
        %min3A_719 = arith.minimumf %max3A_706, %max3A_710 : vector<16xf32>
        %max3A_720 = arith.maximumf %min3A_709, %min3A_713 : vector<16xf32>
        %min3A_721 = arith.minimumf %min3A_709, %min3A_713 : vector<16xf32>
        %max3A_722 = arith.maximumf %max3A_714, %max3A_716 : vector<16xf32>
        %min3A_723 = arith.minimumf %max3A_714, %max3A_716 : vector<16xf32>
        %max3A_724 = arith.maximumf %min3A_715, %min3A_717 : vector<16xf32>
        %min3A_725 = arith.minimumf %min3A_715, %min3A_717 : vector<16xf32>
        %max3A_726 = arith.maximumf %max3A_722, %min3A_719 : vector<16xf32>
        %min3A_727 = arith.minimumf %max3A_722, %min3A_719 : vector<16xf32>
        %max3A_728 = arith.maximumf %max3A_720, %min3A_725 : vector<16xf32>
        %min3A_729 = arith.minimumf %max3A_720, %min3A_725 : vector<16xf32>
        %max3A_730 = arith.maximumf %max3A_724, %min3A_727 : vector<16xf32>
        %min3A_731 = arith.minimumf %max3A_724, %min3A_727 : vector<16xf32>
        %max3A_732 = arith.maximumf %max3A_728, %min3A_723 : vector<16xf32>
        %min3A_733 = arith.minimumf %max3A_728, %min3A_723 : vector<16xf32>
        %max3A_734 = arith.maximumf %max3A_732, %min3A_731 : vector<16xf32>
        %min3A_735 = arith.minimumf %max3A_732, %min3A_731 : vector<16xf32>
        %max3A_736 = arith.maximumf %max3A_616, %min3A_721 : vector<16xf32>
        %max3A_737 = arith.maximumf %max3A_624, %min3A_729 : vector<16xf32>
        %max3A_738 = arith.maximumf %max3A_628, %min3A_733 : vector<16xf32>
        %max3A_739 = arith.maximumf %max3A_632, %min3A_735 : vector<16xf32>
        %max3A_740 = arith.maximumf %min3A_633, %max3A_734 : vector<16xf32>
        %max3A_741 = arith.maximumf %min3A_631, %max3A_730 : vector<16xf32>
        %max3A_742 = arith.maximumf %min3A_627, %max3A_726 : vector<16xf32>
        %max3A_743 = arith.maximumf %min3A_619, %max3A_718 : vector<16xf32>
        %max3A_744 = arith.maximumf %max3A_736, %max3A_740 : vector<16xf32>
        %min3A_745 = arith.minimumf %max3A_736, %max3A_740 : vector<16xf32>
        %max3A_746 = arith.maximumf %max3A_737, %max3A_741 : vector<16xf32>
        %min3A_747 = arith.minimumf %max3A_737, %max3A_741 : vector<16xf32>
        %max3A_748 = arith.maximumf %max3A_738, %max3A_742 : vector<16xf32>
        %min3A_749 = arith.minimumf %max3A_738, %max3A_742 : vector<16xf32>
        %max3A_750 = arith.maximumf %max3A_739, %max3A_743 : vector<16xf32>
        %min3A_751 = arith.minimumf %max3A_739, %max3A_743 : vector<16xf32>
        %max3A_752 = arith.maximumf %max3A_744, %max3A_748 : vector<16xf32>
        %min3A_753 = arith.minimumf %max3A_744, %max3A_748 : vector<16xf32>
        %max3A_754 = arith.maximumf %max3A_746, %max3A_750 : vector<16xf32>
        %min3A_755 = arith.minimumf %max3A_746, %max3A_750 : vector<16xf32>
        %max3A_756 = arith.maximumf %min3A_745, %min3A_749 : vector<16xf32>
        %min3A_757 = arith.minimumf %min3A_745, %min3A_749 : vector<16xf32>
        %max3A_758 = arith.maximumf %min3A_747, %min3A_751 : vector<16xf32>
        %min3A_759 = arith.minimumf %min3A_747, %min3A_751 : vector<16xf32>
        %max3A_760 = arith.maximumf %max3A_752, %max3A_754 : vector<16xf32>
        %min3A_761 = arith.minimumf %max3A_752, %max3A_754 : vector<16xf32>
        %max3A_762 = arith.maximumf %min3A_753, %min3A_755 : vector<16xf32>
        %min3A_763 = arith.minimumf %min3A_753, %min3A_755 : vector<16xf32>
        %max3A_764 = arith.maximumf %max3A_756, %max3A_758 : vector<16xf32>
        %min3A_765 = arith.minimumf %max3A_756, %max3A_758 : vector<16xf32>
        %max3A_766 = arith.maximumf %min3A_757, %min3A_759 : vector<16xf32>
        %min3A_767 = arith.minimumf %min3A_757, %min3A_759 : vector<16xf32>
        %max3A_768 = arith.maximumf %scan3A_541, %min3A_767 : vector<16xf32>
        %max3A_769 = arith.maximumf %scan3A_542, %max3A_766 : vector<16xf32>
        %max3A_770 = arith.maximumf %scan3A_543, %min3A_765 : vector<16xf32>
        %max3A_771 = arith.maximumf %scan3A_544, %max3A_764 : vector<16xf32>
        %max3A_772 = arith.maximumf %scan3A_545, %min3A_763 : vector<16xf32>
        %max3A_773 = arith.maximumf %scan3A_546, %max3A_762 : vector<16xf32>
        %max3A_774 = arith.maximumf %scan3A_547, %min3A_761 : vector<16xf32>
        %max3A_775 = arith.maximumf %scan3A_548, %max3A_760 : vector<16xf32>
        %max3A_776 = arith.maximumf %max3A_768, %max3A_772 : vector<16xf32>
        %min3A_777 = arith.minimumf %max3A_768, %max3A_772 : vector<16xf32>
        %max3A_778 = arith.maximumf %max3A_769, %max3A_773 : vector<16xf32>
        %min3A_779 = arith.minimumf %max3A_769, %max3A_773 : vector<16xf32>
        %max3A_780 = arith.maximumf %max3A_770, %max3A_774 : vector<16xf32>
        %min3A_781 = arith.minimumf %max3A_770, %max3A_774 : vector<16xf32>
        %max3A_782 = arith.maximumf %max3A_771, %max3A_775 : vector<16xf32>
        %min3A_783 = arith.minimumf %max3A_771, %max3A_775 : vector<16xf32>
        %max3A_784 = arith.maximumf %max3A_776, %max3A_780 : vector<16xf32>
        %min3A_785 = arith.minimumf %max3A_776, %max3A_780 : vector<16xf32>
        %max3A_786 = arith.maximumf %max3A_778, %max3A_782 : vector<16xf32>
        %min3A_787 = arith.minimumf %max3A_778, %max3A_782 : vector<16xf32>
        %max3A_788 = arith.maximumf %min3A_777, %min3A_781 : vector<16xf32>
        %min3A_789 = arith.minimumf %min3A_777, %min3A_781 : vector<16xf32>
        %max3A_790 = arith.maximumf %min3A_779, %min3A_783 : vector<16xf32>
        %min3A_791 = arith.minimumf %min3A_779, %min3A_783 : vector<16xf32>
        %max3A_792 = arith.maximumf %max3A_784, %max3A_786 : vector<16xf32>
        %min3A_793 = arith.minimumf %max3A_784, %max3A_786 : vector<16xf32>
        %max3A_794 = arith.maximumf %min3A_785, %min3A_787 : vector<16xf32>
        %min3A_795 = arith.minimumf %min3A_785, %min3A_787 : vector<16xf32>
        %max3A_796 = arith.maximumf %max3A_788, %max3A_790 : vector<16xf32>
        %min3A_797 = arith.minimumf %max3A_788, %max3A_790 : vector<16xf32>
        %max3A_798 = arith.maximumf %min3A_789, %min3A_791 : vector<16xf32>
        %min3A_799 = arith.minimumf %min3A_789, %min3A_791 : vector<16xf32>
        scf.yield %max3A_792, %min3A_793, %max3A_794, %min3A_795, %max3A_796, %min3A_797, %max3A_798, %min3A_799 : vector<16xf32>, vector<16xf32>, vector<16xf32>, vector<16xf32>, vector<16xf32>, vector<16xf32>, vector<16xf32>, vector<16xf32>
      }
      %scan3A_503 = arith.constant 32 : i32
      %scan3A_504 = arith.constant 0 : i32
      %scan3A_505 = arith.constant 32 : i32
      %scan3A_506 = arith.addi %scan3A_504, %scan3A_505 : i32
      %scan3A_507 = arith.constant 1 : i32
      %scan3A_508:8 = scf.for %scan3A_540 = %scan3A_504 to %scan3A_506 step %scan3A_507 iter_args(%scan3A_541 = %scan3A_441, %scan3A_542 = %scan3A_442, %scan3A_543 = %scan3A_443, %scan3A_544 = %scan3A_444, %scan3A_545 = %scan3A_445, %scan3A_546 = %scan3A_446, %scan3A_547 = %scan3A_447, %scan3A_548 = %scan3A_448) -> (vector<16xf32>, vector<16xf32>, vector<16xf32>, vector<16xf32>, vector<16xf32>, vector<16xf32>, vector<16xf32>, vector<16xf32>)  : i32 {
        %mul3A_549 = arith.constant 16 : i32
        %mul3A_550 = arith.muli %scan3A_540, %mul3A_549 : i32
        %add3A_551 = arith.constant 0 : i32
        %add3A_552 = arith.addi %mul3A_550, %add3A_551 : i32
        %get3A = arith.index_cast %add3A_552 : i32 to index
        %get3A_553 = arith.constant 32 : index
        %get3A_554 = tpu.vector_load %arg4[%get3A, %get3A_553] {strides = array<i32>} : memref<512x128xf32, #tpu.memory_space<vmem>>, vector<1x16xf32>,
        %get3A_555 = vector.shape_cast %get3A_554 : vector<1x16xf32> to vector<16xf32>
        %add3A_556 = arith.constant 1 : i32
        %add3A_557 = arith.addi %mul3A_550, %add3A_556 : i32
        %get3A_558 = arith.index_cast %add3A_557 : i32 to index
        %get3A_559 = arith.constant 32 : index
        %get3A_560 = tpu.vector_load %arg4[%get3A_558, %get3A_559] {strides = array<i32>} : memref<512x128xf32, #tpu.memory_space<vmem>>, vector<1x16xf32>,
        %get3A_561 = vector.shape_cast %get3A_560 : vector<1x16xf32> to vector<16xf32>
        %add3A_562 = arith.constant 2 : i32
        %add3A_563 = arith.addi %mul3A_550, %add3A_562 : i32
        %get3A_564 = arith.index_cast %add3A_563 : i32 to index
        %get3A_565 = arith.constant 32 : index
        %get3A_566 = tpu.vector_load %arg4[%get3A_564, %get3A_565] {strides = array<i32>} : memref<512x128xf32, #tpu.memory_space<vmem>>, vector<1x16xf32>,
        %get3A_567 = vector.shape_cast %get3A_566 : vector<1x16xf32> to vector<16xf32>
        %add3A_568 = arith.constant 3 : i32
        %add3A_569 = arith.addi %mul3A_550, %add3A_568 : i32
        %get3A_570 = arith.index_cast %add3A_569 : i32 to index
        %get3A_571 = arith.constant 32 : index
        %get3A_572 = tpu.vector_load %arg4[%get3A_570, %get3A_571] {strides = array<i32>} : memref<512x128xf32, #tpu.memory_space<vmem>>, vector<1x16xf32>,
        %get3A_573 = vector.shape_cast %get3A_572 : vector<1x16xf32> to vector<16xf32>
        %add3A_574 = arith.constant 4 : i32
        %add3A_575 = arith.addi %mul3A_550, %add3A_574 : i32
        %get3A_576 = arith.index_cast %add3A_575 : i32 to index
        %get3A_577 = arith.constant 32 : index
        %get3A_578 = tpu.vector_load %arg4[%get3A_576, %get3A_577] {strides = array<i32>} : memref<512x128xf32, #tpu.memory_space<vmem>>, vector<1x16xf32>,
        %get3A_579 = vector.shape_cast %get3A_578 : vector<1x16xf32> to vector<16xf32>
        %add3A_580 = arith.constant 5 : i32
        %add3A_581 = arith.addi %mul3A_550, %add3A_580 : i32
        %get3A_582 = arith.index_cast %add3A_581 : i32 to index
        %get3A_583 = arith.constant 32 : index
        %get3A_584 = tpu.vector_load %arg4[%get3A_582, %get3A_583] {strides = array<i32>} : memref<512x128xf32, #tpu.memory_space<vmem>>, vector<1x16xf32>,
        %get3A_585 = vector.shape_cast %get3A_584 : vector<1x16xf32> to vector<16xf32>
        %add3A_586 = arith.constant 6 : i32
        %add3A_587 = arith.addi %mul3A_550, %add3A_586 : i32
        %get3A_588 = arith.index_cast %add3A_587 : i32 to index
        %get3A_589 = arith.constant 32 : index
        %get3A_590 = tpu.vector_load %arg4[%get3A_588, %get3A_589] {strides = array<i32>} : memref<512x128xf32, #tpu.memory_space<vmem>>, vector<1x16xf32>,
        %get3A_591 = vector.shape_cast %get3A_590 : vector<1x16xf32> to vector<16xf32>
        %add3A_592 = arith.constant 7 : i32
        %add3A_593 = arith.addi %mul3A_550, %add3A_592 : i32
        %get3A_594 = arith.index_cast %add3A_593 : i32 to index
        %get3A_595 = arith.constant 32 : index
        %get3A_596 = tpu.vector_load %arg4[%get3A_594, %get3A_595] {strides = array<i32>} : memref<512x128xf32, #tpu.memory_space<vmem>>, vector<1x16xf32>,
        %get3A_597 = vector.shape_cast %get3A_596 : vector<1x16xf32> to vector<16xf32>
        %max3A = arith.maximumf %get3A_555, %get3A_561 : vector<16xf32>
        %min3A = arith.minimumf %get3A_555, %get3A_561 : vector<16xf32>
        %max3A_598 = arith.maximumf %get3A_567, %get3A_573 : vector<16xf32>
        %min3A_599 = arith.minimumf %get3A_567, %get3A_573 : vector<16xf32>
        %max3A_600 = arith.maximumf %get3A_579, %get3A_585 : vector<16xf32>
        %min3A_601 = arith.minimumf %get3A_579, %get3A_585 : vector<16xf32>
        %max3A_602 = arith.maximumf %get3A_591, %get3A_597 : vector<16xf32>
        %min3A_603 = arith.minimumf %get3A_591, %get3A_597 : vector<16xf32>
        %max3A_604 = arith.maximumf %max3A, %max3A_598 : vector<16xf32>
        %min3A_605 = arith.minimumf %max3A, %max3A_598 : vector<16xf32>
        %max3A_606 = arith.maximumf %min3A, %min3A_599 : vector<16xf32>
        %min3A_607 = arith.minimumf %min3A, %min3A_599 : vector<16xf32>
        %max3A_608 = arith.maximumf %max3A_600, %max3A_602 : vector<16xf32>
        %min3A_609 = arith.minimumf %max3A_600, %max3A_602 : vector<16xf32>
        %max3A_610 = arith.maximumf %min3A_601, %min3A_603 : vector<16xf32>
        %min3A_611 = arith.minimumf %min3A_601, %min3A_603 : vector<16xf32>
        %max3A_612 = arith.maximumf %max3A_606, %min3A_605 : vector<16xf32>
        %min3A_613 = arith.minimumf %max3A_606, %min3A_605 : vector<16xf32>
        %max3A_614 = arith.maximumf %max3A_610, %min3A_609 : vector<16xf32>
        %min3A_615 = arith.minimumf %max3A_610, %min3A_609 : vector<16xf32>
        %max3A_616 = arith.maximumf %max3A_604, %max3A_608 : vector<16xf32>
        %min3A_617 = arith.minimumf %max3A_604, %max3A_608 : vector<16xf32>
        %max3A_618 = arith.maximumf %min3A_607, %min3A_611 : vector<16xf32>
        %min3A_619 = arith.minimumf %min3A_607, %min3A_611 : vector<16xf32>
        %max3A_620 = arith.maximumf %max3A_612, %max3A_614 : vector<16xf32>
        %min3A_621 = arith.minimumf %max3A_612, %max3A_614 : vector<16xf32>
        %max3A_622 = arith.maximumf %min3A_613, %min3A_615 : vector<16xf32>
        %min3A_623 = arith.minimumf %min3A_613, %min3A_615 : vector<16xf32>
        %max3A_624 = arith.maximumf %max3A_620, %min3A_617 : vector<16xf32>
        %min3A_625 = arith.minimumf %max3A_620, %min3A_617 : vector<16xf32>
        %max3A_626 = arith.maximumf %max3A_618, %min3A_623 : vector<16xf32>
        %min3A_627 = arith.minimumf %max3A_618, %min3A_623 : vector<16xf32>
        %max3A_628 = arith.maximumf %max3A_622, %min3A_625 : vector<16xf32>
        %min3A_629 = arith.minimumf %max3A_622, %min3A_625 : vector<16xf32>
        %max3A_630 = arith.maximumf %max3A_626, %min3A_621 : vector<16xf32>
        %min3A_631 = arith.minimumf %max3A_626, %min3A_621 : vector<16xf32>
        %max3A_632 = arith.maximumf %max3A_630, %min3A_629 : vector<16xf32>
        %min3A_633 = arith.minimumf %max3A_630, %min3A_629 : vector<16xf32>
        %add3A_634 = arith.constant 8 : i32
        %add3A_635 = arith.addi %mul3A_550, %add3A_634 : i32
        %add3A_636 = arith.constant 0 : i32
        %add3A_637 = arith.addi %add3A_635, %add3A_636 : i32
        %get3A_638 = arith.index_cast %add3A_637 : i32 to index
        %get3A_639 = arith.constant 32 : index
        %get3A_640 = tpu.vector_load %arg4[%get3A_638, %get3A_639] {strides = array<i32>} : memref<512x128xf32, #tpu.memory_space<vmem>>, vector<1x16xf32>,
        %get3A_641 = vector.shape_cast %get3A_640 : vector<1x16xf32> to vector<16xf32>
        %add3A_642 = arith.constant 8 : i32
        %add3A_643 = arith.addi %mul3A_550, %add3A_642 : i32
        %add3A_644 = arith.constant 1 : i32
        %add3A_645 = arith.addi %add3A_643, %add3A_644 : i32
        %get3A_646 = arith.index_cast %add3A_645 : i32 to index
        %get3A_647 = arith.constant 32 : index
        %get3A_648 = tpu.vector_load %arg4[%get3A_646, %get3A_647] {strides = array<i32>} : memref<512x128xf32, #tpu.memory_space<vmem>>, vector<1x16xf32>,
        %get3A_649 = vector.shape_cast %get3A_648 : vector<1x16xf32> to vector<16xf32>
        %add3A_650 = arith.constant 8 : i32
        %add3A_651 = arith.addi %mul3A_550, %add3A_650 : i32
        %add3A_652 = arith.constant 2 : i32
        %add3A_653 = arith.addi %add3A_651, %add3A_652 : i32
        %get3A_654 = arith.index_cast %add3A_653 : i32 to index
        %get3A_655 = arith.constant 32 : index
        %get3A_656 = tpu.vector_load %arg4[%get3A_654, %get3A_655] {strides = array<i32>} : memref<512x128xf32, #tpu.memory_space<vmem>>, vector<1x16xf32>,
        %get3A_657 = vector.shape_cast %get3A_656 : vector<1x16xf32> to vector<16xf32>
        %add3A_658 = arith.constant 8 : i32
        %add3A_659 = arith.addi %mul3A_550, %add3A_658 : i32
        %add3A_660 = arith.constant 3 : i32
        %add3A_661 = arith.addi %add3A_659, %add3A_660 : i32
        %get3A_662 = arith.index_cast %add3A_661 : i32 to index
        %get3A_663 = arith.constant 32 : index
        %get3A_664 = tpu.vector_load %arg4[%get3A_662, %get3A_663] {strides = array<i32>} : memref<512x128xf32, #tpu.memory_space<vmem>>, vector<1x16xf32>,
        %get3A_665 = vector.shape_cast %get3A_664 : vector<1x16xf32> to vector<16xf32>
        %add3A_666 = arith.constant 8 : i32
        %add3A_667 = arith.addi %mul3A_550, %add3A_666 : i32
        %add3A_668 = arith.constant 4 : i32
        %add3A_669 = arith.addi %add3A_667, %add3A_668 : i32
        %get3A_670 = arith.index_cast %add3A_669 : i32 to index
        %get3A_671 = arith.constant 32 : index
        %get3A_672 = tpu.vector_load %arg4[%get3A_670, %get3A_671] {strides = array<i32>} : memref<512x128xf32, #tpu.memory_space<vmem>>, vector<1x16xf32>,
        %get3A_673 = vector.shape_cast %get3A_672 : vector<1x16xf32> to vector<16xf32>
        %add3A_674 = arith.constant 8 : i32
        %add3A_675 = arith.addi %mul3A_550, %add3A_674 : i32
        %add3A_676 = arith.constant 5 : i32
        %add3A_677 = arith.addi %add3A_675, %add3A_676 : i32
        %get3A_678 = arith.index_cast %add3A_677 : i32 to index
        %get3A_679 = arith.constant 32 : index
        %get3A_680 = tpu.vector_load %arg4[%get3A_678, %get3A_679] {strides = array<i32>} : memref<512x128xf32, #tpu.memory_space<vmem>>, vector<1x16xf32>,
        %get3A_681 = vector.shape_cast %get3A_680 : vector<1x16xf32> to vector<16xf32>
        %add3A_682 = arith.constant 8 : i32
        %add3A_683 = arith.addi %mul3A_550, %add3A_682 : i32
        %add3A_684 = arith.constant 6 : i32
        %add3A_685 = arith.addi %add3A_683, %add3A_684 : i32
        %get3A_686 = arith.index_cast %add3A_685 : i32 to index
        %get3A_687 = arith.constant 32 : index
        %get3A_688 = tpu.vector_load %arg4[%get3A_686, %get3A_687] {strides = array<i32>} : memref<512x128xf32, #tpu.memory_space<vmem>>, vector<1x16xf32>,
        %get3A_689 = vector.shape_cast %get3A_688 : vector<1x16xf32> to vector<16xf32>
        %add3A_690 = arith.constant 8 : i32
        %add3A_691 = arith.addi %mul3A_550, %add3A_690 : i32
        %add3A_692 = arith.constant 7 : i32
        %add3A_693 = arith.addi %add3A_691, %add3A_692 : i32
        %get3A_694 = arith.index_cast %add3A_693 : i32 to index
        %get3A_695 = arith.constant 32 : index
        %get3A_696 = tpu.vector_load %arg4[%get3A_694, %get3A_695] {strides = array<i32>} : memref<512x128xf32, #tpu.memory_space<vmem>>, vector<1x16xf32>,
        %get3A_697 = vector.shape_cast %get3A_696 : vector<1x16xf32> to vector<16xf32>
        %max3A_698 = arith.maximumf %get3A_641, %get3A_649 : vector<16xf32>
        %min3A_699 = arith.minimumf %get3A_641, %get3A_649 : vector<16xf32>
        %max3A_700 = arith.maximumf %get3A_657, %get3A_665 : vector<16xf32>
        %min3A_701 = arith.minimumf %get3A_657, %get3A_665 : vector<16xf32>
        %max3A_702 = arith.maximumf %get3A_673, %get3A_681 : vector<16xf32>
        %min3A_703 = arith.minimumf %get3A_673, %get3A_681 : vector<16xf32>
        %max3A_704 = arith.maximumf %get3A_689, %get3A_697 : vector<16xf32>
        %min3A_705 = arith.minimumf %get3A_689, %get3A_697 : vector<16xf32>
        %max3A_706 = arith.maximumf %max3A_698, %max3A_700 : vector<16xf32>
        %min3A_707 = arith.minimumf %max3A_698, %max3A_700 : vector<16xf32>
        %max3A_708 = arith.maximumf %min3A_699, %min3A_701 : vector<16xf32>
        %min3A_709 = arith.minimumf %min3A_699, %min3A_701 : vector<16xf32>
        %max3A_710 = arith.maximumf %max3A_702, %max3A_704 : vector<16xf32>
        %min3A_711 = arith.minimumf %max3A_702, %max3A_704 : vector<16xf32>
        %max3A_712 = arith.maximumf %min3A_703, %min3A_705 : vector<16xf32>
        %min3A_713 = arith.minimumf %min3A_703, %min3A_705 : vector<16xf32>
        %max3A_714 = arith.maximumf %max3A_708, %min3A_707 : vector<16xf32>
        %min3A_715 = arith.minimumf %max3A_708, %min3A_707 : vector<16xf32>
        %max3A_716 = arith.maximumf %max3A_712, %min3A_711 : vector<16xf32>
        %min3A_717 = arith.minimumf %max3A_712, %min3A_711 : vector<16xf32>
        %max3A_718 = arith.maximumf %max3A_706, %max3A_710 : vector<16xf32>
        %min3A_719 = arith.minimumf %max3A_706, %max3A_710 : vector<16xf32>
        %max3A_720 = arith.maximumf %min3A_709, %min3A_713 : vector<16xf32>
        %min3A_721 = arith.minimumf %min3A_709, %min3A_713 : vector<16xf32>
        %max3A_722 = arith.maximumf %max3A_714, %max3A_716 : vector<16xf32>
        %min3A_723 = arith.minimumf %max3A_714, %max3A_716 : vector<16xf32>
        %max3A_724 = arith.maximumf %min3A_715, %min3A_717 : vector<16xf32>
        %min3A_725 = arith.minimumf %min3A_715, %min3A_717 : vector<16xf32>
        %max3A_726 = arith.maximumf %max3A_722, %min3A_719 : vector<16xf32>
        %min3A_727 = arith.minimumf %max3A_722, %min3A_719 : vector<16xf32>
        %max3A_728 = arith.maximumf %max3A_720, %min3A_725 : vector<16xf32>
        %min3A_729 = arith.minimumf %max3A_720, %min3A_725 : vector<16xf32>
        %max3A_730 = arith.maximumf %max3A_724, %min3A_727 : vector<16xf32>
        %min3A_731 = arith.minimumf %max3A_724, %min3A_727 : vector<16xf32>
        %max3A_732 = arith.maximumf %max3A_728, %min3A_723 : vector<16xf32>
        %min3A_733 = arith.minimumf %max3A_728, %min3A_723 : vector<16xf32>
        %max3A_734 = arith.maximumf %max3A_732, %min3A_731 : vector<16xf32>
        %min3A_735 = arith.minimumf %max3A_732, %min3A_731 : vector<16xf32>
        %max3A_736 = arith.maximumf %max3A_616, %min3A_721 : vector<16xf32>
        %max3A_737 = arith.maximumf %max3A_624, %min3A_729 : vector<16xf32>
        %max3A_738 = arith.maximumf %max3A_628, %min3A_733 : vector<16xf32>
        %max3A_739 = arith.maximumf %max3A_632, %min3A_735 : vector<16xf32>
        %max3A_740 = arith.maximumf %min3A_633, %max3A_734 : vector<16xf32>
        %max3A_741 = arith.maximumf %min3A_631, %max3A_730 : vector<16xf32>
        %max3A_742 = arith.maximumf %min3A_627, %max3A_726 : vector<16xf32>
        %max3A_743 = arith.maximumf %min3A_619, %max3A_718 : vector<16xf32>
        %max3A_744 = arith.maximumf %max3A_736, %max3A_740 : vector<16xf32>
        %min3A_745 = arith.minimumf %max3A_736, %max3A_740 : vector<16xf32>
        %max3A_746 = arith.maximumf %max3A_737, %max3A_741 : vector<16xf32>
        %min3A_747 = arith.minimumf %max3A_737, %max3A_741 : vector<16xf32>
        %max3A_748 = arith.maximumf %max3A_738, %max3A_742 : vector<16xf32>
        %min3A_749 = arith.minimumf %max3A_738, %max3A_742 : vector<16xf32>
        %max3A_750 = arith.maximumf %max3A_739, %max3A_743 : vector<16xf32>
        %min3A_751 = arith.minimumf %max3A_739, %max3A_743 : vector<16xf32>
        %max3A_752 = arith.maximumf %max3A_744, %max3A_748 : vector<16xf32>
        %min3A_753 = arith.minimumf %max3A_744, %max3A_748 : vector<16xf32>
        %max3A_754 = arith.maximumf %max3A_746, %max3A_750 : vector<16xf32>
        %min3A_755 = arith.minimumf %max3A_746, %max3A_750 : vector<16xf32>
        %max3A_756 = arith.maximumf %min3A_745, %min3A_749 : vector<16xf32>
        %min3A_757 = arith.minimumf %min3A_745, %min3A_749 : vector<16xf32>
        %max3A_758 = arith.maximumf %min3A_747, %min3A_751 : vector<16xf32>
        %min3A_759 = arith.minimumf %min3A_747, %min3A_751 : vector<16xf32>
        %max3A_760 = arith.maximumf %max3A_752, %max3A_754 : vector<16xf32>
        %min3A_761 = arith.minimumf %max3A_752, %max3A_754 : vector<16xf32>
        %max3A_762 = arith.maximumf %min3A_753, %min3A_755 : vector<16xf32>
        %min3A_763 = arith.minimumf %min3A_753, %min3A_755 : vector<16xf32>
        %max3A_764 = arith.maximumf %max3A_756, %max3A_758 : vector<16xf32>
        %min3A_765 = arith.minimumf %max3A_756, %max3A_758 : vector<16xf32>
        %max3A_766 = arith.maximumf %min3A_757, %min3A_759 : vector<16xf32>
        %min3A_767 = arith.minimumf %min3A_757, %min3A_759 : vector<16xf32>
        %max3A_768 = arith.maximumf %scan3A_541, %min3A_767 : vector<16xf32>
        %max3A_769 = arith.maximumf %scan3A_542, %max3A_766 : vector<16xf32>
        %max3A_770 = arith.maximumf %scan3A_543, %min3A_765 : vector<16xf32>
        %max3A_771 = arith.maximumf %scan3A_544, %max3A_764 : vector<16xf32>
        %max3A_772 = arith.maximumf %scan3A_545, %min3A_763 : vector<16xf32>
        %max3A_773 = arith.maximumf %scan3A_546, %max3A_762 : vector<16xf32>
        %max3A_774 = arith.maximumf %scan3A_547, %min3A_761 : vector<16xf32>
        %max3A_775 = arith.maximumf %scan3A_548, %max3A_760 : vector<16xf32>
        %max3A_776 = arith.maximumf %max3A_768, %max3A_772 : vector<16xf32>
        %min3A_777 = arith.minimumf %max3A_768, %max3A_772 : vector<16xf32>
        %max3A_778 = arith.maximumf %max3A_769, %max3A_773 : vector<16xf32>
        %min3A_779 = arith.minimumf %max3A_769, %max3A_773 : vector<16xf32>
        %max3A_780 = arith.maximumf %max3A_770, %max3A_774 : vector<16xf32>
        %min3A_781 = arith.minimumf %max3A_770, %max3A_774 : vector<16xf32>
        %max3A_782 = arith.maximumf %max3A_771, %max3A_775 : vector<16xf32>
        %min3A_783 = arith.minimumf %max3A_771, %max3A_775 : vector<16xf32>
        %max3A_784 = arith.maximumf %max3A_776, %max3A_780 : vector<16xf32>
        %min3A_785 = arith.minimumf %max3A_776, %max3A_780 : vector<16xf32>
        %max3A_786 = arith.maximumf %max3A_778, %max3A_782 : vector<16xf32>
        %min3A_787 = arith.minimumf %max3A_778, %max3A_782 : vector<16xf32>
        %max3A_788 = arith.maximumf %min3A_777, %min3A_781 : vector<16xf32>
        %min3A_789 = arith.minimumf %min3A_777, %min3A_781 : vector<16xf32>
        %max3A_790 = arith.maximumf %min3A_779, %min3A_783 : vector<16xf32>
        %min3A_791 = arith.minimumf %min3A_779, %min3A_783 : vector<16xf32>
        %max3A_792 = arith.maximumf %max3A_784, %max3A_786 : vector<16xf32>
        %min3A_793 = arith.minimumf %max3A_784, %max3A_786 : vector<16xf32>
        %max3A_794 = arith.maximumf %min3A_785, %min3A_787 : vector<16xf32>
        %min3A_795 = arith.minimumf %min3A_785, %min3A_787 : vector<16xf32>
        %max3A_796 = arith.maximumf %max3A_788, %max3A_790 : vector<16xf32>
        %min3A_797 = arith.minimumf %max3A_788, %max3A_790 : vector<16xf32>
        %max3A_798 = arith.maximumf %min3A_789, %min3A_791 : vector<16xf32>
        %min3A_799 = arith.minimumf %min3A_789, %min3A_791 : vector<16xf32>
        scf.yield %max3A_792, %min3A_793, %max3A_794, %min3A_795, %max3A_796, %min3A_797, %max3A_798, %min3A_799 : vector<16xf32>, vector<16xf32>, vector<16xf32>, vector<16xf32>, vector<16xf32>, vector<16xf32>, vector<16xf32>, vector<16xf32>
      }
      %scan3A_509 = arith.constant 32 : i32
      %scan3A_510 = arith.constant 0 : i32
      %scan3A_511 = arith.constant 32 : i32
      %scan3A_512 = arith.addi %scan3A_510, %scan3A_511 : i32
      %scan3A_513 = arith.constant 1 : i32
      %scan3A_514:8 = scf.for %scan3A_540 = %scan3A_510 to %scan3A_512 step %scan3A_513 iter_args(%scan3A_541 = %scan3A_449, %scan3A_542 = %scan3A_450, %scan3A_543 = %scan3A_451, %scan3A_544 = %scan3A_452, %scan3A_545 = %scan3A_453, %scan3A_546 = %scan3A_454, %scan3A_547 = %scan3A_455, %scan3A_548 = %scan3A_456) -> (vector<16xf32>, vector<16xf32>, vector<16xf32>, vector<16xf32>, vector<16xf32>, vector<16xf32>, vector<16xf32>, vector<16xf32>)  : i32 {
        %mul3A_549 = arith.constant 16 : i32
        %mul3A_550 = arith.muli %scan3A_540, %mul3A_549 : i32
        %add3A_551 = arith.constant 0 : i32
        %add3A_552 = arith.addi %mul3A_550, %add3A_551 : i32
        %get3A = arith.index_cast %add3A_552 : i32 to index
        %get3A_553 = arith.constant 48 : index
        %get3A_554 = tpu.vector_load %arg4[%get3A, %get3A_553] {strides = array<i32>} : memref<512x128xf32, #tpu.memory_space<vmem>>, vector<1x16xf32>,
        %get3A_555 = vector.shape_cast %get3A_554 : vector<1x16xf32> to vector<16xf32>
        %add3A_556 = arith.constant 1 : i32
        %add3A_557 = arith.addi %mul3A_550, %add3A_556 : i32
        %get3A_558 = arith.index_cast %add3A_557 : i32 to index
        %get3A_559 = arith.constant 48 : index
        %get3A_560 = tpu.vector_load %arg4[%get3A_558, %get3A_559] {strides = array<i32>} : memref<512x128xf32, #tpu.memory_space<vmem>>, vector<1x16xf32>,
        %get3A_561 = vector.shape_cast %get3A_560 : vector<1x16xf32> to vector<16xf32>
        %add3A_562 = arith.constant 2 : i32
        %add3A_563 = arith.addi %mul3A_550, %add3A_562 : i32
        %get3A_564 = arith.index_cast %add3A_563 : i32 to index
        %get3A_565 = arith.constant 48 : index
        %get3A_566 = tpu.vector_load %arg4[%get3A_564, %get3A_565] {strides = array<i32>} : memref<512x128xf32, #tpu.memory_space<vmem>>, vector<1x16xf32>,
        %get3A_567 = vector.shape_cast %get3A_566 : vector<1x16xf32> to vector<16xf32>
        %add3A_568 = arith.constant 3 : i32
        %add3A_569 = arith.addi %mul3A_550, %add3A_568 : i32
        %get3A_570 = arith.index_cast %add3A_569 : i32 to index
        %get3A_571 = arith.constant 48 : index
        %get3A_572 = tpu.vector_load %arg4[%get3A_570, %get3A_571] {strides = array<i32>} : memref<512x128xf32, #tpu.memory_space<vmem>>, vector<1x16xf32>,
        %get3A_573 = vector.shape_cast %get3A_572 : vector<1x16xf32> to vector<16xf32>
        %add3A_574 = arith.constant 4 : i32
        %add3A_575 = arith.addi %mul3A_550, %add3A_574 : i32
        %get3A_576 = arith.index_cast %add3A_575 : i32 to index
        %get3A_577 = arith.constant 48 : index
        %get3A_578 = tpu.vector_load %arg4[%get3A_576, %get3A_577] {strides = array<i32>} : memref<512x128xf32, #tpu.memory_space<vmem>>, vector<1x16xf32>,
        %get3A_579 = vector.shape_cast %get3A_578 : vector<1x16xf32> to vector<16xf32>
        %add3A_580 = arith.constant 5 : i32
        %add3A_581 = arith.addi %mul3A_550, %add3A_580 : i32
        %get3A_582 = arith.index_cast %add3A_581 : i32 to index
        %get3A_583 = arith.constant 48 : index
        %get3A_584 = tpu.vector_load %arg4[%get3A_582, %get3A_583] {strides = array<i32>} : memref<512x128xf32, #tpu.memory_space<vmem>>, vector<1x16xf32>,
        %get3A_585 = vector.shape_cast %get3A_584 : vector<1x16xf32> to vector<16xf32>
        %add3A_586 = arith.constant 6 : i32
        %add3A_587 = arith.addi %mul3A_550, %add3A_586 : i32
        %get3A_588 = arith.index_cast %add3A_587 : i32 to index
        %get3A_589 = arith.constant 48 : index
        %get3A_590 = tpu.vector_load %arg4[%get3A_588, %get3A_589] {strides = array<i32>} : memref<512x128xf32, #tpu.memory_space<vmem>>, vector<1x16xf32>,
        %get3A_591 = vector.shape_cast %get3A_590 : vector<1x16xf32> to vector<16xf32>
        %add3A_592 = arith.constant 7 : i32
        %add3A_593 = arith.addi %mul3A_550, %add3A_592 : i32
        %get3A_594 = arith.index_cast %add3A_593 : i32 to index
        %get3A_595 = arith.constant 48 : index
        %get3A_596 = tpu.vector_load %arg4[%get3A_594, %get3A_595] {strides = array<i32>} : memref<512x128xf32, #tpu.memory_space<vmem>>, vector<1x16xf32>,
        %get3A_597 = vector.shape_cast %get3A_596 : vector<1x16xf32> to vector<16xf32>
        %max3A = arith.maximumf %get3A_555, %get3A_561 : vector<16xf32>
        %min3A = arith.minimumf %get3A_555, %get3A_561 : vector<16xf32>
        %max3A_598 = arith.maximumf %get3A_567, %get3A_573 : vector<16xf32>
        %min3A_599 = arith.minimumf %get3A_567, %get3A_573 : vector<16xf32>
        %max3A_600 = arith.maximumf %get3A_579, %get3A_585 : vector<16xf32>
        %min3A_601 = arith.minimumf %get3A_579, %get3A_585 : vector<16xf32>
        %max3A_602 = arith.maximumf %get3A_591, %get3A_597 : vector<16xf32>
        %min3A_603 = arith.minimumf %get3A_591, %get3A_597 : vector<16xf32>
        %max3A_604 = arith.maximumf %max3A, %max3A_598 : vector<16xf32>
        %min3A_605 = arith.minimumf %max3A, %max3A_598 : vector<16xf32>
        %max3A_606 = arith.maximumf %min3A, %min3A_599 : vector<16xf32>
        %min3A_607 = arith.minimumf %min3A, %min3A_599 : vector<16xf32>
        %max3A_608 = arith.maximumf %max3A_600, %max3A_602 : vector<16xf32>
        %min3A_609 = arith.minimumf %max3A_600, %max3A_602 : vector<16xf32>
        %max3A_610 = arith.maximumf %min3A_601, %min3A_603 : vector<16xf32>
        %min3A_611 = arith.minimumf %min3A_601, %min3A_603 : vector<16xf32>
        %max3A_612 = arith.maximumf %max3A_606, %min3A_605 : vector<16xf32>
        %min3A_613 = arith.minimumf %max3A_606, %min3A_605 : vector<16xf32>
        %max3A_614 = arith.maximumf %max3A_610, %min3A_609 : vector<16xf32>
        %min3A_615 = arith.minimumf %max3A_610, %min3A_609 : vector<16xf32>
        %max3A_616 = arith.maximumf %max3A_604, %max3A_608 : vector<16xf32>
        %min3A_617 = arith.minimumf %max3A_604, %max3A_608 : vector<16xf32>
        %max3A_618 = arith.maximumf %min3A_607, %min3A_611 : vector<16xf32>
        %min3A_619 = arith.minimumf %min3A_607, %min3A_611 : vector<16xf32>
        %max3A_620 = arith.maximumf %max3A_612, %max3A_614 : vector<16xf32>
        %min3A_621 = arith.minimumf %max3A_612, %max3A_614 : vector<16xf32>
        %max3A_622 = arith.maximumf %min3A_613, %min3A_615 : vector<16xf32>
        %min3A_623 = arith.minimumf %min3A_613, %min3A_615 : vector<16xf32>
        %max3A_624 = arith.maximumf %max3A_620, %min3A_617 : vector<16xf32>
        %min3A_625 = arith.minimumf %max3A_620, %min3A_617 : vector<16xf32>
        %max3A_626 = arith.maximumf %max3A_618, %min3A_623 : vector<16xf32>
        %min3A_627 = arith.minimumf %max3A_618, %min3A_623 : vector<16xf32>
        %max3A_628 = arith.maximumf %max3A_622, %min3A_625 : vector<16xf32>
        %min3A_629 = arith.minimumf %max3A_622, %min3A_625 : vector<16xf32>
        %max3A_630 = arith.maximumf %max3A_626, %min3A_621 : vector<16xf32>
        %min3A_631 = arith.minimumf %max3A_626, %min3A_621 : vector<16xf32>
        %max3A_632 = arith.maximumf %max3A_630, %min3A_629 : vector<16xf32>
        %min3A_633 = arith.minimumf %max3A_630, %min3A_629 : vector<16xf32>
        %add3A_634 = arith.constant 8 : i32
        %add3A_635 = arith.addi %mul3A_550, %add3A_634 : i32
        %add3A_636 = arith.constant 0 : i32
        %add3A_637 = arith.addi %add3A_635, %add3A_636 : i32
        %get3A_638 = arith.index_cast %add3A_637 : i32 to index
        %get3A_639 = arith.constant 48 : index
        %get3A_640 = tpu.vector_load %arg4[%get3A_638, %get3A_639] {strides = array<i32>} : memref<512x128xf32, #tpu.memory_space<vmem>>, vector<1x16xf32>,
        %get3A_641 = vector.shape_cast %get3A_640 : vector<1x16xf32> to vector<16xf32>
        %add3A_642 = arith.constant 8 : i32
        %add3A_643 = arith.addi %mul3A_550, %add3A_642 : i32
        %add3A_644 = arith.constant 1 : i32
        %add3A_645 = arith.addi %add3A_643, %add3A_644 : i32
        %get3A_646 = arith.index_cast %add3A_645 : i32 to index
        %get3A_647 = arith.constant 48 : index
        %get3A_648 = tpu.vector_load %arg4[%get3A_646, %get3A_647] {strides = array<i32>} : memref<512x128xf32, #tpu.memory_space<vmem>>, vector<1x16xf32>,
        %get3A_649 = vector.shape_cast %get3A_648 : vector<1x16xf32> to vector<16xf32>
        %add3A_650 = arith.constant 8 : i32
        %add3A_651 = arith.addi %mul3A_550, %add3A_650 : i32
        %add3A_652 = arith.constant 2 : i32
        %add3A_653 = arith.addi %add3A_651, %add3A_652 : i32
        %get3A_654 = arith.index_cast %add3A_653 : i32 to index
        %get3A_655 = arith.constant 48 : index
        %get3A_656 = tpu.vector_load %arg4[%get3A_654, %get3A_655] {strides = array<i32>} : memref<512x128xf32, #tpu.memory_space<vmem>>, vector<1x16xf32>,
        %get3A_657 = vector.shape_cast %get3A_656 : vector<1x16xf32> to vector<16xf32>
        %add3A_658 = arith.constant 8 : i32
        %add3A_659 = arith.addi %mul3A_550, %add3A_658 : i32
        %add3A_660 = arith.constant 3 : i32
        %add3A_661 = arith.addi %add3A_659, %add3A_660 : i32
        %get3A_662 = arith.index_cast %add3A_661 : i32 to index
        %get3A_663 = arith.constant 48 : index
        %get3A_664 = tpu.vector_load %arg4[%get3A_662, %get3A_663] {strides = array<i32>} : memref<512x128xf32, #tpu.memory_space<vmem>>, vector<1x16xf32>,
        %get3A_665 = vector.shape_cast %get3A_664 : vector<1x16xf32> to vector<16xf32>
        %add3A_666 = arith.constant 8 : i32
        %add3A_667 = arith.addi %mul3A_550, %add3A_666 : i32
        %add3A_668 = arith.constant 4 : i32
        %add3A_669 = arith.addi %add3A_667, %add3A_668 : i32
        %get3A_670 = arith.index_cast %add3A_669 : i32 to index
        %get3A_671 = arith.constant 48 : index
        %get3A_672 = tpu.vector_load %arg4[%get3A_670, %get3A_671] {strides = array<i32>} : memref<512x128xf32, #tpu.memory_space<vmem>>, vector<1x16xf32>,
        %get3A_673 = vector.shape_cast %get3A_672 : vector<1x16xf32> to vector<16xf32>
        %add3A_674 = arith.constant 8 : i32
        %add3A_675 = arith.addi %mul3A_550, %add3A_674 : i32
        %add3A_676 = arith.constant 5 : i32
        %add3A_677 = arith.addi %add3A_675, %add3A_676 : i32
        %get3A_678 = arith.index_cast %add3A_677 : i32 to index
        %get3A_679 = arith.constant 48 : index
        %get3A_680 = tpu.vector_load %arg4[%get3A_678, %get3A_679] {strides = array<i32>} : memref<512x128xf32, #tpu.memory_space<vmem>>, vector<1x16xf32>,
        %get3A_681 = vector.shape_cast %get3A_680 : vector<1x16xf32> to vector<16xf32>
        %add3A_682 = arith.constant 8 : i32
        %add3A_683 = arith.addi %mul3A_550, %add3A_682 : i32
        %add3A_684 = arith.constant 6 : i32
        %add3A_685 = arith.addi %add3A_683, %add3A_684 : i32
        %get3A_686 = arith.index_cast %add3A_685 : i32 to index
        %get3A_687 = arith.constant 48 : index
        %get3A_688 = tpu.vector_load %arg4[%get3A_686, %get3A_687] {strides = array<i32>} : memref<512x128xf32, #tpu.memory_space<vmem>>, vector<1x16xf32>,
        %get3A_689 = vector.shape_cast %get3A_688 : vector<1x16xf32> to vector<16xf32>
        %add3A_690 = arith.constant 8 : i32
        %add3A_691 = arith.addi %mul3A_550, %add3A_690 : i32
        %add3A_692 = arith.constant 7 : i32
        %add3A_693 = arith.addi %add3A_691, %add3A_692 : i32
        %get3A_694 = arith.index_cast %add3A_693 : i32 to index
        %get3A_695 = arith.constant 48 : index
        %get3A_696 = tpu.vector_load %arg4[%get3A_694, %get3A_695] {strides = array<i32>} : memref<512x128xf32, #tpu.memory_space<vmem>>, vector<1x16xf32>,
        %get3A_697 = vector.shape_cast %get3A_696 : vector<1x16xf32> to vector<16xf32>
        %max3A_698 = arith.maximumf %get3A_641, %get3A_649 : vector<16xf32>
        %min3A_699 = arith.minimumf %get3A_641, %get3A_649 : vector<16xf32>
        %max3A_700 = arith.maximumf %get3A_657, %get3A_665 : vector<16xf32>
        %min3A_701 = arith.minimumf %get3A_657, %get3A_665 : vector<16xf32>
        %max3A_702 = arith.maximumf %get3A_673, %get3A_681 : vector<16xf32>
        %min3A_703 = arith.minimumf %get3A_673, %get3A_681 : vector<16xf32>
        %max3A_704 = arith.maximumf %get3A_689, %get3A_697 : vector<16xf32>
        %min3A_705 = arith.minimumf %get3A_689, %get3A_697 : vector<16xf32>
        %max3A_706 = arith.maximumf %max3A_698, %max3A_700 : vector<16xf32>
        %min3A_707 = arith.minimumf %max3A_698, %max3A_700 : vector<16xf32>
        %max3A_708 = arith.maximumf %min3A_699, %min3A_701 : vector<16xf32>
        %min3A_709 = arith.minimumf %min3A_699, %min3A_701 : vector<16xf32>
        %max3A_710 = arith.maximumf %max3A_702, %max3A_704 : vector<16xf32>
        %min3A_711 = arith.minimumf %max3A_702, %max3A_704 : vector<16xf32>
        %max3A_712 = arith.maximumf %min3A_703, %min3A_705 : vector<16xf32>
        %min3A_713 = arith.minimumf %min3A_703, %min3A_705 : vector<16xf32>
        %max3A_714 = arith.maximumf %max3A_708, %min3A_707 : vector<16xf32>
        %min3A_715 = arith.minimumf %max3A_708, %min3A_707 : vector<16xf32>
        %max3A_716 = arith.maximumf %max3A_712, %min3A_711 : vector<16xf32>
        %min3A_717 = arith.minimumf %max3A_712, %min3A_711 : vector<16xf32>
        %max3A_718 = arith.maximumf %max3A_706, %max3A_710 : vector<16xf32>
        %min3A_719 = arith.minimumf %max3A_706, %max3A_710 : vector<16xf32>
        %max3A_720 = arith.maximumf %min3A_709, %min3A_713 : vector<16xf32>
        %min3A_721 = arith.minimumf %min3A_709, %min3A_713 : vector<16xf32>
        %max3A_722 = arith.maximumf %max3A_714, %max3A_716 : vector<16xf32>
        %min3A_723 = arith.minimumf %max3A_714, %max3A_716 : vector<16xf32>
        %max3A_724 = arith.maximumf %min3A_715, %min3A_717 : vector<16xf32>
        %min3A_725 = arith.minimumf %min3A_715, %min3A_717 : vector<16xf32>
        %max3A_726 = arith.maximumf %max3A_722, %min3A_719 : vector<16xf32>
        %min3A_727 = arith.minimumf %max3A_722, %min3A_719 : vector<16xf32>
        %max3A_728 = arith.maximumf %max3A_720, %min3A_725 : vector<16xf32>
        %min3A_729 = arith.minimumf %max3A_720, %min3A_725 : vector<16xf32>
        %max3A_730 = arith.maximumf %max3A_724, %min3A_727 : vector<16xf32>
        %min3A_731 = arith.minimumf %max3A_724, %min3A_727 : vector<16xf32>
        %max3A_732 = arith.maximumf %max3A_728, %min3A_723 : vector<16xf32>
        %min3A_733 = arith.minimumf %max3A_728, %min3A_723 : vector<16xf32>
        %max3A_734 = arith.maximumf %max3A_732, %min3A_731 : vector<16xf32>
        %min3A_735 = arith.minimumf %max3A_732, %min3A_731 : vector<16xf32>
        %max3A_736 = arith.maximumf %max3A_616, %min3A_721 : vector<16xf32>
        %max3A_737 = arith.maximumf %max3A_624, %min3A_729 : vector<16xf32>
        %max3A_738 = arith.maximumf %max3A_628, %min3A_733 : vector<16xf32>
        %max3A_739 = arith.maximumf %max3A_632, %min3A_735 : vector<16xf32>
        %max3A_740 = arith.maximumf %min3A_633, %max3A_734 : vector<16xf32>
        %max3A_741 = arith.maximumf %min3A_631, %max3A_730 : vector<16xf32>
        %max3A_742 = arith.maximumf %min3A_627, %max3A_726 : vector<16xf32>
        %max3A_743 = arith.maximumf %min3A_619, %max3A_718 : vector<16xf32>
        %max3A_744 = arith.maximumf %max3A_736, %max3A_740 : vector<16xf32>
        %min3A_745 = arith.minimumf %max3A_736, %max3A_740 : vector<16xf32>
        %max3A_746 = arith.maximumf %max3A_737, %max3A_741 : vector<16xf32>
        %min3A_747 = arith.minimumf %max3A_737, %max3A_741 : vector<16xf32>
        %max3A_748 = arith.maximumf %max3A_738, %max3A_742 : vector<16xf32>
        %min3A_749 = arith.minimumf %max3A_738, %max3A_742 : vector<16xf32>
        %max3A_750 = arith.maximumf %max3A_739, %max3A_743 : vector<16xf32>
        %min3A_751 = arith.minimumf %max3A_739, %max3A_743 : vector<16xf32>
        %max3A_752 = arith.maximumf %max3A_744, %max3A_748 : vector<16xf32>
        %min3A_753 = arith.minimumf %max3A_744, %max3A_748 : vector<16xf32>
        %max3A_754 = arith.maximumf %max3A_746, %max3A_750 : vector<16xf32>
        %min3A_755 = arith.minimumf %max3A_746, %max3A_750 : vector<16xf32>
        %max3A_756 = arith.maximumf %min3A_745, %min3A_749 : vector<16xf32>
        %min3A_757 = arith.minimumf %min3A_745, %min3A_749 : vector<16xf32>
        %max3A_758 = arith.maximumf %min3A_747, %min3A_751 : vector<16xf32>
        %min3A_759 = arith.minimumf %min3A_747, %min3A_751 : vector<16xf32>
        %max3A_760 = arith.maximumf %max3A_752, %max3A_754 : vector<16xf32>
        %min3A_761 = arith.minimumf %max3A_752, %max3A_754 : vector<16xf32>
        %max3A_762 = arith.maximumf %min3A_753, %min3A_755 : vector<16xf32>
        %min3A_763 = arith.minimumf %min3A_753, %min3A_755 : vector<16xf32>
        %max3A_764 = arith.maximumf %max3A_756, %max3A_758 : vector<16xf32>
        %min3A_765 = arith.minimumf %max3A_756, %max3A_758 : vector<16xf32>
        %max3A_766 = arith.maximumf %min3A_757, %min3A_759 : vector<16xf32>
        %min3A_767 = arith.minimumf %min3A_757, %min3A_759 : vector<16xf32>
        %max3A_768 = arith.maximumf %scan3A_541, %min3A_767 : vector<16xf32>
        %max3A_769 = arith.maximumf %scan3A_542, %max3A_766 : vector<16xf32>
        %max3A_770 = arith.maximumf %scan3A_543, %min3A_765 : vector<16xf32>
        %max3A_771 = arith.maximumf %scan3A_544, %max3A_764 : vector<16xf32>
        %max3A_772 = arith.maximumf %scan3A_545, %min3A_763 : vector<16xf32>
        %max3A_773 = arith.maximumf %scan3A_546, %max3A_762 : vector<16xf32>
        %max3A_774 = arith.maximumf %scan3A_547, %min3A_761 : vector<16xf32>
        %max3A_775 = arith.maximumf %scan3A_548, %max3A_760 : vector<16xf32>
        %max3A_776 = arith.maximumf %max3A_768, %max3A_772 : vector<16xf32>
        %min3A_777 = arith.minimumf %max3A_768, %max3A_772 : vector<16xf32>
        %max3A_778 = arith.maximumf %max3A_769, %max3A_773 : vector<16xf32>
        %min3A_779 = arith.minimumf %max3A_769, %max3A_773 : vector<16xf32>
        %max3A_780 = arith.maximumf %max3A_770, %max3A_774 : vector<16xf32>
        %min3A_781 = arith.minimumf %max3A_770, %max3A_774 : vector<16xf32>
        %max3A_782 = arith.maximumf %max3A_771, %max3A_775 : vector<16xf32>
        %min3A_783 = arith.minimumf %max3A_771, %max3A_775 : vector<16xf32>
        %max3A_784 = arith.maximumf %max3A_776, %max3A_780 : vector<16xf32>
        %min3A_785 = arith.minimumf %max3A_776, %max3A_780 : vector<16xf32>
        %max3A_786 = arith.maximumf %max3A_778, %max3A_782 : vector<16xf32>
        %min3A_787 = arith.minimumf %max3A_778, %max3A_782 : vector<16xf32>
        %max3A_788 = arith.maximumf %min3A_777, %min3A_781 : vector<16xf32>
        %min3A_789 = arith.minimumf %min3A_777, %min3A_781 : vector<16xf32>
        %max3A_790 = arith.maximumf %min3A_779, %min3A_783 : vector<16xf32>
        %min3A_791 = arith.minimumf %min3A_779, %min3A_783 : vector<16xf32>
        %max3A_792 = arith.maximumf %max3A_784, %max3A_786 : vector<16xf32>
        %min3A_793 = arith.minimumf %max3A_784, %max3A_786 : vector<16xf32>
        %max3A_794 = arith.maximumf %min3A_785, %min3A_787 : vector<16xf32>
        %min3A_795 = arith.minimumf %min3A_785, %min3A_787 : vector<16xf32>
        %max3A_796 = arith.maximumf %max3A_788, %max3A_790 : vector<16xf32>
        %min3A_797 = arith.minimumf %max3A_788, %max3A_790 : vector<16xf32>
        %max3A_798 = arith.maximumf %min3A_789, %min3A_791 : vector<16xf32>
        %min3A_799 = arith.minimumf %min3A_789, %min3A_791 : vector<16xf32>
        scf.yield %max3A_792, %min3A_793, %max3A_794, %min3A_795, %max3A_796, %min3A_797, %max3A_798, %min3A_799 : vector<16xf32>, vector<16xf32>, vector<16xf32>, vector<16xf32>, vector<16xf32>, vector<16xf32>, vector<16xf32>, vector<16xf32>
      }
      %scan3A_515 = arith.constant 32 : i32
      %scan3A_516 = arith.constant 0 : i32
      %scan3A_517 = arith.constant 32 : i32
      %scan3A_518 = arith.addi %scan3A_516, %scan3A_517 : i32
      %scan3A_519 = arith.constant 1 : i32
      %scan3A_520:8 = scf.for %scan3A_540 = %scan3A_516 to %scan3A_518 step %scan3A_519 iter_args(%scan3A_541 = %scan3A_457, %scan3A_542 = %scan3A_458, %scan3A_543 = %scan3A_459, %scan3A_544 = %scan3A_460, %scan3A_545 = %scan3A_461, %scan3A_546 = %scan3A_462, %scan3A_547 = %scan3A_463, %scan3A_548 = %scan3A_464) -> (vector<16xf32>, vector<16xf32>, vector<16xf32>, vector<16xf32>, vector<16xf32>, vector<16xf32>, vector<16xf32>, vector<16xf32>)  : i32 {
        %mul3A_549 = arith.constant 16 : i32
        %mul3A_550 = arith.muli %scan3A_540, %mul3A_549 : i32
        %add3A_551 = arith.constant 0 : i32
        %add3A_552 = arith.addi %mul3A_550, %add3A_551 : i32
        %get3A = arith.index_cast %add3A_552 : i32 to index
        %get3A_553 = arith.constant 64 : index
        %get3A_554 = tpu.vector_load %arg4[%get3A, %get3A_553] {strides = array<i32>} : memref<512x128xf32, #tpu.memory_space<vmem>>, vector<1x16xf32>,
        %get3A_555 = vector.shape_cast %get3A_554 : vector<1x16xf32> to vector<16xf32>
        %add3A_556 = arith.constant 1 : i32
        %add3A_557 = arith.addi %mul3A_550, %add3A_556 : i32
        %get3A_558 = arith.index_cast %add3A_557 : i32 to index
        %get3A_559 = arith.constant 64 : index
        %get3A_560 = tpu.vector_load %arg4[%get3A_558, %get3A_559] {strides = array<i32>} : memref<512x128xf32, #tpu.memory_space<vmem>>, vector<1x16xf32>,
        %get3A_561 = vector.shape_cast %get3A_560 : vector<1x16xf32> to vector<16xf32>
        %add3A_562 = arith.constant 2 : i32
        %add3A_563 = arith.addi %mul3A_550, %add3A_562 : i32
        %get3A_564 = arith.index_cast %add3A_563 : i32 to index
        %get3A_565 = arith.constant 64 : index
        %get3A_566 = tpu.vector_load %arg4[%get3A_564, %get3A_565] {strides = array<i32>} : memref<512x128xf32, #tpu.memory_space<vmem>>, vector<1x16xf32>,
        %get3A_567 = vector.shape_cast %get3A_566 : vector<1x16xf32> to vector<16xf32>
        %add3A_568 = arith.constant 3 : i32
        %add3A_569 = arith.addi %mul3A_550, %add3A_568 : i32
        %get3A_570 = arith.index_cast %add3A_569 : i32 to index
        %get3A_571 = arith.constant 64 : index
        %get3A_572 = tpu.vector_load %arg4[%get3A_570, %get3A_571] {strides = array<i32>} : memref<512x128xf32, #tpu.memory_space<vmem>>, vector<1x16xf32>,
        %get3A_573 = vector.shape_cast %get3A_572 : vector<1x16xf32> to vector<16xf32>
        %add3A_574 = arith.constant 4 : i32
        %add3A_575 = arith.addi %mul3A_550, %add3A_574 : i32
        %get3A_576 = arith.index_cast %add3A_575 : i32 to index
        %get3A_577 = arith.constant 64 : index
        %get3A_578 = tpu.vector_load %arg4[%get3A_576, %get3A_577] {strides = array<i32>} : memref<512x128xf32, #tpu.memory_space<vmem>>, vector<1x16xf32>,
        %get3A_579 = vector.shape_cast %get3A_578 : vector<1x16xf32> to vector<16xf32>
        %add3A_580 = arith.constant 5 : i32
        %add3A_581 = arith.addi %mul3A_550, %add3A_580 : i32
        %get3A_582 = arith.index_cast %add3A_581 : i32 to index
        %get3A_583 = arith.constant 64 : index
        %get3A_584 = tpu.vector_load %arg4[%get3A_582, %get3A_583] {strides = array<i32>} : memref<512x128xf32, #tpu.memory_space<vmem>>, vector<1x16xf32>,
        %get3A_585 = vector.shape_cast %get3A_584 : vector<1x16xf32> to vector<16xf32>
        %add3A_586 = arith.constant 6 : i32
        %add3A_587 = arith.addi %mul3A_550, %add3A_586 : i32
        %get3A_588 = arith.index_cast %add3A_587 : i32 to index
        %get3A_589 = arith.constant 64 : index
        %get3A_590 = tpu.vector_load %arg4[%get3A_588, %get3A_589] {strides = array<i32>} : memref<512x128xf32, #tpu.memory_space<vmem>>, vector<1x16xf32>,
        %get3A_591 = vector.shape_cast %get3A_590 : vector<1x16xf32> to vector<16xf32>
        %add3A_592 = arith.constant 7 : i32
        %add3A_593 = arith.addi %mul3A_550, %add3A_592 : i32
        %get3A_594 = arith.index_cast %add3A_593 : i32 to index
        %get3A_595 = arith.constant 64 : index
        %get3A_596 = tpu.vector_load %arg4[%get3A_594, %get3A_595] {strides = array<i32>} : memref<512x128xf32, #tpu.memory_space<vmem>>, vector<1x16xf32>,
        %get3A_597 = vector.shape_cast %get3A_596 : vector<1x16xf32> to vector<16xf32>
        %max3A = arith.maximumf %get3A_555, %get3A_561 : vector<16xf32>
        %min3A = arith.minimumf %get3A_555, %get3A_561 : vector<16xf32>
        %max3A_598 = arith.maximumf %get3A_567, %get3A_573 : vector<16xf32>
        %min3A_599 = arith.minimumf %get3A_567, %get3A_573 : vector<16xf32>
        %max3A_600 = arith.maximumf %get3A_579, %get3A_585 : vector<16xf32>
        %min3A_601 = arith.minimumf %get3A_579, %get3A_585 : vector<16xf32>
        %max3A_602 = arith.maximumf %get3A_591, %get3A_597 : vector<16xf32>
        %min3A_603 = arith.minimumf %get3A_591, %get3A_597 : vector<16xf32>
        %max3A_604 = arith.maximumf %max3A, %max3A_598 : vector<16xf32>
        %min3A_605 = arith.minimumf %max3A, %max3A_598 : vector<16xf32>
        %max3A_606 = arith.maximumf %min3A, %min3A_599 : vector<16xf32>
        %min3A_607 = arith.minimumf %min3A, %min3A_599 : vector<16xf32>
        %max3A_608 = arith.maximumf %max3A_600, %max3A_602 : vector<16xf32>
        %min3A_609 = arith.minimumf %max3A_600, %max3A_602 : vector<16xf32>
        %max3A_610 = arith.maximumf %min3A_601, %min3A_603 : vector<16xf32>
        %min3A_611 = arith.minimumf %min3A_601, %min3A_603 : vector<16xf32>
        %max3A_612 = arith.maximumf %max3A_606, %min3A_605 : vector<16xf32>
        %min3A_613 = arith.minimumf %max3A_606, %min3A_605 : vector<16xf32>
        %max3A_614 = arith.maximumf %max3A_610, %min3A_609 : vector<16xf32>
        %min3A_615 = arith.minimumf %max3A_610, %min3A_609 : vector<16xf32>
        %max3A_616 = arith.maximumf %max3A_604, %max3A_608 : vector<16xf32>
        %min3A_617 = arith.minimumf %max3A_604, %max3A_608 : vector<16xf32>
        %max3A_618 = arith.maximumf %min3A_607, %min3A_611 : vector<16xf32>
        %min3A_619 = arith.minimumf %min3A_607, %min3A_611 : vector<16xf32>
        %max3A_620 = arith.maximumf %max3A_612, %max3A_614 : vector<16xf32>
        %min3A_621 = arith.minimumf %max3A_612, %max3A_614 : vector<16xf32>
        %max3A_622 = arith.maximumf %min3A_613, %min3A_615 : vector<16xf32>
        %min3A_623 = arith.minimumf %min3A_613, %min3A_615 : vector<16xf32>
        %max3A_624 = arith.maximumf %max3A_620, %min3A_617 : vector<16xf32>
        %min3A_625 = arith.minimumf %max3A_620, %min3A_617 : vector<16xf32>
        %max3A_626 = arith.maximumf %max3A_618, %min3A_623 : vector<16xf32>
        %min3A_627 = arith.minimumf %max3A_618, %min3A_623 : vector<16xf32>
        %max3A_628 = arith.maximumf %max3A_622, %min3A_625 : vector<16xf32>
        %min3A_629 = arith.minimumf %max3A_622, %min3A_625 : vector<16xf32>
        %max3A_630 = arith.maximumf %max3A_626, %min3A_621 : vector<16xf32>
        %min3A_631 = arith.minimumf %max3A_626, %min3A_621 : vector<16xf32>
        %max3A_632 = arith.maximumf %max3A_630, %min3A_629 : vector<16xf32>
        %min3A_633 = arith.minimumf %max3A_630, %min3A_629 : vector<16xf32>
        %add3A_634 = arith.constant 8 : i32
        %add3A_635 = arith.addi %mul3A_550, %add3A_634 : i32
        %add3A_636 = arith.constant 0 : i32
        %add3A_637 = arith.addi %add3A_635, %add3A_636 : i32
        %get3A_638 = arith.index_cast %add3A_637 : i32 to index
        %get3A_639 = arith.constant 64 : index
        %get3A_640 = tpu.vector_load %arg4[%get3A_638, %get3A_639] {strides = array<i32>} : memref<512x128xf32, #tpu.memory_space<vmem>>, vector<1x16xf32>,
        %get3A_641 = vector.shape_cast %get3A_640 : vector<1x16xf32> to vector<16xf32>
        %add3A_642 = arith.constant 8 : i32
        %add3A_643 = arith.addi %mul3A_550, %add3A_642 : i32
        %add3A_644 = arith.constant 1 : i32
        %add3A_645 = arith.addi %add3A_643, %add3A_644 : i32
        %get3A_646 = arith.index_cast %add3A_645 : i32 to index
        %get3A_647 = arith.constant 64 : index
        %get3A_648 = tpu.vector_load %arg4[%get3A_646, %get3A_647] {strides = array<i32>} : memref<512x128xf32, #tpu.memory_space<vmem>>, vector<1x16xf32>,
        %get3A_649 = vector.shape_cast %get3A_648 : vector<1x16xf32> to vector<16xf32>
        %add3A_650 = arith.constant 8 : i32
        %add3A_651 = arith.addi %mul3A_550, %add3A_650 : i32
        %add3A_652 = arith.constant 2 : i32
        %add3A_653 = arith.addi %add3A_651, %add3A_652 : i32
        %get3A_654 = arith.index_cast %add3A_653 : i32 to index
        %get3A_655 = arith.constant 64 : index
        %get3A_656 = tpu.vector_load %arg4[%get3A_654, %get3A_655] {strides = array<i32>} : memref<512x128xf32, #tpu.memory_space<vmem>>, vector<1x16xf32>,
        %get3A_657 = vector.shape_cast %get3A_656 : vector<1x16xf32> to vector<16xf32>
        %add3A_658 = arith.constant 8 : i32
        %add3A_659 = arith.addi %mul3A_550, %add3A_658 : i32
        %add3A_660 = arith.constant 3 : i32
        %add3A_661 = arith.addi %add3A_659, %add3A_660 : i32
        %get3A_662 = arith.index_cast %add3A_661 : i32 to index
        %get3A_663 = arith.constant 64 : index
        %get3A_664 = tpu.vector_load %arg4[%get3A_662, %get3A_663] {strides = array<i32>} : memref<512x128xf32, #tpu.memory_space<vmem>>, vector<1x16xf32>,
        %get3A_665 = vector.shape_cast %get3A_664 : vector<1x16xf32> to vector<16xf32>
        %add3A_666 = arith.constant 8 : i32
        %add3A_667 = arith.addi %mul3A_550, %add3A_666 : i32
        %add3A_668 = arith.constant 4 : i32
        %add3A_669 = arith.addi %add3A_667, %add3A_668 : i32
        %get3A_670 = arith.index_cast %add3A_669 : i32 to index
        %get3A_671 = arith.constant 64 : index
        %get3A_672 = tpu.vector_load %arg4[%get3A_670, %get3A_671] {strides = array<i32>} : memref<512x128xf32, #tpu.memory_space<vmem>>, vector<1x16xf32>,
        %get3A_673 = vector.shape_cast %get3A_672 : vector<1x16xf32> to vector<16xf32>
        %add3A_674 = arith.constant 8 : i32
        %add3A_675 = arith.addi %mul3A_550, %add3A_674 : i32
        %add3A_676 = arith.constant 5 : i32
        %add3A_677 = arith.addi %add3A_675, %add3A_676 : i32
        %get3A_678 = arith.index_cast %add3A_677 : i32 to index
        %get3A_679 = arith.constant 64 : index
        %get3A_680 = tpu.vector_load %arg4[%get3A_678, %get3A_679] {strides = array<i32>} : memref<512x128xf32, #tpu.memory_space<vmem>>, vector<1x16xf32>,
        %get3A_681 = vector.shape_cast %get3A_680 : vector<1x16xf32> to vector<16xf32>
        %add3A_682 = arith.constant 8 : i32
        %add3A_683 = arith.addi %mul3A_550, %add3A_682 : i32
        %add3A_684 = arith.constant 6 : i32
        %add3A_685 = arith.addi %add3A_683, %add3A_684 : i32
        %get3A_686 = arith.index_cast %add3A_685 : i32 to index
        %get3A_687 = arith.constant 64 : index
        %get3A_688 = tpu.vector_load %arg4[%get3A_686, %get3A_687] {strides = array<i32>} : memref<512x128xf32, #tpu.memory_space<vmem>>, vector<1x16xf32>,
        %get3A_689 = vector.shape_cast %get3A_688 : vector<1x16xf32> to vector<16xf32>
        %add3A_690 = arith.constant 8 : i32
        %add3A_691 = arith.addi %mul3A_550, %add3A_690 : i32
        %add3A_692 = arith.constant 7 : i32
        %add3A_693 = arith.addi %add3A_691, %add3A_692 : i32
        %get3A_694 = arith.index_cast %add3A_693 : i32 to index
        %get3A_695 = arith.constant 64 : index
        %get3A_696 = tpu.vector_load %arg4[%get3A_694, %get3A_695] {strides = array<i32>} : memref<512x128xf32, #tpu.memory_space<vmem>>, vector<1x16xf32>,
        %get3A_697 = vector.shape_cast %get3A_696 : vector<1x16xf32> to vector<16xf32>
        %max3A_698 = arith.maximumf %get3A_641, %get3A_649 : vector<16xf32>
        %min3A_699 = arith.minimumf %get3A_641, %get3A_649 : vector<16xf32>
        %max3A_700 = arith.maximumf %get3A_657, %get3A_665 : vector<16xf32>
        %min3A_701 = arith.minimumf %get3A_657, %get3A_665 : vector<16xf32>
        %max3A_702 = arith.maximumf %get3A_673, %get3A_681 : vector<16xf32>
        %min3A_703 = arith.minimumf %get3A_673, %get3A_681 : vector<16xf32>
        %max3A_704 = arith.maximumf %get3A_689, %get3A_697 : vector<16xf32>
        %min3A_705 = arith.minimumf %get3A_689, %get3A_697 : vector<16xf32>
        %max3A_706 = arith.maximumf %max3A_698, %max3A_700 : vector<16xf32>
        %min3A_707 = arith.minimumf %max3A_698, %max3A_700 : vector<16xf32>
        %max3A_708 = arith.maximumf %min3A_699, %min3A_701 : vector<16xf32>
        %min3A_709 = arith.minimumf %min3A_699, %min3A_701 : vector<16xf32>
        %max3A_710 = arith.maximumf %max3A_702, %max3A_704 : vector<16xf32>
        %min3A_711 = arith.minimumf %max3A_702, %max3A_704 : vector<16xf32>
        %max3A_712 = arith.maximumf %min3A_703, %min3A_705 : vector<16xf32>
        %min3A_713 = arith.minimumf %min3A_703, %min3A_705 : vector<16xf32>
        %max3A_714 = arith.maximumf %max3A_708, %min3A_707 : vector<16xf32>
        %min3A_715 = arith.minimumf %max3A_708, %min3A_707 : vector<16xf32>
        %max3A_716 = arith.maximumf %max3A_712, %min3A_711 : vector<16xf32>
        %min3A_717 = arith.minimumf %max3A_712, %min3A_711 : vector<16xf32>
        %max3A_718 = arith.maximumf %max3A_706, %max3A_710 : vector<16xf32>
        %min3A_719 = arith.minimumf %max3A_706, %max3A_710 : vector<16xf32>
        %max3A_720 = arith.maximumf %min3A_709, %min3A_713 : vector<16xf32>
        %min3A_721 = arith.minimumf %min3A_709, %min3A_713 : vector<16xf32>
        %max3A_722 = arith.maximumf %max3A_714, %max3A_716 : vector<16xf32>
        %min3A_723 = arith.minimumf %max3A_714, %max3A_716 : vector<16xf32>
        %max3A_724 = arith.maximumf %min3A_715, %min3A_717 : vector<16xf32>
        %min3A_725 = arith.minimumf %min3A_715, %min3A_717 : vector<16xf32>
        %max3A_726 = arith.maximumf %max3A_722, %min3A_719 : vector<16xf32>
        %min3A_727 = arith.minimumf %max3A_722, %min3A_719 : vector<16xf32>
        %max3A_728 = arith.maximumf %max3A_720, %min3A_725 : vector<16xf32>
        %min3A_729 = arith.minimumf %max3A_720, %min3A_725 : vector<16xf32>
        %max3A_730 = arith.maximumf %max3A_724, %min3A_727 : vector<16xf32>
        %min3A_731 = arith.minimumf %max3A_724, %min3A_727 : vector<16xf32>
        %max3A_732 = arith.maximumf %max3A_728, %min3A_723 : vector<16xf32>
        %min3A_733 = arith.minimumf %max3A_728, %min3A_723 : vector<16xf32>
        %max3A_734 = arith.maximumf %max3A_732, %min3A_731 : vector<16xf32>
        %min3A_735 = arith.minimumf %max3A_732, %min3A_731 : vector<16xf32>
        %max3A_736 = arith.maximumf %max3A_616, %min3A_721 : vector<16xf32>
        %max3A_737 = arith.maximumf %max3A_624, %min3A_729 : vector<16xf32>
        %max3A_738 = arith.maximumf %max3A_628, %min3A_733 : vector<16xf32>
        %max3A_739 = arith.maximumf %max3A_632, %min3A_735 : vector<16xf32>
        %max3A_740 = arith.maximumf %min3A_633, %max3A_734 : vector<16xf32>
        %max3A_741 = arith.maximumf %min3A_631, %max3A_730 : vector<16xf32>
        %max3A_742 = arith.maximumf %min3A_627, %max3A_726 : vector<16xf32>
        %max3A_743 = arith.maximumf %min3A_619, %max3A_718 : vector<16xf32>
        %max3A_744 = arith.maximumf %max3A_736, %max3A_740 : vector<16xf32>
        %min3A_745 = arith.minimumf %max3A_736, %max3A_740 : vector<16xf32>
        %max3A_746 = arith.maximumf %max3A_737, %max3A_741 : vector<16xf32>
        %min3A_747 = arith.minimumf %max3A_737, %max3A_741 : vector<16xf32>
        %max3A_748 = arith.maximumf %max3A_738, %max3A_742 : vector<16xf32>
        %min3A_749 = arith.minimumf %max3A_738, %max3A_742 : vector<16xf32>
        %max3A_750 = arith.maximumf %max3A_739, %max3A_743 : vector<16xf32>
        %min3A_751 = arith.minimumf %max3A_739, %max3A_743 : vector<16xf32>
        %max3A_752 = arith.maximumf %max3A_744, %max3A_748 : vector<16xf32>
        %min3A_753 = arith.minimumf %max3A_744, %max3A_748 : vector<16xf32>
        %max3A_754 = arith.maximumf %max3A_746, %max3A_750 : vector<16xf32>
        %min3A_755 = arith.minimumf %max3A_746, %max3A_750 : vector<16xf32>
        %max3A_756 = arith.maximumf %min3A_745, %min3A_749 : vector<16xf32>
        %min3A_757 = arith.minimumf %min3A_745, %min3A_749 : vector<16xf32>
        %max3A_758 = arith.maximumf %min3A_747, %min3A_751 : vector<16xf32>
        %min3A_759 = arith.minimumf %min3A_747, %min3A_751 : vector<16xf32>
        %max3A_760 = arith.maximumf %max3A_752, %max3A_754 : vector<16xf32>
        %min3A_761 = arith.minimumf %max3A_752, %max3A_754 : vector<16xf32>
        %max3A_762 = arith.maximumf %min3A_753, %min3A_755 : vector<16xf32>
        %min3A_763 = arith.minimumf %min3A_753, %min3A_755 : vector<16xf32>
        %max3A_764 = arith.maximumf %max3A_756, %max3A_758 : vector<16xf32>
        %min3A_765 = arith.minimumf %max3A_756, %max3A_758 : vector<16xf32>
        %max3A_766 = arith.maximumf %min3A_757, %min3A_759 : vector<16xf32>
        %min3A_767 = arith.minimumf %min3A_757, %min3A_759 : vector<16xf32>
        %max3A_768 = arith.maximumf %scan3A_541, %min3A_767 : vector<16xf32>
        %max3A_769 = arith.maximumf %scan3A_542, %max3A_766 : vector<16xf32>
        %max3A_770 = arith.maximumf %scan3A_543, %min3A_765 : vector<16xf32>
        %max3A_771 = arith.maximumf %scan3A_544, %max3A_764 : vector<16xf32>
        %max3A_772 = arith.maximumf %scan3A_545, %min3A_763 : vector<16xf32>
        %max3A_773 = arith.maximumf %scan3A_546, %max3A_762 : vector<16xf32>
        %max3A_774 = arith.maximumf %scan3A_547, %min3A_761 : vector<16xf32>
        %max3A_775 = arith.maximumf %scan3A_548, %max3A_760 : vector<16xf32>
        %max3A_776 = arith.maximumf %max3A_768, %max3A_772 : vector<16xf32>
        %min3A_777 = arith.minimumf %max3A_768, %max3A_772 : vector<16xf32>
        %max3A_778 = arith.maximumf %max3A_769, %max3A_773 : vector<16xf32>
        %min3A_779 = arith.minimumf %max3A_769, %max3A_773 : vector<16xf32>
        %max3A_780 = arith.maximumf %max3A_770, %max3A_774 : vector<16xf32>
        %min3A_781 = arith.minimumf %max3A_770, %max3A_774 : vector<16xf32>
        %max3A_782 = arith.maximumf %max3A_771, %max3A_775 : vector<16xf32>
        %min3A_783 = arith.minimumf %max3A_771, %max3A_775 : vector<16xf32>
        %max3A_784 = arith.maximumf %max3A_776, %max3A_780 : vector<16xf32>
        %min3A_785 = arith.minimumf %max3A_776, %max3A_780 : vector<16xf32>
        %max3A_786 = arith.maximumf %max3A_778, %max3A_782 : vector<16xf32>
        %min3A_787 = arith.minimumf %max3A_778, %max3A_782 : vector<16xf32>
        %max3A_788 = arith.maximumf %min3A_777, %min3A_781 : vector<16xf32>
        %min3A_789 = arith.minimumf %min3A_777, %min3A_781 : vector<16xf32>
        %max3A_790 = arith.maximumf %min3A_779, %min3A_783 : vector<16xf32>
        %min3A_791 = arith.minimumf %min3A_779, %min3A_783 : vector<16xf32>
        %max3A_792 = arith.maximumf %max3A_784, %max3A_786 : vector<16xf32>
        %min3A_793 = arith.minimumf %max3A_784, %max3A_786 : vector<16xf32>
        %max3A_794 = arith.maximumf %min3A_785, %min3A_787 : vector<16xf32>
        %min3A_795 = arith.minimumf %min3A_785, %min3A_787 : vector<16xf32>
        %max3A_796 = arith.maximumf %max3A_788, %max3A_790 : vector<16xf32>
        %min3A_797 = arith.minimumf %max3A_788, %max3A_790 : vector<16xf32>
        %max3A_798 = arith.maximumf %min3A_789, %min3A_791 : vector<16xf32>
        %min3A_799 = arith.minimumf %min3A_789, %min3A_791 : vector<16xf32>
        scf.yield %max3A_792, %min3A_793, %max3A_794, %min3A_795, %max3A_796, %min3A_797, %max3A_798, %min3A_799 : vector<16xf32>, vector<16xf32>, vector<16xf32>, vector<16xf32>, vector<16xf32>, vector<16xf32>, vector<16xf32>, vector<16xf32>
      }
      %scan3A_521 = arith.constant 32 : i32
      %scan3A_522 = arith.constant 0 : i32
      %scan3A_523 = arith.constant 32 : i32
      %scan3A_524 = arith.addi %scan3A_522, %scan3A_523 : i32
      %scan3A_525 = arith.constant 1 : i32
      %scan3A_526:8 = scf.for %scan3A_540 = %scan3A_522 to %scan3A_524 step %scan3A_525 iter_args(%scan3A_541 = %scan3A_465, %scan3A_542 = %scan3A_466, %scan3A_543 = %scan3A_467, %scan3A_544 = %scan3A_468, %scan3A_545 = %scan3A_469, %scan3A_546 = %scan3A_470, %scan3A_547 = %scan3A_471, %scan3A_548 = %scan3A_472) -> (vector<16xf32>, vector<16xf32>, vector<16xf32>, vector<16xf32>, vector<16xf32>, vector<16xf32>, vector<16xf32>, vector<16xf32>)  : i32 {
        %mul3A_549 = arith.constant 16 : i32
        %mul3A_550 = arith.muli %scan3A_540, %mul3A_549 : i32
        %add3A_551 = arith.constant 0 : i32
        %add3A_552 = arith.addi %mul3A_550, %add3A_551 : i32
        %get3A = arith.index_cast %add3A_552 : i32 to index
        %get3A_553 = arith.constant 80 : index
        %get3A_554 = tpu.vector_load %arg4[%get3A, %get3A_553] {strides = array<i32>} : memref<512x128xf32, #tpu.memory_space<vmem>>, vector<1x16xf32>,
        %get3A_555 = vector.shape_cast %get3A_554 : vector<1x16xf32> to vector<16xf32>
        %add3A_556 = arith.constant 1 : i32
        %add3A_557 = arith.addi %mul3A_550, %add3A_556 : i32
        %get3A_558 = arith.index_cast %add3A_557 : i32 to index
        %get3A_559 = arith.constant 80 : index
        %get3A_560 = tpu.vector_load %arg4[%get3A_558, %get3A_559] {strides = array<i32>} : memref<512x128xf32, #tpu.memory_space<vmem>>, vector<1x16xf32>,
        %get3A_561 = vector.shape_cast %get3A_560 : vector<1x16xf32> to vector<16xf32>
        %add3A_562 = arith.constant 2 : i32
        %add3A_563 = arith.addi %mul3A_550, %add3A_562 : i32
        %get3A_564 = arith.index_cast %add3A_563 : i32 to index
        %get3A_565 = arith.constant 80 : index
        %get3A_566 = tpu.vector_load %arg4[%get3A_564, %get3A_565] {strides = array<i32>} : memref<512x128xf32, #tpu.memory_space<vmem>>, vector<1x16xf32>,
        %get3A_567 = vector.shape_cast %get3A_566 : vector<1x16xf32> to vector<16xf32>
        %add3A_568 = arith.constant 3 : i32
        %add3A_569 = arith.addi %mul3A_550, %add3A_568 : i32
        %get3A_570 = arith.index_cast %add3A_569 : i32 to index
        %get3A_571 = arith.constant 80 : index
        %get3A_572 = tpu.vector_load %arg4[%get3A_570, %get3A_571] {strides = array<i32>} : memref<512x128xf32, #tpu.memory_space<vmem>>, vector<1x16xf32>,
        %get3A_573 = vector.shape_cast %get3A_572 : vector<1x16xf32> to vector<16xf32>
        %add3A_574 = arith.constant 4 : i32
        %add3A_575 = arith.addi %mul3A_550, %add3A_574 : i32
        %get3A_576 = arith.index_cast %add3A_575 : i32 to index
        %get3A_577 = arith.constant 80 : index
        %get3A_578 = tpu.vector_load %arg4[%get3A_576, %get3A_577] {strides = array<i32>} : memref<512x128xf32, #tpu.memory_space<vmem>>, vector<1x16xf32>,
        %get3A_579 = vector.shape_cast %get3A_578 : vector<1x16xf32> to vector<16xf32>
        %add3A_580 = arith.constant 5 : i32
        %add3A_581 = arith.addi %mul3A_550, %add3A_580 : i32
        %get3A_582 = arith.index_cast %add3A_581 : i32 to index
        %get3A_583 = arith.constant 80 : index
        %get3A_584 = tpu.vector_load %arg4[%get3A_582, %get3A_583] {strides = array<i32>} : memref<512x128xf32, #tpu.memory_space<vmem>>, vector<1x16xf32>,
        %get3A_585 = vector.shape_cast %get3A_584 : vector<1x16xf32> to vector<16xf32>
        %add3A_586 = arith.constant 6 : i32
        %add3A_587 = arith.addi %mul3A_550, %add3A_586 : i32
        %get3A_588 = arith.index_cast %add3A_587 : i32 to index
        %get3A_589 = arith.constant 80 : index
        %get3A_590 = tpu.vector_load %arg4[%get3A_588, %get3A_589] {strides = array<i32>} : memref<512x128xf32, #tpu.memory_space<vmem>>, vector<1x16xf32>,
        %get3A_591 = vector.shape_cast %get3A_590 : vector<1x16xf32> to vector<16xf32>
        %add3A_592 = arith.constant 7 : i32
        %add3A_593 = arith.addi %mul3A_550, %add3A_592 : i32
        %get3A_594 = arith.index_cast %add3A_593 : i32 to index
        %get3A_595 = arith.constant 80 : index
        %get3A_596 = tpu.vector_load %arg4[%get3A_594, %get3A_595] {strides = array<i32>} : memref<512x128xf32, #tpu.memory_space<vmem>>, vector<1x16xf32>,
        %get3A_597 = vector.shape_cast %get3A_596 : vector<1x16xf32> to vector<16xf32>
        %max3A = arith.maximumf %get3A_555, %get3A_561 : vector<16xf32>
        %min3A = arith.minimumf %get3A_555, %get3A_561 : vector<16xf32>
        %max3A_598 = arith.maximumf %get3A_567, %get3A_573 : vector<16xf32>
        %min3A_599 = arith.minimumf %get3A_567, %get3A_573 : vector<16xf32>
        %max3A_600 = arith.maximumf %get3A_579, %get3A_585 : vector<16xf32>
        %min3A_601 = arith.minimumf %get3A_579, %get3A_585 : vector<16xf32>
        %max3A_602 = arith.maximumf %get3A_591, %get3A_597 : vector<16xf32>
        %min3A_603 = arith.minimumf %get3A_591, %get3A_597 : vector<16xf32>
        %max3A_604 = arith.maximumf %max3A, %max3A_598 : vector<16xf32>
        %min3A_605 = arith.minimumf %max3A, %max3A_598 : vector<16xf32>
        %max3A_606 = arith.maximumf %min3A, %min3A_599 : vector<16xf32>
        %min3A_607 = arith.minimumf %min3A, %min3A_599 : vector<16xf32>
        %max3A_608 = arith.maximumf %max3A_600, %max3A_602 : vector<16xf32>
        %min3A_609 = arith.minimumf %max3A_600, %max3A_602 : vector<16xf32>
        %max3A_610 = arith.maximumf %min3A_601, %min3A_603 : vector<16xf32>
        %min3A_611 = arith.minimumf %min3A_601, %min3A_603 : vector<16xf32>
        %max3A_612 = arith.maximumf %max3A_606, %min3A_605 : vector<16xf32>
        %min3A_613 = arith.minimumf %max3A_606, %min3A_605 : vector<16xf32>
        %max3A_614 = arith.maximumf %max3A_610, %min3A_609 : vector<16xf32>
        %min3A_615 = arith.minimumf %max3A_610, %min3A_609 : vector<16xf32>
        %max3A_616 = arith.maximumf %max3A_604, %max3A_608 : vector<16xf32>
        %min3A_617 = arith.minimumf %max3A_604, %max3A_608 : vector<16xf32>
        %max3A_618 = arith.maximumf %min3A_607, %min3A_611 : vector<16xf32>
        %min3A_619 = arith.minimumf %min3A_607, %min3A_611 : vector<16xf32>
        %max3A_620 = arith.maximumf %max3A_612, %max3A_614 : vector<16xf32>
        %min3A_621 = arith.minimumf %max3A_612, %max3A_614 : vector<16xf32>
        %max3A_622 = arith.maximumf %min3A_613, %min3A_615 : vector<16xf32>
        %min3A_623 = arith.minimumf %min3A_613, %min3A_615 : vector<16xf32>
        %max3A_624 = arith.maximumf %max3A_620, %min3A_617 : vector<16xf32>
        %min3A_625 = arith.minimumf %max3A_620, %min3A_617 : vector<16xf32>
        %max3A_626 = arith.maximumf %max3A_618, %min3A_623 : vector<16xf32>
        %min3A_627 = arith.minimumf %max3A_618, %min3A_623 : vector<16xf32>
        %max3A_628 = arith.maximumf %max3A_622, %min3A_625 : vector<16xf32>
        %min3A_629 = arith.minimumf %max3A_622, %min3A_625 : vector<16xf32>
        %max3A_630 = arith.maximumf %max3A_626, %min3A_621 : vector<16xf32>
        %min3A_631 = arith.minimumf %max3A_626, %min3A_621 : vector<16xf32>
        %max3A_632 = arith.maximumf %max3A_630, %min3A_629 : vector<16xf32>
        %min3A_633 = arith.minimumf %max3A_630, %min3A_629 : vector<16xf32>
        %add3A_634 = arith.constant 8 : i32
        %add3A_635 = arith.addi %mul3A_550, %add3A_634 : i32
        %add3A_636 = arith.constant 0 : i32
        %add3A_637 = arith.addi %add3A_635, %add3A_636 : i32
        %get3A_638 = arith.index_cast %add3A_637 : i32 to index
        %get3A_639 = arith.constant 80 : index
        %get3A_640 = tpu.vector_load %arg4[%get3A_638, %get3A_639] {strides = array<i32>} : memref<512x128xf32, #tpu.memory_space<vmem>>, vector<1x16xf32>,
        %get3A_641 = vector.shape_cast %get3A_640 : vector<1x16xf32> to vector<16xf32>
        %add3A_642 = arith.constant 8 : i32
        %add3A_643 = arith.addi %mul3A_550, %add3A_642 : i32
        %add3A_644 = arith.constant 1 : i32
        %add3A_645 = arith.addi %add3A_643, %add3A_644 : i32
        %get3A_646 = arith.index_cast %add3A_645 : i32 to index
        %get3A_647 = arith.constant 80 : index
        %get3A_648 = tpu.vector_load %arg4[%get3A_646, %get3A_647] {strides = array<i32>} : memref<512x128xf32, #tpu.memory_space<vmem>>, vector<1x16xf32>,
        %get3A_649 = vector.shape_cast %get3A_648 : vector<1x16xf32> to vector<16xf32>
        %add3A_650 = arith.constant 8 : i32
        %add3A_651 = arith.addi %mul3A_550, %add3A_650 : i32
        %add3A_652 = arith.constant 2 : i32
        %add3A_653 = arith.addi %add3A_651, %add3A_652 : i32
        %get3A_654 = arith.index_cast %add3A_653 : i32 to index
        %get3A_655 = arith.constant 80 : index
        %get3A_656 = tpu.vector_load %arg4[%get3A_654, %get3A_655] {strides = array<i32>} : memref<512x128xf32, #tpu.memory_space<vmem>>, vector<1x16xf32>,
        %get3A_657 = vector.shape_cast %get3A_656 : vector<1x16xf32> to vector<16xf32>
        %add3A_658 = arith.constant 8 : i32
        %add3A_659 = arith.addi %mul3A_550, %add3A_658 : i32
        %add3A_660 = arith.constant 3 : i32
        %add3A_661 = arith.addi %add3A_659, %add3A_660 : i32
        %get3A_662 = arith.index_cast %add3A_661 : i32 to index
        %get3A_663 = arith.constant 80 : index
        %get3A_664 = tpu.vector_load %arg4[%get3A_662, %get3A_663] {strides = array<i32>} : memref<512x128xf32, #tpu.memory_space<vmem>>, vector<1x16xf32>,
        %get3A_665 = vector.shape_cast %get3A_664 : vector<1x16xf32> to vector<16xf32>
        %add3A_666 = arith.constant 8 : i32
        %add3A_667 = arith.addi %mul3A_550, %add3A_666 : i32
        %add3A_668 = arith.constant 4 : i32
        %add3A_669 = arith.addi %add3A_667, %add3A_668 : i32
        %get3A_670 = arith.index_cast %add3A_669 : i32 to index
        %get3A_671 = arith.constant 80 : index
        %get3A_672 = tpu.vector_load %arg4[%get3A_670, %get3A_671] {strides = array<i32>} : memref<512x128xf32, #tpu.memory_space<vmem>>, vector<1x16xf32>,
        %get3A_673 = vector.shape_cast %get3A_672 : vector<1x16xf32> to vector<16xf32>
        %add3A_674 = arith.constant 8 : i32
        %add3A_675 = arith.addi %mul3A_550, %add3A_674 : i32
        %add3A_676 = arith.constant 5 : i32
        %add3A_677 = arith.addi %add3A_675, %add3A_676 : i32
        %get3A_678 = arith.index_cast %add3A_677 : i32 to index
        %get3A_679 = arith.constant 80 : index
        %get3A_680 = tpu.vector_load %arg4[%get3A_678, %get3A_679] {strides = array<i32>} : memref<512x128xf32, #tpu.memory_space<vmem>>, vector<1x16xf32>,
        %get3A_681 = vector.shape_cast %get3A_680 : vector<1x16xf32> to vector<16xf32>
        %add3A_682 = arith.constant 8 : i32
        %add3A_683 = arith.addi %mul3A_550, %add3A_682 : i32
        %add3A_684 = arith.constant 6 : i32
        %add3A_685 = arith.addi %add3A_683, %add3A_684 : i32
        %get3A_686 = arith.index_cast %add3A_685 : i32 to index
        %get3A_687 = arith.constant 80 : index
        %get3A_688 = tpu.vector_load %arg4[%get3A_686, %get3A_687] {strides = array<i32>} : memref<512x128xf32, #tpu.memory_space<vmem>>, vector<1x16xf32>,
        %get3A_689 = vector.shape_cast %get3A_688 : vector<1x16xf32> to vector<16xf32>
        %add3A_690 = arith.constant 8 : i32
        %add3A_691 = arith.addi %mul3A_550, %add3A_690 : i32
        %add3A_692 = arith.constant 7 : i32
        %add3A_693 = arith.addi %add3A_691, %add3A_692 : i32
        %get3A_694 = arith.index_cast %add3A_693 : i32 to index
        %get3A_695 = arith.constant 80 : index
        %get3A_696 = tpu.vector_load %arg4[%get3A_694, %get3A_695] {strides = array<i32>} : memref<512x128xf32, #tpu.memory_space<vmem>>, vector<1x16xf32>,
        %get3A_697 = vector.shape_cast %get3A_696 : vector<1x16xf32> to vector<16xf32>
        %max3A_698 = arith.maximumf %get3A_641, %get3A_649 : vector<16xf32>
        %min3A_699 = arith.minimumf %get3A_641, %get3A_649 : vector<16xf32>
        %max3A_700 = arith.maximumf %get3A_657, %get3A_665 : vector<16xf32>
        %min3A_701 = arith.minimumf %get3A_657, %get3A_665 : vector<16xf32>
        %max3A_702 = arith.maximumf %get3A_673, %get3A_681 : vector<16xf32>
        %min3A_703 = arith.minimumf %get3A_673, %get3A_681 : vector<16xf32>
        %max3A_704 = arith.maximumf %get3A_689, %get3A_697 : vector<16xf32>
        %min3A_705 = arith.minimumf %get3A_689, %get3A_697 : vector<16xf32>
        %max3A_706 = arith.maximumf %max3A_698, %max3A_700 : vector<16xf32>
        %min3A_707 = arith.minimumf %max3A_698, %max3A_700 : vector<16xf32>
        %max3A_708 = arith.maximumf %min3A_699, %min3A_701 : vector<16xf32>
        %min3A_709 = arith.minimumf %min3A_699, %min3A_701 : vector<16xf32>
        %max3A_710 = arith.maximumf %max3A_702, %max3A_704 : vector<16xf32>
        %min3A_711 = arith.minimumf %max3A_702, %max3A_704 : vector<16xf32>
        %max3A_712 = arith.maximumf %min3A_703, %min3A_705 : vector<16xf32>
        %min3A_713 = arith.minimumf %min3A_703, %min3A_705 : vector<16xf32>
        %max3A_714 = arith.maximumf %max3A_708, %min3A_707 : vector<16xf32>
        %min3A_715 = arith.minimumf %max3A_708, %min3A_707 : vector<16xf32>
        %max3A_716 = arith.maximumf %max3A_712, %min3A_711 : vector<16xf32>
        %min3A_717 = arith.minimumf %max3A_712, %min3A_711 : vector<16xf32>
        %max3A_718 = arith.maximumf %max3A_706, %max3A_710 : vector<16xf32>
        %min3A_719 = arith.minimumf %max3A_706, %max3A_710 : vector<16xf32>
        %max3A_720 = arith.maximumf %min3A_709, %min3A_713 : vector<16xf32>
        %min3A_721 = arith.minimumf %min3A_709, %min3A_713 : vector<16xf32>
        %max3A_722 = arith.maximumf %max3A_714, %max3A_716 : vector<16xf32>
        %min3A_723 = arith.minimumf %max3A_714, %max3A_716 : vector<16xf32>
        %max3A_724 = arith.maximumf %min3A_715, %min3A_717 : vector<16xf32>
        %min3A_725 = arith.minimumf %min3A_715, %min3A_717 : vector<16xf32>
        %max3A_726 = arith.maximumf %max3A_722, %min3A_719 : vector<16xf32>
        %min3A_727 = arith.minimumf %max3A_722, %min3A_719 : vector<16xf32>
        %max3A_728 = arith.maximumf %max3A_720, %min3A_725 : vector<16xf32>
        %min3A_729 = arith.minimumf %max3A_720, %min3A_725 : vector<16xf32>
        %max3A_730 = arith.maximumf %max3A_724, %min3A_727 : vector<16xf32>
        %min3A_731 = arith.minimumf %max3A_724, %min3A_727 : vector<16xf32>
        %max3A_732 = arith.maximumf %max3A_728, %min3A_723 : vector<16xf32>
        %min3A_733 = arith.minimumf %max3A_728, %min3A_723 : vector<16xf32>
        %max3A_734 = arith.maximumf %max3A_732, %min3A_731 : vector<16xf32>
        %min3A_735 = arith.minimumf %max3A_732, %min3A_731 : vector<16xf32>
        %max3A_736 = arith.maximumf %max3A_616, %min3A_721 : vector<16xf32>
        %max3A_737 = arith.maximumf %max3A_624, %min3A_729 : vector<16xf32>
        %max3A_738 = arith.maximumf %max3A_628, %min3A_733 : vector<16xf32>
        %max3A_739 = arith.maximumf %max3A_632, %min3A_735 : vector<16xf32>
        %max3A_740 = arith.maximumf %min3A_633, %max3A_734 : vector<16xf32>
        %max3A_741 = arith.maximumf %min3A_631, %max3A_730 : vector<16xf32>
        %max3A_742 = arith.maximumf %min3A_627, %max3A_726 : vector<16xf32>
        %max3A_743 = arith.maximumf %min3A_619, %max3A_718 : vector<16xf32>
        %max3A_744 = arith.maximumf %max3A_736, %max3A_740 : vector<16xf32>
        %min3A_745 = arith.minimumf %max3A_736, %max3A_740 : vector<16xf32>
        %max3A_746 = arith.maximumf %max3A_737, %max3A_741 : vector<16xf32>
        %min3A_747 = arith.minimumf %max3A_737, %max3A_741 : vector<16xf32>
        %max3A_748 = arith.maximumf %max3A_738, %max3A_742 : vector<16xf32>
        %min3A_749 = arith.minimumf %max3A_738, %max3A_742 : vector<16xf32>
        %max3A_750 = arith.maximumf %max3A_739, %max3A_743 : vector<16xf32>
        %min3A_751 = arith.minimumf %max3A_739, %max3A_743 : vector<16xf32>
        %max3A_752 = arith.maximumf %max3A_744, %max3A_748 : vector<16xf32>
        %min3A_753 = arith.minimumf %max3A_744, %max3A_748 : vector<16xf32>
        %max3A_754 = arith.maximumf %max3A_746, %max3A_750 : vector<16xf32>
        %min3A_755 = arith.minimumf %max3A_746, %max3A_750 : vector<16xf32>
        %max3A_756 = arith.maximumf %min3A_745, %min3A_749 : vector<16xf32>
        %min3A_757 = arith.minimumf %min3A_745, %min3A_749 : vector<16xf32>
        %max3A_758 = arith.maximumf %min3A_747, %min3A_751 : vector<16xf32>
        %min3A_759 = arith.minimumf %min3A_747, %min3A_751 : vector<16xf32>
        %max3A_760 = arith.maximumf %max3A_752, %max3A_754 : vector<16xf32>
        %min3A_761 = arith.minimumf %max3A_752, %max3A_754 : vector<16xf32>
        %max3A_762 = arith.maximumf %min3A_753, %min3A_755 : vector<16xf32>
        %min3A_763 = arith.minimumf %min3A_753, %min3A_755 : vector<16xf32>
        %max3A_764 = arith.maximumf %max3A_756, %max3A_758 : vector<16xf32>
        %min3A_765 = arith.minimumf %max3A_756, %max3A_758 : vector<16xf32>
        %max3A_766 = arith.maximumf %min3A_757, %min3A_759 : vector<16xf32>
        %min3A_767 = arith.minimumf %min3A_757, %min3A_759 : vector<16xf32>
        %max3A_768 = arith.maximumf %scan3A_541, %min3A_767 : vector<16xf32>
        %max3A_769 = arith.maximumf %scan3A_542, %max3A_766 : vector<16xf32>
        %max3A_770 = arith.maximumf %scan3A_543, %min3A_765 : vector<16xf32>
        %max3A_771 = arith.maximumf %scan3A_544, %max3A_764 : vector<16xf32>
        %max3A_772 = arith.maximumf %scan3A_545, %min3A_763 : vector<16xf32>
        %max3A_773 = arith.maximumf %scan3A_546, %max3A_762 : vector<16xf32>
        %max3A_774 = arith.maximumf %scan3A_547, %min3A_761 : vector<16xf32>
        %max3A_775 = arith.maximumf %scan3A_548, %max3A_760 : vector<16xf32>
        %max3A_776 = arith.maximumf %max3A_768, %max3A_772 : vector<16xf32>
        %min3A_777 = arith.minimumf %max3A_768, %max3A_772 : vector<16xf32>
        %max3A_778 = arith.maximumf %max3A_769, %max3A_773 : vector<16xf32>
        %min3A_779 = arith.minimumf %max3A_769, %max3A_773 : vector<16xf32>
        %max3A_780 = arith.maximumf %max3A_770, %max3A_774 : vector<16xf32>
        %min3A_781 = arith.minimumf %max3A_770, %max3A_774 : vector<16xf32>
        %max3A_782 = arith.maximumf %max3A_771, %max3A_775 : vector<16xf32>
        %min3A_783 = arith.minimumf %max3A_771, %max3A_775 : vector<16xf32>
        %max3A_784 = arith.maximumf %max3A_776, %max3A_780 : vector<16xf32>
        %min3A_785 = arith.minimumf %max3A_776, %max3A_780 : vector<16xf32>
        %max3A_786 = arith.maximumf %max3A_778, %max3A_782 : vector<16xf32>
        %min3A_787 = arith.minimumf %max3A_778, %max3A_782 : vector<16xf32>
        %max3A_788 = arith.maximumf %min3A_777, %min3A_781 : vector<16xf32>
        %min3A_789 = arith.minimumf %min3A_777, %min3A_781 : vector<16xf32>
        %max3A_790 = arith.maximumf %min3A_779, %min3A_783 : vector<16xf32>
        %min3A_791 = arith.minimumf %min3A_779, %min3A_783 : vector<16xf32>
        %max3A_792 = arith.maximumf %max3A_784, %max3A_786 : vector<16xf32>
        %min3A_793 = arith.minimumf %max3A_784, %max3A_786 : vector<16xf32>
        %max3A_794 = arith.maximumf %min3A_785, %min3A_787 : vector<16xf32>
        %min3A_795 = arith.minimumf %min3A_785, %min3A_787 : vector<16xf32>
        %max3A_796 = arith.maximumf %max3A_788, %max3A_790 : vector<16xf32>
        %min3A_797 = arith.minimumf %max3A_788, %max3A_790 : vector<16xf32>
        %max3A_798 = arith.maximumf %min3A_789, %min3A_791 : vector<16xf32>
        %min3A_799 = arith.minimumf %min3A_789, %min3A_791 : vector<16xf32>
        scf.yield %max3A_792, %min3A_793, %max3A_794, %min3A_795, %max3A_796, %min3A_797, %max3A_798, %min3A_799 : vector<16xf32>, vector<16xf32>, vector<16xf32>, vector<16xf32>, vector<16xf32>, vector<16xf32>, vector<16xf32>, vector<16xf32>
      }
      %scan3A_527 = arith.constant 32 : i32
      %scan3A_528 = arith.constant 0 : i32
      %scan3A_529 = arith.constant 32 : i32
      %scan3A_530 = arith.addi %scan3A_528, %scan3A_529 : i32
      %scan3A_531 = arith.constant 1 : i32
      %scan3A_532:8 = scf.for %scan3A_540 = %scan3A_528 to %scan3A_530 step %scan3A_531 iter_args(%scan3A_541 = %scan3A_473, %scan3A_542 = %scan3A_474, %scan3A_543 = %scan3A_475, %scan3A_544 = %scan3A_476, %scan3A_545 = %scan3A_477, %scan3A_546 = %scan3A_478, %scan3A_547 = %scan3A_479, %scan3A_548 = %scan3A_480) -> (vector<16xf32>, vector<16xf32>, vector<16xf32>, vector<16xf32>, vector<16xf32>, vector<16xf32>, vector<16xf32>, vector<16xf32>)  : i32 {
        %mul3A_549 = arith.constant 16 : i32
        %mul3A_550 = arith.muli %scan3A_540, %mul3A_549 : i32
        %add3A_551 = arith.constant 0 : i32
        %add3A_552 = arith.addi %mul3A_550, %add3A_551 : i32
        %get3A = arith.index_cast %add3A_552 : i32 to index
        %get3A_553 = arith.constant 96 : index
        %get3A_554 = tpu.vector_load %arg4[%get3A, %get3A_553] {strides = array<i32>} : memref<512x128xf32, #tpu.memory_space<vmem>>, vector<1x16xf32>,
        %get3A_555 = vector.shape_cast %get3A_554 : vector<1x16xf32> to vector<16xf32>
        %add3A_556 = arith.constant 1 : i32
        %add3A_557 = arith.addi %mul3A_550, %add3A_556 : i32
        %get3A_558 = arith.index_cast %add3A_557 : i32 to index
        %get3A_559 = arith.constant 96 : index
        %get3A_560 = tpu.vector_load %arg4[%get3A_558, %get3A_559] {strides = array<i32>} : memref<512x128xf32, #tpu.memory_space<vmem>>, vector<1x16xf32>,
        %get3A_561 = vector.shape_cast %get3A_560 : vector<1x16xf32> to vector<16xf32>
        %add3A_562 = arith.constant 2 : i32
        %add3A_563 = arith.addi %mul3A_550, %add3A_562 : i32
        %get3A_564 = arith.index_cast %add3A_563 : i32 to index
        %get3A_565 = arith.constant 96 : index
        %get3A_566 = tpu.vector_load %arg4[%get3A_564, %get3A_565] {strides = array<i32>} : memref<512x128xf32, #tpu.memory_space<vmem>>, vector<1x16xf32>,
        %get3A_567 = vector.shape_cast %get3A_566 : vector<1x16xf32> to vector<16xf32>
        %add3A_568 = arith.constant 3 : i32
        %add3A_569 = arith.addi %mul3A_550, %add3A_568 : i32
        %get3A_570 = arith.index_cast %add3A_569 : i32 to index
        %get3A_571 = arith.constant 96 : index
        %get3A_572 = tpu.vector_load %arg4[%get3A_570, %get3A_571] {strides = array<i32>} : memref<512x128xf32, #tpu.memory_space<vmem>>, vector<1x16xf32>,
        %get3A_573 = vector.shape_cast %get3A_572 : vector<1x16xf32> to vector<16xf32>
        %add3A_574 = arith.constant 4 : i32
        %add3A_575 = arith.addi %mul3A_550, %add3A_574 : i32
        %get3A_576 = arith.index_cast %add3A_575 : i32 to index
        %get3A_577 = arith.constant 96 : index
        %get3A_578 = tpu.vector_load %arg4[%get3A_576, %get3A_577] {strides = array<i32>} : memref<512x128xf32, #tpu.memory_space<vmem>>, vector<1x16xf32>,
        %get3A_579 = vector.shape_cast %get3A_578 : vector<1x16xf32> to vector<16xf32>
        %add3A_580 = arith.constant 5 : i32
        %add3A_581 = arith.addi %mul3A_550, %add3A_580 : i32
        %get3A_582 = arith.index_cast %add3A_581 : i32 to index
        %get3A_583 = arith.constant 96 : index
        %get3A_584 = tpu.vector_load %arg4[%get3A_582, %get3A_583] {strides = array<i32>} : memref<512x128xf32, #tpu.memory_space<vmem>>, vector<1x16xf32>,
        %get3A_585 = vector.shape_cast %get3A_584 : vector<1x16xf32> to vector<16xf32>
        %add3A_586 = arith.constant 6 : i32
        %add3A_587 = arith.addi %mul3A_550, %add3A_586 : i32
        %get3A_588 = arith.index_cast %add3A_587 : i32 to index
        %get3A_589 = arith.constant 96 : index
        %get3A_590 = tpu.vector_load %arg4[%get3A_588, %get3A_589] {strides = array<i32>} : memref<512x128xf32, #tpu.memory_space<vmem>>, vector<1x16xf32>,
        %get3A_591 = vector.shape_cast %get3A_590 : vector<1x16xf32> to vector<16xf32>
        %add3A_592 = arith.constant 7 : i32
        %add3A_593 = arith.addi %mul3A_550, %add3A_592 : i32
        %get3A_594 = arith.index_cast %add3A_593 : i32 to index
        %get3A_595 = arith.constant 96 : index
        %get3A_596 = tpu.vector_load %arg4[%get3A_594, %get3A_595] {strides = array<i32>} : memref<512x128xf32, #tpu.memory_space<vmem>>, vector<1x16xf32>,
        %get3A_597 = vector.shape_cast %get3A_596 : vector<1x16xf32> to vector<16xf32>
        %max3A = arith.maximumf %get3A_555, %get3A_561 : vector<16xf32>
        %min3A = arith.minimumf %get3A_555, %get3A_561 : vector<16xf32>
        %max3A_598 = arith.maximumf %get3A_567, %get3A_573 : vector<16xf32>
        %min3A_599 = arith.minimumf %get3A_567, %get3A_573 : vector<16xf32>
        %max3A_600 = arith.maximumf %get3A_579, %get3A_585 : vector<16xf32>
        %min3A_601 = arith.minimumf %get3A_579, %get3A_585 : vector<16xf32>
        %max3A_602 = arith.maximumf %get3A_591, %get3A_597 : vector<16xf32>
        %min3A_603 = arith.minimumf %get3A_591, %get3A_597 : vector<16xf32>
        %max3A_604 = arith.maximumf %max3A, %max3A_598 : vector<16xf32>
        %min3A_605 = arith.minimumf %max3A, %max3A_598 : vector<16xf32>
        %max3A_606 = arith.maximumf %min3A, %min3A_599 : vector<16xf32>
        %min3A_607 = arith.minimumf %min3A, %min3A_599 : vector<16xf32>
        %max3A_608 = arith.maximumf %max3A_600, %max3A_602 : vector<16xf32>
        %min3A_609 = arith.minimumf %max3A_600, %max3A_602 : vector<16xf32>
        %max3A_610 = arith.maximumf %min3A_601, %min3A_603 : vector<16xf32>
        %min3A_611 = arith.minimumf %min3A_601, %min3A_603 : vector<16xf32>
        %max3A_612 = arith.maximumf %max3A_606, %min3A_605 : vector<16xf32>
        %min3A_613 = arith.minimumf %max3A_606, %min3A_605 : vector<16xf32>
        %max3A_614 = arith.maximumf %max3A_610, %min3A_609 : vector<16xf32>
        %min3A_615 = arith.minimumf %max3A_610, %min3A_609 : vector<16xf32>
        %max3A_616 = arith.maximumf %max3A_604, %max3A_608 : vector<16xf32>
        %min3A_617 = arith.minimumf %max3A_604, %max3A_608 : vector<16xf32>
        %max3A_618 = arith.maximumf %min3A_607, %min3A_611 : vector<16xf32>
        %min3A_619 = arith.minimumf %min3A_607, %min3A_611 : vector<16xf32>
        %max3A_620 = arith.maximumf %max3A_612, %max3A_614 : vector<16xf32>
        %min3A_621 = arith.minimumf %max3A_612, %max3A_614 : vector<16xf32>
        %max3A_622 = arith.maximumf %min3A_613, %min3A_615 : vector<16xf32>
        %min3A_623 = arith.minimumf %min3A_613, %min3A_615 : vector<16xf32>
        %max3A_624 = arith.maximumf %max3A_620, %min3A_617 : vector<16xf32>
        %min3A_625 = arith.minimumf %max3A_620, %min3A_617 : vector<16xf32>
        %max3A_626 = arith.maximumf %max3A_618, %min3A_623 : vector<16xf32>
        %min3A_627 = arith.minimumf %max3A_618, %min3A_623 : vector<16xf32>
        %max3A_628 = arith.maximumf %max3A_622, %min3A_625 : vector<16xf32>
        %min3A_629 = arith.minimumf %max3A_622, %min3A_625 : vector<16xf32>
        %max3A_630 = arith.maximumf %max3A_626, %min3A_621 : vector<16xf32>
        %min3A_631 = arith.minimumf %max3A_626, %min3A_621 : vector<16xf32>
        %max3A_632 = arith.maximumf %max3A_630, %min3A_629 : vector<16xf32>
        %min3A_633 = arith.minimumf %max3A_630, %min3A_629 : vector<16xf32>
        %add3A_634 = arith.constant 8 : i32
        %add3A_635 = arith.addi %mul3A_550, %add3A_634 : i32
        %add3A_636 = arith.constant 0 : i32
        %add3A_637 = arith.addi %add3A_635, %add3A_636 : i32
        %get3A_638 = arith.index_cast %add3A_637 : i32 to index
        %get3A_639 = arith.constant 96 : index
        %get3A_640 = tpu.vector_load %arg4[%get3A_638, %get3A_639] {strides = array<i32>} : memref<512x128xf32, #tpu.memory_space<vmem>>, vector<1x16xf32>,
        %get3A_641 = vector.shape_cast %get3A_640 : vector<1x16xf32> to vector<16xf32>
        %add3A_642 = arith.constant 8 : i32
        %add3A_643 = arith.addi %mul3A_550, %add3A_642 : i32
        %add3A_644 = arith.constant 1 : i32
        %add3A_645 = arith.addi %add3A_643, %add3A_644 : i32
        %get3A_646 = arith.index_cast %add3A_645 : i32 to index
        %get3A_647 = arith.constant 96 : index
        %get3A_648 = tpu.vector_load %arg4[%get3A_646, %get3A_647] {strides = array<i32>} : memref<512x128xf32, #tpu.memory_space<vmem>>, vector<1x16xf32>,
        %get3A_649 = vector.shape_cast %get3A_648 : vector<1x16xf32> to vector<16xf32>
        %add3A_650 = arith.constant 8 : i32
        %add3A_651 = arith.addi %mul3A_550, %add3A_650 : i32
        %add3A_652 = arith.constant 2 : i32
        %add3A_653 = arith.addi %add3A_651, %add3A_652 : i32
        %get3A_654 = arith.index_cast %add3A_653 : i32 to index
        %get3A_655 = arith.constant 96 : index
        %get3A_656 = tpu.vector_load %arg4[%get3A_654, %get3A_655] {strides = array<i32>} : memref<512x128xf32, #tpu.memory_space<vmem>>, vector<1x16xf32>,
        %get3A_657 = vector.shape_cast %get3A_656 : vector<1x16xf32> to vector<16xf32>
        %add3A_658 = arith.constant 8 : i32
        %add3A_659 = arith.addi %mul3A_550, %add3A_658 : i32
        %add3A_660 = arith.constant 3 : i32
        %add3A_661 = arith.addi %add3A_659, %add3A_660 : i32
        %get3A_662 = arith.index_cast %add3A_661 : i32 to index
        %get3A_663 = arith.constant 96 : index
        %get3A_664 = tpu.vector_load %arg4[%get3A_662, %get3A_663] {strides = array<i32>} : memref<512x128xf32, #tpu.memory_space<vmem>>, vector<1x16xf32>,
        %get3A_665 = vector.shape_cast %get3A_664 : vector<1x16xf32> to vector<16xf32>
        %add3A_666 = arith.constant 8 : i32
        %add3A_667 = arith.addi %mul3A_550, %add3A_666 : i32
        %add3A_668 = arith.constant 4 : i32
        %add3A_669 = arith.addi %add3A_667, %add3A_668 : i32
        %get3A_670 = arith.index_cast %add3A_669 : i32 to index
        %get3A_671 = arith.constant 96 : index
        %get3A_672 = tpu.vector_load %arg4[%get3A_670, %get3A_671] {strides = array<i32>} : memref<512x128xf32, #tpu.memory_space<vmem>>, vector<1x16xf32>,
        %get3A_673 = vector.shape_cast %get3A_672 : vector<1x16xf32> to vector<16xf32>
        %add3A_674 = arith.constant 8 : i32
        %add3A_675 = arith.addi %mul3A_550, %add3A_674 : i32
        %add3A_676 = arith.constant 5 : i32
        %add3A_677 = arith.addi %add3A_675, %add3A_676 : i32
        %get3A_678 = arith.index_cast %add3A_677 : i32 to index
        %get3A_679 = arith.constant 96 : index
        %get3A_680 = tpu.vector_load %arg4[%get3A_678, %get3A_679] {strides = array<i32>} : memref<512x128xf32, #tpu.memory_space<vmem>>, vector<1x16xf32>,
        %get3A_681 = vector.shape_cast %get3A_680 : vector<1x16xf32> to vector<16xf32>
        %add3A_682 = arith.constant 8 : i32
        %add3A_683 = arith.addi %mul3A_550, %add3A_682 : i32
        %add3A_684 = arith.constant 6 : i32
        %add3A_685 = arith.addi %add3A_683, %add3A_684 : i32
        %get3A_686 = arith.index_cast %add3A_685 : i32 to index
        %get3A_687 = arith.constant 96 : index
        %get3A_688 = tpu.vector_load %arg4[%get3A_686, %get3A_687] {strides = array<i32>} : memref<512x128xf32, #tpu.memory_space<vmem>>, vector<1x16xf32>,
        %get3A_689 = vector.shape_cast %get3A_688 : vector<1x16xf32> to vector<16xf32>
        %add3A_690 = arith.constant 8 : i32
        %add3A_691 = arith.addi %mul3A_550, %add3A_690 : i32
        %add3A_692 = arith.constant 7 : i32
        %add3A_693 = arith.addi %add3A_691, %add3A_692 : i32
        %get3A_694 = arith.index_cast %add3A_693 : i32 to index
        %get3A_695 = arith.constant 96 : index
        %get3A_696 = tpu.vector_load %arg4[%get3A_694, %get3A_695] {strides = array<i32>} : memref<512x128xf32, #tpu.memory_space<vmem>>, vector<1x16xf32>,
        %get3A_697 = vector.shape_cast %get3A_696 : vector<1x16xf32> to vector<16xf32>
        %max3A_698 = arith.maximumf %get3A_641, %get3A_649 : vector<16xf32>
        %min3A_699 = arith.minimumf %get3A_641, %get3A_649 : vector<16xf32>
        %max3A_700 = arith.maximumf %get3A_657, %get3A_665 : vector<16xf32>
        %min3A_701 = arith.minimumf %get3A_657, %get3A_665 : vector<16xf32>
        %max3A_702 = arith.maximumf %get3A_673, %get3A_681 : vector<16xf32>
        %min3A_703 = arith.minimumf %get3A_673, %get3A_681 : vector<16xf32>
        %max3A_704 = arith.maximumf %get3A_689, %get3A_697 : vector<16xf32>
        %min3A_705 = arith.minimumf %get3A_689, %get3A_697 : vector<16xf32>
        %max3A_706 = arith.maximumf %max3A_698, %max3A_700 : vector<16xf32>
        %min3A_707 = arith.minimumf %max3A_698, %max3A_700 : vector<16xf32>
        %max3A_708 = arith.maximumf %min3A_699, %min3A_701 : vector<16xf32>
        %min3A_709 = arith.minimumf %min3A_699, %min3A_701 : vector<16xf32>
        %max3A_710 = arith.maximumf %max3A_702, %max3A_704 : vector<16xf32>
        %min3A_711 = arith.minimumf %max3A_702, %max3A_704 : vector<16xf32>
        %max3A_712 = arith.maximumf %min3A_703, %min3A_705 : vector<16xf32>
        %min3A_713 = arith.minimumf %min3A_703, %min3A_705 : vector<16xf32>
        %max3A_714 = arith.maximumf %max3A_708, %min3A_707 : vector<16xf32>
        %min3A_715 = arith.minimumf %max3A_708, %min3A_707 : vector<16xf32>
        %max3A_716 = arith.maximumf %max3A_712, %min3A_711 : vector<16xf32>
        %min3A_717 = arith.minimumf %max3A_712, %min3A_711 : vector<16xf32>
        %max3A_718 = arith.maximumf %max3A_706, %max3A_710 : vector<16xf32>
        %min3A_719 = arith.minimumf %max3A_706, %max3A_710 : vector<16xf32>
        %max3A_720 = arith.maximumf %min3A_709, %min3A_713 : vector<16xf32>
        %min3A_721 = arith.minimumf %min3A_709, %min3A_713 : vector<16xf32>
        %max3A_722 = arith.maximumf %max3A_714, %max3A_716 : vector<16xf32>
        %min3A_723 = arith.minimumf %max3A_714, %max3A_716 : vector<16xf32>
        %max3A_724 = arith.maximumf %min3A_715, %min3A_717 : vector<16xf32>
        %min3A_725 = arith.minimumf %min3A_715, %min3A_717 : vector<16xf32>
        %max3A_726 = arith.maximumf %max3A_722, %min3A_719 : vector<16xf32>
        %min3A_727 = arith.minimumf %max3A_722, %min3A_719 : vector<16xf32>
        %max3A_728 = arith.maximumf %max3A_720, %min3A_725 : vector<16xf32>
        %min3A_729 = arith.minimumf %max3A_720, %min3A_725 : vector<16xf32>
        %max3A_730 = arith.maximumf %max3A_724, %min3A_727 : vector<16xf32>
        %min3A_731 = arith.minimumf %max3A_724, %min3A_727 : vector<16xf32>
        %max3A_732 = arith.maximumf %max3A_728, %min3A_723 : vector<16xf32>
        %min3A_733 = arith.minimumf %max3A_728, %min3A_723 : vector<16xf32>
        %max3A_734 = arith.maximumf %max3A_732, %min3A_731 : vector<16xf32>
        %min3A_735 = arith.minimumf %max3A_732, %min3A_731 : vector<16xf32>
        %max3A_736 = arith.maximumf %max3A_616, %min3A_721 : vector<16xf32>
        %max3A_737 = arith.maximumf %max3A_624, %min3A_729 : vector<16xf32>
        %max3A_738 = arith.maximumf %max3A_628, %min3A_733 : vector<16xf32>
        %max3A_739 = arith.maximumf %max3A_632, %min3A_735 : vector<16xf32>
        %max3A_740 = arith.maximumf %min3A_633, %max3A_734 : vector<16xf32>
        %max3A_741 = arith.maximumf %min3A_631, %max3A_730 : vector<16xf32>
        %max3A_742 = arith.maximumf %min3A_627, %max3A_726 : vector<16xf32>
        %max3A_743 = arith.maximumf %min3A_619, %max3A_718 : vector<16xf32>
        %max3A_744 = arith.maximumf %max3A_736, %max3A_740 : vector<16xf32>
        %min3A_745 = arith.minimumf %max3A_736, %max3A_740 : vector<16xf32>
        %max3A_746 = arith.maximumf %max3A_737, %max3A_741 : vector<16xf32>
        %min3A_747 = arith.minimumf %max3A_737, %max3A_741 : vector<16xf32>
        %max3A_748 = arith.maximumf %max3A_738, %max3A_742 : vector<16xf32>
        %min3A_749 = arith.minimumf %max3A_738, %max3A_742 : vector<16xf32>
        %max3A_750 = arith.maximumf %max3A_739, %max3A_743 : vector<16xf32>
        %min3A_751 = arith.minimumf %max3A_739, %max3A_743 : vector<16xf32>
        %max3A_752 = arith.maximumf %max3A_744, %max3A_748 : vector<16xf32>
        %min3A_753 = arith.minimumf %max3A_744, %max3A_748 : vector<16xf32>
        %max3A_754 = arith.maximumf %max3A_746, %max3A_750 : vector<16xf32>
        %min3A_755 = arith.minimumf %max3A_746, %max3A_750 : vector<16xf32>
        %max3A_756 = arith.maximumf %min3A_745, %min3A_749 : vector<16xf32>
        %min3A_757 = arith.minimumf %min3A_745, %min3A_749 : vector<16xf32>
        %max3A_758 = arith.maximumf %min3A_747, %min3A_751 : vector<16xf32>
        %min3A_759 = arith.minimumf %min3A_747, %min3A_751 : vector<16xf32>
        %max3A_760 = arith.maximumf %max3A_752, %max3A_754 : vector<16xf32>
        %min3A_761 = arith.minimumf %max3A_752, %max3A_754 : vector<16xf32>
        %max3A_762 = arith.maximumf %min3A_753, %min3A_755 : vector<16xf32>
        %min3A_763 = arith.minimumf %min3A_753, %min3A_755 : vector<16xf32>
        %max3A_764 = arith.maximumf %max3A_756, %max3A_758 : vector<16xf32>
        %min3A_765 = arith.minimumf %max3A_756, %max3A_758 : vector<16xf32>
        %max3A_766 = arith.maximumf %min3A_757, %min3A_759 : vector<16xf32>
        %min3A_767 = arith.minimumf %min3A_757, %min3A_759 : vector<16xf32>
        %max3A_768 = arith.maximumf %scan3A_541, %min3A_767 : vector<16xf32>
        %max3A_769 = arith.maximumf %scan3A_542, %max3A_766 : vector<16xf32>
        %max3A_770 = arith.maximumf %scan3A_543, %min3A_765 : vector<16xf32>
        %max3A_771 = arith.maximumf %scan3A_544, %max3A_764 : vector<16xf32>
        %max3A_772 = arith.maximumf %scan3A_545, %min3A_763 : vector<16xf32>
        %max3A_773 = arith.maximumf %scan3A_546, %max3A_762 : vector<16xf32>
        %max3A_774 = arith.maximumf %scan3A_547, %min3A_761 : vector<16xf32>
        %max3A_775 = arith.maximumf %scan3A_548, %max3A_760 : vector<16xf32>
        %max3A_776 = arith.maximumf %max3A_768, %max3A_772 : vector<16xf32>
        %min3A_777 = arith.minimumf %max3A_768, %max3A_772 : vector<16xf32>
        %max3A_778 = arith.maximumf %max3A_769, %max3A_773 : vector<16xf32>
        %min3A_779 = arith.minimumf %max3A_769, %max3A_773 : vector<16xf32>
        %max3A_780 = arith.maximumf %max3A_770, %max3A_774 : vector<16xf32>
        %min3A_781 = arith.minimumf %max3A_770, %max3A_774 : vector<16xf32>
        %max3A_782 = arith.maximumf %max3A_771, %max3A_775 : vector<16xf32>
        %min3A_783 = arith.minimumf %max3A_771, %max3A_775 : vector<16xf32>
        %max3A_784 = arith.maximumf %max3A_776, %max3A_780 : vector<16xf32>
        %min3A_785 = arith.minimumf %max3A_776, %max3A_780 : vector<16xf32>
        %max3A_786 = arith.maximumf %max3A_778, %max3A_782 : vector<16xf32>
        %min3A_787 = arith.minimumf %max3A_778, %max3A_782 : vector<16xf32>
        %max3A_788 = arith.maximumf %min3A_777, %min3A_781 : vector<16xf32>
        %min3A_789 = arith.minimumf %min3A_777, %min3A_781 : vector<16xf32>
        %max3A_790 = arith.maximumf %min3A_779, %min3A_783 : vector<16xf32>
        %min3A_791 = arith.minimumf %min3A_779, %min3A_783 : vector<16xf32>
        %max3A_792 = arith.maximumf %max3A_784, %max3A_786 : vector<16xf32>
        %min3A_793 = arith.minimumf %max3A_784, %max3A_786 : vector<16xf32>
        %max3A_794 = arith.maximumf %min3A_785, %min3A_787 : vector<16xf32>
        %min3A_795 = arith.minimumf %min3A_785, %min3A_787 : vector<16xf32>
        %max3A_796 = arith.maximumf %max3A_788, %max3A_790 : vector<16xf32>
        %min3A_797 = arith.minimumf %max3A_788, %max3A_790 : vector<16xf32>
        %max3A_798 = arith.maximumf %min3A_789, %min3A_791 : vector<16xf32>
        %min3A_799 = arith.minimumf %min3A_789, %min3A_791 : vector<16xf32>
        scf.yield %max3A_792, %min3A_793, %max3A_794, %min3A_795, %max3A_796, %min3A_797, %max3A_798, %min3A_799 : vector<16xf32>, vector<16xf32>, vector<16xf32>, vector<16xf32>, vector<16xf32>, vector<16xf32>, vector<16xf32>, vector<16xf32>
      }
      %scan3A_533 = arith.constant 32 : i32
      %scan3A_534 = arith.constant 0 : i32
      %scan3A_535 = arith.constant 32 : i32
      %scan3A_536 = arith.addi %scan3A_534, %scan3A_535 : i32
      %scan3A_537 = arith.constant 1 : i32
      %scan3A_538:8 = scf.for %scan3A_540 = %scan3A_534 to %scan3A_536 step %scan3A_537 iter_args(%scan3A_541 = %scan3A_481, %scan3A_542 = %scan3A_482, %scan3A_543 = %scan3A_483, %scan3A_544 = %scan3A_484, %scan3A_545 = %scan3A_485, %scan3A_546 = %scan3A_486, %scan3A_547 = %scan3A_487, %scan3A_548 = %scan3A_488) -> (vector<16xf32>, vector<16xf32>, vector<16xf32>, vector<16xf32>, vector<16xf32>, vector<16xf32>, vector<16xf32>, vector<16xf32>)  : i32 {
        %mul3A_549 = arith.constant 16 : i32
        %mul3A_550 = arith.muli %scan3A_540, %mul3A_549 : i32
        %add3A_551 = arith.constant 0 : i32
        %add3A_552 = arith.addi %mul3A_550, %add3A_551 : i32
        %get3A = arith.index_cast %add3A_552 : i32 to index
        %get3A_553 = arith.constant 112 : index
        %get3A_554 = tpu.vector_load %arg4[%get3A, %get3A_553] {strides = array<i32>} : memref<512x128xf32, #tpu.memory_space<vmem>>, vector<1x16xf32>,
        %get3A_555 = vector.shape_cast %get3A_554 : vector<1x16xf32> to vector<16xf32>
        %add3A_556 = arith.constant 1 : i32
        %add3A_557 = arith.addi %mul3A_550, %add3A_556 : i32
        %get3A_558 = arith.index_cast %add3A_557 : i32 to index
        %get3A_559 = arith.constant 112 : index
        %get3A_560 = tpu.vector_load %arg4[%get3A_558, %get3A_559] {strides = array<i32>} : memref<512x128xf32, #tpu.memory_space<vmem>>, vector<1x16xf32>,
        %get3A_561 = vector.shape_cast %get3A_560 : vector<1x16xf32> to vector<16xf32>
        %add3A_562 = arith.constant 2 : i32
        %add3A_563 = arith.addi %mul3A_550, %add3A_562 : i32
        %get3A_564 = arith.index_cast %add3A_563 : i32 to index
        %get3A_565 = arith.constant 112 : index
        %get3A_566 = tpu.vector_load %arg4[%get3A_564, %get3A_565] {strides = array<i32>} : memref<512x128xf32, #tpu.memory_space<vmem>>, vector<1x16xf32>,
        %get3A_567 = vector.shape_cast %get3A_566 : vector<1x16xf32> to vector<16xf32>
        %add3A_568 = arith.constant 3 : i32
        %add3A_569 = arith.addi %mul3A_550, %add3A_568 : i32
        %get3A_570 = arith.index_cast %add3A_569 : i32 to index
        %get3A_571 = arith.constant 112 : index
        %get3A_572 = tpu.vector_load %arg4[%get3A_570, %get3A_571] {strides = array<i32>} : memref<512x128xf32, #tpu.memory_space<vmem>>, vector<1x16xf32>,
        %get3A_573 = vector.shape_cast %get3A_572 : vector<1x16xf32> to vector<16xf32>
        %add3A_574 = arith.constant 4 : i32
        %add3A_575 = arith.addi %mul3A_550, %add3A_574 : i32
        %get3A_576 = arith.index_cast %add3A_575 : i32 to index
        %get3A_577 = arith.constant 112 : index
        %get3A_578 = tpu.vector_load %arg4[%get3A_576, %get3A_577] {strides = array<i32>} : memref<512x128xf32, #tpu.memory_space<vmem>>, vector<1x16xf32>,
        %get3A_579 = vector.shape_cast %get3A_578 : vector<1x16xf32> to vector<16xf32>
        %add3A_580 = arith.constant 5 : i32
        %add3A_581 = arith.addi %mul3A_550, %add3A_580 : i32
        %get3A_582 = arith.index_cast %add3A_581 : i32 to index
        %get3A_583 = arith.constant 112 : index
        %get3A_584 = tpu.vector_load %arg4[%get3A_582, %get3A_583] {strides = array<i32>} : memref<512x128xf32, #tpu.memory_space<vmem>>, vector<1x16xf32>,
        %get3A_585 = vector.shape_cast %get3A_584 : vector<1x16xf32> to vector<16xf32>
        %add3A_586 = arith.constant 6 : i32
        %add3A_587 = arith.addi %mul3A_550, %add3A_586 : i32
        %get3A_588 = arith.index_cast %add3A_587 : i32 to index
        %get3A_589 = arith.constant 112 : index
        %get3A_590 = tpu.vector_load %arg4[%get3A_588, %get3A_589] {strides = array<i32>} : memref<512x128xf32, #tpu.memory_space<vmem>>, vector<1x16xf32>,
        %get3A_591 = vector.shape_cast %get3A_590 : vector<1x16xf32> to vector<16xf32>
        %add3A_592 = arith.constant 7 : i32
        %add3A_593 = arith.addi %mul3A_550, %add3A_592 : i32
        %get3A_594 = arith.index_cast %add3A_593 : i32 to index
        %get3A_595 = arith.constant 112 : index
        %get3A_596 = tpu.vector_load %arg4[%get3A_594, %get3A_595] {strides = array<i32>} : memref<512x128xf32, #tpu.memory_space<vmem>>, vector<1x16xf32>,
        %get3A_597 = vector.shape_cast %get3A_596 : vector<1x16xf32> to vector<16xf32>
        %max3A = arith.maximumf %get3A_555, %get3A_561 : vector<16xf32>
        %min3A = arith.minimumf %get3A_555, %get3A_561 : vector<16xf32>
        %max3A_598 = arith.maximumf %get3A_567, %get3A_573 : vector<16xf32>
        %min3A_599 = arith.minimumf %get3A_567, %get3A_573 : vector<16xf32>
        %max3A_600 = arith.maximumf %get3A_579, %get3A_585 : vector<16xf32>
        %min3A_601 = arith.minimumf %get3A_579, %get3A_585 : vector<16xf32>
        %max3A_602 = arith.maximumf %get3A_591, %get3A_597 : vector<16xf32>
        %min3A_603 = arith.minimumf %get3A_591, %get3A_597 : vector<16xf32>
        %max3A_604 = arith.maximumf %max3A, %max3A_598 : vector<16xf32>
        %min3A_605 = arith.minimumf %max3A, %max3A_598 : vector<16xf32>
        %max3A_606 = arith.maximumf %min3A, %min3A_599 : vector<16xf32>
        %min3A_607 = arith.minimumf %min3A, %min3A_599 : vector<16xf32>
        %max3A_608 = arith.maximumf %max3A_600, %max3A_602 : vector<16xf32>
        %min3A_609 = arith.minimumf %max3A_600, %max3A_602 : vector<16xf32>
        %max3A_610 = arith.maximumf %min3A_601, %min3A_603 : vector<16xf32>
        %min3A_611 = arith.minimumf %min3A_601, %min3A_603 : vector<16xf32>
        %max3A_612 = arith.maximumf %max3A_606, %min3A_605 : vector<16xf32>
        %min3A_613 = arith.minimumf %max3A_606, %min3A_605 : vector<16xf32>
        %max3A_614 = arith.maximumf %max3A_610, %min3A_609 : vector<16xf32>
        %min3A_615 = arith.minimumf %max3A_610, %min3A_609 : vector<16xf32>
        %max3A_616 = arith.maximumf %max3A_604, %max3A_608 : vector<16xf32>
        %min3A_617 = arith.minimumf %max3A_604, %max3A_608 : vector<16xf32>
        %max3A_618 = arith.maximumf %min3A_607, %min3A_611 : vector<16xf32>
        %min3A_619 = arith.minimumf %min3A_607, %min3A_611 : vector<16xf32>
        %max3A_620 = arith.maximumf %max3A_612, %max3A_614 : vector<16xf32>
        %min3A_621 = arith.minimumf %max3A_612, %max3A_614 : vector<16xf32>
        %max3A_622 = arith.maximumf %min3A_613, %min3A_615 : vector<16xf32>
        %min3A_623 = arith.minimumf %min3A_613, %min3A_615 : vector<16xf32>
        %max3A_624 = arith.maximumf %max3A_620, %min3A_617 : vector<16xf32>
        %min3A_625 = arith.minimumf %max3A_620, %min3A_617 : vector<16xf32>
        %max3A_626 = arith.maximumf %max3A_618, %min3A_623 : vector<16xf32>
        %min3A_627 = arith.minimumf %max3A_618, %min3A_623 : vector<16xf32>
        %max3A_628 = arith.maximumf %max3A_622, %min3A_625 : vector<16xf32>
        %min3A_629 = arith.minimumf %max3A_622, %min3A_625 : vector<16xf32>
        %max3A_630 = arith.maximumf %max3A_626, %min3A_621 : vector<16xf32>
        %min3A_631 = arith.minimumf %max3A_626, %min3A_621 : vector<16xf32>
        %max3A_632 = arith.maximumf %max3A_630, %min3A_629 : vector<16xf32>
        %min3A_633 = arith.minimumf %max3A_630, %min3A_629 : vector<16xf32>
        %add3A_634 = arith.constant 8 : i32
        %add3A_635 = arith.addi %mul3A_550, %add3A_634 : i32
        %add3A_636 = arith.constant 0 : i32
        %add3A_637 = arith.addi %add3A_635, %add3A_636 : i32
        %get3A_638 = arith.index_cast %add3A_637 : i32 to index
        %get3A_639 = arith.constant 112 : index
        %get3A_640 = tpu.vector_load %arg4[%get3A_638, %get3A_639] {strides = array<i32>} : memref<512x128xf32, #tpu.memory_space<vmem>>, vector<1x16xf32>,
        %get3A_641 = vector.shape_cast %get3A_640 : vector<1x16xf32> to vector<16xf32>
        %add3A_642 = arith.constant 8 : i32
        %add3A_643 = arith.addi %mul3A_550, %add3A_642 : i32
        %add3A_644 = arith.constant 1 : i32
        %add3A_645 = arith.addi %add3A_643, %add3A_644 : i32
        %get3A_646 = arith.index_cast %add3A_645 : i32 to index
        %get3A_647 = arith.constant 112 : index
        %get3A_648 = tpu.vector_load %arg4[%get3A_646, %get3A_647] {strides = array<i32>} : memref<512x128xf32, #tpu.memory_space<vmem>>, vector<1x16xf32>,
        %get3A_649 = vector.shape_cast %get3A_648 : vector<1x16xf32> to vector<16xf32>
        %add3A_650 = arith.constant 8 : i32
        %add3A_651 = arith.addi %mul3A_550, %add3A_650 : i32
        %add3A_652 = arith.constant 2 : i32
        %add3A_653 = arith.addi %add3A_651, %add3A_652 : i32
        %get3A_654 = arith.index_cast %add3A_653 : i32 to index
        %get3A_655 = arith.constant 112 : index
        %get3A_656 = tpu.vector_load %arg4[%get3A_654, %get3A_655] {strides = array<i32>} : memref<512x128xf32, #tpu.memory_space<vmem>>, vector<1x16xf32>,
        %get3A_657 = vector.shape_cast %get3A_656 : vector<1x16xf32> to vector<16xf32>
        %add3A_658 = arith.constant 8 : i32
        %add3A_659 = arith.addi %mul3A_550, %add3A_658 : i32
        %add3A_660 = arith.constant 3 : i32
        %add3A_661 = arith.addi %add3A_659, %add3A_660 : i32
        %get3A_662 = arith.index_cast %add3A_661 : i32 to index
        %get3A_663 = arith.constant 112 : index
        %get3A_664 = tpu.vector_load %arg4[%get3A_662, %get3A_663] {strides = array<i32>} : memref<512x128xf32, #tpu.memory_space<vmem>>, vector<1x16xf32>,
        %get3A_665 = vector.shape_cast %get3A_664 : vector<1x16xf32> to vector<16xf32>
        %add3A_666 = arith.constant 8 : i32
        %add3A_667 = arith.addi %mul3A_550, %add3A_666 : i32
        %add3A_668 = arith.constant 4 : i32
        %add3A_669 = arith.addi %add3A_667, %add3A_668 : i32
        %get3A_670 = arith.index_cast %add3A_669 : i32 to index
        %get3A_671 = arith.constant 112 : index
        %get3A_672 = tpu.vector_load %arg4[%get3A_670, %get3A_671] {strides = array<i32>} : memref<512x128xf32, #tpu.memory_space<vmem>>, vector<1x16xf32>,
        %get3A_673 = vector.shape_cast %get3A_672 : vector<1x16xf32> to vector<16xf32>
        %add3A_674 = arith.constant 8 : i32
        %add3A_675 = arith.addi %mul3A_550, %add3A_674 : i32
        %add3A_676 = arith.constant 5 : i32
        %add3A_677 = arith.addi %add3A_675, %add3A_676 : i32
        %get3A_678 = arith.index_cast %add3A_677 : i32 to index
        %get3A_679 = arith.constant 112 : index
        %get3A_680 = tpu.vector_load %arg4[%get3A_678, %get3A_679] {strides = array<i32>} : memref<512x128xf32, #tpu.memory_space<vmem>>, vector<1x16xf32>,
        %get3A_681 = vector.shape_cast %get3A_680 : vector<1x16xf32> to vector<16xf32>
        %add3A_682 = arith.constant 8 : i32
        %add3A_683 = arith.addi %mul3A_550, %add3A_682 : i32
        %add3A_684 = arith.constant 6 : i32
        %add3A_685 = arith.addi %add3A_683, %add3A_684 : i32
        %get3A_686 = arith.index_cast %add3A_685 : i32 to index
        %get3A_687 = arith.constant 112 : index
        %get3A_688 = tpu.vector_load %arg4[%get3A_686, %get3A_687] {strides = array<i32>} : memref<512x128xf32, #tpu.memory_space<vmem>>, vector<1x16xf32>,
        %get3A_689 = vector.shape_cast %get3A_688 : vector<1x16xf32> to vector<16xf32>
        %add3A_690 = arith.constant 8 : i32
        %add3A_691 = arith.addi %mul3A_550, %add3A_690 : i32
        %add3A_692 = arith.constant 7 : i32
        %add3A_693 = arith.addi %add3A_691, %add3A_692 : i32
        %get3A_694 = arith.index_cast %add3A_693 : i32 to index
        %get3A_695 = arith.constant 112 : index
        %get3A_696 = tpu.vector_load %arg4[%get3A_694, %get3A_695] {strides = array<i32>} : memref<512x128xf32, #tpu.memory_space<vmem>>, vector<1x16xf32>,
        %get3A_697 = vector.shape_cast %get3A_696 : vector<1x16xf32> to vector<16xf32>
        %max3A_698 = arith.maximumf %get3A_641, %get3A_649 : vector<16xf32>
        %min3A_699 = arith.minimumf %get3A_641, %get3A_649 : vector<16xf32>
        %max3A_700 = arith.maximumf %get3A_657, %get3A_665 : vector<16xf32>
        %min3A_701 = arith.minimumf %get3A_657, %get3A_665 : vector<16xf32>
        %max3A_702 = arith.maximumf %get3A_673, %get3A_681 : vector<16xf32>
        %min3A_703 = arith.minimumf %get3A_673, %get3A_681 : vector<16xf32>
        %max3A_704 = arith.maximumf %get3A_689, %get3A_697 : vector<16xf32>
        %min3A_705 = arith.minimumf %get3A_689, %get3A_697 : vector<16xf32>
        %max3A_706 = arith.maximumf %max3A_698, %max3A_700 : vector<16xf32>
        %min3A_707 = arith.minimumf %max3A_698, %max3A_700 : vector<16xf32>
        %max3A_708 = arith.maximumf %min3A_699, %min3A_701 : vector<16xf32>
        %min3A_709 = arith.minimumf %min3A_699, %min3A_701 : vector<16xf32>
        %max3A_710 = arith.maximumf %max3A_702, %max3A_704 : vector<16xf32>
        %min3A_711 = arith.minimumf %max3A_702, %max3A_704 : vector<16xf32>
        %max3A_712 = arith.maximumf %min3A_703, %min3A_705 : vector<16xf32>
        %min3A_713 = arith.minimumf %min3A_703, %min3A_705 : vector<16xf32>
        %max3A_714 = arith.maximumf %max3A_708, %min3A_707 : vector<16xf32>
        %min3A_715 = arith.minimumf %max3A_708, %min3A_707 : vector<16xf32>
        %max3A_716 = arith.maximumf %max3A_712, %min3A_711 : vector<16xf32>
        %min3A_717 = arith.minimumf %max3A_712, %min3A_711 : vector<16xf32>
        %max3A_718 = arith.maximumf %max3A_706, %max3A_710 : vector<16xf32>
        %min3A_719 = arith.minimumf %max3A_706, %max3A_710 : vector<16xf32>
        %max3A_720 = arith.maximumf %min3A_709, %min3A_713 : vector<16xf32>
        %min3A_721 = arith.minimumf %min3A_709, %min3A_713 : vector<16xf32>
        %max3A_722 = arith.maximumf %max3A_714, %max3A_716 : vector<16xf32>
        %min3A_723 = arith.minimumf %max3A_714, %max3A_716 : vector<16xf32>
        %max3A_724 = arith.maximumf %min3A_715, %min3A_717 : vector<16xf32>
        %min3A_725 = arith.minimumf %min3A_715, %min3A_717 : vector<16xf32>
        %max3A_726 = arith.maximumf %max3A_722, %min3A_719 : vector<16xf32>
        %min3A_727 = arith.minimumf %max3A_722, %min3A_719 : vector<16xf32>
        %max3A_728 = arith.maximumf %max3A_720, %min3A_725 : vector<16xf32>
        %min3A_729 = arith.minimumf %max3A_720, %min3A_725 : vector<16xf32>
        %max3A_730 = arith.maximumf %max3A_724, %min3A_727 : vector<16xf32>
        %min3A_731 = arith.minimumf %max3A_724, %min3A_727 : vector<16xf32>
        %max3A_732 = arith.maximumf %max3A_728, %min3A_723 : vector<16xf32>
        %min3A_733 = arith.minimumf %max3A_728, %min3A_723 : vector<16xf32>
        %max3A_734 = arith.maximumf %max3A_732, %min3A_731 : vector<16xf32>
        %min3A_735 = arith.minimumf %max3A_732, %min3A_731 : vector<16xf32>
        %max3A_736 = arith.maximumf %max3A_616, %min3A_721 : vector<16xf32>
        %max3A_737 = arith.maximumf %max3A_624, %min3A_729 : vector<16xf32>
        %max3A_738 = arith.maximumf %max3A_628, %min3A_733 : vector<16xf32>
        %max3A_739 = arith.maximumf %max3A_632, %min3A_735 : vector<16xf32>
        %max3A_740 = arith.maximumf %min3A_633, %max3A_734 : vector<16xf32>
        %max3A_741 = arith.maximumf %min3A_631, %max3A_730 : vector<16xf32>
        %max3A_742 = arith.maximumf %min3A_627, %max3A_726 : vector<16xf32>
        %max3A_743 = arith.maximumf %min3A_619, %max3A_718 : vector<16xf32>
        %max3A_744 = arith.maximumf %max3A_736, %max3A_740 : vector<16xf32>
        %min3A_745 = arith.minimumf %max3A_736, %max3A_740 : vector<16xf32>
        %max3A_746 = arith.maximumf %max3A_737, %max3A_741 : vector<16xf32>
        %min3A_747 = arith.minimumf %max3A_737, %max3A_741 : vector<16xf32>
        %max3A_748 = arith.maximumf %max3A_738, %max3A_742 : vector<16xf32>
        %min3A_749 = arith.minimumf %max3A_738, %max3A_742 : vector<16xf32>
        %max3A_750 = arith.maximumf %max3A_739, %max3A_743 : vector<16xf32>
        %min3A_751 = arith.minimumf %max3A_739, %max3A_743 : vector<16xf32>
        %max3A_752 = arith.maximumf %max3A_744, %max3A_748 : vector<16xf32>
        %min3A_753 = arith.minimumf %max3A_744, %max3A_748 : vector<16xf32>
        %max3A_754 = arith.maximumf %max3A_746, %max3A_750 : vector<16xf32>
        %min3A_755 = arith.minimumf %max3A_746, %max3A_750 : vector<16xf32>
        %max3A_756 = arith.maximumf %min3A_745, %min3A_749 : vector<16xf32>
        %min3A_757 = arith.minimumf %min3A_745, %min3A_749 : vector<16xf32>
        %max3A_758 = arith.maximumf %min3A_747, %min3A_751 : vector<16xf32>
        %min3A_759 = arith.minimumf %min3A_747, %min3A_751 : vector<16xf32>
        %max3A_760 = arith.maximumf %max3A_752, %max3A_754 : vector<16xf32>
        %min3A_761 = arith.minimumf %max3A_752, %max3A_754 : vector<16xf32>
        %max3A_762 = arith.maximumf %min3A_753, %min3A_755 : vector<16xf32>
        %min3A_763 = arith.minimumf %min3A_753, %min3A_755 : vector<16xf32>
        %max3A_764 = arith.maximumf %max3A_756, %max3A_758 : vector<16xf32>
        %min3A_765 = arith.minimumf %max3A_756, %max3A_758 : vector<16xf32>
        %max3A_766 = arith.maximumf %min3A_757, %min3A_759 : vector<16xf32>
        %min3A_767 = arith.minimumf %min3A_757, %min3A_759 : vector<16xf32>
        %max3A_768 = arith.maximumf %scan3A_541, %min3A_767 : vector<16xf32>
        %max3A_769 = arith.maximumf %scan3A_542, %max3A_766 : vector<16xf32>
        %max3A_770 = arith.maximumf %scan3A_543, %min3A_765 : vector<16xf32>
        %max3A_771 = arith.maximumf %scan3A_544, %max3A_764 : vector<16xf32>
        %max3A_772 = arith.maximumf %scan3A_545, %min3A_763 : vector<16xf32>
        %max3A_773 = arith.maximumf %scan3A_546, %max3A_762 : vector<16xf32>
        %max3A_774 = arith.maximumf %scan3A_547, %min3A_761 : vector<16xf32>
        %max3A_775 = arith.maximumf %scan3A_548, %max3A_760 : vector<16xf32>
        %max3A_776 = arith.maximumf %max3A_768, %max3A_772 : vector<16xf32>
        %min3A_777 = arith.minimumf %max3A_768, %max3A_772 : vector<16xf32>
        %max3A_778 = arith.maximumf %max3A_769, %max3A_773 : vector<16xf32>
        %min3A_779 = arith.minimumf %max3A_769, %max3A_773 : vector<16xf32>
        %max3A_780 = arith.maximumf %max3A_770, %max3A_774 : vector<16xf32>
        %min3A_781 = arith.minimumf %max3A_770, %max3A_774 : vector<16xf32>
        %max3A_782 = arith.maximumf %max3A_771, %max3A_775 : vector<16xf32>
        %min3A_783 = arith.minimumf %max3A_771, %max3A_775 : vector<16xf32>
        %max3A_784 = arith.maximumf %max3A_776, %max3A_780 : vector<16xf32>
        %min3A_785 = arith.minimumf %max3A_776, %max3A_780 : vector<16xf32>
        %max3A_786 = arith.maximumf %max3A_778, %max3A_782 : vector<16xf32>
        %min3A_787 = arith.minimumf %max3A_778, %max3A_782 : vector<16xf32>
        %max3A_788 = arith.maximumf %min3A_777, %min3A_781 : vector<16xf32>
        %min3A_789 = arith.minimumf %min3A_777, %min3A_781 : vector<16xf32>
        %max3A_790 = arith.maximumf %min3A_779, %min3A_783 : vector<16xf32>
        %min3A_791 = arith.minimumf %min3A_779, %min3A_783 : vector<16xf32>
        %max3A_792 = arith.maximumf %max3A_784, %max3A_786 : vector<16xf32>
        %min3A_793 = arith.minimumf %max3A_784, %max3A_786 : vector<16xf32>
        %max3A_794 = arith.maximumf %min3A_785, %min3A_787 : vector<16xf32>
        %min3A_795 = arith.minimumf %min3A_785, %min3A_787 : vector<16xf32>
        %max3A_796 = arith.maximumf %max3A_788, %max3A_790 : vector<16xf32>
        %min3A_797 = arith.minimumf %max3A_788, %max3A_790 : vector<16xf32>
        %max3A_798 = arith.maximumf %min3A_789, %min3A_791 : vector<16xf32>
        %min3A_799 = arith.minimumf %min3A_789, %min3A_791 : vector<16xf32>
        scf.yield %max3A_792, %min3A_793, %max3A_794, %min3A_795, %max3A_796, %min3A_797, %max3A_798, %min3A_799 : vector<16xf32>, vector<16xf32>, vector<16xf32>, vector<16xf32>, vector<16xf32>, vector<16xf32>, vector<16xf32>, vector<16xf32>
      }
      %scan3A_539 = arith.constant 32 : i32
      scf.yield %scan3A_496#0, %scan3A_496#1, %scan3A_496#2, %scan3A_496#3, %scan3A_496#4, %scan3A_496#5, %scan3A_496#6, %scan3A_496#7, %scan3A_502#0, %scan3A_502#1, %scan3A_502#2, %scan3A_502#3, %scan3A_502#4, %scan3A_502#5, %scan3A_502#6, %scan3A_502#7, %scan3A_508#0, %scan3A_508#1, %scan3A_508#2, %scan3A_508#3, %scan3A_508#4, %scan3A_508#5, %scan3A_508#6, %scan3A_508#7, %scan3A_514#0, %scan3A_514#1, %scan3A_514#2, %scan3A_514#3, %scan3A_514#4, %scan3A_514#5, %scan3A_514#6, %scan3A_514#7, %scan3A_520#0, %scan3A_520#1, %scan3A_520#2, %scan3A_520#3, %scan3A_520#4, %scan3A_520#5, %scan3A_520#6, %scan3A_520#7, %scan3A_526#0, %scan3A_526#1, %scan3A_526#2, %scan3A_526#3, %scan3A_526#4, %scan3A_526#5, %scan3A_526#6, %scan3A_526#7, %scan3A_532#0, %scan3A_532#1, %scan3A_532#2, %scan3A_532#3, %scan3A_532#4, %scan3A_532#5, %scan3A_532#6, %scan3A_532#7, %scan3A_538#0, %scan3A_538#1, %scan3A_538#2, %scan3A_538#3, %scan3A_538#4, %scan3A_538#5, %scan3A_538#6, %scan3A_538#7 : vector<16xf32>, vector<16xf32>, vector<16xf32>, vector<16xf32>, vector<16xf32>, vector<16xf32>, vector<16xf32>, vector<16xf32>, vector<16xf32>, vector<16xf32>, vector<16xf32>, vector<16xf32>, vector<16xf32>, vector<16xf32>, vector<16xf32>, vector<16xf32>, vector<16xf32>, vector<16xf32>, vector<16xf32>, vector<16xf32>, vector<16xf32>, vector<16xf32>, vector<16xf32>, vector<16xf32>, vector<16xf32>, vector<16xf32>, vector<16xf32>, vector<16xf32>, vector<16xf32>, vector<16xf32>, vector<16xf32>, vector<16xf32>, vector<16xf32>, vector<16xf32>, vector<16xf32>, vector<16xf32>, vector<16xf32>, vector<16xf32>, vector<16xf32>, vector<16xf32>, vector<16xf32>, vector<16xf32>, vector<16xf32>, vector<16xf32>, vector<16xf32>, vector<16xf32>, vector<16xf32>, vector<16xf32>, vector<16xf32>, vector<16xf32>, vector<16xf32>, vector<16xf32>, vector<16xf32>, vector<16xf32>, vector<16xf32>, vector<16xf32>, vector<16xf32>, vector<16xf32>, vector<16xf32>, vector<16xf32>, vector<16xf32>, vector<16xf32>, vector<16xf32>, vector<16xf32>
    }
    %scan3A_40 = arith.constant 2 : i32
    %swap3A = arith.constant 0 : i32
    %swap3A_41 = arith.index_cast %swap3A : i32 to index
    %swap3A_42 = arith.constant 0 : index
    %swap3A_43 = tpu.vector_load %arg5[%swap3A_41, %swap3A_42] {strides = array<i32>} : memref<8x128xf32, #tpu.memory_space<vmem>>, vector<1x16xf32>,
    %swap3A_44 = vector.shape_cast %swap3A_43 : vector<1x16xf32> to vector<16xf32>
    %swap3A_45 = vector.shape_cast %scan3A_39#0 : vector<16xf32> to vector<1x16xf32>
    tpu.vector_store %arg5[%swap3A_41, %swap3A_42], %swap3A_45 {strides = array<i32>} : memref<8x128xf32, #tpu.memory_space<vmem>>, vector<1x16xf32>,
    %swap3A_46 = arith.constant 1 : i32
    %swap3A_47 = arith.index_cast %swap3A_46 : i32 to index
    %swap3A_48 = arith.constant 0 : index
    %swap3A_49 = tpu.vector_load %arg5[%swap3A_47, %swap3A_48] {strides = array<i32>} : memref<8x128xf32, #tpu.memory_space<vmem>>, vector<1x16xf32>,
    %swap3A_50 = vector.shape_cast %swap3A_49 : vector<1x16xf32> to vector<16xf32>
    %swap3A_51 = vector.shape_cast %scan3A_39#1 : vector<16xf32> to vector<1x16xf32>
    tpu.vector_store %arg5[%swap3A_47, %swap3A_48], %swap3A_51 {strides = array<i32>} : memref<8x128xf32, #tpu.memory_space<vmem>>, vector<1x16xf32>,
    %swap3A_52 = arith.constant 2 : i32
    %swap3A_53 = arith.index_cast %swap3A_52 : i32 to index
    %swap3A_54 = arith.constant 0 : index
    %swap3A_55 = tpu.vector_load %arg5[%swap3A_53, %swap3A_54] {strides = array<i32>} : memref<8x128xf32, #tpu.memory_space<vmem>>, vector<1x16xf32>,
    %swap3A_56 = vector.shape_cast %swap3A_55 : vector<1x16xf32> to vector<16xf32>
    %swap3A_57 = vector.shape_cast %scan3A_39#2 : vector<16xf32> to vector<1x16xf32>
    tpu.vector_store %arg5[%swap3A_53, %swap3A_54], %swap3A_57 {strides = array<i32>} : memref<8x128xf32, #tpu.memory_space<vmem>>, vector<1x16xf32>,
    %swap3A_58 = arith.constant 3 : i32
    %swap3A_59 = arith.index_cast %swap3A_58 : i32 to index
    %swap3A_60 = arith.constant 0 : index
    %swap3A_61 = tpu.vector_load %arg5[%swap3A_59, %swap3A_60] {strides = array<i32>} : memref<8x128xf32, #tpu.memory_space<vmem>>, vector<1x16xf32>,
    %swap3A_62 = vector.shape_cast %swap3A_61 : vector<1x16xf32> to vector<16xf32>
    %swap3A_63 = vector.shape_cast %scan3A_39#3 : vector<16xf32> to vector<1x16xf32>
    tpu.vector_store %arg5[%swap3A_59, %swap3A_60], %swap3A_63 {strides = array<i32>} : memref<8x128xf32, #tpu.memory_space<vmem>>, vector<1x16xf32>,
    %swap3A_64 = arith.constant 4 : i32
    %swap3A_65 = arith.index_cast %swap3A_64 : i32 to index
    %swap3A_66 = arith.constant 0 : index
    %swap3A_67 = tpu.vector_load %arg5[%swap3A_65, %swap3A_66] {strides = array<i32>} : memref<8x128xf32, #tpu.memory_space<vmem>>, vector<1x16xf32>,
    %swap3A_68 = vector.shape_cast %swap3A_67 : vector<1x16xf32> to vector<16xf32>
    %swap3A_69 = vector.shape_cast %scan3A_39#4 : vector<16xf32> to vector<1x16xf32>
    tpu.vector_store %arg5[%swap3A_65, %swap3A_66], %swap3A_69 {strides = array<i32>} : memref<8x128xf32, #tpu.memory_space<vmem>>, vector<1x16xf32>,
    %swap3A_70 = arith.constant 5 : i32
    %swap3A_71 = arith.index_cast %swap3A_70 : i32 to index
    %swap3A_72 = arith.constant 0 : index
    %swap3A_73 = tpu.vector_load %arg5[%swap3A_71, %swap3A_72] {strides = array<i32>} : memref<8x128xf32, #tpu.memory_space<vmem>>, vector<1x16xf32>,
    %swap3A_74 = vector.shape_cast %swap3A_73 : vector<1x16xf32> to vector<16xf32>
    %swap3A_75 = vector.shape_cast %scan3A_39#5 : vector<16xf32> to vector<1x16xf32>
    tpu.vector_store %arg5[%swap3A_71, %swap3A_72], %swap3A_75 {strides = array<i32>} : memref<8x128xf32, #tpu.memory_space<vmem>>, vector<1x16xf32>,
    %swap3A_76 = arith.constant 6 : i32
    %swap3A_77 = arith.index_cast %swap3A_76 : i32 to index
    %swap3A_78 = arith.constant 0 : index
    %swap3A_79 = tpu.vector_load %arg5[%swap3A_77, %swap3A_78] {strides = array<i32>} : memref<8x128xf32, #tpu.memory_space<vmem>>, vector<1x16xf32>,
    %swap3A_80 = vector.shape_cast %swap3A_79 : vector<1x16xf32> to vector<16xf32>
    %swap3A_81 = vector.shape_cast %scan3A_39#6 : vector<16xf32> to vector<1x16xf32>
    tpu.vector_store %arg5[%swap3A_77, %swap3A_78], %swap3A_81 {strides = array<i32>} : memref<8x128xf32, #tpu.memory_space<vmem>>, vector<1x16xf32>,
    %swap3A_82 = arith.constant 7 : i32
    %swap3A_83 = arith.index_cast %swap3A_82 : i32 to index
    %swap3A_84 = arith.constant 0 : index
    %swap3A_85 = tpu.vector_load %arg5[%swap3A_83, %swap3A_84] {strides = array<i32>} : memref<8x128xf32, #tpu.memory_space<vmem>>, vector<1x16xf32>,
    %swap3A_86 = vector.shape_cast %swap3A_85 : vector<1x16xf32> to vector<16xf32>
    %swap3A_87 = vector.shape_cast %scan3A_39#7 : vector<16xf32> to vector<1x16xf32>
    tpu.vector_store %arg5[%swap3A_83, %swap3A_84], %swap3A_87 {strides = array<i32>} : memref<8x128xf32, #tpu.memory_space<vmem>>, vector<1x16xf32>,
    %swap3A_88 = arith.constant 0 : i32
    %swap3A_89 = arith.index_cast %swap3A_88 : i32 to index
    %swap3A_90 = arith.constant 16 : index
    %swap3A_91 = tpu.vector_load %arg5[%swap3A_89, %swap3A_90] {strides = array<i32>} : memref<8x128xf32, #tpu.memory_space<vmem>>, vector<1x16xf32>,
    %swap3A_92 = vector.shape_cast %swap3A_91 : vector<1x16xf32> to vector<16xf32>
    %swap3A_93 = vector.shape_cast %scan3A_39#8 : vector<16xf32> to vector<1x16xf32>
    tpu.vector_store %arg5[%swap3A_89, %swap3A_90], %swap3A_93 {strides = array<i32>} : memref<8x128xf32, #tpu.memory_space<vmem>>, vector<1x16xf32>,
    %swap3A_94 = arith.constant 1 : i32
    %swap3A_95 = arith.index_cast %swap3A_94 : i32 to index
    %swap3A_96 = arith.constant 16 : index
    %swap3A_97 = tpu.vector_load %arg5[%swap3A_95, %swap3A_96] {strides = array<i32>} : memref<8x128xf32, #tpu.memory_space<vmem>>, vector<1x16xf32>,
    %swap3A_98 = vector.shape_cast %swap3A_97 : vector<1x16xf32> to vector<16xf32>
    %swap3A_99 = vector.shape_cast %scan3A_39#9 : vector<16xf32> to vector<1x16xf32>
    tpu.vector_store %arg5[%swap3A_95, %swap3A_96], %swap3A_99 {strides = array<i32>} : memref<8x128xf32, #tpu.memory_space<vmem>>, vector<1x16xf32>,
    %swap3A_100 = arith.constant 2 : i32
    %swap3A_101 = arith.index_cast %swap3A_100 : i32 to index
    %swap3A_102 = arith.constant 16 : index
    %swap3A_103 = tpu.vector_load %arg5[%swap3A_101, %swap3A_102] {strides = array<i32>} : memref<8x128xf32, #tpu.memory_space<vmem>>, vector<1x16xf32>,
    %swap3A_104 = vector.shape_cast %swap3A_103 : vector<1x16xf32> to vector<16xf32>
    %swap3A_105 = vector.shape_cast %scan3A_39#10 : vector<16xf32> to vector<1x16xf32>
    tpu.vector_store %arg5[%swap3A_101, %swap3A_102], %swap3A_105 {strides = array<i32>} : memref<8x128xf32, #tpu.memory_space<vmem>>, vector<1x16xf32>,
    %swap3A_106 = arith.constant 3 : i32
    %swap3A_107 = arith.index_cast %swap3A_106 : i32 to index
    %swap3A_108 = arith.constant 16 : index
    %swap3A_109 = tpu.vector_load %arg5[%swap3A_107, %swap3A_108] {strides = array<i32>} : memref<8x128xf32, #tpu.memory_space<vmem>>, vector<1x16xf32>,
    %swap3A_110 = vector.shape_cast %swap3A_109 : vector<1x16xf32> to vector<16xf32>
    %swap3A_111 = vector.shape_cast %scan3A_39#11 : vector<16xf32> to vector<1x16xf32>
    tpu.vector_store %arg5[%swap3A_107, %swap3A_108], %swap3A_111 {strides = array<i32>} : memref<8x128xf32, #tpu.memory_space<vmem>>, vector<1x16xf32>,
    %swap3A_112 = arith.constant 4 : i32
    %swap3A_113 = arith.index_cast %swap3A_112 : i32 to index
    %swap3A_114 = arith.constant 16 : index
    %swap3A_115 = tpu.vector_load %arg5[%swap3A_113, %swap3A_114] {strides = array<i32>} : memref<8x128xf32, #tpu.memory_space<vmem>>, vector<1x16xf32>,
    %swap3A_116 = vector.shape_cast %swap3A_115 : vector<1x16xf32> to vector<16xf32>
    %swap3A_117 = vector.shape_cast %scan3A_39#12 : vector<16xf32> to vector<1x16xf32>
    tpu.vector_store %arg5[%swap3A_113, %swap3A_114], %swap3A_117 {strides = array<i32>} : memref<8x128xf32, #tpu.memory_space<vmem>>, vector<1x16xf32>,
    %swap3A_118 = arith.constant 5 : i32
    %swap3A_119 = arith.index_cast %swap3A_118 : i32 to index
    %swap3A_120 = arith.constant 16 : index
    %swap3A_121 = tpu.vector_load %arg5[%swap3A_119, %swap3A_120] {strides = array<i32>} : memref<8x128xf32, #tpu.memory_space<vmem>>, vector<1x16xf32>,
    %swap3A_122 = vector.shape_cast %swap3A_121 : vector<1x16xf32> to vector<16xf32>
    %swap3A_123 = vector.shape_cast %scan3A_39#13 : vector<16xf32> to vector<1x16xf32>
    tpu.vector_store %arg5[%swap3A_119, %swap3A_120], %swap3A_123 {strides = array<i32>} : memref<8x128xf32, #tpu.memory_space<vmem>>, vector<1x16xf32>,
    %swap3A_124 = arith.constant 6 : i32
    %swap3A_125 = arith.index_cast %swap3A_124 : i32 to index
    %swap3A_126 = arith.constant 16 : index
    %swap3A_127 = tpu.vector_load %arg5[%swap3A_125, %swap3A_126] {strides = array<i32>} : memref<8x128xf32, #tpu.memory_space<vmem>>, vector<1x16xf32>,
    %swap3A_128 = vector.shape_cast %swap3A_127 : vector<1x16xf32> to vector<16xf32>
    %swap3A_129 = vector.shape_cast %scan3A_39#14 : vector<16xf32> to vector<1x16xf32>
    tpu.vector_store %arg5[%swap3A_125, %swap3A_126], %swap3A_129 {strides = array<i32>} : memref<8x128xf32, #tpu.memory_space<vmem>>, vector<1x16xf32>,
    %swap3A_130 = arith.constant 7 : i32
    %swap3A_131 = arith.index_cast %swap3A_130 : i32 to index
    %swap3A_132 = arith.constant 16 : index
    %swap3A_133 = tpu.vector_load %arg5[%swap3A_131, %swap3A_132] {strides = array<i32>} : memref<8x128xf32, #tpu.memory_space<vmem>>, vector<1x16xf32>,
    %swap3A_134 = vector.shape_cast %swap3A_133 : vector<1x16xf32> to vector<16xf32>
    %swap3A_135 = vector.shape_cast %scan3A_39#15 : vector<16xf32> to vector<1x16xf32>
    tpu.vector_store %arg5[%swap3A_131, %swap3A_132], %swap3A_135 {strides = array<i32>} : memref<8x128xf32, #tpu.memory_space<vmem>>, vector<1x16xf32>,
    %swap3A_136 = arith.constant 0 : i32
    %swap3A_137 = arith.index_cast %swap3A_136 : i32 to index
    %swap3A_138 = arith.constant 32 : index
    %swap3A_139 = tpu.vector_load %arg5[%swap3A_137, %swap3A_138] {strides = array<i32>} : memref<8x128xf32, #tpu.memory_space<vmem>>, vector<1x16xf32>,
    %swap3A_140 = vector.shape_cast %swap3A_139 : vector<1x16xf32> to vector<16xf32>
    %swap3A_141 = vector.shape_cast %scan3A_39#16 : vector<16xf32> to vector<1x16xf32>
    tpu.vector_store %arg5[%swap3A_137, %swap3A_138], %swap3A_141 {strides = array<i32>} : memref<8x128xf32, #tpu.memory_space<vmem>>, vector<1x16xf32>,
    %swap3A_142 = arith.constant 1 : i32
    %swap3A_143 = arith.index_cast %swap3A_142 : i32 to index
    %swap3A_144 = arith.constant 32 : index
    %swap3A_145 = tpu.vector_load %arg5[%swap3A_143, %swap3A_144] {strides = array<i32>} : memref<8x128xf32, #tpu.memory_space<vmem>>, vector<1x16xf32>,
    %swap3A_146 = vector.shape_cast %swap3A_145 : vector<1x16xf32> to vector<16xf32>
    %swap3A_147 = vector.shape_cast %scan3A_39#17 : vector<16xf32> to vector<1x16xf32>
    tpu.vector_store %arg5[%swap3A_143, %swap3A_144], %swap3A_147 {strides = array<i32>} : memref<8x128xf32, #tpu.memory_space<vmem>>, vector<1x16xf32>,
    %swap3A_148 = arith.constant 2 : i32
    %swap3A_149 = arith.index_cast %swap3A_148 : i32 to index
    %swap3A_150 = arith.constant 32 : index
    %swap3A_151 = tpu.vector_load %arg5[%swap3A_149, %swap3A_150] {strides = array<i32>} : memref<8x128xf32, #tpu.memory_space<vmem>>, vector<1x16xf32>,
    %swap3A_152 = vector.shape_cast %swap3A_151 : vector<1x16xf32> to vector<16xf32>
    %swap3A_153 = vector.shape_cast %scan3A_39#18 : vector<16xf32> to vector<1x16xf32>
    tpu.vector_store %arg5[%swap3A_149, %swap3A_150], %swap3A_153 {strides = array<i32>} : memref<8x128xf32, #tpu.memory_space<vmem>>, vector<1x16xf32>,
    %swap3A_154 = arith.constant 3 : i32
    %swap3A_155 = arith.index_cast %swap3A_154 : i32 to index
    %swap3A_156 = arith.constant 32 : index
    %swap3A_157 = tpu.vector_load %arg5[%swap3A_155, %swap3A_156] {strides = array<i32>} : memref<8x128xf32, #tpu.memory_space<vmem>>, vector<1x16xf32>,
    %swap3A_158 = vector.shape_cast %swap3A_157 : vector<1x16xf32> to vector<16xf32>
    %swap3A_159 = vector.shape_cast %scan3A_39#19 : vector<16xf32> to vector<1x16xf32>
    tpu.vector_store %arg5[%swap3A_155, %swap3A_156], %swap3A_159 {strides = array<i32>} : memref<8x128xf32, #tpu.memory_space<vmem>>, vector<1x16xf32>,
    %swap3A_160 = arith.constant 4 : i32
    %swap3A_161 = arith.index_cast %swap3A_160 : i32 to index
    %swap3A_162 = arith.constant 32 : index
    %swap3A_163 = tpu.vector_load %arg5[%swap3A_161, %swap3A_162] {strides = array<i32>} : memref<8x128xf32, #tpu.memory_space<vmem>>, vector<1x16xf32>,
    %swap3A_164 = vector.shape_cast %swap3A_163 : vector<1x16xf32> to vector<16xf32>
    %swap3A_165 = vector.shape_cast %scan3A_39#20 : vector<16xf32> to vector<1x16xf32>
    tpu.vector_store %arg5[%swap3A_161, %swap3A_162], %swap3A_165 {strides = array<i32>} : memref<8x128xf32, #tpu.memory_space<vmem>>, vector<1x16xf32>,
    %swap3A_166 = arith.constant 5 : i32
    %swap3A_167 = arith.index_cast %swap3A_166 : i32 to index
    %swap3A_168 = arith.constant 32 : index
    %swap3A_169 = tpu.vector_load %arg5[%swap3A_167, %swap3A_168] {strides = array<i32>} : memref<8x128xf32, #tpu.memory_space<vmem>>, vector<1x16xf32>,
    %swap3A_170 = vector.shape_cast %swap3A_169 : vector<1x16xf32> to vector<16xf32>
    %swap3A_171 = vector.shape_cast %scan3A_39#21 : vector<16xf32> to vector<1x16xf32>
    tpu.vector_store %arg5[%swap3A_167, %swap3A_168], %swap3A_171 {strides = array<i32>} : memref<8x128xf32, #tpu.memory_space<vmem>>, vector<1x16xf32>,
    %swap3A_172 = arith.constant 6 : i32
    %swap3A_173 = arith.index_cast %swap3A_172 : i32 to index
    %swap3A_174 = arith.constant 32 : index
    %swap3A_175 = tpu.vector_load %arg5[%swap3A_173, %swap3A_174] {strides = array<i32>} : memref<8x128xf32, #tpu.memory_space<vmem>>, vector<1x16xf32>,
    %swap3A_176 = vector.shape_cast %swap3A_175 : vector<1x16xf32> to vector<16xf32>
    %swap3A_177 = vector.shape_cast %scan3A_39#22 : vector<16xf32> to vector<1x16xf32>
    tpu.vector_store %arg5[%swap3A_173, %swap3A_174], %swap3A_177 {strides = array<i32>} : memref<8x128xf32, #tpu.memory_space<vmem>>, vector<1x16xf32>,
    %swap3A_178 = arith.constant 7 : i32
    %swap3A_179 = arith.index_cast %swap3A_178 : i32 to index
    %swap3A_180 = arith.constant 32 : index
    %swap3A_181 = tpu.vector_load %arg5[%swap3A_179, %swap3A_180] {strides = array<i32>} : memref<8x128xf32, #tpu.memory_space<vmem>>, vector<1x16xf32>,
    %swap3A_182 = vector.shape_cast %swap3A_181 : vector<1x16xf32> to vector<16xf32>
    %swap3A_183 = vector.shape_cast %scan3A_39#23 : vector<16xf32> to vector<1x16xf32>
    tpu.vector_store %arg5[%swap3A_179, %swap3A_180], %swap3A_183 {strides = array<i32>} : memref<8x128xf32, #tpu.memory_space<vmem>>, vector<1x16xf32>,
    %swap3A_184 = arith.constant 0 : i32
    %swap3A_185 = arith.index_cast %swap3A_184 : i32 to index
    %swap3A_186 = arith.constant 48 : index
    %swap3A_187 = tpu.vector_load %arg5[%swap3A_185, %swap3A_186] {strides = array<i32>} : memref<8x128xf32, #tpu.memory_space<vmem>>, vector<1x16xf32>,
    %swap3A_188 = vector.shape_cast %swap3A_187 : vector<1x16xf32> to vector<16xf32>
    %swap3A_189 = vector.shape_cast %scan3A_39#24 : vector<16xf32> to vector<1x16xf32>
    tpu.vector_store %arg5[%swap3A_185, %swap3A_186], %swap3A_189 {strides = array<i32>} : memref<8x128xf32, #tpu.memory_space<vmem>>, vector<1x16xf32>,
    %swap3A_190 = arith.constant 1 : i32
    %swap3A_191 = arith.index_cast %swap3A_190 : i32 to index
    %swap3A_192 = arith.constant 48 : index
    %swap3A_193 = tpu.vector_load %arg5[%swap3A_191, %swap3A_192] {strides = array<i32>} : memref<8x128xf32, #tpu.memory_space<vmem>>, vector<1x16xf32>,
    %swap3A_194 = vector.shape_cast %swap3A_193 : vector<1x16xf32> to vector<16xf32>
    %swap3A_195 = vector.shape_cast %scan3A_39#25 : vector<16xf32> to vector<1x16xf32>
    tpu.vector_store %arg5[%swap3A_191, %swap3A_192], %swap3A_195 {strides = array<i32>} : memref<8x128xf32, #tpu.memory_space<vmem>>, vector<1x16xf32>,
    %swap3A_196 = arith.constant 2 : i32
    %swap3A_197 = arith.index_cast %swap3A_196 : i32 to index
    %swap3A_198 = arith.constant 48 : index
    %swap3A_199 = tpu.vector_load %arg5[%swap3A_197, %swap3A_198] {strides = array<i32>} : memref<8x128xf32, #tpu.memory_space<vmem>>, vector<1x16xf32>,
    %swap3A_200 = vector.shape_cast %swap3A_199 : vector<1x16xf32> to vector<16xf32>
    %swap3A_201 = vector.shape_cast %scan3A_39#26 : vector<16xf32> to vector<1x16xf32>
    tpu.vector_store %arg5[%swap3A_197, %swap3A_198], %swap3A_201 {strides = array<i32>} : memref<8x128xf32, #tpu.memory_space<vmem>>, vector<1x16xf32>,
    %swap3A_202 = arith.constant 3 : i32
    %swap3A_203 = arith.index_cast %swap3A_202 : i32 to index
    %swap3A_204 = arith.constant 48 : index
    %swap3A_205 = tpu.vector_load %arg5[%swap3A_203, %swap3A_204] {strides = array<i32>} : memref<8x128xf32, #tpu.memory_space<vmem>>, vector<1x16xf32>,
    %swap3A_206 = vector.shape_cast %swap3A_205 : vector<1x16xf32> to vector<16xf32>
    %swap3A_207 = vector.shape_cast %scan3A_39#27 : vector<16xf32> to vector<1x16xf32>
    tpu.vector_store %arg5[%swap3A_203, %swap3A_204], %swap3A_207 {strides = array<i32>} : memref<8x128xf32, #tpu.memory_space<vmem>>, vector<1x16xf32>,
    %swap3A_208 = arith.constant 4 : i32
    %swap3A_209 = arith.index_cast %swap3A_208 : i32 to index
    %swap3A_210 = arith.constant 48 : index
    %swap3A_211 = tpu.vector_load %arg5[%swap3A_209, %swap3A_210] {strides = array<i32>} : memref<8x128xf32, #tpu.memory_space<vmem>>, vector<1x16xf32>,
    %swap3A_212 = vector.shape_cast %swap3A_211 : vector<1x16xf32> to vector<16xf32>
    %swap3A_213 = vector.shape_cast %scan3A_39#28 : vector<16xf32> to vector<1x16xf32>
    tpu.vector_store %arg5[%swap3A_209, %swap3A_210], %swap3A_213 {strides = array<i32>} : memref<8x128xf32, #tpu.memory_space<vmem>>, vector<1x16xf32>,
    %swap3A_214 = arith.constant 5 : i32
    %swap3A_215 = arith.index_cast %swap3A_214 : i32 to index
    %swap3A_216 = arith.constant 48 : index
    %swap3A_217 = tpu.vector_load %arg5[%swap3A_215, %swap3A_216] {strides = array<i32>} : memref<8x128xf32, #tpu.memory_space<vmem>>, vector<1x16xf32>,
    %swap3A_218 = vector.shape_cast %swap3A_217 : vector<1x16xf32> to vector<16xf32>
    %swap3A_219 = vector.shape_cast %scan3A_39#29 : vector<16xf32> to vector<1x16xf32>
    tpu.vector_store %arg5[%swap3A_215, %swap3A_216], %swap3A_219 {strides = array<i32>} : memref<8x128xf32, #tpu.memory_space<vmem>>, vector<1x16xf32>,
    %swap3A_220 = arith.constant 6 : i32
    %swap3A_221 = arith.index_cast %swap3A_220 : i32 to index
    %swap3A_222 = arith.constant 48 : index
    %swap3A_223 = tpu.vector_load %arg5[%swap3A_221, %swap3A_222] {strides = array<i32>} : memref<8x128xf32, #tpu.memory_space<vmem>>, vector<1x16xf32>,
    %swap3A_224 = vector.shape_cast %swap3A_223 : vector<1x16xf32> to vector<16xf32>
    %swap3A_225 = vector.shape_cast %scan3A_39#30 : vector<16xf32> to vector<1x16xf32>
    tpu.vector_store %arg5[%swap3A_221, %swap3A_222], %swap3A_225 {strides = array<i32>} : memref<8x128xf32, #tpu.memory_space<vmem>>, vector<1x16xf32>,
    %swap3A_226 = arith.constant 7 : i32
    %swap3A_227 = arith.index_cast %swap3A_226 : i32 to index
    %swap3A_228 = arith.constant 48 : index
    %swap3A_229 = tpu.vector_load %arg5[%swap3A_227, %swap3A_228] {strides = array<i32>} : memref<8x128xf32, #tpu.memory_space<vmem>>, vector<1x16xf32>,
    %swap3A_230 = vector.shape_cast %swap3A_229 : vector<1x16xf32> to vector<16xf32>
    %swap3A_231 = vector.shape_cast %scan3A_39#31 : vector<16xf32> to vector<1x16xf32>
    tpu.vector_store %arg5[%swap3A_227, %swap3A_228], %swap3A_231 {strides = array<i32>} : memref<8x128xf32, #tpu.memory_space<vmem>>, vector<1x16xf32>,
    %swap3A_232 = arith.constant 0 : i32
    %swap3A_233 = arith.index_cast %swap3A_232 : i32 to index
    %swap3A_234 = arith.constant 64 : index
    %swap3A_235 = tpu.vector_load %arg5[%swap3A_233, %swap3A_234] {strides = array<i32>} : memref<8x128xf32, #tpu.memory_space<vmem>>, vector<1x16xf32>,
    %swap3A_236 = vector.shape_cast %swap3A_235 : vector<1x16xf32> to vector<16xf32>
    %swap3A_237 = vector.shape_cast %scan3A_39#32 : vector<16xf32> to vector<1x16xf32>
    tpu.vector_store %arg5[%swap3A_233, %swap3A_234], %swap3A_237 {strides = array<i32>} : memref<8x128xf32, #tpu.memory_space<vmem>>, vector<1x16xf32>,
    %swap3A_238 = arith.constant 1 : i32
    %swap3A_239 = arith.index_cast %swap3A_238 : i32 to index
    %swap3A_240 = arith.constant 64 : index
    %swap3A_241 = tpu.vector_load %arg5[%swap3A_239, %swap3A_240] {strides = array<i32>} : memref<8x128xf32, #tpu.memory_space<vmem>>, vector<1x16xf32>,
    %swap3A_242 = vector.shape_cast %swap3A_241 : vector<1x16xf32> to vector<16xf32>
    %swap3A_243 = vector.shape_cast %scan3A_39#33 : vector<16xf32> to vector<1x16xf32>
    tpu.vector_store %arg5[%swap3A_239, %swap3A_240], %swap3A_243 {strides = array<i32>} : memref<8x128xf32, #tpu.memory_space<vmem>>, vector<1x16xf32>,
    %swap3A_244 = arith.constant 2 : i32
    %swap3A_245 = arith.index_cast %swap3A_244 : i32 to index
    %swap3A_246 = arith.constant 64 : index
    %swap3A_247 = tpu.vector_load %arg5[%swap3A_245, %swap3A_246] {strides = array<i32>} : memref<8x128xf32, #tpu.memory_space<vmem>>, vector<1x16xf32>,
    %swap3A_248 = vector.shape_cast %swap3A_247 : vector<1x16xf32> to vector<16xf32>
    %swap3A_249 = vector.shape_cast %scan3A_39#34 : vector<16xf32> to vector<1x16xf32>
    tpu.vector_store %arg5[%swap3A_245, %swap3A_246], %swap3A_249 {strides = array<i32>} : memref<8x128xf32, #tpu.memory_space<vmem>>, vector<1x16xf32>,
    %swap3A_250 = arith.constant 3 : i32
    %swap3A_251 = arith.index_cast %swap3A_250 : i32 to index
    %swap3A_252 = arith.constant 64 : index
    %swap3A_253 = tpu.vector_load %arg5[%swap3A_251, %swap3A_252] {strides = array<i32>} : memref<8x128xf32, #tpu.memory_space<vmem>>, vector<1x16xf32>,
    %swap3A_254 = vector.shape_cast %swap3A_253 : vector<1x16xf32> to vector<16xf32>
    %swap3A_255 = vector.shape_cast %scan3A_39#35 : vector<16xf32> to vector<1x16xf32>
    tpu.vector_store %arg5[%swap3A_251, %swap3A_252], %swap3A_255 {strides = array<i32>} : memref<8x128xf32, #tpu.memory_space<vmem>>, vector<1x16xf32>,
    %swap3A_256 = arith.constant 4 : i32
    %swap3A_257 = arith.index_cast %swap3A_256 : i32 to index
    %swap3A_258 = arith.constant 64 : index
    %swap3A_259 = tpu.vector_load %arg5[%swap3A_257, %swap3A_258] {strides = array<i32>} : memref<8x128xf32, #tpu.memory_space<vmem>>, vector<1x16xf32>,
    %swap3A_260 = vector.shape_cast %swap3A_259 : vector<1x16xf32> to vector<16xf32>
    %swap3A_261 = vector.shape_cast %scan3A_39#36 : vector<16xf32> to vector<1x16xf32>
    tpu.vector_store %arg5[%swap3A_257, %swap3A_258], %swap3A_261 {strides = array<i32>} : memref<8x128xf32, #tpu.memory_space<vmem>>, vector<1x16xf32>,
    %swap3A_262 = arith.constant 5 : i32
    %swap3A_263 = arith.index_cast %swap3A_262 : i32 to index
    %swap3A_264 = arith.constant 64 : index
    %swap3A_265 = tpu.vector_load %arg5[%swap3A_263, %swap3A_264] {strides = array<i32>} : memref<8x128xf32, #tpu.memory_space<vmem>>, vector<1x16xf32>,
    %swap3A_266 = vector.shape_cast %swap3A_265 : vector<1x16xf32> to vector<16xf32>
    %swap3A_267 = vector.shape_cast %scan3A_39#37 : vector<16xf32> to vector<1x16xf32>
    tpu.vector_store %arg5[%swap3A_263, %swap3A_264], %swap3A_267 {strides = array<i32>} : memref<8x128xf32, #tpu.memory_space<vmem>>, vector<1x16xf32>,
    %swap3A_268 = arith.constant 6 : i32
    %swap3A_269 = arith.index_cast %swap3A_268 : i32 to index
    %swap3A_270 = arith.constant 64 : index
    %swap3A_271 = tpu.vector_load %arg5[%swap3A_269, %swap3A_270] {strides = array<i32>} : memref<8x128xf32, #tpu.memory_space<vmem>>, vector<1x16xf32>,
    %swap3A_272 = vector.shape_cast %swap3A_271 : vector<1x16xf32> to vector<16xf32>
    %swap3A_273 = vector.shape_cast %scan3A_39#38 : vector<16xf32> to vector<1x16xf32>
    tpu.vector_store %arg5[%swap3A_269, %swap3A_270], %swap3A_273 {strides = array<i32>} : memref<8x128xf32, #tpu.memory_space<vmem>>, vector<1x16xf32>,
    %swap3A_274 = arith.constant 7 : i32
    %swap3A_275 = arith.index_cast %swap3A_274 : i32 to index
    %swap3A_276 = arith.constant 64 : index
    %swap3A_277 = tpu.vector_load %arg5[%swap3A_275, %swap3A_276] {strides = array<i32>} : memref<8x128xf32, #tpu.memory_space<vmem>>, vector<1x16xf32>,
    %swap3A_278 = vector.shape_cast %swap3A_277 : vector<1x16xf32> to vector<16xf32>
    %swap3A_279 = vector.shape_cast %scan3A_39#39 : vector<16xf32> to vector<1x16xf32>
    tpu.vector_store %arg5[%swap3A_275, %swap3A_276], %swap3A_279 {strides = array<i32>} : memref<8x128xf32, #tpu.memory_space<vmem>>, vector<1x16xf32>,
    %swap3A_280 = arith.constant 0 : i32
    %swap3A_281 = arith.index_cast %swap3A_280 : i32 to index
    %swap3A_282 = arith.constant 80 : index
    %swap3A_283 = tpu.vector_load %arg5[%swap3A_281, %swap3A_282] {strides = array<i32>} : memref<8x128xf32, #tpu.memory_space<vmem>>, vector<1x16xf32>,
    %swap3A_284 = vector.shape_cast %swap3A_283 : vector<1x16xf32> to vector<16xf32>
    %swap3A_285 = vector.shape_cast %scan3A_39#40 : vector<16xf32> to vector<1x16xf32>
    tpu.vector_store %arg5[%swap3A_281, %swap3A_282], %swap3A_285 {strides = array<i32>} : memref<8x128xf32, #tpu.memory_space<vmem>>, vector<1x16xf32>,
    %swap3A_286 = arith.constant 1 : i32
    %swap3A_287 = arith.index_cast %swap3A_286 : i32 to index
    %swap3A_288 = arith.constant 80 : index
    %swap3A_289 = tpu.vector_load %arg5[%swap3A_287, %swap3A_288] {strides = array<i32>} : memref<8x128xf32, #tpu.memory_space<vmem>>, vector<1x16xf32>,
    %swap3A_290 = vector.shape_cast %swap3A_289 : vector<1x16xf32> to vector<16xf32>
    %swap3A_291 = vector.shape_cast %scan3A_39#41 : vector<16xf32> to vector<1x16xf32>
    tpu.vector_store %arg5[%swap3A_287, %swap3A_288], %swap3A_291 {strides = array<i32>} : memref<8x128xf32, #tpu.memory_space<vmem>>, vector<1x16xf32>,
    %swap3A_292 = arith.constant 2 : i32
    %swap3A_293 = arith.index_cast %swap3A_292 : i32 to index
    %swap3A_294 = arith.constant 80 : index
    %swap3A_295 = tpu.vector_load %arg5[%swap3A_293, %swap3A_294] {strides = array<i32>} : memref<8x128xf32, #tpu.memory_space<vmem>>, vector<1x16xf32>,
    %swap3A_296 = vector.shape_cast %swap3A_295 : vector<1x16xf32> to vector<16xf32>
    %swap3A_297 = vector.shape_cast %scan3A_39#42 : vector<16xf32> to vector<1x16xf32>
    tpu.vector_store %arg5[%swap3A_293, %swap3A_294], %swap3A_297 {strides = array<i32>} : memref<8x128xf32, #tpu.memory_space<vmem>>, vector<1x16xf32>,
    %swap3A_298 = arith.constant 3 : i32
    %swap3A_299 = arith.index_cast %swap3A_298 : i32 to index
    %swap3A_300 = arith.constant 80 : index
    %swap3A_301 = tpu.vector_load %arg5[%swap3A_299, %swap3A_300] {strides = array<i32>} : memref<8x128xf32, #tpu.memory_space<vmem>>, vector<1x16xf32>,
    %swap3A_302 = vector.shape_cast %swap3A_301 : vector<1x16xf32> to vector<16xf32>
    %swap3A_303 = vector.shape_cast %scan3A_39#43 : vector<16xf32> to vector<1x16xf32>
    tpu.vector_store %arg5[%swap3A_299, %swap3A_300], %swap3A_303 {strides = array<i32>} : memref<8x128xf32, #tpu.memory_space<vmem>>, vector<1x16xf32>,
    %swap3A_304 = arith.constant 4 : i32
    %swap3A_305 = arith.index_cast %swap3A_304 : i32 to index
    %swap3A_306 = arith.constant 80 : index
    %swap3A_307 = tpu.vector_load %arg5[%swap3A_305, %swap3A_306] {strides = array<i32>} : memref<8x128xf32, #tpu.memory_space<vmem>>, vector<1x16xf32>,
    %swap3A_308 = vector.shape_cast %swap3A_307 : vector<1x16xf32> to vector<16xf32>
    %swap3A_309 = vector.shape_cast %scan3A_39#44 : vector<16xf32> to vector<1x16xf32>
    tpu.vector_store %arg5[%swap3A_305, %swap3A_306], %swap3A_309 {strides = array<i32>} : memref<8x128xf32, #tpu.memory_space<vmem>>, vector<1x16xf32>,
    %swap3A_310 = arith.constant 5 : i32
    %swap3A_311 = arith.index_cast %swap3A_310 : i32 to index
    %swap3A_312 = arith.constant 80 : index
    %swap3A_313 = tpu.vector_load %arg5[%swap3A_311, %swap3A_312] {strides = array<i32>} : memref<8x128xf32, #tpu.memory_space<vmem>>, vector<1x16xf32>,
    %swap3A_314 = vector.shape_cast %swap3A_313 : vector<1x16xf32> to vector<16xf32>
    %swap3A_315 = vector.shape_cast %scan3A_39#45 : vector<16xf32> to vector<1x16xf32>
    tpu.vector_store %arg5[%swap3A_311, %swap3A_312], %swap3A_315 {strides = array<i32>} : memref<8x128xf32, #tpu.memory_space<vmem>>, vector<1x16xf32>,
    %swap3A_316 = arith.constant 6 : i32
    %swap3A_317 = arith.index_cast %swap3A_316 : i32 to index
    %swap3A_318 = arith.constant 80 : index
    %swap3A_319 = tpu.vector_load %arg5[%swap3A_317, %swap3A_318] {strides = array<i32>} : memref<8x128xf32, #tpu.memory_space<vmem>>, vector<1x16xf32>,
    %swap3A_320 = vector.shape_cast %swap3A_319 : vector<1x16xf32> to vector<16xf32>
    %swap3A_321 = vector.shape_cast %scan3A_39#46 : vector<16xf32> to vector<1x16xf32>
    tpu.vector_store %arg5[%swap3A_317, %swap3A_318], %swap3A_321 {strides = array<i32>} : memref<8x128xf32, #tpu.memory_space<vmem>>, vector<1x16xf32>,
    %swap3A_322 = arith.constant 7 : i32
    %swap3A_323 = arith.index_cast %swap3A_322 : i32 to index
    %swap3A_324 = arith.constant 80 : index
    %swap3A_325 = tpu.vector_load %arg5[%swap3A_323, %swap3A_324] {strides = array<i32>} : memref<8x128xf32, #tpu.memory_space<vmem>>, vector<1x16xf32>,
    %swap3A_326 = vector.shape_cast %swap3A_325 : vector<1x16xf32> to vector<16xf32>
    %swap3A_327 = vector.shape_cast %scan3A_39#47 : vector<16xf32> to vector<1x16xf32>
    tpu.vector_store %arg5[%swap3A_323, %swap3A_324], %swap3A_327 {strides = array<i32>} : memref<8x128xf32, #tpu.memory_space<vmem>>, vector<1x16xf32>,
    %swap3A_328 = arith.constant 0 : i32
    %swap3A_329 = arith.index_cast %swap3A_328 : i32 to index
    %swap3A_330 = arith.constant 96 : index
    %swap3A_331 = tpu.vector_load %arg5[%swap3A_329, %swap3A_330] {strides = array<i32>} : memref<8x128xf32, #tpu.memory_space<vmem>>, vector<1x16xf32>,
    %swap3A_332 = vector.shape_cast %swap3A_331 : vector<1x16xf32> to vector<16xf32>
    %swap3A_333 = vector.shape_cast %scan3A_39#48 : vector<16xf32> to vector<1x16xf32>
    tpu.vector_store %arg5[%swap3A_329, %swap3A_330], %swap3A_333 {strides = array<i32>} : memref<8x128xf32, #tpu.memory_space<vmem>>, vector<1x16xf32>,
    %swap3A_334 = arith.constant 1 : i32
    %swap3A_335 = arith.index_cast %swap3A_334 : i32 to index
    %swap3A_336 = arith.constant 96 : index
    %swap3A_337 = tpu.vector_load %arg5[%swap3A_335, %swap3A_336] {strides = array<i32>} : memref<8x128xf32, #tpu.memory_space<vmem>>, vector<1x16xf32>,
    %swap3A_338 = vector.shape_cast %swap3A_337 : vector<1x16xf32> to vector<16xf32>
    %swap3A_339 = vector.shape_cast %scan3A_39#49 : vector<16xf32> to vector<1x16xf32>
    tpu.vector_store %arg5[%swap3A_335, %swap3A_336], %swap3A_339 {strides = array<i32>} : memref<8x128xf32, #tpu.memory_space<vmem>>, vector<1x16xf32>,
    %swap3A_340 = arith.constant 2 : i32
    %swap3A_341 = arith.index_cast %swap3A_340 : i32 to index
    %swap3A_342 = arith.constant 96 : index
    %swap3A_343 = tpu.vector_load %arg5[%swap3A_341, %swap3A_342] {strides = array<i32>} : memref<8x128xf32, #tpu.memory_space<vmem>>, vector<1x16xf32>,
    %swap3A_344 = vector.shape_cast %swap3A_343 : vector<1x16xf32> to vector<16xf32>
    %swap3A_345 = vector.shape_cast %scan3A_39#50 : vector<16xf32> to vector<1x16xf32>
    tpu.vector_store %arg5[%swap3A_341, %swap3A_342], %swap3A_345 {strides = array<i32>} : memref<8x128xf32, #tpu.memory_space<vmem>>, vector<1x16xf32>,
    %swap3A_346 = arith.constant 3 : i32
    %swap3A_347 = arith.index_cast %swap3A_346 : i32 to index
    %swap3A_348 = arith.constant 96 : index
    %swap3A_349 = tpu.vector_load %arg5[%swap3A_347, %swap3A_348] {strides = array<i32>} : memref<8x128xf32, #tpu.memory_space<vmem>>, vector<1x16xf32>,
    %swap3A_350 = vector.shape_cast %swap3A_349 : vector<1x16xf32> to vector<16xf32>
    %swap3A_351 = vector.shape_cast %scan3A_39#51 : vector<16xf32> to vector<1x16xf32>
    tpu.vector_store %arg5[%swap3A_347, %swap3A_348], %swap3A_351 {strides = array<i32>} : memref<8x128xf32, #tpu.memory_space<vmem>>, vector<1x16xf32>,
    %swap3A_352 = arith.constant 4 : i32
    %swap3A_353 = arith.index_cast %swap3A_352 : i32 to index
    %swap3A_354 = arith.constant 96 : index
    %swap3A_355 = tpu.vector_load %arg5[%swap3A_353, %swap3A_354] {strides = array<i32>} : memref<8x128xf32, #tpu.memory_space<vmem>>, vector<1x16xf32>,
    %swap3A_356 = vector.shape_cast %swap3A_355 : vector<1x16xf32> to vector<16xf32>
    %swap3A_357 = vector.shape_cast %scan3A_39#52 : vector<16xf32> to vector<1x16xf32>
    tpu.vector_store %arg5[%swap3A_353, %swap3A_354], %swap3A_357 {strides = array<i32>} : memref<8x128xf32, #tpu.memory_space<vmem>>, vector<1x16xf32>,
    %swap3A_358 = arith.constant 5 : i32
    %swap3A_359 = arith.index_cast %swap3A_358 : i32 to index
    %swap3A_360 = arith.constant 96 : index
    %swap3A_361 = tpu.vector_load %arg5[%swap3A_359, %swap3A_360] {strides = array<i32>} : memref<8x128xf32, #tpu.memory_space<vmem>>, vector<1x16xf32>,
    %swap3A_362 = vector.shape_cast %swap3A_361 : vector<1x16xf32> to vector<16xf32>
    %swap3A_363 = vector.shape_cast %scan3A_39#53 : vector<16xf32> to vector<1x16xf32>
    tpu.vector_store %arg5[%swap3A_359, %swap3A_360], %swap3A_363 {strides = array<i32>} : memref<8x128xf32, #tpu.memory_space<vmem>>, vector<1x16xf32>,
    %swap3A_364 = arith.constant 6 : i32
    %swap3A_365 = arith.index_cast %swap3A_364 : i32 to index
    %swap3A_366 = arith.constant 96 : index
    %swap3A_367 = tpu.vector_load %arg5[%swap3A_365, %swap3A_366] {strides = array<i32>} : memref<8x128xf32, #tpu.memory_space<vmem>>, vector<1x16xf32>,
    %swap3A_368 = vector.shape_cast %swap3A_367 : vector<1x16xf32> to vector<16xf32>
    %swap3A_369 = vector.shape_cast %scan3A_39#54 : vector<16xf32> to vector<1x16xf32>
    tpu.vector_store %arg5[%swap3A_365, %swap3A_366], %swap3A_369 {strides = array<i32>} : memref<8x128xf32, #tpu.memory_space<vmem>>, vector<1x16xf32>,
    %swap3A_370 = arith.constant 7 : i32
    %swap3A_371 = arith.index_cast %swap3A_370 : i32 to index
    %swap3A_372 = arith.constant 96 : index
    %swap3A_373 = tpu.vector_load %arg5[%swap3A_371, %swap3A_372] {strides = array<i32>} : memref<8x128xf32, #tpu.memory_space<vmem>>, vector<1x16xf32>,
    %swap3A_374 = vector.shape_cast %swap3A_373 : vector<1x16xf32> to vector<16xf32>
    %swap3A_375 = vector.shape_cast %scan3A_39#55 : vector<16xf32> to vector<1x16xf32>
    tpu.vector_store %arg5[%swap3A_371, %swap3A_372], %swap3A_375 {strides = array<i32>} : memref<8x128xf32, #tpu.memory_space<vmem>>, vector<1x16xf32>,
    %swap3A_376 = arith.constant 0 : i32
    %swap3A_377 = arith.index_cast %swap3A_376 : i32 to index
    %swap3A_378 = arith.constant 112 : index
    %swap3A_379 = tpu.vector_load %arg5[%swap3A_377, %swap3A_378] {strides = array<i32>} : memref<8x128xf32, #tpu.memory_space<vmem>>, vector<1x16xf32>,
    %swap3A_380 = vector.shape_cast %swap3A_379 : vector<1x16xf32> to vector<16xf32>
    %swap3A_381 = vector.shape_cast %scan3A_39#56 : vector<16xf32> to vector<1x16xf32>
    tpu.vector_store %arg5[%swap3A_377, %swap3A_378], %swap3A_381 {strides = array<i32>} : memref<8x128xf32, #tpu.memory_space<vmem>>, vector<1x16xf32>,
    %swap3A_382 = arith.constant 1 : i32
    %swap3A_383 = arith.index_cast %swap3A_382 : i32 to index
    %swap3A_384 = arith.constant 112 : index
    %swap3A_385 = tpu.vector_load %arg5[%swap3A_383, %swap3A_384] {strides = array<i32>} : memref<8x128xf32, #tpu.memory_space<vmem>>, vector<1x16xf32>,
    %swap3A_386 = vector.shape_cast %swap3A_385 : vector<1x16xf32> to vector<16xf32>
    %swap3A_387 = vector.shape_cast %scan3A_39#57 : vector<16xf32> to vector<1x16xf32>
    tpu.vector_store %arg5[%swap3A_383, %swap3A_384], %swap3A_387 {strides = array<i32>} : memref<8x128xf32, #tpu.memory_space<vmem>>, vector<1x16xf32>,
    %swap3A_388 = arith.constant 2 : i32
    %swap3A_389 = arith.index_cast %swap3A_388 : i32 to index
    %swap3A_390 = arith.constant 112 : index
    %swap3A_391 = tpu.vector_load %arg5[%swap3A_389, %swap3A_390] {strides = array<i32>} : memref<8x128xf32, #tpu.memory_space<vmem>>, vector<1x16xf32>,
    %swap3A_392 = vector.shape_cast %swap3A_391 : vector<1x16xf32> to vector<16xf32>
    %swap3A_393 = vector.shape_cast %scan3A_39#58 : vector<16xf32> to vector<1x16xf32>
    tpu.vector_store %arg5[%swap3A_389, %swap3A_390], %swap3A_393 {strides = array<i32>} : memref<8x128xf32, #tpu.memory_space<vmem>>, vector<1x16xf32>,
    %swap3A_394 = arith.constant 3 : i32
    %swap3A_395 = arith.index_cast %swap3A_394 : i32 to index
    %swap3A_396 = arith.constant 112 : index
    %swap3A_397 = tpu.vector_load %arg5[%swap3A_395, %swap3A_396] {strides = array<i32>} : memref<8x128xf32, #tpu.memory_space<vmem>>, vector<1x16xf32>,
    %swap3A_398 = vector.shape_cast %swap3A_397 : vector<1x16xf32> to vector<16xf32>
    %swap3A_399 = vector.shape_cast %scan3A_39#59 : vector<16xf32> to vector<1x16xf32>
    tpu.vector_store %arg5[%swap3A_395, %swap3A_396], %swap3A_399 {strides = array<i32>} : memref<8x128xf32, #tpu.memory_space<vmem>>, vector<1x16xf32>,
    %swap3A_400 = arith.constant 4 : i32
    %swap3A_401 = arith.index_cast %swap3A_400 : i32 to index
    %swap3A_402 = arith.constant 112 : index
    %swap3A_403 = tpu.vector_load %arg5[%swap3A_401, %swap3A_402] {strides = array<i32>} : memref<8x128xf32, #tpu.memory_space<vmem>>, vector<1x16xf32>,
    %swap3A_404 = vector.shape_cast %swap3A_403 : vector<1x16xf32> to vector<16xf32>
    %swap3A_405 = vector.shape_cast %scan3A_39#60 : vector<16xf32> to vector<1x16xf32>
    tpu.vector_store %arg5[%swap3A_401, %swap3A_402], %swap3A_405 {strides = array<i32>} : memref<8x128xf32, #tpu.memory_space<vmem>>, vector<1x16xf32>,
    %swap3A_406 = arith.constant 5 : i32
    %swap3A_407 = arith.index_cast %swap3A_406 : i32 to index
    %swap3A_408 = arith.constant 112 : index
    %swap3A_409 = tpu.vector_load %arg5[%swap3A_407, %swap3A_408] {strides = array<i32>} : memref<8x128xf32, #tpu.memory_space<vmem>>, vector<1x16xf32>,
    %swap3A_410 = vector.shape_cast %swap3A_409 : vector<1x16xf32> to vector<16xf32>
    %swap3A_411 = vector.shape_cast %scan3A_39#61 : vector<16xf32> to vector<1x16xf32>
    tpu.vector_store %arg5[%swap3A_407, %swap3A_408], %swap3A_411 {strides = array<i32>} : memref<8x128xf32, #tpu.memory_space<vmem>>, vector<1x16xf32>,
    %swap3A_412 = arith.constant 6 : i32
    %swap3A_413 = arith.index_cast %swap3A_412 : i32 to index
    %swap3A_414 = arith.constant 112 : index
    %swap3A_415 = tpu.vector_load %arg5[%swap3A_413, %swap3A_414] {strides = array<i32>} : memref<8x128xf32, #tpu.memory_space<vmem>>, vector<1x16xf32>,
    %swap3A_416 = vector.shape_cast %swap3A_415 : vector<1x16xf32> to vector<16xf32>
    %swap3A_417 = vector.shape_cast %scan3A_39#62 : vector<16xf32> to vector<1x16xf32>
    tpu.vector_store %arg5[%swap3A_413, %swap3A_414], %swap3A_417 {strides = array<i32>} : memref<8x128xf32, #tpu.memory_space<vmem>>, vector<1x16xf32>,
    %swap3A_418 = arith.constant 7 : i32
    %swap3A_419 = arith.index_cast %swap3A_418 : i32 to index
    %swap3A_420 = arith.constant 112 : index
    %swap3A_421 = tpu.vector_load %arg5[%swap3A_419, %swap3A_420] {strides = array<i32>} : memref<8x128xf32, #tpu.memory_space<vmem>>, vector<1x16xf32>,
    %swap3A_422 = vector.shape_cast %swap3A_421 : vector<1x16xf32> to vector<16xf32>
    %swap3A_423 = vector.shape_cast %scan3A_39#63 : vector<16xf32> to vector<1x16xf32>
    tpu.vector_store %arg5[%swap3A_419, %swap3A_420], %swap3A_423 {strides = array<i32>} : memref<8x128xf32, #tpu.memory_space<vmem>>, vector<1x16xf32>,
    "tpu.region"() ({
      %run_scoped3A = tpu.sem_alloc : memref<!tpu.dma_semaphore, #tpu.memory_space<semaphore_mem>>
      %dma_start3A = arith.constant 0 : i32
      %dma_start3A_424 = arith.constant 0 : i32
      %dma_start3A_425 = tpu.memref_slice %arg3[%select_n3A, %select_n3A_30, %dma_start3A, %dma_start3A_424] : memref<4x8x8x128xf32, #tpu.memory_space<hbm>> -> memref<1x1x8x128xf32, #tpu.memory_space<hbm>>
      %dma_start3A_426 = tpu.memref_squeeze %dma_start3A_425 : memref<1x1x8x128xf32, #tpu.memory_space<hbm>> -> memref<8x128xf32, #tpu.memory_space<hbm>>
      %dma_start3A_427 = arith.constant 0 : i32
      %dma_start3A_428 = arith.constant 0 : i32
      %dma_start3A_429 = tpu.memref_slice %arg3[%select_n3A, %select_n3A_30, %dma_start3A_427, %dma_start3A_428] : memref<4x8x8x128xf32, #tpu.memory_space<hbm>> -> memref<1x1x8x128xf32, #tpu.memory_space<hbm>>
      %dma_start3A_430 = tpu.memref_squeeze %dma_start3A_429 : memref<1x1x8x128xf32, #tpu.memory_space<hbm>> -> memref<8x128xf32, #tpu.memory_space<hbm>>
      tpu.enqueue_dma source(%arg5 : memref<8x128xf32, #tpu.memory_space<vmem>>) target(%dma_start3A_430 : memref<8x128xf32, #tpu.memory_space<hbm>>) target_semaphore(%run_scoped3A : memref<!tpu.dma_semaphore, #tpu.memory_space<semaphore_mem>>)
      %dma_wait3A = arith.constant 0 : i32
      %dma_wait3A_431 = arith.constant 0 : i32
      %dma_wait3A_432 = tpu.memref_slice %arg3[%select_n3A, %select_n3A_30, %dma_wait3A, %dma_wait3A_431] : memref<4x8x8x128xf32, #tpu.memory_space<hbm>> -> memref<1x1x8x128xf32, #tpu.memory_space<hbm>>
      %dma_wait3A_433 = tpu.memref_squeeze %dma_wait3A_432 : memref<1x1x8x128xf32, #tpu.memory_space<hbm>> -> memref<8x128xf32, #tpu.memory_space<hbm>>
      %dma_wait3A_434 = arith.constant 0 : i32
      %dma_wait3A_435 = arith.constant 0 : i32
      %dma_wait3A_436 = tpu.memref_slice %arg3[%select_n3A, %select_n3A_30, %dma_wait3A_434, %dma_wait3A_435] : memref<4x8x8x128xf32, #tpu.memory_space<hbm>> -> memref<1x1x8x128xf32, #tpu.memory_space<hbm>>
      %dma_wait3A_437 = tpu.memref_squeeze %dma_wait3A_436 : memref<1x1x8x128xf32, #tpu.memory_space<hbm>> -> memref<8x128xf32, #tpu.memory_space<hbm>>
      tpu.wait_dma2 semaphore(%run_scoped3A : memref<!tpu.dma_semaphore, #tpu.memory_space<semaphore_mem>>) src(%arg5 : memref<8x128xf32, #tpu.memory_space<vmem>>) dst(%dma_wait3A_437 : memref<8x128xf32, #tpu.memory_space<hbm>>)
      tpu.yield
    }) : () -> ()
    return
  }
}

module attributes {stable_mosaic.version = 14 : i64} {
  func.func @_tc_body(%arg0: i32, %arg1: memref<1x8192x128xf32, #tpu.memory_space<vmem>>, %arg2: memref<1x128x8xf32, #tpu.memory_space<vmem>>) attributes {dimension_semantics = [#tpu.dimension_semantics<arbitrary>], iteration_bounds = array<i64: 28>, scalar_prefetch = 0 : i64, scratch_operands = 0 : i64, tpu.core_type = #tpu.core_type<tc>, window_params = [{transform_indices = @transform_0, window_bounds = array<i64: 1, 8192, 128>}, {transform_indices = @transform_1, window_bounds = array<i64: 1, 128, 8>}]} {
    %broadcast_in_dim3A = arith.constant 0xFF800000 : f32
    %broadcast_in_dim3A_0 = vector.broadcast %broadcast_in_dim3A : f32 to vector<16x128xf32>
    %broadcast_in_dim3A_1 = arith.constant 0xFF800000 : f32
    %broadcast_in_dim3A_2 = vector.broadcast %broadcast_in_dim3A_1 : f32 to vector<16x128xf32>
    %broadcast_in_dim3A_3 = arith.constant 0xFF800000 : f32
    %broadcast_in_dim3A_4 = vector.broadcast %broadcast_in_dim3A_3 : f32 to vector<16x128xf32>
    %broadcast_in_dim3A_5 = arith.constant 0xFF800000 : f32
    %broadcast_in_dim3A_6 = vector.broadcast %broadcast_in_dim3A_5 : f32 to vector<16x128xf32>
    %broadcast_in_dim3A_7 = arith.constant 0xFF800000 : f32
    %broadcast_in_dim3A_8 = vector.broadcast %broadcast_in_dim3A_7 : f32 to vector<16x128xf32>
    %broadcast_in_dim3A_9 = arith.constant 0xFF800000 : f32
    %broadcast_in_dim3A_10 = vector.broadcast %broadcast_in_dim3A_9 : f32 to vector<16x128xf32>
    %broadcast_in_dim3A_11 = arith.constant 0xFF800000 : f32
    %broadcast_in_dim3A_12 = vector.broadcast %broadcast_in_dim3A_11 : f32 to vector<16x128xf32>
    %broadcast_in_dim3A_13 = arith.constant 0xFF800000 : f32
    %broadcast_in_dim3A_14 = vector.broadcast %broadcast_in_dim3A_13 : f32 to vector<16x128xf32>
    %scan3A = arith.constant 0 : i32
    %scan3A_15 = arith.constant 32 : i32
    %scan3A_16 = arith.addi %scan3A, %scan3A_15 : i32
    %scan3A_17 = arith.constant 1 : i32
    %scan3A_18:8 = scf.for %scan3A_214 = %scan3A to %scan3A_16 step %scan3A_17 iter_args(%scan3A_215 = %broadcast_in_dim3A_0, %scan3A_216 = %broadcast_in_dim3A_2, %scan3A_217 = %broadcast_in_dim3A_4, %scan3A_218 = %broadcast_in_dim3A_6, %scan3A_219 = %broadcast_in_dim3A_8, %scan3A_220 = %broadcast_in_dim3A_10, %scan3A_221 = %broadcast_in_dim3A_12, %scan3A_222 = %broadcast_in_dim3A_14) -> (vector<16x128xf32>, vector<16x128xf32>, vector<16x128xf32>, vector<16x128xf32>, vector<16x128xf32>, vector<16x128xf32>, vector<16x128xf32>, vector<16x128xf32>)  : i32 {
      %mul3A = arith.constant 2 : i32
      %mul3A_223 = arith.muli %scan3A_214, %mul3A : i32
      %mul3A_224 = arith.constant 128 : i32
      %mul3A_225 = arith.muli %mul3A_223, %mul3A_224 : i32
      %get3A = arith.constant 0 : index
      %get3A_226 = arith.index_cast %mul3A_225 : i32 to index
      %get3A_227 = arith.constant 0 : index
      %get3A_228 = vector.load %arg1[%get3A, %get3A_226, %get3A_227] : memref<1x8192x128xf32, #tpu.memory_space<vmem>>, vector<1x256x128xf32>
      %get3A_229 = vector.shape_cast %get3A_228 : vector<1x256x128xf32> to vector<256x128xf32>
      %slice3A_230 = vector.extract_strided_slice %get3A_229 {offsets = [0, 0], sizes = [16, 128], strides = [1, 1]} : vector<256x128xf32> to vector<16x128xf32>
      %slice3A_231 = vector.extract_strided_slice %get3A_229 {offsets = [16, 0], sizes = [16, 128], strides = [1, 1]} : vector<256x128xf32> to vector<16x128xf32>
      %slice3A_232 = vector.extract_strided_slice %get3A_229 {offsets = [32, 0], sizes = [16, 128], strides = [1, 1]} : vector<256x128xf32> to vector<16x128xf32>
      %slice3A_233 = vector.extract_strided_slice %get3A_229 {offsets = [48, 0], sizes = [16, 128], strides = [1, 1]} : vector<256x128xf32> to vector<16x128xf32>
      %slice3A_234 = vector.extract_strided_slice %get3A_229 {offsets = [64, 0], sizes = [16, 128], strides = [1, 1]} : vector<256x128xf32> to vector<16x128xf32>
      %slice3A_235 = vector.extract_strided_slice %get3A_229 {offsets = [80, 0], sizes = [16, 128], strides = [1, 1]} : vector<256x128xf32> to vector<16x128xf32>
      %slice3A_236 = vector.extract_strided_slice %get3A_229 {offsets = [96, 0], sizes = [16, 128], strides = [1, 1]} : vector<256x128xf32> to vector<16x128xf32>
      %slice3A_237 = vector.extract_strided_slice %get3A_229 {offsets = [112, 0], sizes = [16, 128], strides = [1, 1]} : vector<256x128xf32> to vector<16x128xf32>
      %max3A_238 = arith.maximumf %slice3A_230, %slice3A_231 : vector<16x128xf32>
      %min3A_239 = arith.minimumf %slice3A_230, %slice3A_231 : vector<16x128xf32>
      %max3A_240 = arith.maximumf %slice3A_232, %slice3A_233 : vector<16x128xf32>
      %min3A_241 = arith.minimumf %slice3A_232, %slice3A_233 : vector<16x128xf32>
      %max3A_242 = arith.maximumf %slice3A_234, %slice3A_235 : vector<16x128xf32>
      %min3A_243 = arith.minimumf %slice3A_234, %slice3A_235 : vector<16x128xf32>
      %max3A_244 = arith.maximumf %slice3A_236, %slice3A_237 : vector<16x128xf32>
      %min3A_245 = arith.minimumf %slice3A_236, %slice3A_237 : vector<16x128xf32>
      %max3A_246 = arith.maximumf %max3A_238, %max3A_240 : vector<16x128xf32>
      %min3A_247 = arith.minimumf %max3A_238, %max3A_240 : vector<16x128xf32>
      %max3A_248 = arith.maximumf %min3A_239, %min3A_241 : vector<16x128xf32>
      %min3A_249 = arith.minimumf %min3A_239, %min3A_241 : vector<16x128xf32>
      %max3A_250 = arith.maximumf %max3A_242, %max3A_244 : vector<16x128xf32>
      %min3A_251 = arith.minimumf %max3A_242, %max3A_244 : vector<16x128xf32>
      %max3A_252 = arith.maximumf %min3A_243, %min3A_245 : vector<16x128xf32>
      %min3A_253 = arith.minimumf %min3A_243, %min3A_245 : vector<16x128xf32>
      %max3A_254 = arith.maximumf %max3A_248, %min3A_247 : vector<16x128xf32>
      %min3A_255 = arith.minimumf %max3A_248, %min3A_247 : vector<16x128xf32>
      %max3A_256 = arith.maximumf %max3A_252, %min3A_251 : vector<16x128xf32>
      %min3A_257 = arith.minimumf %max3A_252, %min3A_251 : vector<16x128xf32>
      %max3A_258 = arith.maximumf %max3A_246, %max3A_250 : vector<16x128xf32>
      %min3A_259 = arith.minimumf %max3A_246, %max3A_250 : vector<16x128xf32>
      %max3A_260 = arith.maximumf %min3A_249, %min3A_253 : vector<16x128xf32>
      %min3A_261 = arith.minimumf %min3A_249, %min3A_253 : vector<16x128xf32>
      %max3A_262 = arith.maximumf %max3A_254, %max3A_256 : vector<16x128xf32>
      %min3A_263 = arith.minimumf %max3A_254, %max3A_256 : vector<16x128xf32>
      %max3A_264 = arith.maximumf %min3A_255, %min3A_257 : vector<16x128xf32>
      %min3A_265 = arith.minimumf %min3A_255, %min3A_257 : vector<16x128xf32>
      %max3A_266 = arith.maximumf %max3A_262, %min3A_259 : vector<16x128xf32>
      %min3A_267 = arith.minimumf %max3A_262, %min3A_259 : vector<16x128xf32>
      %max3A_268 = arith.maximumf %max3A_260, %min3A_265 : vector<16x128xf32>
      %min3A_269 = arith.minimumf %max3A_260, %min3A_265 : vector<16x128xf32>
      %max3A_270 = arith.maximumf %max3A_264, %min3A_267 : vector<16x128xf32>
      %min3A_271 = arith.minimumf %max3A_264, %min3A_267 : vector<16x128xf32>
      %max3A_272 = arith.maximumf %max3A_268, %min3A_263 : vector<16x128xf32>
      %min3A_273 = arith.minimumf %max3A_268, %min3A_263 : vector<16x128xf32>
      %max3A_274 = arith.maximumf %max3A_272, %min3A_271 : vector<16x128xf32>
      %min3A_275 = arith.minimumf %max3A_272, %min3A_271 : vector<16x128xf32>
      %slice3A_276 = vector.extract_strided_slice %get3A_229 {offsets = [128, 0], sizes = [16, 128], strides = [1, 1]} : vector<256x128xf32> to vector<16x128xf32>
      %slice3A_277 = vector.extract_strided_slice %get3A_229 {offsets = [144, 0], sizes = [16, 128], strides = [1, 1]} : vector<256x128xf32> to vector<16x128xf32>
      %slice3A_278 = vector.extract_strided_slice %get3A_229 {offsets = [160, 0], sizes = [16, 128], strides = [1, 1]} : vector<256x128xf32> to vector<16x128xf32>
      %slice3A_279 = vector.extract_strided_slice %get3A_229 {offsets = [176, 0], sizes = [16, 128], strides = [1, 1]} : vector<256x128xf32> to vector<16x128xf32>
      %slice3A_280 = vector.extract_strided_slice %get3A_229 {offsets = [192, 0], sizes = [16, 128], strides = [1, 1]} : vector<256x128xf32> to vector<16x128xf32>
      %slice3A_281 = vector.extract_strided_slice %get3A_229 {offsets = [208, 0], sizes = [16, 128], strides = [1, 1]} : vector<256x128xf32> to vector<16x128xf32>
      %slice3A_282 = vector.extract_strided_slice %get3A_229 {offsets = [224, 0], sizes = [16, 128], strides = [1, 1]} : vector<256x128xf32> to vector<16x128xf32>
      %slice3A_283 = vector.extract_strided_slice %get3A_229 {offsets = [240, 0], sizes = [16, 128], strides = [1, 1]} : vector<256x128xf32> to vector<16x128xf32>
      %max3A_284 = arith.maximumf %slice3A_276, %slice3A_277 : vector<16x128xf32>
      %min3A_285 = arith.minimumf %slice3A_276, %slice3A_277 : vector<16x128xf32>
      %max3A_286 = arith.maximumf %slice3A_278, %slice3A_279 : vector<16x128xf32>
      %min3A_287 = arith.minimumf %slice3A_278, %slice3A_279 : vector<16x128xf32>
      %max3A_288 = arith.maximumf %slice3A_280, %slice3A_281 : vector<16x128xf32>
      %min3A_289 = arith.minimumf %slice3A_280, %slice3A_281 : vector<16x128xf32>
      %max3A_290 = arith.maximumf %slice3A_282, %slice3A_283 : vector<16x128xf32>
      %min3A_291 = arith.minimumf %slice3A_282, %slice3A_283 : vector<16x128xf32>
      %max3A_292 = arith.maximumf %max3A_284, %max3A_286 : vector<16x128xf32>
      %min3A_293 = arith.minimumf %max3A_284, %max3A_286 : vector<16x128xf32>
      %max3A_294 = arith.maximumf %min3A_285, %min3A_287 : vector<16x128xf32>
      %min3A_295 = arith.minimumf %min3A_285, %min3A_287 : vector<16x128xf32>
      %max3A_296 = arith.maximumf %max3A_288, %max3A_290 : vector<16x128xf32>
      %min3A_297 = arith.minimumf %max3A_288, %max3A_290 : vector<16x128xf32>
      %max3A_298 = arith.maximumf %min3A_289, %min3A_291 : vector<16x128xf32>
      %min3A_299 = arith.minimumf %min3A_289, %min3A_291 : vector<16x128xf32>
      %max3A_300 = arith.maximumf %max3A_294, %min3A_293 : vector<16x128xf32>
      %min3A_301 = arith.minimumf %max3A_294, %min3A_293 : vector<16x128xf32>
      %max3A_302 = arith.maximumf %max3A_298, %min3A_297 : vector<16x128xf32>
      %min3A_303 = arith.minimumf %max3A_298, %min3A_297 : vector<16x128xf32>
      %max3A_304 = arith.maximumf %max3A_292, %max3A_296 : vector<16x128xf32>
      %min3A_305 = arith.minimumf %max3A_292, %max3A_296 : vector<16x128xf32>
      %max3A_306 = arith.maximumf %min3A_295, %min3A_299 : vector<16x128xf32>
      %min3A_307 = arith.minimumf %min3A_295, %min3A_299 : vector<16x128xf32>
      %max3A_308 = arith.maximumf %max3A_300, %max3A_302 : vector<16x128xf32>
      %min3A_309 = arith.minimumf %max3A_300, %max3A_302 : vector<16x128xf32>
      %max3A_310 = arith.maximumf %min3A_301, %min3A_303 : vector<16x128xf32>
      %min3A_311 = arith.minimumf %min3A_301, %min3A_303 : vector<16x128xf32>
      %max3A_312 = arith.maximumf %max3A_308, %min3A_305 : vector<16x128xf32>
      %min3A_313 = arith.minimumf %max3A_308, %min3A_305 : vector<16x128xf32>
      %max3A_314 = arith.maximumf %max3A_306, %min3A_311 : vector<16x128xf32>
      %min3A_315 = arith.minimumf %max3A_306, %min3A_311 : vector<16x128xf32>
      %max3A_316 = arith.maximumf %max3A_310, %min3A_313 : vector<16x128xf32>
      %min3A_317 = arith.minimumf %max3A_310, %min3A_313 : vector<16x128xf32>
      %max3A_318 = arith.maximumf %max3A_314, %min3A_309 : vector<16x128xf32>
      %min3A_319 = arith.minimumf %max3A_314, %min3A_309 : vector<16x128xf32>
      %max3A_320 = arith.maximumf %max3A_318, %min3A_317 : vector<16x128xf32>
      %min3A_321 = arith.minimumf %max3A_318, %min3A_317 : vector<16x128xf32>
      %max3A_322 = arith.maximumf %max3A_258, %min3A_307 : vector<16x128xf32>
      %max3A_323 = arith.maximumf %max3A_266, %min3A_315 : vector<16x128xf32>
      %max3A_324 = arith.maximumf %max3A_270, %min3A_319 : vector<16x128xf32>
      %max3A_325 = arith.maximumf %max3A_274, %min3A_321 : vector<16x128xf32>
      %max3A_326 = arith.maximumf %min3A_275, %max3A_320 : vector<16x128xf32>
      %max3A_327 = arith.maximumf %min3A_273, %max3A_316 : vector<16x128xf32>
      %max3A_328 = arith.maximumf %min3A_269, %max3A_312 : vector<16x128xf32>
      %max3A_329 = arith.maximumf %min3A_261, %max3A_304 : vector<16x128xf32>
      %max3A_330 = arith.maximumf %max3A_322, %max3A_326 : vector<16x128xf32>
      %min3A_331 = arith.minimumf %max3A_322, %max3A_326 : vector<16x128xf32>
      %max3A_332 = arith.maximumf %max3A_323, %max3A_327 : vector<16x128xf32>
      %min3A_333 = arith.minimumf %max3A_323, %max3A_327 : vector<16x128xf32>
      %max3A_334 = arith.maximumf %max3A_324, %max3A_328 : vector<16x128xf32>
      %min3A_335 = arith.minimumf %max3A_324, %max3A_328 : vector<16x128xf32>
      %max3A_336 = arith.maximumf %max3A_325, %max3A_329 : vector<16x128xf32>
      %min3A_337 = arith.minimumf %max3A_325, %max3A_329 : vector<16x128xf32>
      %max3A_338 = arith.maximumf %max3A_330, %max3A_334 : vector<16x128xf32>
      %min3A_339 = arith.minimumf %max3A_330, %max3A_334 : vector<16x128xf32>
      %max3A_340 = arith.maximumf %max3A_332, %max3A_336 : vector<16x128xf32>
      %min3A_341 = arith.minimumf %max3A_332, %max3A_336 : vector<16x128xf32>
      %max3A_342 = arith.maximumf %min3A_331, %min3A_335 : vector<16x128xf32>
      %min3A_343 = arith.minimumf %min3A_331, %min3A_335 : vector<16x128xf32>
      %max3A_344 = arith.maximumf %min3A_333, %min3A_337 : vector<16x128xf32>
      %min3A_345 = arith.minimumf %min3A_333, %min3A_337 : vector<16x128xf32>
      %max3A_346 = arith.maximumf %max3A_338, %max3A_340 : vector<16x128xf32>
      %min3A_347 = arith.minimumf %max3A_338, %max3A_340 : vector<16x128xf32>
      %max3A_348 = arith.maximumf %min3A_339, %min3A_341 : vector<16x128xf32>
      %min3A_349 = arith.minimumf %min3A_339, %min3A_341 : vector<16x128xf32>
      %max3A_350 = arith.maximumf %max3A_342, %max3A_344 : vector<16x128xf32>
      %min3A_351 = arith.minimumf %max3A_342, %max3A_344 : vector<16x128xf32>
      %max3A_352 = arith.maximumf %min3A_343, %min3A_345 : vector<16x128xf32>
      %min3A_353 = arith.minimumf %min3A_343, %min3A_345 : vector<16x128xf32>
      %max3A_354 = arith.maximumf %scan3A_215, %min3A_353 : vector<16x128xf32>
      %max3A_355 = arith.maximumf %scan3A_216, %max3A_352 : vector<16x128xf32>
      %max3A_356 = arith.maximumf %scan3A_217, %min3A_351 : vector<16x128xf32>
      %max3A_357 = arith.maximumf %scan3A_218, %max3A_350 : vector<16x128xf32>
      %max3A_358 = arith.maximumf %scan3A_219, %min3A_349 : vector<16x128xf32>
      %max3A_359 = arith.maximumf %scan3A_220, %max3A_348 : vector<16x128xf32>
      %max3A_360 = arith.maximumf %scan3A_221, %min3A_347 : vector<16x128xf32>
      %max3A_361 = arith.maximumf %scan3A_222, %max3A_346 : vector<16x128xf32>
      %max3A_362 = arith.maximumf %max3A_354, %max3A_358 : vector<16x128xf32>
      %min3A_363 = arith.minimumf %max3A_354, %max3A_358 : vector<16x128xf32>
      %max3A_364 = arith.maximumf %max3A_355, %max3A_359 : vector<16x128xf32>
      %min3A_365 = arith.minimumf %max3A_355, %max3A_359 : vector<16x128xf32>
      %max3A_366 = arith.maximumf %max3A_356, %max3A_360 : vector<16x128xf32>
      %min3A_367 = arith.minimumf %max3A_356, %max3A_360 : vector<16x128xf32>
      %max3A_368 = arith.maximumf %max3A_357, %max3A_361 : vector<16x128xf32>
      %min3A_369 = arith.minimumf %max3A_357, %max3A_361 : vector<16x128xf32>
      %max3A_370 = arith.maximumf %max3A_362, %max3A_366 : vector<16x128xf32>
      %min3A_371 = arith.minimumf %max3A_362, %max3A_366 : vector<16x128xf32>
      %max3A_372 = arith.maximumf %max3A_364, %max3A_368 : vector<16x128xf32>
      %min3A_373 = arith.minimumf %max3A_364, %max3A_368 : vector<16x128xf32>
      %max3A_374 = arith.maximumf %min3A_363, %min3A_367 : vector<16x128xf32>
      %min3A_375 = arith.minimumf %min3A_363, %min3A_367 : vector<16x128xf32>
      %max3A_376 = arith.maximumf %min3A_365, %min3A_369 : vector<16x128xf32>
      %min3A_377 = arith.minimumf %min3A_365, %min3A_369 : vector<16x128xf32>
      %max3A_378 = arith.maximumf %max3A_370, %max3A_372 : vector<16x128xf32>
      %min3A_379 = arith.minimumf %max3A_370, %max3A_372 : vector<16x128xf32>
      %max3A_380 = arith.maximumf %min3A_371, %min3A_373 : vector<16x128xf32>
      %min3A_381 = arith.minimumf %min3A_371, %min3A_373 : vector<16x128xf32>
      %max3A_382 = arith.maximumf %max3A_374, %max3A_376 : vector<16x128xf32>
      %min3A_383 = arith.minimumf %max3A_374, %max3A_376 : vector<16x128xf32>
      %max3A_384 = arith.maximumf %min3A_375, %min3A_377 : vector<16x128xf32>
      %min3A_385 = arith.minimumf %min3A_375, %min3A_377 : vector<16x128xf32>
      scf.yield %max3A_378, %min3A_379, %max3A_380, %min3A_381, %max3A_382, %min3A_383, %max3A_384, %min3A_385 : vector<16x128xf32>, vector<16x128xf32>, vector<16x128xf32>, vector<16x128xf32>, vector<16x128xf32>, vector<16x128xf32>, vector<16x128xf32>, vector<16x128xf32>
    }
    %scan3A_19 = arith.constant 32 : i32
    %slice3A = vector.extract_strided_slice %scan3A_18#0 {offsets = [0, 0], sizes = [8, 128], strides = [1, 1]} : vector<16x128xf32> to vector<8x128xf32>
    %slice3A_20 = vector.extract_strided_slice %scan3A_18#1 {offsets = [0, 0], sizes = [8, 128], strides = [1, 1]} : vector<16x128xf32> to vector<8x128xf32>
    %slice3A_21 = vector.extract_strided_slice %scan3A_18#2 {offsets = [0, 0], sizes = [8, 128], strides = [1, 1]} : vector<16x128xf32> to vector<8x128xf32>
    %slice3A_22 = vector.extract_strided_slice %scan3A_18#3 {offsets = [0, 0], sizes = [8, 128], strides = [1, 1]} : vector<16x128xf32> to vector<8x128xf32>
    %slice3A_23 = vector.extract_strided_slice %scan3A_18#4 {offsets = [0, 0], sizes = [8, 128], strides = [1, 1]} : vector<16x128xf32> to vector<8x128xf32>
    %slice3A_24 = vector.extract_strided_slice %scan3A_18#5 {offsets = [0, 0], sizes = [8, 128], strides = [1, 1]} : vector<16x128xf32> to vector<8x128xf32>
    %slice3A_25 = vector.extract_strided_slice %scan3A_18#6 {offsets = [0, 0], sizes = [8, 128], strides = [1, 1]} : vector<16x128xf32> to vector<8x128xf32>
    %slice3A_26 = vector.extract_strided_slice %scan3A_18#7 {offsets = [0, 0], sizes = [8, 128], strides = [1, 1]} : vector<16x128xf32> to vector<8x128xf32>
    %slice3A_27 = vector.extract_strided_slice %scan3A_18#0 {offsets = [8, 0], sizes = [8, 128], strides = [1, 1]} : vector<16x128xf32> to vector<8x128xf32>
    %slice3A_28 = vector.extract_strided_slice %scan3A_18#1 {offsets = [8, 0], sizes = [8, 128], strides = [1, 1]} : vector<16x128xf32> to vector<8x128xf32>
    %slice3A_29 = vector.extract_strided_slice %scan3A_18#2 {offsets = [8, 0], sizes = [8, 128], strides = [1, 1]} : vector<16x128xf32> to vector<8x128xf32>
    %slice3A_30 = vector.extract_strided_slice %scan3A_18#3 {offsets = [8, 0], sizes = [8, 128], strides = [1, 1]} : vector<16x128xf32> to vector<8x128xf32>
    %slice3A_31 = vector.extract_strided_slice %scan3A_18#4 {offsets = [8, 0], sizes = [8, 128], strides = [1, 1]} : vector<16x128xf32> to vector<8x128xf32>
    %slice3A_32 = vector.extract_strided_slice %scan3A_18#5 {offsets = [8, 0], sizes = [8, 128], strides = [1, 1]} : vector<16x128xf32> to vector<8x128xf32>
    %slice3A_33 = vector.extract_strided_slice %scan3A_18#6 {offsets = [8, 0], sizes = [8, 128], strides = [1, 1]} : vector<16x128xf32> to vector<8x128xf32>
    %slice3A_34 = vector.extract_strided_slice %scan3A_18#7 {offsets = [8, 0], sizes = [8, 128], strides = [1, 1]} : vector<16x128xf32> to vector<8x128xf32>
    %max3A = arith.maximumf %slice3A, %slice3A_34 : vector<8x128xf32>
    %max3A_35 = arith.maximumf %slice3A_20, %slice3A_33 : vector<8x128xf32>
    %max3A_36 = arith.maximumf %slice3A_21, %slice3A_32 : vector<8x128xf32>
    %max3A_37 = arith.maximumf %slice3A_22, %slice3A_31 : vector<8x128xf32>
    %max3A_38 = arith.maximumf %slice3A_23, %slice3A_30 : vector<8x128xf32>
    %max3A_39 = arith.maximumf %slice3A_24, %slice3A_29 : vector<8x128xf32>
    %max3A_40 = arith.maximumf %slice3A_25, %slice3A_28 : vector<8x128xf32>
    %max3A_41 = arith.maximumf %slice3A_26, %slice3A_27 : vector<8x128xf32>
    %max3A_42 = arith.maximumf %max3A, %max3A_38 : vector<8x128xf32>
    %min3A = arith.minimumf %max3A, %max3A_38 : vector<8x128xf32>
    %max3A_43 = arith.maximumf %max3A_35, %max3A_39 : vector<8x128xf32>
    %min3A_44 = arith.minimumf %max3A_35, %max3A_39 : vector<8x128xf32>
    %max3A_45 = arith.maximumf %max3A_36, %max3A_40 : vector<8x128xf32>
    %min3A_46 = arith.minimumf %max3A_36, %max3A_40 : vector<8x128xf32>
    %max3A_47 = arith.maximumf %max3A_37, %max3A_41 : vector<8x128xf32>
    %min3A_48 = arith.minimumf %max3A_37, %max3A_41 : vector<8x128xf32>
    %max3A_49 = arith.maximumf %max3A_42, %max3A_45 : vector<8x128xf32>
    %min3A_50 = arith.minimumf %max3A_42, %max3A_45 : vector<8x128xf32>
    %max3A_51 = arith.maximumf %max3A_43, %max3A_47 : vector<8x128xf32>
    %min3A_52 = arith.minimumf %max3A_43, %max3A_47 : vector<8x128xf32>
    %max3A_53 = arith.maximumf %min3A, %min3A_46 : vector<8x128xf32>
    %min3A_54 = arith.minimumf %min3A, %min3A_46 : vector<8x128xf32>
    %max3A_55 = arith.maximumf %min3A_44, %min3A_48 : vector<8x128xf32>
    %min3A_56 = arith.minimumf %min3A_44, %min3A_48 : vector<8x128xf32>
    %max3A_57 = arith.maximumf %max3A_49, %max3A_51 : vector<8x128xf32>
    %min3A_58 = arith.minimumf %max3A_49, %max3A_51 : vector<8x128xf32>
    %max3A_59 = arith.maximumf %min3A_50, %min3A_52 : vector<8x128xf32>
    %min3A_60 = arith.minimumf %min3A_50, %min3A_52 : vector<8x128xf32>
    %max3A_61 = arith.maximumf %max3A_53, %max3A_55 : vector<8x128xf32>
    %min3A_62 = arith.minimumf %max3A_53, %max3A_55 : vector<8x128xf32>
    %max3A_63 = arith.maximumf %min3A_54, %min3A_56 : vector<8x128xf32>
    %min3A_64 = arith.minimumf %min3A_54, %min3A_56 : vector<8x128xf32>
    %slice3A_65 = vector.extract_strided_slice %max3A_57 {offsets = [0, 0], sizes = [4, 128], strides = [1, 1]} : vector<8x128xf32> to vector<4x128xf32>
    %slice3A_66 = vector.extract_strided_slice %min3A_58 {offsets = [0, 0], sizes = [4, 128], strides = [1, 1]} : vector<8x128xf32> to vector<4x128xf32>
    %slice3A_67 = vector.extract_strided_slice %max3A_59 {offsets = [0, 0], sizes = [4, 128], strides = [1, 1]} : vector<8x128xf32> to vector<4x128xf32>
    %slice3A_68 = vector.extract_strided_slice %min3A_60 {offsets = [0, 0], sizes = [4, 128], strides = [1, 1]} : vector<8x128xf32> to vector<4x128xf32>
    %slice3A_69 = vector.extract_strided_slice %max3A_61 {offsets = [0, 0], sizes = [4, 128], strides = [1, 1]} : vector<8x128xf32> to vector<4x128xf32>
    %slice3A_70 = vector.extract_strided_slice %min3A_62 {offsets = [0, 0], sizes = [4, 128], strides = [1, 1]} : vector<8x128xf32> to vector<4x128xf32>
    %slice3A_71 = vector.extract_strided_slice %max3A_63 {offsets = [0, 0], sizes = [4, 128], strides = [1, 1]} : vector<8x128xf32> to vector<4x128xf32>
    %slice3A_72 = vector.extract_strided_slice %min3A_64 {offsets = [0, 0], sizes = [4, 128], strides = [1, 1]} : vector<8x128xf32> to vector<4x128xf32>
    %slice3A_73 = vector.extract_strided_slice %max3A_57 {offsets = [4, 0], sizes = [4, 128], strides = [1, 1]} : vector<8x128xf32> to vector<4x128xf32>
    %slice3A_74 = vector.extract_strided_slice %min3A_58 {offsets = [4, 0], sizes = [4, 128], strides = [1, 1]} : vector<8x128xf32> to vector<4x128xf32>
    %slice3A_75 = vector.extract_strided_slice %max3A_59 {offsets = [4, 0], sizes = [4, 128], strides = [1, 1]} : vector<8x128xf32> to vector<4x128xf32>
    %slice3A_76 = vector.extract_strided_slice %min3A_60 {offsets = [4, 0], sizes = [4, 128], strides = [1, 1]} : vector<8x128xf32> to vector<4x128xf32>
    %slice3A_77 = vector.extract_strided_slice %max3A_61 {offsets = [4, 0], sizes = [4, 128], strides = [1, 1]} : vector<8x128xf32> to vector<4x128xf32>
    %slice3A_78 = vector.extract_strided_slice %min3A_62 {offsets = [4, 0], sizes = [4, 128], strides = [1, 1]} : vector<8x128xf32> to vector<4x128xf32>
    %slice3A_79 = vector.extract_strided_slice %max3A_63 {offsets = [4, 0], sizes = [4, 128], strides = [1, 1]} : vector<8x128xf32> to vector<4x128xf32>
    %slice3A_80 = vector.extract_strided_slice %min3A_64 {offsets = [4, 0], sizes = [4, 128], strides = [1, 1]} : vector<8x128xf32> to vector<4x128xf32>
    %max3A_81 = arith.maximumf %slice3A_65, %slice3A_80 : vector<4x128xf32>
    %max3A_82 = arith.maximumf %slice3A_66, %slice3A_79 : vector<4x128xf32>
    %max3A_83 = arith.maximumf %slice3A_67, %slice3A_78 : vector<4x128xf32>
    %max3A_84 = arith.maximumf %slice3A_68, %slice3A_77 : vector<4x128xf32>
    %max3A_85 = arith.maximumf %slice3A_69, %slice3A_76 : vector<4x128xf32>
    %max3A_86 = arith.maximumf %slice3A_70, %slice3A_75 : vector<4x128xf32>
    %max3A_87 = arith.maximumf %slice3A_71, %slice3A_74 : vector<4x128xf32>
    %max3A_88 = arith.maximumf %slice3A_72, %slice3A_73 : vector<4x128xf32>
    %max3A_89 = arith.maximumf %max3A_81, %max3A_85 : vector<4x128xf32>
    %min3A_90 = arith.minimumf %max3A_81, %max3A_85 : vector<4x128xf32>
    %max3A_91 = arith.maximumf %max3A_82, %max3A_86 : vector<4x128xf32>
    %min3A_92 = arith.minimumf %max3A_82, %max3A_86 : vector<4x128xf32>
    %max3A_93 = arith.maximumf %max3A_83, %max3A_87 : vector<4x128xf32>
    %min3A_94 = arith.minimumf %max3A_83, %max3A_87 : vector<4x128xf32>
    %max3A_95 = arith.maximumf %max3A_84, %max3A_88 : vector<4x128xf32>
    %min3A_96 = arith.minimumf %max3A_84, %max3A_88 : vector<4x128xf32>
    %max3A_97 = arith.maximumf %max3A_89, %max3A_93 : vector<4x128xf32>
    %min3A_98 = arith.minimumf %max3A_89, %max3A_93 : vector<4x128xf32>
    %max3A_99 = arith.maximumf %max3A_91, %max3A_95 : vector<4x128xf32>
    %min3A_100 = arith.minimumf %max3A_91, %max3A_95 : vector<4x128xf32>
    %max3A_101 = arith.maximumf %min3A_90, %min3A_94 : vector<4x128xf32>
    %min3A_102 = arith.minimumf %min3A_90, %min3A_94 : vector<4x128xf32>
    %max3A_103 = arith.maximumf %min3A_92, %min3A_96 : vector<4x128xf32>
    %min3A_104 = arith.minimumf %min3A_92, %min3A_96 : vector<4x128xf32>
    %max3A_105 = arith.maximumf %max3A_97, %max3A_99 : vector<4x128xf32>
    %min3A_106 = arith.minimumf %max3A_97, %max3A_99 : vector<4x128xf32>
    %max3A_107 = arith.maximumf %min3A_98, %min3A_100 : vector<4x128xf32>
    %min3A_108 = arith.minimumf %min3A_98, %min3A_100 : vector<4x128xf32>
    %max3A_109 = arith.maximumf %max3A_101, %max3A_103 : vector<4x128xf32>
    %min3A_110 = arith.minimumf %max3A_101, %max3A_103 : vector<4x128xf32>
    %max3A_111 = arith.maximumf %min3A_102, %min3A_104 : vector<4x128xf32>
    %min3A_112 = arith.minimumf %min3A_102, %min3A_104 : vector<4x128xf32>
    %slice3A_113 = vector.extract_strided_slice %max3A_105 {offsets = [0, 0], sizes = [2, 128], strides = [1, 1]} : vector<4x128xf32> to vector<2x128xf32>
    %slice3A_114 = vector.extract_strided_slice %min3A_106 {offsets = [0, 0], sizes = [2, 128], strides = [1, 1]} : vector<4x128xf32> to vector<2x128xf32>
    %slice3A_115 = vector.extract_strided_slice %max3A_107 {offsets = [0, 0], sizes = [2, 128], strides = [1, 1]} : vector<4x128xf32> to vector<2x128xf32>
    %slice3A_116 = vector.extract_strided_slice %min3A_108 {offsets = [0, 0], sizes = [2, 128], strides = [1, 1]} : vector<4x128xf32> to vector<2x128xf32>
    %slice3A_117 = vector.extract_strided_slice %max3A_109 {offsets = [0, 0], sizes = [2, 128], strides = [1, 1]} : vector<4x128xf32> to vector<2x128xf32>
    %slice3A_118 = vector.extract_strided_slice %min3A_110 {offsets = [0, 0], sizes = [2, 128], strides = [1, 1]} : vector<4x128xf32> to vector<2x128xf32>
    %slice3A_119 = vector.extract_strided_slice %max3A_111 {offsets = [0, 0], sizes = [2, 128], strides = [1, 1]} : vector<4x128xf32> to vector<2x128xf32>
    %slice3A_120 = vector.extract_strided_slice %min3A_112 {offsets = [0, 0], sizes = [2, 128], strides = [1, 1]} : vector<4x128xf32> to vector<2x128xf32>
    %slice3A_121 = vector.extract_strided_slice %max3A_105 {offsets = [2, 0], sizes = [2, 128], strides = [1, 1]} : vector<4x128xf32> to vector<2x128xf32>
    %slice3A_122 = vector.extract_strided_slice %min3A_106 {offsets = [2, 0], sizes = [2, 128], strides = [1, 1]} : vector<4x128xf32> to vector<2x128xf32>
    %slice3A_123 = vector.extract_strided_slice %max3A_107 {offsets = [2, 0], sizes = [2, 128], strides = [1, 1]} : vector<4x128xf32> to vector<2x128xf32>
    %slice3A_124 = vector.extract_strided_slice %min3A_108 {offsets = [2, 0], sizes = [2, 128], strides = [1, 1]} : vector<4x128xf32> to vector<2x128xf32>
    %slice3A_125 = vector.extract_strided_slice %max3A_109 {offsets = [2, 0], sizes = [2, 128], strides = [1, 1]} : vector<4x128xf32> to vector<2x128xf32>
    %slice3A_126 = vector.extract_strided_slice %min3A_110 {offsets = [2, 0], sizes = [2, 128], strides = [1, 1]} : vector<4x128xf32> to vector<2x128xf32>
    %slice3A_127 = vector.extract_strided_slice %max3A_111 {offsets = [2, 0], sizes = [2, 128], strides = [1, 1]} : vector<4x128xf32> to vector<2x128xf32>
    %slice3A_128 = vector.extract_strided_slice %min3A_112 {offsets = [2, 0], sizes = [2, 128], strides = [1, 1]} : vector<4x128xf32> to vector<2x128xf32>
    %max3A_129 = arith.maximumf %slice3A_113, %slice3A_128 : vector<2x128xf32>
    %max3A_130 = arith.maximumf %slice3A_114, %slice3A_127 : vector<2x128xf32>
    %max3A_131 = arith.maximumf %slice3A_115, %slice3A_126 : vector<2x128xf32>
    %max3A_132 = arith.maximumf %slice3A_116, %slice3A_125 : vector<2x128xf32>
    %max3A_133 = arith.maximumf %slice3A_117, %slice3A_124 : vector<2x128xf32>
    %max3A_134 = arith.maximumf %slice3A_118, %slice3A_123 : vector<2x128xf32>
    %max3A_135 = arith.maximumf %slice3A_119, %slice3A_122 : vector<2x128xf32>
    %max3A_136 = arith.maximumf %slice3A_120, %slice3A_121 : vector<2x128xf32>
    %max3A_137 = arith.maximumf %max3A_129, %max3A_133 : vector<2x128xf32>
    %min3A_138 = arith.minimumf %max3A_129, %max3A_133 : vector<2x128xf32>
    %max3A_139 = arith.maximumf %max3A_130, %max3A_134 : vector<2x128xf32>
    %min3A_140 = arith.minimumf %max3A_130, %max3A_134 : vector<2x128xf32>
    %max3A_141 = arith.maximumf %max3A_131, %max3A_135 : vector<2x128xf32>
    %min3A_142 = arith.minimumf %max3A_131, %max3A_135 : vector<2x128xf32>
    %max3A_143 = arith.maximumf %max3A_132, %max3A_136 : vector<2x128xf32>
    %min3A_144 = arith.minimumf %max3A_132, %max3A_136 : vector<2x128xf32>
    %max3A_145 = arith.maximumf %max3A_137, %max3A_141 : vector<2x128xf32>
    %min3A_146 = arith.minimumf %max3A_137, %max3A_141 : vector<2x128xf32>
    %max3A_147 = arith.maximumf %max3A_139, %max3A_143 : vector<2x128xf32>
    %min3A_148 = arith.minimumf %max3A_139, %max3A_143 : vector<2x128xf32>
    %max3A_149 = arith.maximumf %min3A_138, %min3A_142 : vector<2x128xf32>
    %min3A_150 = arith.minimumf %min3A_138, %min3A_142 : vector<2x128xf32>
    %max3A_151 = arith.maximumf %min3A_140, %min3A_144 : vector<2x128xf32>
    %min3A_152 = arith.minimumf %min3A_140, %min3A_144 : vector<2x128xf32>
    %max3A_153 = arith.maximumf %max3A_145, %max3A_147 : vector<2x128xf32>
    %min3A_154 = arith.minimumf %max3A_145, %max3A_147 : vector<2x128xf32>
    %max3A_155 = arith.maximumf %min3A_146, %min3A_148 : vector<2x128xf32>
    %min3A_156 = arith.minimumf %min3A_146, %min3A_148 : vector<2x128xf32>
    %max3A_157 = arith.maximumf %max3A_149, %max3A_151 : vector<2x128xf32>
    %min3A_158 = arith.minimumf %max3A_149, %max3A_151 : vector<2x128xf32>
    %max3A_159 = arith.maximumf %min3A_150, %min3A_152 : vector<2x128xf32>
    %min3A_160 = arith.minimumf %min3A_150, %min3A_152 : vector<2x128xf32>
    %slice3A_161 = vector.extract_strided_slice %max3A_153 {offsets = [0, 0], sizes = [1, 128], strides = [1, 1]} : vector<2x128xf32> to vector<1x128xf32>
    %slice3A_162 = vector.extract_strided_slice %min3A_154 {offsets = [0, 0], sizes = [1, 128], strides = [1, 1]} : vector<2x128xf32> to vector<1x128xf32>
    %slice3A_163 = vector.extract_strided_slice %max3A_155 {offsets = [0, 0], sizes = [1, 128], strides = [1, 1]} : vector<2x128xf32> to vector<1x128xf32>
    %slice3A_164 = vector.extract_strided_slice %min3A_156 {offsets = [0, 0], sizes = [1, 128], strides = [1, 1]} : vector<2x128xf32> to vector<1x128xf32>
    %slice3A_165 = vector.extract_strided_slice %max3A_157 {offsets = [0, 0], sizes = [1, 128], strides = [1, 1]} : vector<2x128xf32> to vector<1x128xf32>
    %slice3A_166 = vector.extract_strided_slice %min3A_158 {offsets = [0, 0], sizes = [1, 128], strides = [1, 1]} : vector<2x128xf32> to vector<1x128xf32>
    %slice3A_167 = vector.extract_strided_slice %max3A_159 {offsets = [0, 0], sizes = [1, 128], strides = [1, 1]} : vector<2x128xf32> to vector<1x128xf32>
    %slice3A_168 = vector.extract_strided_slice %min3A_160 {offsets = [0, 0], sizes = [1, 128], strides = [1, 1]} : vector<2x128xf32> to vector<1x128xf32>
    %slice3A_169 = vector.extract_strided_slice %max3A_153 {offsets = [1, 0], sizes = [1, 128], strides = [1, 1]} : vector<2x128xf32> to vector<1x128xf32>
    %slice3A_170 = vector.extract_strided_slice %min3A_154 {offsets = [1, 0], sizes = [1, 128], strides = [1, 1]} : vector<2x128xf32> to vector<1x128xf32>
    %slice3A_171 = vector.extract_strided_slice %max3A_155 {offsets = [1, 0], sizes = [1, 128], strides = [1, 1]} : vector<2x128xf32> to vector<1x128xf32>
    %slice3A_172 = vector.extract_strided_slice %min3A_156 {offsets = [1, 0], sizes = [1, 128], strides = [1, 1]} : vector<2x128xf32> to vector<1x128xf32>
    %slice3A_173 = vector.extract_strided_slice %max3A_157 {offsets = [1, 0], sizes = [1, 128], strides = [1, 1]} : vector<2x128xf32> to vector<1x128xf32>
    %slice3A_174 = vector.extract_strided_slice %min3A_158 {offsets = [1, 0], sizes = [1, 128], strides = [1, 1]} : vector<2x128xf32> to vector<1x128xf32>
    %slice3A_175 = vector.extract_strided_slice %max3A_159 {offsets = [1, 0], sizes = [1, 128], strides = [1, 1]} : vector<2x128xf32> to vector<1x128xf32>
    %slice3A_176 = vector.extract_strided_slice %min3A_160 {offsets = [1, 0], sizes = [1, 128], strides = [1, 1]} : vector<2x128xf32> to vector<1x128xf32>
    %max3A_177 = arith.maximumf %slice3A_161, %slice3A_176 : vector<1x128xf32>
    %max3A_178 = arith.maximumf %slice3A_162, %slice3A_175 : vector<1x128xf32>
    %max3A_179 = arith.maximumf %slice3A_163, %slice3A_174 : vector<1x128xf32>
    %max3A_180 = arith.maximumf %slice3A_164, %slice3A_173 : vector<1x128xf32>
    %max3A_181 = arith.maximumf %slice3A_165, %slice3A_172 : vector<1x128xf32>
    %max3A_182 = arith.maximumf %slice3A_166, %slice3A_171 : vector<1x128xf32>
    %max3A_183 = arith.maximumf %slice3A_167, %slice3A_170 : vector<1x128xf32>
    %max3A_184 = arith.maximumf %slice3A_168, %slice3A_169 : vector<1x128xf32>
    %max3A_185 = arith.maximumf %max3A_177, %max3A_181 : vector<1x128xf32>
    %min3A_186 = arith.minimumf %max3A_177, %max3A_181 : vector<1x128xf32>
    %max3A_187 = arith.maximumf %max3A_178, %max3A_182 : vector<1x128xf32>
    %min3A_188 = arith.minimumf %max3A_178, %max3A_182 : vector<1x128xf32>
    %max3A_189 = arith.maximumf %max3A_179, %max3A_183 : vector<1x128xf32>
    %min3A_190 = arith.minimumf %max3A_179, %max3A_183 : vector<1x128xf32>
    %max3A_191 = arith.maximumf %max3A_180, %max3A_184 : vector<1x128xf32>
    %min3A_192 = arith.minimumf %max3A_180, %max3A_184 : vector<1x128xf32>
    %max3A_193 = arith.maximumf %max3A_185, %max3A_189 : vector<1x128xf32>
    %min3A_194 = arith.minimumf %max3A_185, %max3A_189 : vector<1x128xf32>
    %max3A_195 = arith.maximumf %max3A_187, %max3A_191 : vector<1x128xf32>
    %min3A_196 = arith.minimumf %max3A_187, %max3A_191 : vector<1x128xf32>
    %max3A_197 = arith.maximumf %min3A_186, %min3A_190 : vector<1x128xf32>
    %min3A_198 = arith.minimumf %min3A_186, %min3A_190 : vector<1x128xf32>
    %max3A_199 = arith.maximumf %min3A_188, %min3A_192 : vector<1x128xf32>
    %min3A_200 = arith.minimumf %min3A_188, %min3A_192 : vector<1x128xf32>
    %max3A_201 = arith.maximumf %max3A_193, %max3A_195 : vector<1x128xf32>
    %min3A_202 = arith.minimumf %max3A_193, %max3A_195 : vector<1x128xf32>
    %max3A_203 = arith.maximumf %min3A_194, %min3A_196 : vector<1x128xf32>
    %min3A_204 = arith.minimumf %min3A_194, %min3A_196 : vector<1x128xf32>
    %max3A_205 = arith.maximumf %max3A_197, %max3A_199 : vector<1x128xf32>
    %min3A_206 = arith.minimumf %max3A_197, %max3A_199 : vector<1x128xf32>
    %max3A_207 = arith.maximumf %min3A_198, %min3A_200 : vector<1x128xf32>
    %min3A_208 = arith.minimumf %min3A_198, %min3A_200 : vector<1x128xf32>
    %concatenate3A = tpu.concatenate %max3A_201, %min3A_202, %max3A_203, %min3A_204, %max3A_205, %min3A_206, %max3A_207, %min3A_208 in 0 : vector<1x128xf32>, vector<1x128xf32>, vector<1x128xf32>, vector<1x128xf32>, vector<1x128xf32>, vector<1x128xf32>, vector<1x128xf32>, vector<1x128xf32> -> vector<8x128xf32>
    %transpose3A = tpu.transpose %concatenate3A, [1, 0] : vector<8x128xf32> -> vector<128x8xf32>
    %swap3A = arith.constant 0 : index
    %swap3A_209 = arith.constant 0 : index
    %swap3A_210 = arith.constant 0 : index
    %swap3A_211 = vector.load %arg2[%swap3A, %swap3A_209, %swap3A_210] : memref<1x128x8xf32, #tpu.memory_space<vmem>>, vector<1x128x8xf32>
    %swap3A_212 = vector.shape_cast %swap3A_211 : vector<1x128x8xf32> to vector<128x8xf32>
    %swap3A_213 = vector.shape_cast %transpose3A : vector<128x8xf32> to vector<1x128x8xf32>
    tpu.vector_store %arg2[%swap3A, %swap3A_209, %swap3A_210], %swap3A_213 {strides = array<i32>} : memref<1x128x8xf32, #tpu.memory_space<vmem>>, vector<1x128x8xf32>,
    return
  }
  func.func @transform_0(%arg0: i32) -> (i32, i32, i32) {
    %c0_i32 = arith.constant 0 : i32
    %c0_i32_0 = arith.constant 0 : i32
    %c0_i32_1 = arith.constant 0 : i32
    return %arg0, %c0_i32, %c0_i32_0 : i32, i32, i32
  }
  func.func @transform_1(%arg0: i32) -> (i32, i32, i32) {
    %c0_i32 = arith.constant 0 : i32
    %c0_i32_0 = arith.constant 0 : i32
    %c0_i32_1 = arith.constant 0 : i32
    return %arg0, %c0_i32, %c0_i32_0 : i32, i32, i32
  }
}

module attributes {stable_mosaic.version = 14 : i64} {
  func.func @body(%arg0: i32, %arg1: memref<1x8x8x128xf32, #tpu.memory_space<vmem>>, %arg2: memref<1x128x8xf32, #tpu.memory_space<vmem>>) attributes {dimension_semantics = [#tpu.dimension_semantics<arbitrary>], iteration_bounds = array<i64: 4>, scalar_prefetch = 0 : i64, scratch_operands = 0 : i64, tpu.core_type = #tpu.core_type<tc>, window_params = [{transform_indices = @transform_0, window_bounds = array<i64: 1, 8, 8, 128>}, {transform_indices = @transform_1, window_bounds = array<i64: 1, 128, 8>}]} {
    %get3A = arith.constant 0 : index
    %get3A_0 = arith.constant 0 : index
    %get3A_1 = arith.constant 0 : index
    %get3A_2 = arith.constant 0 : index
    %get3A_3 = vector.load %arg1[%get3A, %get3A_0, %get3A_1, %get3A_2] : memref<1x8x8x128xf32, #tpu.memory_space<vmem>>, vector<1x1x1x128xf32>
    %get3A_4 = vector.shape_cast %get3A_3 : vector<1x1x1x128xf32> to vector<1x128xf32>
    %get3A_5 = arith.constant 0 : index
    %get3A_6 = arith.constant 1 : index
    %get3A_7 = arith.constant 0 : index
    %get3A_8 = arith.constant 0 : index
    %get3A_9 = vector.load %arg1[%get3A_5, %get3A_6, %get3A_7, %get3A_8] : memref<1x8x8x128xf32, #tpu.memory_space<vmem>>, vector<1x1x1x128xf32>
    %get3A_10 = vector.shape_cast %get3A_9 : vector<1x1x1x128xf32> to vector<1x128xf32>
    %get3A_11 = arith.constant 0 : index
    %get3A_12 = arith.constant 2 : index
    %get3A_13 = arith.constant 0 : index
    %get3A_14 = arith.constant 0 : index
    %get3A_15 = vector.load %arg1[%get3A_11, %get3A_12, %get3A_13, %get3A_14] : memref<1x8x8x128xf32, #tpu.memory_space<vmem>>, vector<1x1x1x128xf32>
    %get3A_16 = vector.shape_cast %get3A_15 : vector<1x1x1x128xf32> to vector<1x128xf32>
    %get3A_17 = arith.constant 0 : index
    %get3A_18 = arith.constant 3 : index
    %get3A_19 = arith.constant 0 : index
    %get3A_20 = arith.constant 0 : index
    %get3A_21 = vector.load %arg1[%get3A_17, %get3A_18, %get3A_19, %get3A_20] : memref<1x8x8x128xf32, #tpu.memory_space<vmem>>, vector<1x1x1x128xf32>
    %get3A_22 = vector.shape_cast %get3A_21 : vector<1x1x1x128xf32> to vector<1x128xf32>
    %get3A_23 = arith.constant 0 : index
    %get3A_24 = arith.constant 4 : index
    %get3A_25 = arith.constant 0 : index
    %get3A_26 = arith.constant 0 : index
    %get3A_27 = vector.load %arg1[%get3A_23, %get3A_24, %get3A_25, %get3A_26] : memref<1x8x8x128xf32, #tpu.memory_space<vmem>>, vector<1x1x1x128xf32>
    %get3A_28 = vector.shape_cast %get3A_27 : vector<1x1x1x128xf32> to vector<1x128xf32>
    %get3A_29 = arith.constant 0 : index
    %get3A_30 = arith.constant 5 : index
    %get3A_31 = arith.constant 0 : index
    %get3A_32 = arith.constant 0 : index
    %get3A_33 = vector.load %arg1[%get3A_29, %get3A_30, %get3A_31, %get3A_32] : memref<1x8x8x128xf32, #tpu.memory_space<vmem>>, vector<1x1x1x128xf32>
    %get3A_34 = vector.shape_cast %get3A_33 : vector<1x1x1x128xf32> to vector<1x128xf32>
    %get3A_35 = arith.constant 0 : index
    %get3A_36 = arith.constant 6 : index
    %get3A_37 = arith.constant 0 : index
    %get3A_38 = arith.constant 0 : index
    %get3A_39 = vector.load %arg1[%get3A_35, %get3A_36, %get3A_37, %get3A_38] : memref<1x8x8x128xf32, #tpu.memory_space<vmem>>, vector<1x1x1x128xf32>
    %get3A_40 = vector.shape_cast %get3A_39 : vector<1x1x1x128xf32> to vector<1x128xf32>
    %get3A_41 = arith.constant 0 : index
    %get3A_42 = arith.constant 7 : index
    %get3A_43 = arith.constant 0 : index
    %get3A_44 = arith.constant 0 : index
    %get3A_45 = vector.load %arg1[%get3A_41, %get3A_42, %get3A_43, %get3A_44] : memref<1x8x8x128xf32, #tpu.memory_space<vmem>>, vector<1x1x1x128xf32>
    %get3A_46 = vector.shape_cast %get3A_45 : vector<1x1x1x128xf32> to vector<1x128xf32>
    %concatenate3A = tpu.concatenate %get3A_4, %get3A_10, %get3A_16, %get3A_22, %get3A_28, %get3A_34, %get3A_40, %get3A_46 in 0 : vector<1x128xf32>, vector<1x128xf32>, vector<1x128xf32>, vector<1x128xf32>, vector<1x128xf32>, vector<1x128xf32>, vector<1x128xf32>, vector<1x128xf32> -> vector<8x128xf32>
    %get3A_47 = arith.constant 0 : index
    %get3A_48 = arith.constant 0 : index
    %get3A_49 = arith.constant 1 : index
    %get3A_50 = arith.constant 0 : index
    %get3A_51 = vector.load %arg1[%get3A_47, %get3A_48, %get3A_49, %get3A_50] : memref<1x8x8x128xf32, #tpu.memory_space<vmem>>, vector<1x1x1x128xf32>
    %get3A_52 = vector.shape_cast %get3A_51 : vector<1x1x1x128xf32> to vector<1x128xf32>
    %get3A_53 = arith.constant 0 : index
    %get3A_54 = arith.constant 1 : index
    %get3A_55 = arith.constant 1 : index
    %get3A_56 = arith.constant 0 : index
    %get3A_57 = vector.load %arg1[%get3A_53, %get3A_54, %get3A_55, %get3A_56] : memref<1x8x8x128xf32, #tpu.memory_space<vmem>>, vector<1x1x1x128xf32>
    %get3A_58 = vector.shape_cast %get3A_57 : vector<1x1x1x128xf32> to vector<1x128xf32>
    %get3A_59 = arith.constant 0 : index
    %get3A_60 = arith.constant 2 : index
    %get3A_61 = arith.constant 1 : index
    %get3A_62 = arith.constant 0 : index
    %get3A_63 = vector.load %arg1[%get3A_59, %get3A_60, %get3A_61, %get3A_62] : memref<1x8x8x128xf32, #tpu.memory_space<vmem>>, vector<1x1x1x128xf32>
    %get3A_64 = vector.shape_cast %get3A_63 : vector<1x1x1x128xf32> to vector<1x128xf32>
    %get3A_65 = arith.constant 0 : index
    %get3A_66 = arith.constant 3 : index
    %get3A_67 = arith.constant 1 : index
    %get3A_68 = arith.constant 0 : index
    %get3A_69 = vector.load %arg1[%get3A_65, %get3A_66, %get3A_67, %get3A_68] : memref<1x8x8x128xf32, #tpu.memory_space<vmem>>, vector<1x1x1x128xf32>
    %get3A_70 = vector.shape_cast %get3A_69 : vector<1x1x1x128xf32> to vector<1x128xf32>
    %get3A_71 = arith.constant 0 : index
    %get3A_72 = arith.constant 4 : index
    %get3A_73 = arith.constant 1 : index
    %get3A_74 = arith.constant 0 : index
    %get3A_75 = vector.load %arg1[%get3A_71, %get3A_72, %get3A_73, %get3A_74] : memref<1x8x8x128xf32, #tpu.memory_space<vmem>>, vector<1x1x1x128xf32>
    %get3A_76 = vector.shape_cast %get3A_75 : vector<1x1x1x128xf32> to vector<1x128xf32>
    %get3A_77 = arith.constant 0 : index
    %get3A_78 = arith.constant 5 : index
    %get3A_79 = arith.constant 1 : index
    %get3A_80 = arith.constant 0 : index
    %get3A_81 = vector.load %arg1[%get3A_77, %get3A_78, %get3A_79, %get3A_80] : memref<1x8x8x128xf32, #tpu.memory_space<vmem>>, vector<1x1x1x128xf32>
    %get3A_82 = vector.shape_cast %get3A_81 : vector<1x1x1x128xf32> to vector<1x128xf32>
    %get3A_83 = arith.constant 0 : index
    %get3A_84 = arith.constant 6 : index
    %get3A_85 = arith.constant 1 : index
    %get3A_86 = arith.constant 0 : index
    %get3A_87 = vector.load %arg1[%get3A_83, %get3A_84, %get3A_85, %get3A_86] : memref<1x8x8x128xf32, #tpu.memory_space<vmem>>, vector<1x1x1x128xf32>
    %get3A_88 = vector.shape_cast %get3A_87 : vector<1x1x1x128xf32> to vector<1x128xf32>
    %get3A_89 = arith.constant 0 : index
    %get3A_90 = arith.constant 7 : index
    %get3A_91 = arith.constant 1 : index
    %get3A_92 = arith.constant 0 : index
    %get3A_93 = vector.load %arg1[%get3A_89, %get3A_90, %get3A_91, %get3A_92] : memref<1x8x8x128xf32, #tpu.memory_space<vmem>>, vector<1x1x1x128xf32>
    %get3A_94 = vector.shape_cast %get3A_93 : vector<1x1x1x128xf32> to vector<1x128xf32>
    %concatenate3A_95 = tpu.concatenate %get3A_52, %get3A_58, %get3A_64, %get3A_70, %get3A_76, %get3A_82, %get3A_88, %get3A_94 in 0 : vector<1x128xf32>, vector<1x128xf32>, vector<1x128xf32>, vector<1x128xf32>, vector<1x128xf32>, vector<1x128xf32>, vector<1x128xf32>, vector<1x128xf32> -> vector<8x128xf32>
    %get3A_96 = arith.constant 0 : index
    %get3A_97 = arith.constant 0 : index
    %get3A_98 = arith.constant 2 : index
    %get3A_99 = arith.constant 0 : index
    %get3A_100 = vector.load %arg1[%get3A_96, %get3A_97, %get3A_98, %get3A_99] : memref<1x8x8x128xf32, #tpu.memory_space<vmem>>, vector<1x1x1x128xf32>
    %get3A_101 = vector.shape_cast %get3A_100 : vector<1x1x1x128xf32> to vector<1x128xf32>
    %get3A_102 = arith.constant 0 : index
    %get3A_103 = arith.constant 1 : index
    %get3A_104 = arith.constant 2 : index
    %get3A_105 = arith.constant 0 : index
    %get3A_106 = vector.load %arg1[%get3A_102, %get3A_103, %get3A_104, %get3A_105] : memref<1x8x8x128xf32, #tpu.memory_space<vmem>>, vector<1x1x1x128xf32>
    %get3A_107 = vector.shape_cast %get3A_106 : vector<1x1x1x128xf32> to vector<1x128xf32>
    %get3A_108 = arith.constant 0 : index
    %get3A_109 = arith.constant 2 : index
    %get3A_110 = arith.constant 2 : index
    %get3A_111 = arith.constant 0 : index
    %get3A_112 = vector.load %arg1[%get3A_108, %get3A_109, %get3A_110, %get3A_111] : memref<1x8x8x128xf32, #tpu.memory_space<vmem>>, vector<1x1x1x128xf32>
    %get3A_113 = vector.shape_cast %get3A_112 : vector<1x1x1x128xf32> to vector<1x128xf32>
    %get3A_114 = arith.constant 0 : index
    %get3A_115 = arith.constant 3 : index
    %get3A_116 = arith.constant 2 : index
    %get3A_117 = arith.constant 0 : index
    %get3A_118 = vector.load %arg1[%get3A_114, %get3A_115, %get3A_116, %get3A_117] : memref<1x8x8x128xf32, #tpu.memory_space<vmem>>, vector<1x1x1x128xf32>
    %get3A_119 = vector.shape_cast %get3A_118 : vector<1x1x1x128xf32> to vector<1x128xf32>
    %get3A_120 = arith.constant 0 : index
    %get3A_121 = arith.constant 4 : index
    %get3A_122 = arith.constant 2 : index
    %get3A_123 = arith.constant 0 : index
    %get3A_124 = vector.load %arg1[%get3A_120, %get3A_121, %get3A_122, %get3A_123] : memref<1x8x8x128xf32, #tpu.memory_space<vmem>>, vector<1x1x1x128xf32>
    %get3A_125 = vector.shape_cast %get3A_124 : vector<1x1x1x128xf32> to vector<1x128xf32>
    %get3A_126 = arith.constant 0 : index
    %get3A_127 = arith.constant 5 : index
    %get3A_128 = arith.constant 2 : index
    %get3A_129 = arith.constant 0 : index
    %get3A_130 = vector.load %arg1[%get3A_126, %get3A_127, %get3A_128, %get3A_129] : memref<1x8x8x128xf32, #tpu.memory_space<vmem>>, vector<1x1x1x128xf32>
    %get3A_131 = vector.shape_cast %get3A_130 : vector<1x1x1x128xf32> to vector<1x128xf32>
    %get3A_132 = arith.constant 0 : index
    %get3A_133 = arith.constant 6 : index
    %get3A_134 = arith.constant 2 : index
    %get3A_135 = arith.constant 0 : index
    %get3A_136 = vector.load %arg1[%get3A_132, %get3A_133, %get3A_134, %get3A_135] : memref<1x8x8x128xf32, #tpu.memory_space<vmem>>, vector<1x1x1x128xf32>
    %get3A_137 = vector.shape_cast %get3A_136 : vector<1x1x1x128xf32> to vector<1x128xf32>
    %get3A_138 = arith.constant 0 : index
    %get3A_139 = arith.constant 7 : index
    %get3A_140 = arith.constant 2 : index
    %get3A_141 = arith.constant 0 : index
    %get3A_142 = vector.load %arg1[%get3A_138, %get3A_139, %get3A_140, %get3A_141] : memref<1x8x8x128xf32, #tpu.memory_space<vmem>>, vector<1x1x1x128xf32>
    %get3A_143 = vector.shape_cast %get3A_142 : vector<1x1x1x128xf32> to vector<1x128xf32>
    %concatenate3A_144 = tpu.concatenate %get3A_101, %get3A_107, %get3A_113, %get3A_119, %get3A_125, %get3A_131, %get3A_137, %get3A_143 in 0 : vector<1x128xf32>, vector<1x128xf32>, vector<1x128xf32>, vector<1x128xf32>, vector<1x128xf32>, vector<1x128xf32>, vector<1x128xf32>, vector<1x128xf32> -> vector<8x128xf32>
    %get3A_145 = arith.constant 0 : index
    %get3A_146 = arith.constant 0 : index
    %get3A_147 = arith.constant 3 : index
    %get3A_148 = arith.constant 0 : index
    %get3A_149 = vector.load %arg1[%get3A_145, %get3A_146, %get3A_147, %get3A_148] : memref<1x8x8x128xf32, #tpu.memory_space<vmem>>, vector<1x1x1x128xf32>
    %get3A_150 = vector.shape_cast %get3A_149 : vector<1x1x1x128xf32> to vector<1x128xf32>
    %get3A_151 = arith.constant 0 : index
    %get3A_152 = arith.constant 1 : index
    %get3A_153 = arith.constant 3 : index
    %get3A_154 = arith.constant 0 : index
    %get3A_155 = vector.load %arg1[%get3A_151, %get3A_152, %get3A_153, %get3A_154] : memref<1x8x8x128xf32, #tpu.memory_space<vmem>>, vector<1x1x1x128xf32>
    %get3A_156 = vector.shape_cast %get3A_155 : vector<1x1x1x128xf32> to vector<1x128xf32>
    %get3A_157 = arith.constant 0 : index
    %get3A_158 = arith.constant 2 : index
    %get3A_159 = arith.constant 3 : index
    %get3A_160 = arith.constant 0 : index
    %get3A_161 = vector.load %arg1[%get3A_157, %get3A_158, %get3A_159, %get3A_160] : memref<1x8x8x128xf32, #tpu.memory_space<vmem>>, vector<1x1x1x128xf32>
    %get3A_162 = vector.shape_cast %get3A_161 : vector<1x1x1x128xf32> to vector<1x128xf32>
    %get3A_163 = arith.constant 0 : index
    %get3A_164 = arith.constant 3 : index
    %get3A_165 = arith.constant 3 : index
    %get3A_166 = arith.constant 0 : index
    %get3A_167 = vector.load %arg1[%get3A_163, %get3A_164, %get3A_165, %get3A_166] : memref<1x8x8x128xf32, #tpu.memory_space<vmem>>, vector<1x1x1x128xf32>
    %get3A_168 = vector.shape_cast %get3A_167 : vector<1x1x1x128xf32> to vector<1x128xf32>
    %get3A_169 = arith.constant 0 : index
    %get3A_170 = arith.constant 4 : index
    %get3A_171 = arith.constant 3 : index
    %get3A_172 = arith.constant 0 : index
    %get3A_173 = vector.load %arg1[%get3A_169, %get3A_170, %get3A_171, %get3A_172] : memref<1x8x8x128xf32, #tpu.memory_space<vmem>>, vector<1x1x1x128xf32>
    %get3A_174 = vector.shape_cast %get3A_173 : vector<1x1x1x128xf32> to vector<1x128xf32>
    %get3A_175 = arith.constant 0 : index
    %get3A_176 = arith.constant 5 : index
    %get3A_177 = arith.constant 3 : index
    %get3A_178 = arith.constant 0 : index
    %get3A_179 = vector.load %arg1[%get3A_175, %get3A_176, %get3A_177, %get3A_178] : memref<1x8x8x128xf32, #tpu.memory_space<vmem>>, vector<1x1x1x128xf32>
    %get3A_180 = vector.shape_cast %get3A_179 : vector<1x1x1x128xf32> to vector<1x128xf32>
    %get3A_181 = arith.constant 0 : index
    %get3A_182 = arith.constant 6 : index
    %get3A_183 = arith.constant 3 : index
    %get3A_184 = arith.constant 0 : index
    %get3A_185 = vector.load %arg1[%get3A_181, %get3A_182, %get3A_183, %get3A_184] : memref<1x8x8x128xf32, #tpu.memory_space<vmem>>, vector<1x1x1x128xf32>
    %get3A_186 = vector.shape_cast %get3A_185 : vector<1x1x1x128xf32> to vector<1x128xf32>
    %get3A_187 = arith.constant 0 : index
    %get3A_188 = arith.constant 7 : index
    %get3A_189 = arith.constant 3 : index
    %get3A_190 = arith.constant 0 : index
    %get3A_191 = vector.load %arg1[%get3A_187, %get3A_188, %get3A_189, %get3A_190] : memref<1x8x8x128xf32, #tpu.memory_space<vmem>>, vector<1x1x1x128xf32>
    %get3A_192 = vector.shape_cast %get3A_191 : vector<1x1x1x128xf32> to vector<1x128xf32>
    %concatenate3A_193 = tpu.concatenate %get3A_150, %get3A_156, %get3A_162, %get3A_168, %get3A_174, %get3A_180, %get3A_186, %get3A_192 in 0 : vector<1x128xf32>, vector<1x128xf32>, vector<1x128xf32>, vector<1x128xf32>, vector<1x128xf32>, vector<1x128xf32>, vector<1x128xf32>, vector<1x128xf32> -> vector<8x128xf32>
    %get3A_194 = arith.constant 0 : index
    %get3A_195 = arith.constant 0 : index
    %get3A_196 = arith.constant 4 : index
    %get3A_197 = arith.constant 0 : index
    %get3A_198 = vector.load %arg1[%get3A_194, %get3A_195, %get3A_196, %get3A_197] : memref<1x8x8x128xf32, #tpu.memory_space<vmem>>, vector<1x1x1x128xf32>
    %get3A_199 = vector.shape_cast %get3A_198 : vector<1x1x1x128xf32> to vector<1x128xf32>
    %get3A_200 = arith.constant 0 : index
    %get3A_201 = arith.constant 1 : index
    %get3A_202 = arith.constant 4 : index
    %get3A_203 = arith.constant 0 : index
    %get3A_204 = vector.load %arg1[%get3A_200, %get3A_201, %get3A_202, %get3A_203] : memref<1x8x8x128xf32, #tpu.memory_space<vmem>>, vector<1x1x1x128xf32>
    %get3A_205 = vector.shape_cast %get3A_204 : vector<1x1x1x128xf32> to vector<1x128xf32>
    %get3A_206 = arith.constant 0 : index
    %get3A_207 = arith.constant 2 : index
    %get3A_208 = arith.constant 4 : index
    %get3A_209 = arith.constant 0 : index
    %get3A_210 = vector.load %arg1[%get3A_206, %get3A_207, %get3A_208, %get3A_209] : memref<1x8x8x128xf32, #tpu.memory_space<vmem>>, vector<1x1x1x128xf32>
    %get3A_211 = vector.shape_cast %get3A_210 : vector<1x1x1x128xf32> to vector<1x128xf32>
    %get3A_212 = arith.constant 0 : index
    %get3A_213 = arith.constant 3 : index
    %get3A_214 = arith.constant 4 : index
    %get3A_215 = arith.constant 0 : index
    %get3A_216 = vector.load %arg1[%get3A_212, %get3A_213, %get3A_214, %get3A_215] : memref<1x8x8x128xf32, #tpu.memory_space<vmem>>, vector<1x1x1x128xf32>
    %get3A_217 = vector.shape_cast %get3A_216 : vector<1x1x1x128xf32> to vector<1x128xf32>
    %get3A_218 = arith.constant 0 : index
    %get3A_219 = arith.constant 4 : index
    %get3A_220 = arith.constant 4 : index
    %get3A_221 = arith.constant 0 : index
    %get3A_222 = vector.load %arg1[%get3A_218, %get3A_219, %get3A_220, %get3A_221] : memref<1x8x8x128xf32, #tpu.memory_space<vmem>>, vector<1x1x1x128xf32>
    %get3A_223 = vector.shape_cast %get3A_222 : vector<1x1x1x128xf32> to vector<1x128xf32>
    %get3A_224 = arith.constant 0 : index
    %get3A_225 = arith.constant 5 : index
    %get3A_226 = arith.constant 4 : index
    %get3A_227 = arith.constant 0 : index
    %get3A_228 = vector.load %arg1[%get3A_224, %get3A_225, %get3A_226, %get3A_227] : memref<1x8x8x128xf32, #tpu.memory_space<vmem>>, vector<1x1x1x128xf32>
    %get3A_229 = vector.shape_cast %get3A_228 : vector<1x1x1x128xf32> to vector<1x128xf32>
    %get3A_230 = arith.constant 0 : index
    %get3A_231 = arith.constant 6 : index
    %get3A_232 = arith.constant 4 : index
    %get3A_233 = arith.constant 0 : index
    %get3A_234 = vector.load %arg1[%get3A_230, %get3A_231, %get3A_232, %get3A_233] : memref<1x8x8x128xf32, #tpu.memory_space<vmem>>, vector<1x1x1x128xf32>
    %get3A_235 = vector.shape_cast %get3A_234 : vector<1x1x1x128xf32> to vector<1x128xf32>
    %get3A_236 = arith.constant 0 : index
    %get3A_237 = arith.constant 7 : index
    %get3A_238 = arith.constant 4 : index
    %get3A_239 = arith.constant 0 : index
    %get3A_240 = vector.load %arg1[%get3A_236, %get3A_237, %get3A_238, %get3A_239] : memref<1x8x8x128xf32, #tpu.memory_space<vmem>>, vector<1x1x1x128xf32>
    %get3A_241 = vector.shape_cast %get3A_240 : vector<1x1x1x128xf32> to vector<1x128xf32>
    %concatenate3A_242 = tpu.concatenate %get3A_199, %get3A_205, %get3A_211, %get3A_217, %get3A_223, %get3A_229, %get3A_235, %get3A_241 in 0 : vector<1x128xf32>, vector<1x128xf32>, vector<1x128xf32>, vector<1x128xf32>, vector<1x128xf32>, vector<1x128xf32>, vector<1x128xf32>, vector<1x128xf32> -> vector<8x128xf32>
    %get3A_243 = arith.constant 0 : index
    %get3A_244 = arith.constant 0 : index
    %get3A_245 = arith.constant 5 : index
    %get3A_246 = arith.constant 0 : index
    %get3A_247 = vector.load %arg1[%get3A_243, %get3A_244, %get3A_245, %get3A_246] : memref<1x8x8x128xf32, #tpu.memory_space<vmem>>, vector<1x1x1x128xf32>
    %get3A_248 = vector.shape_cast %get3A_247 : vector<1x1x1x128xf32> to vector<1x128xf32>
    %get3A_249 = arith.constant 0 : index
    %get3A_250 = arith.constant 1 : index
    %get3A_251 = arith.constant 5 : index
    %get3A_252 = arith.constant 0 : index
    %get3A_253 = vector.load %arg1[%get3A_249, %get3A_250, %get3A_251, %get3A_252] : memref<1x8x8x128xf32, #tpu.memory_space<vmem>>, vector<1x1x1x128xf32>
    %get3A_254 = vector.shape_cast %get3A_253 : vector<1x1x1x128xf32> to vector<1x128xf32>
    %get3A_255 = arith.constant 0 : index
    %get3A_256 = arith.constant 2 : index
    %get3A_257 = arith.constant 5 : index
    %get3A_258 = arith.constant 0 : index
    %get3A_259 = vector.load %arg1[%get3A_255, %get3A_256, %get3A_257, %get3A_258] : memref<1x8x8x128xf32, #tpu.memory_space<vmem>>, vector<1x1x1x128xf32>
    %get3A_260 = vector.shape_cast %get3A_259 : vector<1x1x1x128xf32> to vector<1x128xf32>
    %get3A_261 = arith.constant 0 : index
    %get3A_262 = arith.constant 3 : index
    %get3A_263 = arith.constant 5 : index
    %get3A_264 = arith.constant 0 : index
    %get3A_265 = vector.load %arg1[%get3A_261, %get3A_262, %get3A_263, %get3A_264] : memref<1x8x8x128xf32, #tpu.memory_space<vmem>>, vector<1x1x1x128xf32>
    %get3A_266 = vector.shape_cast %get3A_265 : vector<1x1x1x128xf32> to vector<1x128xf32>
    %get3A_267 = arith.constant 0 : index
    %get3A_268 = arith.constant 4 : index
    %get3A_269 = arith.constant 5 : index
    %get3A_270 = arith.constant 0 : index
    %get3A_271 = vector.load %arg1[%get3A_267, %get3A_268, %get3A_269, %get3A_270] : memref<1x8x8x128xf32, #tpu.memory_space<vmem>>, vector<1x1x1x128xf32>
    %get3A_272 = vector.shape_cast %get3A_271 : vector<1x1x1x128xf32> to vector<1x128xf32>
    %get3A_273 = arith.constant 0 : index
    %get3A_274 = arith.constant 5 : index
    %get3A_275 = arith.constant 5 : index
    %get3A_276 = arith.constant 0 : index
    %get3A_277 = vector.load %arg1[%get3A_273, %get3A_274, %get3A_275, %get3A_276] : memref<1x8x8x128xf32, #tpu.memory_space<vmem>>, vector<1x1x1x128xf32>
    %get3A_278 = vector.shape_cast %get3A_277 : vector<1x1x1x128xf32> to vector<1x128xf32>
    %get3A_279 = arith.constant 0 : index
    %get3A_280 = arith.constant 6 : index
    %get3A_281 = arith.constant 5 : index
    %get3A_282 = arith.constant 0 : index
    %get3A_283 = vector.load %arg1[%get3A_279, %get3A_280, %get3A_281, %get3A_282] : memref<1x8x8x128xf32, #tpu.memory_space<vmem>>, vector<1x1x1x128xf32>
    %get3A_284 = vector.shape_cast %get3A_283 : vector<1x1x1x128xf32> to vector<1x128xf32>
    %get3A_285 = arith.constant 0 : index
    %get3A_286 = arith.constant 7 : index
    %get3A_287 = arith.constant 5 : index
    %get3A_288 = arith.constant 0 : index
    %get3A_289 = vector.load %arg1[%get3A_285, %get3A_286, %get3A_287, %get3A_288] : memref<1x8x8x128xf32, #tpu.memory_space<vmem>>, vector<1x1x1x128xf32>
    %get3A_290 = vector.shape_cast %get3A_289 : vector<1x1x1x128xf32> to vector<1x128xf32>
    %concatenate3A_291 = tpu.concatenate %get3A_248, %get3A_254, %get3A_260, %get3A_266, %get3A_272, %get3A_278, %get3A_284, %get3A_290 in 0 : vector<1x128xf32>, vector<1x128xf32>, vector<1x128xf32>, vector<1x128xf32>, vector<1x128xf32>, vector<1x128xf32>, vector<1x128xf32>, vector<1x128xf32> -> vector<8x128xf32>
    %get3A_292 = arith.constant 0 : index
    %get3A_293 = arith.constant 0 : index
    %get3A_294 = arith.constant 6 : index
    %get3A_295 = arith.constant 0 : index
    %get3A_296 = vector.load %arg1[%get3A_292, %get3A_293, %get3A_294, %get3A_295] : memref<1x8x8x128xf32, #tpu.memory_space<vmem>>, vector<1x1x1x128xf32>
    %get3A_297 = vector.shape_cast %get3A_296 : vector<1x1x1x128xf32> to vector<1x128xf32>
    %get3A_298 = arith.constant 0 : index
    %get3A_299 = arith.constant 1 : index
    %get3A_300 = arith.constant 6 : index
    %get3A_301 = arith.constant 0 : index
    %get3A_302 = vector.load %arg1[%get3A_298, %get3A_299, %get3A_300, %get3A_301] : memref<1x8x8x128xf32, #tpu.memory_space<vmem>>, vector<1x1x1x128xf32>
    %get3A_303 = vector.shape_cast %get3A_302 : vector<1x1x1x128xf32> to vector<1x128xf32>
    %get3A_304 = arith.constant 0 : index
    %get3A_305 = arith.constant 2 : index
    %get3A_306 = arith.constant 6 : index
    %get3A_307 = arith.constant 0 : index
    %get3A_308 = vector.load %arg1[%get3A_304, %get3A_305, %get3A_306, %get3A_307] : memref<1x8x8x128xf32, #tpu.memory_space<vmem>>, vector<1x1x1x128xf32>
    %get3A_309 = vector.shape_cast %get3A_308 : vector<1x1x1x128xf32> to vector<1x128xf32>
    %get3A_310 = arith.constant 0 : index
    %get3A_311 = arith.constant 3 : index
    %get3A_312 = arith.constant 6 : index
    %get3A_313 = arith.constant 0 : index
    %get3A_314 = vector.load %arg1[%get3A_310, %get3A_311, %get3A_312, %get3A_313] : memref<1x8x8x128xf32, #tpu.memory_space<vmem>>, vector<1x1x1x128xf32>
    %get3A_315 = vector.shape_cast %get3A_314 : vector<1x1x1x128xf32> to vector<1x128xf32>
    %get3A_316 = arith.constant 0 : index
    %get3A_317 = arith.constant 4 : index
    %get3A_318 = arith.constant 6 : index
    %get3A_319 = arith.constant 0 : index
    %get3A_320 = vector.load %arg1[%get3A_316, %get3A_317, %get3A_318, %get3A_319] : memref<1x8x8x128xf32, #tpu.memory_space<vmem>>, vector<1x1x1x128xf32>
    %get3A_321 = vector.shape_cast %get3A_320 : vector<1x1x1x128xf32> to vector<1x128xf32>
    %get3A_322 = arith.constant 0 : index
    %get3A_323 = arith.constant 5 : index
    %get3A_324 = arith.constant 6 : index
    %get3A_325 = arith.constant 0 : index
    %get3A_326 = vector.load %arg1[%get3A_322, %get3A_323, %get3A_324, %get3A_325] : memref<1x8x8x128xf32, #tpu.memory_space<vmem>>, vector<1x1x1x128xf32>
    %get3A_327 = vector.shape_cast %get3A_326 : vector<1x1x1x128xf32> to vector<1x128xf32>
    %get3A_328 = arith.constant 0 : index
    %get3A_329 = arith.constant 6 : index
    %get3A_330 = arith.constant 6 : index
    %get3A_331 = arith.constant 0 : index
    %get3A_332 = vector.load %arg1[%get3A_328, %get3A_329, %get3A_330, %get3A_331] : memref<1x8x8x128xf32, #tpu.memory_space<vmem>>, vector<1x1x1x128xf32>
    %get3A_333 = vector.shape_cast %get3A_332 : vector<1x1x1x128xf32> to vector<1x128xf32>
    %get3A_334 = arith.constant 0 : index
    %get3A_335 = arith.constant 7 : index
    %get3A_336 = arith.constant 6 : index
    %get3A_337 = arith.constant 0 : index
    %get3A_338 = vector.load %arg1[%get3A_334, %get3A_335, %get3A_336, %get3A_337] : memref<1x8x8x128xf32, #tpu.memory_space<vmem>>, vector<1x1x1x128xf32>
    %get3A_339 = vector.shape_cast %get3A_338 : vector<1x1x1x128xf32> to vector<1x128xf32>
    %concatenate3A_340 = tpu.concatenate %get3A_297, %get3A_303, %get3A_309, %get3A_315, %get3A_321, %get3A_327, %get3A_333, %get3A_339 in 0 : vector<1x128xf32>, vector<1x128xf32>, vector<1x128xf32>, vector<1x128xf32>, vector<1x128xf32>, vector<1x128xf32>, vector<1x128xf32>, vector<1x128xf32> -> vector<8x128xf32>
    %get3A_341 = arith.constant 0 : index
    %get3A_342 = arith.constant 0 : index
    %get3A_343 = arith.constant 7 : index
    %get3A_344 = arith.constant 0 : index
    %get3A_345 = vector.load %arg1[%get3A_341, %get3A_342, %get3A_343, %get3A_344] : memref<1x8x8x128xf32, #tpu.memory_space<vmem>>, vector<1x1x1x128xf32>
    %get3A_346 = vector.shape_cast %get3A_345 : vector<1x1x1x128xf32> to vector<1x128xf32>
    %get3A_347 = arith.constant 0 : index
    %get3A_348 = arith.constant 1 : index
    %get3A_349 = arith.constant 7 : index
    %get3A_350 = arith.constant 0 : index
    %get3A_351 = vector.load %arg1[%get3A_347, %get3A_348, %get3A_349, %get3A_350] : memref<1x8x8x128xf32, #tpu.memory_space<vmem>>, vector<1x1x1x128xf32>
    %get3A_352 = vector.shape_cast %get3A_351 : vector<1x1x1x128xf32> to vector<1x128xf32>
    %get3A_353 = arith.constant 0 : index
    %get3A_354 = arith.constant 2 : index
    %get3A_355 = arith.constant 7 : index
    %get3A_356 = arith.constant 0 : index
    %get3A_357 = vector.load %arg1[%get3A_353, %get3A_354, %get3A_355, %get3A_356] : memref<1x8x8x128xf32, #tpu.memory_space<vmem>>, vector<1x1x1x128xf32>
    %get3A_358 = vector.shape_cast %get3A_357 : vector<1x1x1x128xf32> to vector<1x128xf32>
    %get3A_359 = arith.constant 0 : index
    %get3A_360 = arith.constant 3 : index
    %get3A_361 = arith.constant 7 : index
    %get3A_362 = arith.constant 0 : index
    %get3A_363 = vector.load %arg1[%get3A_359, %get3A_360, %get3A_361, %get3A_362] : memref<1x8x8x128xf32, #tpu.memory_space<vmem>>, vector<1x1x1x128xf32>
    %get3A_364 = vector.shape_cast %get3A_363 : vector<1x1x1x128xf32> to vector<1x128xf32>
    %get3A_365 = arith.constant 0 : index
    %get3A_366 = arith.constant 4 : index
    %get3A_367 = arith.constant 7 : index
    %get3A_368 = arith.constant 0 : index
    %get3A_369 = vector.load %arg1[%get3A_365, %get3A_366, %get3A_367, %get3A_368] : memref<1x8x8x128xf32, #tpu.memory_space<vmem>>, vector<1x1x1x128xf32>
    %get3A_370 = vector.shape_cast %get3A_369 : vector<1x1x1x128xf32> to vector<1x128xf32>
    %get3A_371 = arith.constant 0 : index
    %get3A_372 = arith.constant 5 : index
    %get3A_373 = arith.constant 7 : index
    %get3A_374 = arith.constant 0 : index
    %get3A_375 = vector.load %arg1[%get3A_371, %get3A_372, %get3A_373, %get3A_374] : memref<1x8x8x128xf32, #tpu.memory_space<vmem>>, vector<1x1x1x128xf32>
    %get3A_376 = vector.shape_cast %get3A_375 : vector<1x1x1x128xf32> to vector<1x128xf32>
    %get3A_377 = arith.constant 0 : index
    %get3A_378 = arith.constant 6 : index
    %get3A_379 = arith.constant 7 : index
    %get3A_380 = arith.constant 0 : index
    %get3A_381 = vector.load %arg1[%get3A_377, %get3A_378, %get3A_379, %get3A_380] : memref<1x8x8x128xf32, #tpu.memory_space<vmem>>, vector<1x1x1x128xf32>
    %get3A_382 = vector.shape_cast %get3A_381 : vector<1x1x1x128xf32> to vector<1x128xf32>
    %get3A_383 = arith.constant 0 : index
    %get3A_384 = arith.constant 7 : index
    %get3A_385 = arith.constant 7 : index
    %get3A_386 = arith.constant 0 : index
    %get3A_387 = vector.load %arg1[%get3A_383, %get3A_384, %get3A_385, %get3A_386] : memref<1x8x8x128xf32, #tpu.memory_space<vmem>>, vector<1x1x1x128xf32>
    %get3A_388 = vector.shape_cast %get3A_387 : vector<1x1x1x128xf32> to vector<1x128xf32>
    %concatenate3A_389 = tpu.concatenate %get3A_346, %get3A_352, %get3A_358, %get3A_364, %get3A_370, %get3A_376, %get3A_382, %get3A_388 in 0 : vector<1x128xf32>, vector<1x128xf32>, vector<1x128xf32>, vector<1x128xf32>, vector<1x128xf32>, vector<1x128xf32>, vector<1x128xf32>, vector<1x128xf32> -> vector<8x128xf32>
    %slice3A = vector.extract_strided_slice %concatenate3A {offsets = [0, 0], sizes = [4, 128], strides = [1, 1]} : vector<8x128xf32> to vector<4x128xf32>
    %slice3A_390 = vector.extract_strided_slice %concatenate3A_95 {offsets = [0, 0], sizes = [4, 128], strides = [1, 1]} : vector<8x128xf32> to vector<4x128xf32>
    %slice3A_391 = vector.extract_strided_slice %concatenate3A_144 {offsets = [0, 0], sizes = [4, 128], strides = [1, 1]} : vector<8x128xf32> to vector<4x128xf32>
    %slice3A_392 = vector.extract_strided_slice %concatenate3A_193 {offsets = [0, 0], sizes = [4, 128], strides = [1, 1]} : vector<8x128xf32> to vector<4x128xf32>
    %slice3A_393 = vector.extract_strided_slice %concatenate3A_242 {offsets = [0, 0], sizes = [4, 128], strides = [1, 1]} : vector<8x128xf32> to vector<4x128xf32>
    %slice3A_394 = vector.extract_strided_slice %concatenate3A_291 {offsets = [0, 0], sizes = [4, 128], strides = [1, 1]} : vector<8x128xf32> to vector<4x128xf32>
    %slice3A_395 = vector.extract_strided_slice %concatenate3A_340 {offsets = [0, 0], sizes = [4, 128], strides = [1, 1]} : vector<8x128xf32> to vector<4x128xf32>
    %slice3A_396 = vector.extract_strided_slice %concatenate3A_389 {offsets = [0, 0], sizes = [4, 128], strides = [1, 1]} : vector<8x128xf32> to vector<4x128xf32>
    %slice3A_397 = vector.extract_strided_slice %concatenate3A {offsets = [4, 0], sizes = [4, 128], strides = [1, 1]} : vector<8x128xf32> to vector<4x128xf32>
    %slice3A_398 = vector.extract_strided_slice %concatenate3A_95 {offsets = [4, 0], sizes = [4, 128], strides = [1, 1]} : vector<8x128xf32> to vector<4x128xf32>
    %slice3A_399 = vector.extract_strided_slice %concatenate3A_144 {offsets = [4, 0], sizes = [4, 128], strides = [1, 1]} : vector<8x128xf32> to vector<4x128xf32>
    %slice3A_400 = vector.extract_strided_slice %concatenate3A_193 {offsets = [4, 0], sizes = [4, 128], strides = [1, 1]} : vector<8x128xf32> to vector<4x128xf32>
    %slice3A_401 = vector.extract_strided_slice %concatenate3A_242 {offsets = [4, 0], sizes = [4, 128], strides = [1, 1]} : vector<8x128xf32> to vector<4x128xf32>
    %slice3A_402 = vector.extract_strided_slice %concatenate3A_291 {offsets = [4, 0], sizes = [4, 128], strides = [1, 1]} : vector<8x128xf32> to vector<4x128xf32>
    %slice3A_403 = vector.extract_strided_slice %concatenate3A_340 {offsets = [4, 0], sizes = [4, 128], strides = [1, 1]} : vector<8x128xf32> to vector<4x128xf32>
    %slice3A_404 = vector.extract_strided_slice %concatenate3A_389 {offsets = [4, 0], sizes = [4, 128], strides = [1, 1]} : vector<8x128xf32> to vector<4x128xf32>
    %max3A = arith.maximumf %slice3A, %slice3A_404 : vector<4x128xf32>
    %max3A_405 = arith.maximumf %slice3A_390, %slice3A_403 : vector<4x128xf32>
    %max3A_406 = arith.maximumf %slice3A_391, %slice3A_402 : vector<4x128xf32>
    %max3A_407 = arith.maximumf %slice3A_392, %slice3A_401 : vector<4x128xf32>
    %max3A_408 = arith.maximumf %slice3A_393, %slice3A_400 : vector<4x128xf32>
    %max3A_409 = arith.maximumf %slice3A_394, %slice3A_399 : vector<4x128xf32>
    %max3A_410 = arith.maximumf %slice3A_395, %slice3A_398 : vector<4x128xf32>
    %max3A_411 = arith.maximumf %slice3A_396, %slice3A_397 : vector<4x128xf32>
    %max3A_412 = arith.maximumf %max3A, %max3A_408 : vector<4x128xf32>
    %min3A = arith.minimumf %max3A, %max3A_408 : vector<4x128xf32>
    %max3A_413 = arith.maximumf %max3A_405, %max3A_409 : vector<4x128xf32>
    %min3A_414 = arith.minimumf %max3A_405, %max3A_409 : vector<4x128xf32>
    %max3A_415 = arith.maximumf %max3A_406, %max3A_410 : vector<4x128xf32>
    %min3A_416 = arith.minimumf %max3A_406, %max3A_410 : vector<4x128xf32>
    %max3A_417 = arith.maximumf %max3A_407, %max3A_411 : vector<4x128xf32>
    %min3A_418 = arith.minimumf %max3A_407, %max3A_411 : vector<4x128xf32>
    %max3A_419 = arith.maximumf %max3A_412, %max3A_415 : vector<4x128xf32>
    %min3A_420 = arith.minimumf %max3A_412, %max3A_415 : vector<4x128xf32>
    %max3A_421 = arith.maximumf %max3A_413, %max3A_417 : vector<4x128xf32>
    %min3A_422 = arith.minimumf %max3A_413, %max3A_417 : vector<4x128xf32>
    %max3A_423 = arith.maximumf %min3A, %min3A_416 : vector<4x128xf32>
    %min3A_424 = arith.minimumf %min3A, %min3A_416 : vector<4x128xf32>
    %max3A_425 = arith.maximumf %min3A_414, %min3A_418 : vector<4x128xf32>
    %min3A_426 = arith.minimumf %min3A_414, %min3A_418 : vector<4x128xf32>
    %max3A_427 = arith.maximumf %max3A_419, %max3A_421 : vector<4x128xf32>
    %min3A_428 = arith.minimumf %max3A_419, %max3A_421 : vector<4x128xf32>
    %max3A_429 = arith.maximumf %min3A_420, %min3A_422 : vector<4x128xf32>
    %min3A_430 = arith.minimumf %min3A_420, %min3A_422 : vector<4x128xf32>
    %max3A_431 = arith.maximumf %max3A_423, %max3A_425 : vector<4x128xf32>
    %min3A_432 = arith.minimumf %max3A_423, %max3A_425 : vector<4x128xf32>
    %max3A_433 = arith.maximumf %min3A_424, %min3A_426 : vector<4x128xf32>
    %min3A_434 = arith.minimumf %min3A_424, %min3A_426 : vector<4x128xf32>
    %slice3A_435 = vector.extract_strided_slice %max3A_427 {offsets = [0, 0], sizes = [2, 128], strides = [1, 1]} : vector<4x128xf32> to vector<2x128xf32>
    %slice3A_436 = vector.extract_strided_slice %min3A_428 {offsets = [0, 0], sizes = [2, 128], strides = [1, 1]} : vector<4x128xf32> to vector<2x128xf32>
    %slice3A_437 = vector.extract_strided_slice %max3A_429 {offsets = [0, 0], sizes = [2, 128], strides = [1, 1]} : vector<4x128xf32> to vector<2x128xf32>
    %slice3A_438 = vector.extract_strided_slice %min3A_430 {offsets = [0, 0], sizes = [2, 128], strides = [1, 1]} : vector<4x128xf32> to vector<2x128xf32>
    %slice3A_439 = vector.extract_strided_slice %max3A_431 {offsets = [0, 0], sizes = [2, 128], strides = [1, 1]} : vector<4x128xf32> to vector<2x128xf32>
    %slice3A_440 = vector.extract_strided_slice %min3A_432 {offsets = [0, 0], sizes = [2, 128], strides = [1, 1]} : vector<4x128xf32> to vector<2x128xf32>
    %slice3A_441 = vector.extract_strided_slice %max3A_433 {offsets = [0, 0], sizes = [2, 128], strides = [1, 1]} : vector<4x128xf32> to vector<2x128xf32>
    %slice3A_442 = vector.extract_strided_slice %min3A_434 {offsets = [0, 0], sizes = [2, 128], strides = [1, 1]} : vector<4x128xf32> to vector<2x128xf32>
    %slice3A_443 = vector.extract_strided_slice %max3A_427 {offsets = [2, 0], sizes = [2, 128], strides = [1, 1]} : vector<4x128xf32> to vector<2x128xf32>
    %slice3A_444 = vector.extract_strided_slice %min3A_428 {offsets = [2, 0], sizes = [2, 128], strides = [1, 1]} : vector<4x128xf32> to vector<2x128xf32>
    %slice3A_445 = vector.extract_strided_slice %max3A_429 {offsets = [2, 0], sizes = [2, 128], strides = [1, 1]} : vector<4x128xf32> to vector<2x128xf32>
    %slice3A_446 = vector.extract_strided_slice %min3A_430 {offsets = [2, 0], sizes = [2, 128], strides = [1, 1]} : vector<4x128xf32> to vector<2x128xf32>
    %slice3A_447 = vector.extract_strided_slice %max3A_431 {offsets = [2, 0], sizes = [2, 128], strides = [1, 1]} : vector<4x128xf32> to vector<2x128xf32>
    %slice3A_448 = vector.extract_strided_slice %min3A_432 {offsets = [2, 0], sizes = [2, 128], strides = [1, 1]} : vector<4x128xf32> to vector<2x128xf32>
    %slice3A_449 = vector.extract_strided_slice %max3A_433 {offsets = [2, 0], sizes = [2, 128], strides = [1, 1]} : vector<4x128xf32> to vector<2x128xf32>
    %slice3A_450 = vector.extract_strided_slice %min3A_434 {offsets = [2, 0], sizes = [2, 128], strides = [1, 1]} : vector<4x128xf32> to vector<2x128xf32>
    %max3A_451 = arith.maximumf %slice3A_435, %slice3A_450 : vector<2x128xf32>
    %max3A_452 = arith.maximumf %slice3A_436, %slice3A_449 : vector<2x128xf32>
    %max3A_453 = arith.maximumf %slice3A_437, %slice3A_448 : vector<2x128xf32>
    %max3A_454 = arith.maximumf %slice3A_438, %slice3A_447 : vector<2x128xf32>
    %max3A_455 = arith.maximumf %slice3A_439, %slice3A_446 : vector<2x128xf32>
    %max3A_456 = arith.maximumf %slice3A_440, %slice3A_445 : vector<2x128xf32>
    %max3A_457 = arith.maximumf %slice3A_441, %slice3A_444 : vector<2x128xf32>
    %max3A_458 = arith.maximumf %slice3A_442, %slice3A_443 : vector<2x128xf32>
    %max3A_459 = arith.maximumf %max3A_451, %max3A_455 : vector<2x128xf32>
    %min3A_460 = arith.minimumf %max3A_451, %max3A_455 : vector<2x128xf32>
    %max3A_461 = arith.maximumf %max3A_452, %max3A_456 : vector<2x128xf32>
    %min3A_462 = arith.minimumf %max3A_452, %max3A_456 : vector<2x128xf32>
    %max3A_463 = arith.maximumf %max3A_453, %max3A_457 : vector<2x128xf32>
    %min3A_464 = arith.minimumf %max3A_453, %max3A_457 : vector<2x128xf32>
    %max3A_465 = arith.maximumf %max3A_454, %max3A_458 : vector<2x128xf32>
    %min3A_466 = arith.minimumf %max3A_454, %max3A_458 : vector<2x128xf32>
    %max3A_467 = arith.maximumf %max3A_459, %max3A_463 : vector<2x128xf32>
    %min3A_468 = arith.minimumf %max3A_459, %max3A_463 : vector<2x128xf32>
    %max3A_469 = arith.maximumf %max3A_461, %max3A_465 : vector<2x128xf32>
    %min3A_470 = arith.minimumf %max3A_461, %max3A_465 : vector<2x128xf32>
    %max3A_471 = arith.maximumf %min3A_460, %min3A_464 : vector<2x128xf32>
    %min3A_472 = arith.minimumf %min3A_460, %min3A_464 : vector<2x128xf32>
    %max3A_473 = arith.maximumf %min3A_462, %min3A_466 : vector<2x128xf32>
    %min3A_474 = arith.minimumf %min3A_462, %min3A_466 : vector<2x128xf32>
    %max3A_475 = arith.maximumf %max3A_467, %max3A_469 : vector<2x128xf32>
    %min3A_476 = arith.minimumf %max3A_467, %max3A_469 : vector<2x128xf32>
    %max3A_477 = arith.maximumf %min3A_468, %min3A_470 : vector<2x128xf32>
    %min3A_478 = arith.minimumf %min3A_468, %min3A_470 : vector<2x128xf32>
    %max3A_479 = arith.maximumf %max3A_471, %max3A_473 : vector<2x128xf32>
    %min3A_480 = arith.minimumf %max3A_471, %max3A_473 : vector<2x128xf32>
    %max3A_481 = arith.maximumf %min3A_472, %min3A_474 : vector<2x128xf32>
    %min3A_482 = arith.minimumf %min3A_472, %min3A_474 : vector<2x128xf32>
    %slice3A_483 = vector.extract_strided_slice %max3A_475 {offsets = [0, 0], sizes = [1, 128], strides = [1, 1]} : vector<2x128xf32> to vector<1x128xf32>
    %slice3A_484 = vector.extract_strided_slice %min3A_476 {offsets = [0, 0], sizes = [1, 128], strides = [1, 1]} : vector<2x128xf32> to vector<1x128xf32>
    %slice3A_485 = vector.extract_strided_slice %max3A_477 {offsets = [0, 0], sizes = [1, 128], strides = [1, 1]} : vector<2x128xf32> to vector<1x128xf32>
    %slice3A_486 = vector.extract_strided_slice %min3A_478 {offsets = [0, 0], sizes = [1, 128], strides = [1, 1]} : vector<2x128xf32> to vector<1x128xf32>
    %slice3A_487 = vector.extract_strided_slice %max3A_479 {offsets = [0, 0], sizes = [1, 128], strides = [1, 1]} : vector<2x128xf32> to vector<1x128xf32>
    %slice3A_488 = vector.extract_strided_slice %min3A_480 {offsets = [0, 0], sizes = [1, 128], strides = [1, 1]} : vector<2x128xf32> to vector<1x128xf32>
    %slice3A_489 = vector.extract_strided_slice %max3A_481 {offsets = [0, 0], sizes = [1, 128], strides = [1, 1]} : vector<2x128xf32> to vector<1x128xf32>
    %slice3A_490 = vector.extract_strided_slice %min3A_482 {offsets = [0, 0], sizes = [1, 128], strides = [1, 1]} : vector<2x128xf32> to vector<1x128xf32>
    %slice3A_491 = vector.extract_strided_slice %max3A_475 {offsets = [1, 0], sizes = [1, 128], strides = [1, 1]} : vector<2x128xf32> to vector<1x128xf32>
    %slice3A_492 = vector.extract_strided_slice %min3A_476 {offsets = [1, 0], sizes = [1, 128], strides = [1, 1]} : vector<2x128xf32> to vector<1x128xf32>
    %slice3A_493 = vector.extract_strided_slice %max3A_477 {offsets = [1, 0], sizes = [1, 128], strides = [1, 1]} : vector<2x128xf32> to vector<1x128xf32>
    %slice3A_494 = vector.extract_strided_slice %min3A_478 {offsets = [1, 0], sizes = [1, 128], strides = [1, 1]} : vector<2x128xf32> to vector<1x128xf32>
    %slice3A_495 = vector.extract_strided_slice %max3A_479 {offsets = [1, 0], sizes = [1, 128], strides = [1, 1]} : vector<2x128xf32> to vector<1x128xf32>
    %slice3A_496 = vector.extract_strided_slice %min3A_480 {offsets = [1, 0], sizes = [1, 128], strides = [1, 1]} : vector<2x128xf32> to vector<1x128xf32>
    %slice3A_497 = vector.extract_strided_slice %max3A_481 {offsets = [1, 0], sizes = [1, 128], strides = [1, 1]} : vector<2x128xf32> to vector<1x128xf32>
    %slice3A_498 = vector.extract_strided_slice %min3A_482 {offsets = [1, 0], sizes = [1, 128], strides = [1, 1]} : vector<2x128xf32> to vector<1x128xf32>
    %max3A_499 = arith.maximumf %slice3A_483, %slice3A_498 : vector<1x128xf32>
    %max3A_500 = arith.maximumf %slice3A_484, %slice3A_497 : vector<1x128xf32>
    %max3A_501 = arith.maximumf %slice3A_485, %slice3A_496 : vector<1x128xf32>
    %max3A_502 = arith.maximumf %slice3A_486, %slice3A_495 : vector<1x128xf32>
    %max3A_503 = arith.maximumf %slice3A_487, %slice3A_494 : vector<1x128xf32>
    %max3A_504 = arith.maximumf %slice3A_488, %slice3A_493 : vector<1x128xf32>
    %max3A_505 = arith.maximumf %slice3A_489, %slice3A_492 : vector<1x128xf32>
    %max3A_506 = arith.maximumf %slice3A_490, %slice3A_491 : vector<1x128xf32>
    %max3A_507 = arith.maximumf %max3A_499, %max3A_503 : vector<1x128xf32>
    %min3A_508 = arith.minimumf %max3A_499, %max3A_503 : vector<1x128xf32>
    %max3A_509 = arith.maximumf %max3A_500, %max3A_504 : vector<1x128xf32>
    %min3A_510 = arith.minimumf %max3A_500, %max3A_504 : vector<1x128xf32>
    %max3A_511 = arith.maximumf %max3A_501, %max3A_505 : vector<1x128xf32>
    %min3A_512 = arith.minimumf %max3A_501, %max3A_505 : vector<1x128xf32>
    %max3A_513 = arith.maximumf %max3A_502, %max3A_506 : vector<1x128xf32>
    %min3A_514 = arith.minimumf %max3A_502, %max3A_506 : vector<1x128xf32>
    %max3A_515 = arith.maximumf %max3A_507, %max3A_511 : vector<1x128xf32>
    %min3A_516 = arith.minimumf %max3A_507, %max3A_511 : vector<1x128xf32>
    %max3A_517 = arith.maximumf %max3A_509, %max3A_513 : vector<1x128xf32>
    %min3A_518 = arith.minimumf %max3A_509, %max3A_513 : vector<1x128xf32>
    %max3A_519 = arith.maximumf %min3A_508, %min3A_512 : vector<1x128xf32>
    %min3A_520 = arith.minimumf %min3A_508, %min3A_512 : vector<1x128xf32>
    %max3A_521 = arith.maximumf %min3A_510, %min3A_514 : vector<1x128xf32>
    %min3A_522 = arith.minimumf %min3A_510, %min3A_514 : vector<1x128xf32>
    %max3A_523 = arith.maximumf %max3A_515, %max3A_517 : vector<1x128xf32>
    %min3A_524 = arith.minimumf %max3A_515, %max3A_517 : vector<1x128xf32>
    %max3A_525 = arith.maximumf %min3A_516, %min3A_518 : vector<1x128xf32>
    %min3A_526 = arith.minimumf %min3A_516, %min3A_518 : vector<1x128xf32>
    %max3A_527 = arith.maximumf %max3A_519, %max3A_521 : vector<1x128xf32>
    %min3A_528 = arith.minimumf %max3A_519, %max3A_521 : vector<1x128xf32>
    %max3A_529 = arith.maximumf %min3A_520, %min3A_522 : vector<1x128xf32>
    %min3A_530 = arith.minimumf %min3A_520, %min3A_522 : vector<1x128xf32>
    %concatenate3A_531 = tpu.concatenate %max3A_523, %min3A_524, %max3A_525, %min3A_526, %max3A_527, %min3A_528, %max3A_529, %min3A_530 in 0 : vector<1x128xf32>, vector<1x128xf32>, vector<1x128xf32>, vector<1x128xf32>, vector<1x128xf32>, vector<1x128xf32>, vector<1x128xf32>, vector<1x128xf32> -> vector<8x128xf32>
    %transpose3A = tpu.transpose %concatenate3A_531, [1, 0] : vector<8x128xf32> -> vector<128x8xf32>
    %swap3A = arith.constant 0 : index
    %swap3A_532 = arith.constant 0 : index
    %swap3A_533 = arith.constant 0 : index
    %swap3A_534 = vector.load %arg2[%swap3A, %swap3A_532, %swap3A_533] : memref<1x128x8xf32, #tpu.memory_space<vmem>>, vector<1x128x8xf32>
    %swap3A_535 = vector.shape_cast %swap3A_534 : vector<1x128x8xf32> to vector<128x8xf32>
    %swap3A_536 = vector.shape_cast %transpose3A : vector<128x8xf32> to vector<1x128x8xf32>
    tpu.vector_store %arg2[%swap3A, %swap3A_532, %swap3A_533], %swap3A_536 {strides = array<i32>} : memref<1x128x8xf32, #tpu.memory_space<vmem>>, vector<1x128x8xf32>,
    return
  }
  func.func @transform_0(%arg0: i32) -> (i32, i32, i32, i32) {
    %c0_i32 = arith.constant 0 : i32
    %c0_i32_0 = arith.constant 0 : i32
    %c0_i32_1 = arith.constant 0 : i32
    %c0_i32_2 = arith.constant 0 : i32
    return %arg0, %c0_i32, %c0_i32_0, %c0_i32_1 : i32, i32, i32, i32
  }
  func.func @transform_1(%arg0: i32) -> (i32, i32, i32) {
    %c0_i32 = arith.constant 0 : i32
    %c0_i32_0 = arith.constant 0 : i32
    %c0_i32_1 = arith.constant 0 : i32
    return %arg0, %c0_i32, %c0_i32_0 : i32, i32, i32
  }
}

</mosaic_0001>

<sc_bundles>
// kernel: kernel.5.cloned.1.call-start
scs
__scs_entry_jumppad:
0x0: {  	(pc) =	sbr.rel $0x88, $3  }
0x1: {  	(tag) =	ssettag $0x0;
	lr =	simm.s32 $0x1  }
0x2: {  	[smem:$0x3FA0] =	sst lr;
	_ =	strace $0xD0000000  }
0x3: {  	_ = 	snop  }
0x4: {  	_ = 	snop  }
0x5: {  	_ = 	snop  }
0x6: {  	_ = 	snop  }
0x7: {  	_ = 	snop  }
__scs_overlays_trampoline_lowered:
0x8: {  	[smem:$0x3FAF] =	sst s0  }
0x9: {  	[smem:$0x3FB0] =	sst s1  }
0xa: {  	[smem:$0x3FB1] =	sst s2  }
0xb: {  	[smem:$0x3FB2] =	sst s3  }
0xc: {  	[smem:$0x3FB3] =	sst s4  }
0xd: {  	[smem:$0x3FB4] =	sst s5  }
0xe: {  	[smem:$0x3FB5] =	sst s6  }
0xf: {  	[smem:$0x3FB6] =	sst s7  }
0x10: {  	[smem:$0x3FB7] =	sst s8  }
0x11: {  	[smem:$0x3FB8] =	sst s9;
	s0 =	simm.s32 @!p0 $0x0  }
0x12: {  	s1 =	sld [smem:$0x3F9E];
	s0 =	simm.s32 @p0 $0x1  }
0x13: {  	[smem:$0x3FB9] =	sst s0;
	s0 =	simm.s32 @!p1 $0x0  }
0x14: {  	s2 =	sld [smem:$0x3F9D];
	s0 =	simm.s32 @p1 $0x1  }
0x15: {  	[smem:$0x3FBA] =	sst s0;
	s0 =	simm.s32 @!p2 $0x0  }
0x16: {  	s3 =	sld [smem:$0x3FDB];
	s0 =	simm.s32 @p2 $0x1  }
0x17: {  	s4 =	simm.s32 $0x1BF5;
	[smem:$0x3FBC] =	sst s0  }
0x18: {  	s0 =	sld [smem:$0x3F9F];
	_ =	swait.ge [sflag:s4], $0x0  }
0x19: {  	s7 =	sld [smem:$0x3FA0]  }
0x1a: {  	s8 =	sadd.s32 $0xFFFFE003, lr  }
0x1b: {  	s9 =	sadd.s32 $0xFFFFFEF7, lr;
	s5 =	simm.s32 $0xFFFFFFFF;
	p2 =	slt.u32 s8, $0xFFFFF086  }
0x1c: {  	p1 =	slt.u32 s9, $0xF7A;
	s5 =	simm.s32 @!p2 $0x0  }
0x1d: {  	s5 =	simm.s32 @p1 $0x1;
	p0 =	seq.s32 s7, s2  }
0x1e: {  	s7 =	smul.u32 @!p0 $0xF7A, s2;
	p2 =	seq.s32 @!p0 s5, $0x0  }
0x1f: {  	s9 =	smul.u32 $0xF7A, s1;
	s8 =	simm.s32 @!p0 $0x1BF5;
	p2 =	por !p2, p0  }
0x20: {  	[sflag:s8] =	ssyncset.s32 @!p0 $0xFFFFF086;
	s6 =	sadd.s32 @!p0 s3, s7;
	s7 =	simm.s32 @!p0 $0x108  }
0x21: {  	s3 =	sadd.s32 s3, s9;
	s6 =	sadd.s32 @!p0 $0x88, s6;
	s7 =	simm.s32 @p2 $0x1082  }
0x22: {  	[simem:s7], [sflag:s8] =	dma.local @!p0 [hbm:s6], $0xF7A  }
0x23: {  	s9 =	sor.u32 $0xD0000000, s2;
	s6 =	simm.s32 $0x108;
	_ =	swait.ge @!p0 [sflag:s8], $0x0  }
0x24: {  	s3 =	sadd.s32 $0x88, s3;
	s6 =	simm.s32 @!p1 $0x1082;
	[sflag:s4] =	ssyncset.s32 $0xFFFFF086  }
0x25: {  	[simem:s6], [sflag:s4] =	dma.local [hbm:s3], $0xF7A  }
0x26: {  	[smem:$0x3FA0] =	sst s1;
	(tag) =	ssettag s2;
	_ =	strace s9  }
0x27: {  	s1 =	sld [smem:$0x3FB0]  }
0x28: {  	s2 =	sld [smem:$0x3FB1]  }
0x29: {  	s4 =	sld [smem:$0x3FB3]  }
0x2a: {  	p0 =	seq.s32 s5, $0x0;
	s5 =	sld [smem:$0x3FB4]  }
0x2b: {  	s6 =	sld [smem:$0x3FB5]  }
0x2c: {  	s7 =	sld [smem:$0x3FB6]  }
0x2d: {  	s3 =	simm.s32 $0x108;
	s8 =	sld [smem:$0x3FB7]  }
0x2e: {  	s3 =	simm.s32 @!p0 $0x1082;
	s9 =	sld [smem:$0x3FB8]  }
0x2f: {  	lr =	sadd.s32 s0, s3;
	s0 =	sld [smem:$0x3FAF]  }
0x30: {  	s3 =	sld [smem:$0x3FB2]  }
0x31: {  	[smem:$0x3FBB] =	sst s10  }
0x32: {  	s10 =	sld [smem:$0x3FB9];
	_ =	sdelay $0x3  }
0x33: {  	p0 =	seq.s32 s10, $0x1;
	s10 =	sld [smem:$0x3FBB];
	_ =	sdelay $0x3  }
0x34: {  	[smem:$0x3FBB] =	sst s10  }
0x35: {  	s10 =	sld [smem:$0x3FBA];
	_ =	sdelay $0x3  }
0x36: {  	p1 =	seq.s32 s10, $0x1;
	s10 =	sld [smem:$0x3FBB];
	_ =	sdelay $0x3  }
0x37: {  	[smem:$0x3FBB] =	sst s10  }
0x38: {  	s10 =	sld [smem:$0x3FBC]  }
0x39: {  	_ = 	snop;
	(pc) =	sbr.ind lr, $3  }
0x3a: {  	_ = 	snop  }
0x3b: {  	_ = 	snop  }
0x3c: {  	p2 =	seq.s32 s10, $0x1;
	s10 =	sld [smem:$0x3FBB]  }
0x3d: {  	_ =	shalt  }
0x3e: {  	_ =	shalt  }
0x3f: {  	_ =	shalt  }
0x40: {  	_ =	shalt  }
0x41: {  	_ =	shalt  }
0x42: {  	_ =	shalt  }
0x43: {  	_ =	shalt  }
0x44: {  	_ =	shalt  }
0x45: {  	_ =	shalt  }
0x46: {  	_ =	shalt  }
0x47: {  	_ =	shalt  }
0x48: {  	_ =	shalt  }
0x49: {  	_ =	shalt  }
0x4a: {  	_ =	shalt  }
0x4b: {  	_ =	shalt  }
0x4c: {  	_ =	shalt  }
0x4d: {  	_ =	shalt  }
0x4e: {  	_ =	shalt  }
0x4f: {  	_ =	shalt  }
0x50: {  	_ =	shalt  }
0x51: {  	_ =	shalt  }
0x52: {  	_ =	shalt  }
0x53: {  	_ =	shalt  }
0x54: {  	_ =	shalt  }
0x55: {  	_ =	shalt  }
0x56: {  	_ =	shalt  }
0x57: {  	_ =	shalt  }
0x58: {  	_ =	shalt  }
0x59: {  	_ =	shalt  }
0x5a: {  	_ =	shalt  }
0x5b: {  	_ =	shalt  }
0x5c: {  	_ =	shalt  }
0x5d: {  	_ =	shalt  }
0x5e: {  	_ =	shalt  }
0x5f: {  	_ =	shalt  }
0x60: {  	_ =	shalt  }
0x61: {  	_ =	shalt  }
0x62: {  	_ =	shalt  }
0x63: {  	_ =	shalt  }
0x64: {  	_ =	shalt  }
0x65: {  	_ =	shalt  }
0x66: {  	_ =	shalt  }
0x67: {  	_ =	shalt  }
0x68: {  	_ =	shalt  }
0x69: {  	_ =	shalt  }
0x6a: {  	_ =	shalt  }
0x6b: {  	_ =	shalt  }
0x6c: {  	_ =	shalt  }
0x6d: {  	_ =	shalt  }
0x6e: {  	_ =	shalt  }
0x6f: {  	_ =	shalt  }
0x70: {  	_ =	shalt  }
0x71: {  	_ =	shalt  }
0x72: {  	_ =	shalt  }
0x73: {  	_ =	shalt  }
0x74: {  	_ =	shalt  }
0x75: {  	_ =	shalt  }
0x76: {  	_ =	shalt  }
0x77: {  	_ =	shalt  }
0x78: {  	_ =	shalt  }
0x79: {  	_ =	shalt  }
0x7a: {  	_ =	shalt  }
0x7b: {  	_ =	shalt  }
0x7c: {  	_ =	shalt  }
0x7d: {  	_ =	shalt  }
0x7e: {  	_ =	shalt  }
0x7f: {  	_ =	shalt  }
0x80: {  	_ =	shalt  }
0x81: {  	_ =	shalt  }
0x82: {  	_ =	shalt  }
0x83: {  	_ =	shalt  }
0x84: {  	_ =	shalt  }
0x85: {  	_ =	shalt  }
0x86: {  	_ =	shalt  }
0x87: {  	_ =	shalt  }
.Lfunc_end0:
.L_simem_size_0:
called_computation_lowered:
.L_overlay_start_0:
0x88: {  	s2 =	sld [smem:$0x3FD9]  }
0x89: {  	s3 =	sld [smem:$0x3FFE];
	_ =	sdelay $0x1  }
0x8a: {  	s1 =	srdreg.scid  }
0x8b: {  	s0 =	sand.u32 $0x1, s1  }
0x8c: {  	s18 =	sshll.u32 s0, $0xA;
	s2 =	sadd.s32 s3, s2  }
0x8d: {  	s2 =	sadd.s32 s2, s18  }
0x8e: {  	[smem:$0x3FC7] =	sst s2  }
0x8f: {  	_ = 	snop  }
0x90: {  	s2 =	sld [smem:$0x3FC9]  }
0x91: {  	s19 =	sld [smem:$0x3FD0];
	(tm) =	ssettm $0x1  }
0x92: {  	s4 =	sld [smem:$0x3FFB];
	_ =	sdelay $0x3  }
0x93: {  	_ =	strace s4  }
0x94: {  	s4 =	sld [smem:$0x3FFC];
	_ =	sdelay $0x3  }
0x95: {  	_ =	strace s4  }
0x96: {  	s4 =	sld [smem:$0x3FFD];
	_ =	sdelay $0x3  }
0x97: {  	_ =	strace s4  }
0x98: {  	_ =	strace $0x8FFFFFFF  }
0x99: {  	s20 =	sld [smem:$0x3FDB];
	_ =	sdelay $0x1  }
0x9a: {  	s5 =	simm.s32 $_scs_section_size  }
0x9b: {  	s6 =	simm.s32 $_size__tile_overlayer_lowered;
	s7 =	simm.s32 $_tile_overlayer_lowered  }
0x9c: {  	s23 =	simm.s32 $0x1BFF;
	s22 =	sshll.u32 s7, $0x1;
	s4 =	sadd.s32 s5, s20  }
0x9d: {  	s8 =	simm.s32 $0x0;
	s21 =	sshll.u32 s6, $0x1;
	s6 =	sadd.s32 s22, s4  }
0x9e: {  	[timem:s8], [sflag:s23] =	dma.local [hbm:s6], s21  }
0x9f: {  	_ =	swait.ge [sflag:s23], s21  }
0xa0: {  	s5 =	ssub.s32 $0x0, s21;
	[sflag:s23] =	ssyncset.done $0x0  }
0xa1: {  	[sflag:s23] =	ssyncadd.s32 s5;
	_ =	sdelay $0x1  }
0xa2: {  	s24 =	simm.s32 $0x1B8B  }
0xa3: {  	_ =	swait.ge [sflag:s24], $0x1  }
0xa4: {  	[sflag:s24] =	ssyncset.done $0x0  }
0xa5: {  	s25 =	simm.s32 $0x1B8E;
	[sflag:s24] =	ssyncadd.s32 $0xFFFFFFFF  }
0xa6: {  	s26 =	simm.s32 $execute0_lowered;
	[smem:$0x3FD2] =	sst s25  }
0xa7: {  	s5 =	sshll.u32 s26, $0x1;
	_ =	strace $0x80000046;
	[dreg:$0x1] =	wrdreg $0xFFFFFFFF  }
0xa8: {  	s28 =	simm.s32 $_size_execute0_lowered;
	s4 =	sadd.s32 s4, s5;
	[dreg:$0x0] =	wrdreg $0x0  }
0xa9: {  	s5 =	sshll.u32 s28, $0x1;
	[dreg:$0x2] =	wrdreg s4  }
0xaa: {  	[dreg:$0x3] =	wrdreg s5  }
0xab: {  	[dreg:$0x4] =	wrdreg $0xC0  }
0xac: {  	_ =	task [dreg:s8], $0x5FFFF  }
0xad: {  	[dreg:$0x1] =	wrdreg $0xFFFFFFFF  }
0xae: {  	[dreg:$0x0] =	wrdreg $0x60  }
0xaf: {  	[dreg:$0x2] =	wrdreg s2  }
0xb0: {  	[dreg:$0x3] =	wrdreg s19  }
0xb1: {  	[dreg:$0x4] =	wrdreg $0x9  }
0xb2: {  	_ =	task.clear_ibuf [dreg:s8], $0x5FFFF;
	_ =	strace $0x90000046  }
0xb3: {  	s29 =	simm.s32 $0x9;
	_ =	strace $0x80000048  }
0xb4: {  	_ =	swait.ge [sflag:s29], $0x1  }
0xb5: {  	[sflag:s29] =	ssyncadd.s32 $0xFFFFFFFF  }
0xb6: {  	_ =	strace $0x90000048  }
0xb7: {  	_ =	sfence  }
0xb8: {  	s30 =	sld [smem:$0x0];
	_ =	sdelay $0x2  }
0xb9: {  	s31 =	sshll.u32 s1, $0xD;
	s1 =	sshrl.u32 s1, $0x2  }
0xba: {  	s3 =	sand.u32 $0x4000, s31;
	s1 =	sadd.s32 s1, s30  }
0xbb: {  	s0 =	sor.u32 s3, s0;
	s1 =	sshll.u32 s1, $0x11  }
0xbc: {  	s0 =	sor.u32 s1, s0  }
0xbd: {  	s0 =	sadd.s32 $0x8F2B, s0  }
0xbe: {  	[sflag:s0] =	ssyncadd.remote.s32 $0x1  }
0xbf: {  	_ =	sfence.sel $0xFFFF  }
0xc0: {  	[dreg:$0x0] =	wrdreg $0xFFFFFFFF;
	(pc) =	sbr.abs _section_cstart, $3  }
0xc1: {  	[dreg:$0x1] =	wrdreg $0xFFFFFFFF  }
0xc2: {  	_ =	task.clear_ibuf [dreg:s8], $0x2FFFF;
	_ =	strace $0x9FFFFFFF  }
0xc3: {  	(tm) =	ssettm $0x7FFFFFFF  }
tec
execute0_lowered:
.L_overlay_start_1:
0x0: {  	(tag) =	ssettag $0x1  }
0x1: {  	s3 =	rddreg [dreg:$0x0]  }
0x2: {  	s4 =	rddreg [dreg:$0x1]  }
0x3: {  	s0 =	rddreg [dreg:$0x2];
	s2 =	simm.s32 $0x0;
	s5 =	srdreg.scid  }
0x4: {  	s1 =	stileid.u32;
	[smem:$0x7FF] =	sst s2;
	s5 =	sand.u32 $0x1, s5  }
0x5: {  	s7 =	sshll.u32 s1, $0x1;
	s9 =	sshrl.u32 s1, $0x2;
	_ =	strace $0x80000047  }
0x6: {  	s6 =	ssub.s32 $0x2, s5;
	s7 =	sand.u32 $0x6, s7;
	s29 =	sshll.u32 s9, $0x11  }
0x7: {  	s31 =	sshll.u32 s9, $0xA;
	s8 =	sshrl.u32 s6, $0x1;
	s5 =	sor.u32 s5, s7  }
0x8: {  	s3 =	sadd.s32 s29, s3;
	s4 =	sadd.s32 s4, s31;
	s7 =	simm.s32 $0x10000  }
0x9: {  	s6 =	ssub.s32 s6, s8;
	s30 =	sshll.u32 s5, $0xE;
	s5 =	sshll.u32 s5, $0x7  }
0xa: {  	s8 =	simm.s32 $0x0;
	s3 =	sadd.s32 s30, s3;
	s4 =	sadd.s32 s5, s4  }
0xb: {  	s5 =	smax.u32 s6, $0x1;
	s6 =	simm.s32 $0x1;
	s3 =	sadd.s32 $0x380000, s3  }
.LBB2_1:
0xc: {  	v13 =	vimm.f32 $-Inf  }
0xd: {  	v2 =	vimm.f32 $-Inf;
	v3 =	vimm.f32 $-Inf;
	v1 =	vimm.f32 $-Inf  }
0xe: {  	v4 =	vimm.f32 $-Inf;
	v8 =	vimm.f32 $-Inf;
	v7 =	vimm.f32 $-Inf  }
0xf: {  	v9 =	vimm.f32 $-Inf;
	v24 =	vimm.f32 $-Inf;
	v27 =	vimm.f32 $-Inf  }
0x10: {  	v29 =	vimm.f32 $-Inf;
	v30 =	vimm.f32 $-Inf;
	v31 =	vimm.f32 $-Inf  }
0x11: {  	v0 =	vimm.f32 $-Inf;
	v33 =	vimm.f32 $-Inf;
	v34 =	vimm.f32 $-Inf  }
0x12: {  	v35 =	vimm.f32 $-Inf;
	v5 =	vimm.f32 $-Inf;
	v32 =	vimm.f32 $-Inf  }
0x13: {  	v26 =	vimm.f32 $-Inf;
	v36 =	vimm.f32 $-Inf;
	[tilespmem:$0x1FF10] =	vst v0;
	v0 =	vimm.f32 $-Inf  }
0x14: {  	v28 =	vimm.f32 $-Inf;
	v37 =	vimm.f32 $-Inf;
	[tilespmem:$0x1FF20] =	vst v0;
	v0 =	vimm.f32 $-Inf  }
0x15: {  	v38 =	vimm.f32 $-Inf;
	v39 =	vimm.f32 $-Inf;
	[tilespmem:$0x1FF30] =	vst v0;
	v0 =	vimm.f32 $-Inf  }
0x16: {  	v40 =	vimm.f32 $-Inf;
	v41 =	vimm.f32 $-Inf;
	[tilespmem:$0x1FF40] =	vst v0;
	v0 =	vimm.f32 $-Inf  }
0x17: {  	v42 =	vimm.f32 $-Inf;
	v43 =	vimm.f32 $-Inf;
	[tilespmem:$0x1FF50] =	vst v0;
	v0 =	vimm.f32 $-Inf  }
0x18: {  	v44 =	vimm.f32 $-Inf;
	v45 =	vimm.f32 $-Inf;
	[tilespmem:$0x1FF60] =	vst v0;
	v0 =	vimm.f32 $-Inf  }
0x19: {  	v46 =	vimm.f32 $-Inf;
	v47 =	vimm.f32 $-Inf;
	[tilespmem:$0x1FF70] =	vst v0;
	v0 =	vimm.f32 $-Inf  }
0x1a: {  	v48 =	vimm.f32 $-Inf;
	v49 =	vimm.f32 $-Inf;
	[tilespmem:$0x1FF80] =	vst v0;
	v0 =	vimm.f32 $-Inf  }
0x1b: {  	v50 =	vimm.f32 $-Inf;
	v51 =	vimm.f32 $-Inf;
	[tilespmem:$0x1FF90] =	vst v0;
	v0 =	vimm.f32 $-Inf  }
0x1c: {  	v52 =	vimm.f32 $-Inf;
	v53 =	vimm.f32 $-Inf;
	[tilespmem:$0x1FFA0] =	vst v0;
	v0 =	vimm.f32 $-Inf  }
0x1d: {  	v54 =	vimm.f32 $-Inf;
	v55 =	vimm.f32 $-Inf;
	[tilespmem:$0x1FFB0] =	vst v0;
	v0 =	vimm.f32 $-Inf  }
0x1e: {  	v56 =	vimm.f32 $-Inf;
	v16 =	vimm.f32 $-Inf;
	[tilespmem:$0x1FFC0] =	vst v0;
	v0 =	vimm.f32 $-Inf  }
0x1f: {  	v57 =	vimm.f32 $-Inf;
	v58 =	vimm.f32 $-Inf;
	[tilespmem:$0x1FFD0] =	vst v0;
	v0 =	vimm.f32 $-Inf  }
0x20: {  	v59 =	vimm.f32 $-Inf;
	v60 =	vimm.f32 $-Inf;
	[tilespmem:$0x1FFE0] =	vst v0;
	v0 =	vimm.f32 $-Inf  }
0x21: {  	p1 =	por $0x1, $0x1;
	v61 =	vimm.f32 $-Inf;
	v62 =	vimm.f32 $-Inf;
	v63 =	vimm.f32 $-Inf;
	s9 =	simm.s32 $0x0;
	[tilespmem:$0x1FFF0] =	vst v0  }
.LBB2_2:
0x22: {  	[tilespmem:$0x1FE60] =	vst v35  }
0x23: {  	[tilespmem:$0x1FE70] =	vst v32  }
0x24: {  	[tilespmem:$0x1FE80] =	vst v2  }
0x25: {  	[tilespmem:$0x1FE90] =	vst v5  }
0x26: {  	[tilespmem:$0x1FEA0] =	vst v9  }
0x27: {  	[tilespmem:$0x1FEB0] =	vst v8  }
0x28: {  	[tilespmem:$0x1FEC0] =	vst v7  }
0x29: {  	[tilespmem:$0x1FED0] =	vst v4  }
0x2a: {  	[tilespmem:$0x1FEE0] =	vst v3  }
0x2b: {  	[tilespmem:$0x1FEF0] =	vst v1  }
0x2c: {  	[tilespmem:$0x1FF00] =	vst v13;
	s9 =	sadd.s32 s9, s3;
	s10 =	simm.s32 $0x0  }
0x2d: {  	[tilespmem:s10], [sflag:$0x1] =	stream.linear.gather [hbm4b:s9+s10], $0x10000, $0x38;
	[tilespmem:$0x10400] =	vst v63  }
0x2e: {  	_ =	swait.ge [sflag:s6], $0x10000  }
0x2f: {  	[sflag:s6] =	ssyncset.done $0x0  }
0x30: {  	s9 =	simm.s32 $0x0;
	[sflag:s6] =	ssyncadd.s32 $0xFFFF0000  }
0x31: {  	v0 =	vld [tilespmem:s9+$0x0]  }
0x32: {  	v1 =	vld [tilespmem:s9+$0x80]  }
0x33: {  	v2 =	vld [tilespmem:s9+$0x100]  }
0x34: {  	v3 =	vld [tilespmem:s9+$0x180]  }
0x35: {  	v4 =	vld [tilespmem:s9+$0x200]  }
0x36: {  	v5 =	vld [tilespmem:s9+$0x280]  }
0x37: {  	v6 =	vld [tilespmem:s9+$0x300]  }
0x38: {  	v7 =	vld [tilespmem:s9+$0x380]  }
0x39: {  	v8 =	vld [tilespmem:s9+$0x400]  }
0x3a: {  	v9 =	vld [tilespmem:s9+$0x480]  }
0x3b: {  	v10 =	vld [tilespmem:s9+$0x500]  }
0x3c: {  	v11 =	vld [tilespmem:s9+$0x580]  }
0x3d: {  	v12 =	vld [tilespmem:s9+$0x600]  }
0x3e: {  	v13 =	vld [tilespmem:s9+$0x680]  }
0x3f: {  	v32 =	vld [tilespmem:s9+$0x700]  }
0x40: {  	v25 =	vld [tilespmem:s9+$0x780]  }
0x41: {  	v14 =	vmax.f32 v0, v1;
	v1 =	vmin.f32 v0, v1;
	v15 =	vmax.f32 v2, v3  }
0x42: {  	v17 =	vmin.f32 v2, v3;
	v18 =	vmax.f32 v4, v5;
	v4 =	vmin.f32 v4, v5  }
0x43: {  	v5 =	vmax.f32 v6, v7;
	v21 =	vmin.f32 v6, v7;
	v22 =	vmax.f32 v8, v9  }
0x44: {  	v23 =	vmin.f32 v8, v9;
	v9 =	vmax.f32 v10, v11;
	v10 =	vmin.f32 v10, v11  }
0x45: {  	v2 =	vmax.f32 v12, v13;
	v35 =	vmin.f32 v12, v13;
	v13 =	vmax.f32 v32, v25  }
0x46: {  	v0 =	vmin.f32 v32, v25;
	v19 =	vmax.f32 v14, v15;
	v20 =	vmin.f32 v1, v17  }
0x47: {  	v8 =	vmax.f32 v18, v5;
	v6 =	vmin.f32 v4, v21;
	v7 =	vmax.f32 v22, v9  }
0x48: {  	v32 =	vmin.f32 v23, v10;
	v3 =	vmax.f32 v2, v13;
	v11 =	vmin.f32 v35, v0  }
0x49: {  	v25 =	vmovc v2;
	v2 =	vmin.f32 v14, v15;
	v1 =	vmax.f32 v1, v17;
	v5 =	vmin.f32 v18, v5  }
0x4a: {  	v4 =	vmax.f32 v4, v21;
	v12 =	vmin.f32 v22, v9;
	v10 =	vmax.f32 v23, v10  }
0x4b: {  	v0 =	vmax.f32 v35, v0;
	v21 =	vmax.f32 v19, v8;
	v13 =	vmin.f32 v25, v13  }
0x4c: {  	v22 =	vmin.f32 v20, v6;
	v35 =	vmax.f32 v7, v3;
	v25 =	vmin.f32 v32, v11  }
0x4d: {  	v18 =	vmin.f32 v19, v8;
	v14 =	vmax.f32 v20, v6;
	v15 =	vmin.f32 v7, v3  }
0x4e: {  	v9 =	vmax.f32 v1, v2;
	v7 =	vmin.f32 v1, v2;
	v17 =	vmax.f32 v32, v11  }
0x4f: {  	v8 =	vmax.f32 v4, v5;
	v11 =	vmin.f32 v4, v5;
	v6 =	vmax.f32 v10, v12  }
0x50: {  	v10 =	vmin.f32 v10, v12;
	v12 =	vmax.f32 v0, v13;
	v13 =	vmin.f32 v0, v13  }
0x51: {  	v2 =	vmin.f32 v9, v8;
	v1 =	vmax.f32 v21, v25;
	v0 =	vmax.f32 v22, v35  }
0x52: {  	v4 =	vmax.f32 v7, v11;
	v9 =	vmax.f32 v9, v8;
	v11 =	vmin.f32 v7, v11  }
0x53: {  	v3 =	vmin.f32 v6, v12;
	v5 =	vmax.f32 v10, v13;
	v19 =	vmax.f32 v6, v12  }
0x54: {  	v7 =	vmax.f32 v9, v18;
	v8 =	vmin.f32 v14, v11;
	v35 =	vmin.f32 v10, v13  }
0x55: {  	v6 =	vmin.f32 v9, v18;
	v10 =	vmax.f32 v14, v11;
	v12 =	vmax.f32 v19, v15  }
0x56: {  	p0 =	por p1, p1;
	s10 =	simm.s32 $0x2000;
	v13 =	vmin.f32 v17, v35;
	v11 =	vmin.f32 v19, v15;
	v9 =	vmax.f32 v17, v35  }
.LBB2_3:
0x57: {  	p1 =	sne.s32 s10, $0x3E000;
	v14 =	vmax.f32 v4, v6;
	v7 =	vmax.f32 v7, v13;
	v8 =	vmax.f32 v8, v12  }
0x58: {  	v12 =	vmin.f32 v10, v2;
	v13 =	vmax.f32 v5, v11;
	v15 =	vmin.f32 v9, v3  }
0x59: {  	v4 =	vmin.f32 v4, v6;
	v2 =	vmax.f32 v10, v2;
	v5 =	vmin.f32 v5, v11  }
0x5a: {  	v3 =	vmax.f32 v9, v3;
	v6 =	vmax.f32 v14, v15;
	v9 =	vmax.f32 v12, v13  }
0x5b: {  	v10 =	vmax.f32 v2, v4;
	v2 =	vmin.f32 v2, v4;
	v4 =	vmax.f32 v3, v5  }
0x5c: {  	v3 =	vmin.f32 v3, v5;
	v5 =	vmax.f32 v7, v9;
	v7 =	vmin.f32 v7, v9  }
0x5d: {  	v2 =	vmax.f32 v2, v4;
	v4 =	vmax.f32 v6, v8;
	v6 =	vmin.f32 v6, v8  }
0x5e: {  	v3 =	vmax.f32 v10, v3;
	v8 =	vmax.f32 v1, v2;
	v1 =	vmin.f32 v1, v2  }
0x5f: {  	s11 =	sshra.s32 s10, $0x2;
	v2 =	vmax.f32 v3, v0;
	v0 =	vmin.f32 v3, v0;
	v3 =	vmax.f32 v8, v4  }
0x60: {  	v4 =	vmin.f32 v8, v4;
	v8 =	vmax.f32 v5, v2;
	v2 =	vmin.f32 v5, v2;
	v9 =	vld [tilespmem:s11+$0x0]  }
0x61: {  	v10 =	vmax.f32 v1, v6;
	v1 =	vmin.f32 v1, v6;
	v6 =	vmax.f32 v7, v0;
	v5 =	vld [tilespmem:s11+$0x80]  }
0x62: {  	v0 =	vmin.f32 v7, v0;
	v7 =	vmax.f32 v3, v8;
	v3 =	vmin.f32 v3, v8;
	v11 =	vld [tilespmem:s11+$0x100]  }
0x63: {  	v12 =	vmax.f32 v4, v2;
	v2 =	vmin.f32 v4, v2;
	v4 =	vmax.f32 v10, v6;
	v8 =	vld [tilespmem:s11+$0x180]  }
0x64: {  	v6 =	vmin.f32 v10, v6;
	v10 =	vmax.f32 v1, v0;
	v0 =	vmin.f32 v1, v0;
	v13 =	vld [tilespmem:s11+$0x200]  }
0x65: {  	v0 =	vmax.f32 v63, v0;
	v10 =	vmax.f32 v62, v10;
	v6 =	vmax.f32 v61, v6;
	v1 =	vld [tilespmem:s11+$0x280]  }
0x66: {  	v4 =	vmax.f32 v60, v4;
	v2 =	vmax.f32 v59, v2;
	v12 =	vmax.f32 v58, v12;
	v14 =	vld [tilespmem:s11+$0x300]  }
0x67: {  	v3 =	vmax.f32 v57, v3;
	v7 =	vmax.f32 v16, v7;
	v57 =	vmin.f32 v0, v2;
	v15 =	vld [tilespmem:s11+$0x380]  }
0x68: {  	v58 =	vmin.f32 v10, v12;
	v59 =	vmin.f32 v6, v3;
	v60 =	vmin.f32 v4, v7;
	v16 =	vld [tilespmem:s11+$0x400]  }
0x69: {  	v0 =	vmax.f32 v0, v2;
	v2 =	vmin.f32 v57, v59;
	v18 =	vmin.f32 v58, v60;
	v17 =	vld [tilespmem:s11+$0x480]  }
0x6a: {  	v10 =	vmax.f32 v10, v12;
	v3 =	vmax.f32 v6, v3;
	v32 =	vmin.f32 v2, v18;
	v19 =	vld [tilespmem:s11+$0x500]  }
0x6b: {  	v4 =	vmax.f32 v4, v7;
	v7 =	vmax.f32 v0, v3;
	v0 =	vmin.f32 v0, v3;
	v6 =	vld [tilespmem:s11+$0x580]  }
0x6c: {  	v12 =	vmax.f32 v10, v4;
	v4 =	vmin.f32 v10, v4;
	v10 =	vmax.f32 v57, v59;
	v3 =	vld [tilespmem:s11+$0x600]  }
0x6d: {  	v57 =	vmax.f32 v58, v60;
	v63 =	vmax.f32 v7, v12;
	v62 =	vmin.f32 v7, v12;
	v20 =	vld [tilespmem:s11+$0x680]  }
0x6e: {  	v61 =	vmax.f32 v0, v4;
	v60 =	vmin.f32 v0, v4;
	v59 =	vmax.f32 v10, v57;
	v7 =	vld [tilespmem:s11+$0x700]  }
0x6f: {  	v58 =	vmin.f32 v10, v57;
	v57 =	vmax.f32 v2, v18;
	v0 =	vld [tilespmem:s11+$0x780]  }
0x70: {  	v2 =	vmax.f32 v9, v5;
	v4 =	vmin.f32 v9, v5;
	v5 =	vmax.f32 v11, v8  }
0x71: {  	v8 =	vmin.f32 v11, v8;
	v9 =	vmax.f32 v13, v1;
	v1 =	vmin.f32 v13, v1  }
0x72: {  	v10 =	vmax.f32 v14, v15;
	v11 =	vmin.f32 v14, v15;
	v12 =	vmax.f32 v16, v17  }
0x73: {  	v13 =	vmin.f32 v16, v17;
	v14 =	vmax.f32 v19, v6;
	v6 =	vmin.f32 v19, v6  }
0x74: {  	v15 =	vmax.f32 v3, v20;
	v3 =	vmin.f32 v3, v20;
	v16 =	vmax.f32 v7, v0  }
0x75: {  	v18 =	vmin.f32 v4, v8;
	v17 =	vmax.f32 v2, v5;
	v0 =	vmin.f32 v7, v0  }
0x76: {  	v19 =	vmin.f32 v1, v11;
	v20 =	vmax.f32 v12, v14;
	v7 =	vmax.f32 v9, v10  }
0x77: {  	v21 =	vmin.f32 v13, v6;
	v22 =	vmax.f32 v15, v16;
	v23 =	vmin.f32 v3, v0  }
0x78: {  	v4 =	vmax.f32 v4, v8;
	v2 =	vmin.f32 v2, v5;
	v5 =	vmin.f32 v9, v10  }
0x79: {  	v1 =	vmax.f32 v1, v11;
	v8 =	vmin.f32 v12, v14;
	v6 =	vmax.f32 v13, v6  }
0x7a: {  	v9 =	vmax.f32 v17, v7;
	v10 =	vmin.f32 v15, v16;
	v0 =	vmax.f32 v3, v0  }
0x7b: {  	v3 =	vmin.f32 v18, v19;
	v11 =	vmax.f32 v20, v22;
	v12 =	vmin.f32 v21, v23  }
0x7c: {  	v14 =	vmax.f32 v18, v19;
	v13 =	vmin.f32 v17, v7;
	v15 =	vmin.f32 v20, v22  }
0x7d: {  	v7 =	vmax.f32 v4, v2;
	v16 =	vmin.f32 v4, v2;
	v17 =	vmax.f32 v21, v23  }
0x7e: {  	v18 =	vmax.f32 v1, v5;
	v19 =	vmin.f32 v1, v5;
	v20 =	vmax.f32 v6, v8  }
0x7f: {  	v6 =	vmin.f32 v6, v8;
	v8 =	vmax.f32 v0, v10;
	v10 =	vmin.f32 v0, v10  }
0x80: {  	v2 =	vmin.f32 v7, v18;
	v1 =	vmax.f32 v9, v12;
	v0 =	vmax.f32 v3, v11  }
.Ltmp0:
0x81: {  	v4 =	vmax.f32 v16, v19;
	v3 =	vmin.f32 v20, v8;
	v5 =	vmax.f32 v6, v10;
	(pc) =	sbr.rel @p1 .LBB2_3-.Ltmp0, $4  }
0x82: {  	v9 =	vmax.f32 v7, v18;
	v11 =	vmin.f32 v16, v19;
	v16 =	vmax.f32 v20, v8  }
0x83: {  	v18 =	vmin.f32 v6, v10;
	v7 =	vmax.f32 v9, v13;
	v8 =	vmin.f32 v14, v11  }
0x84: {  	v6 =	vmin.f32 v9, v13;
	v12 =	vmax.f32 v16, v15;
	v13 =	vmin.f32 v17, v18  }
0x85: {  	s10 =	sadd.s32 $0x2000, s10;
	v10 =	vmax.f32 v14, v11;
	v11 =	vmin.f32 v16, v15;
	v9 =	vmax.f32 v17, v18;
	v16 =	vmovc v32  }
0x86: {  	v14 =	vmax.f32 v4, v6;
	v7 =	vmax.f32 v7, v13  }
0x87: {  	v8 =	vmax.f32 v8, v12;
	v12 =	vmin.f32 v10, v2;
	v13 =	vmax.f32 v5, v11  }
0x88: {  	v15 =	vmin.f32 v9, v3;
	v4 =	vmin.f32 v4, v6;
	v2 =	vmax.f32 v10, v2  }
0x89: {  	v5 =	vmin.f32 v5, v11;
	v3 =	vmax.f32 v9, v3;
	v6 =	vmax.f32 v14, v15  }
0x8a: {  	v9 =	vmax.f32 v12, v13;
	v10 =	vmax.f32 v2, v4;
	v2 =	vmin.f32 v2, v4  }
0x8b: {  	v4 =	vmax.f32 v3, v5;
	v3 =	vmin.f32 v3, v5;
	v5 =	vmax.f32 v7, v9  }
0x8c: {  	v7 =	vmin.f32 v7, v9;
	v2 =	vmax.f32 v2, v4;
	v4 =	vmax.f32 v6, v8  }
0x8d: {  	v6 =	vmin.f32 v6, v8;
	v3 =	vmax.f32 v10, v3;
	v8 =	vmax.f32 v1, v2  }
0x8e: {  	v1 =	vmin.f32 v1, v2;
	v2 =	vmax.f32 v3, v0;
	v0 =	vmin.f32 v3, v0  }
0x8f: {  	v3 =	vmax.f32 v8, v4;
	v4 =	vmin.f32 v8, v4;
	v8 =	vmax.f32 v5, v2  }
0x90: {  	v2 =	vmin.f32 v5, v2;
	v5 =	vmax.f32 v1, v6;
	v1 =	vmin.f32 v1, v6  }
0x91: {  	v10 =	vmax.f32 v7, v0;
	v0 =	vmin.f32 v7, v0;
	v7 =	vmax.f32 v3, v8  }
0x92: {  	v11 =	vld [tilespmem:s9+$0x110];
	v3 =	vmin.f32 v3, v8;
	v8 =	vmax.f32 v4, v2;
	v2 =	vmin.f32 v4, v2  }
0x93: {  	v19 =	vld [tilespmem:s9+$0x410];
	v12 =	vmax.f32 v5, v10;
	v13 =	vmax.f32 v1, v0;
	v0 =	vmin.f32 v1, v0  }
0x94: {  	v21 =	vld [tilespmem:s9+$0x490];
	v5 =	vmin.f32 v5, v10;
	v0 =	vmax.f32 v63, v0;
	v10 =	vmax.f32 v62, v13  }
0x95: {  	v14 =	vld [tilespmem:s9+$0x310];
	v5 =	vmax.f32 v61, v5;
	v12 =	vmax.f32 v60, v12;
	v2 =	vmax.f32 v59, v2  }
0x96: {  	v15 =	vld [tilespmem:s9+$0x390];
	v8 =	vmax.f32 v58, v8;
	v3 =	vmax.f32 v57, v3;
	v7 =	vmax.f32 v16, v7  }
0x97: {  	v9 =	vld [tilespmem:s9+$0x10];
	v63 =	vmin.f32 v0, v2;
	v17 =	vmin.f32 v10, v8;
	v18 =	vmin.f32 v5, v3  }
0x98: {  	v6 =	vld [tilespmem:s9+$0x90];
	v20 =	vmin.f32 v12, v7;
	v0 =	vmax.f32 v0, v2;
	v8 =	vmax.f32 v10, v8  }
0x99: {  	v4 =	vld [tilespmem:s9+$0x190];
	v3 =	vmax.f32 v5, v3;
	v7 =	vmax.f32 v12, v7;
	v2 =	vmin.f32 v63, v18  }
0x9a: {  	v1 =	vld [tilespmem:s9+$0x210];
	v22 =	vmin.f32 v17, v20;
	v16 =	vmax.f32 v63, v18;
	v17 =	vmax.f32 v17, v20  }
0x9b: {  	v13 =	vld [tilespmem:s9+$0x290];
	v10 =	vmin.f32 v2, v22;
	v59 =	vmax.f32 v16, v17;
	v58 =	vmin.f32 v16, v17  }
0x9c: {  	v5 =	vld [tilespmem:s9+$0x510];
	[tilespmem:$0x1FE50] =	vst v10;
	v10 =	vmax.f32 v0, v3;
	v0 =	vmin.f32 v0, v3;
	v3 =	vmax.f32 v8, v7  }
0x9d: {  	v12 =	vld [tilespmem:s9+$0x590];
	v57 =	vmax.f32 v2, v22;
	v7 =	vmin.f32 v8, v7;
	v63 =	vmax.f32 v10, v3  }
0x9e: {  	v62 =	vmin.f32 v10, v3;
	v61 =	vmax.f32 v0, v7;
	v60 =	vmin.f32 v0, v7  }
0x9f: {  	v32 =	vld [tilespmem:s9+$0x690];
	v3 =	vmax.f32 v9, v6;
	v6 =	vmin.f32 v9, v6;
	v7 =	vmax.f32 v11, v4  }
0xa0: {  	v2 =	vld [tilespmem:s9+$0x790];
	v4 =	vmin.f32 v11, v4;
	v9 =	vmax.f32 v1, v13;
	v1 =	vmin.f32 v1, v13  }
0xa1: {  	v8 =	vld [tilespmem:s9+$0x610];
	v10 =	vmax.f32 v14, v15;
	v11 =	vmin.f32 v14, v15;
	v13 =	vmax.f32 v19, v21  }
0xa2: {  	v0 =	vld [tilespmem:s9+$0x710];
	v14 =	vmin.f32 v19, v21;
	v15 =	vmax.f32 v5, v12;
	v5 =	vmin.f32 v5, v12  }
0xa3: {  	[tilespmem:$0x1FE40] =	vst v33;
	v17 =	vmax.f32 v3, v7;
	v18 =	vmin.f32 v6, v4;
	v33 =	vmin.f32 v1, v11  }
0xa4: {  	v3 =	vmin.f32 v3, v7;
	v4 =	vmax.f32 v6, v4;
	v6 =	vmin.f32 v9, v10  }
0xa5: {  	v1 =	vmax.f32 v1, v11;
	v35 =	vmax.f32 v13, v15;
	v21 =	vmin.f32 v14, v5  }
0xa6: {  	v7 =	vmin.f32 v13, v15;
	v5 =	vmax.f32 v14, v5;
	v14 =	vmax.f32 v18, v33  }
0xa7: {  	v12 =	vmax.f32 v8, v32;
	v8 =	vmin.f32 v8, v32;
	v16 =	vmax.f32 v0, v2  }
0xa8: {  	v0 =	vmin.f32 v0, v2;
	v2 =	vmax.f32 v9, v10;
	v32 =	vmax.f32 v12, v16  }
0xa9: {  	v23 =	vmin.f32 v8, v0;
	v9 =	vmax.f32 v17, v2;
	v10 =	vmin.f32 v12, v16  }
0xaa: {  	v0 =	vmax.f32 v8, v0;
	v8 =	vmin.f32 v18, v33;
	v13 =	vmin.f32 v17, v2  }
0xab: {  	v16 =	vmax.f32 v4, v3;
	v17 =	vmin.f32 v4, v3;
	v33 =	vmax.f32 v1, v6  }
0xac: {  	v6 =	vmin.f32 v1, v6;
	v11 =	vmax.f32 v35, v32;
	v12 =	vmin.f32 v21, v23  }
0xad: {  	v15 =	vmin.f32 v35, v32;
	v18 =	vmax.f32 v21, v23;
	v35 =	vmax.f32 v5, v7  }
0xae: {  	v7 =	vmin.f32 v5, v7;
	v32 =	vmax.f32 v0, v10;
	v10 =	vmin.f32 v0, v10  }
0xaf: {  	v2 =	vmin.f32 v16, v33;
	v4 =	vmax.f32 v17, v6;
	v1 =	vmax.f32 v9, v12  }
0xb0: {  	v0 =	vmax.f32 v8, v11;
	v3 =	vmin.f32 v35, v32;
	v5 =	vmax.f32 v7, v10  }
0xb1: {  	v11 =	vmax.f32 v16, v33;
	v33 =	vmin.f32 v17, v6;
	v35 =	vmax.f32 v35, v32  }
0xb2: {  	v7 =	vmin.f32 v7, v10;
	v8 =	vmax.f32 v11, v13;
	v9 =	vmin.f32 v14, v33  }
0xb3: {  	v6 =	vmin.f32 v11, v13;
	v12 =	vmax.f32 v35, v15;
	v13 =	vmin.f32 v18, v7  }
0xb4: {  	v25 =	vld [tilespmem:$0x1FFF0];
	s9 =	simm.s32 $0x2000;
	v10 =	vmax.f32 v14, v33;
	v11 =	vmin.f32 v35, v15;
	v7 =	vmax.f32 v18, v7  }
.LBB2_5:
0xb5: {  	p1 =	sne.s32 s9, $0x3E000;
	v14 =	vmax.f32 v4, v6;
	v8 =	vmax.f32 v8, v13;
	v9 =	vmax.f32 v9, v12  }
0xb6: {  	v12 =	vmin.f32 v10, v2;
	v13 =	vmax.f32 v5, v11;
	v15 =	vmin.f32 v7, v3  }
0xb7: {  	v4 =	vmin.f32 v4, v6;
	v2 =	vmax.f32 v10, v2;
	v5 =	vmin.f32 v5, v11  }
0xb8: {  	v3 =	vmax.f32 v7, v3;
	v6 =	vmax.f32 v14, v15;
	v7 =	vmax.f32 v12, v13  }
0xb9: {  	v10 =	vmax.f32 v2, v4;
	v2 =	vmin.f32 v2, v4;
	v4 =	vmax.f32 v3, v5  }
0xba: {  	v3 =	vmin.f32 v3, v5;
	v5 =	vmax.f32 v8, v7;
	v7 =	vmin.f32 v8, v7  }
0xbb: {  	v2 =	vmax.f32 v2, v4;
	v4 =	vmax.f32 v6, v9;
	v6 =	vmin.f32 v6, v9  }
0xbc: {  	v3 =	vmax.f32 v10, v3;
	v8 =	vmax.f32 v1, v2;
	v1 =	vmin.f32 v1, v2  }
0xbd: {  	s10 =	sshra.s32 s9, $0x2;
	v2 =	vmax.f32 v3, v0;
	v0 =	vmin.f32 v3, v0;
	v3 =	vmax.f32 v8, v4  }
0xbe: {  	v4 =	vmin.f32 v8, v4;
	v8 =	vmax.f32 v5, v2;
	v2 =	vmin.f32 v5, v2;
	v9 =	vld [tilespmem:s10+$0x10]  }
0xbf: {  	v10 =	vmax.f32 v1, v6;
	v1 =	vmin.f32 v1, v6;
	v6 =	vmax.f32 v7, v0;
	v5 =	vld [tilespmem:s10+$0x90]  }
0xc0: {  	v0 =	vmin.f32 v7, v0;
	v7 =	vmax.f32 v3, v8;
	v3 =	vmin.f32 v3, v8;
	v11 =	vld [tilespmem:s10+$0x110]  }
0xc1: {  	v12 =	vmax.f32 v4, v2;
	v2 =	vmin.f32 v4, v2;
	v4 =	vmax.f32 v10, v6;
	v8 =	vld [tilespmem:s10+$0x190]  }
0xc2: {  	v6 =	vmin.f32 v10, v6;
	v10 =	vmax.f32 v1, v0;
	v0 =	vmin.f32 v1, v0;
	v13 =	vld [tilespmem:s10+$0x210]  }
0xc3: {  	v0 =	vmax.f32 v56, v0;
	v10 =	vmax.f32 v55, v10;
	v6 =	vmax.f32 v54, v6;
	v1 =	vld [tilespmem:s10+$0x290]  }
0xc4: {  	v4 =	vmax.f32 v53, v4;
	v2 =	vmax.f32 v52, v2;
	v12 =	vmax.f32 v51, v12;
	v14 =	vld [tilespmem:s10+$0x310]  }
0xc5: {  	v3 =	vmax.f32 v50, v3;
	v7 =	vmax.f32 v25, v7;
	v16 =	vmin.f32 v0, v2;
	v15 =	vld [tilespmem:s10+$0x390]  }
0xc6: {  	v18 =	vmin.f32 v10, v12;
	v19 =	vmin.f32 v6, v3;
	v20 =	vmin.f32 v4, v7;
	v17 =	vld [tilespmem:s10+$0x410]  }
0xc7: {  	v0 =	vmax.f32 v0, v2;
	v2 =	vmin.f32 v16, v19;
	v22 =	vmin.f32 v18, v20;
	v21 =	vld [tilespmem:s10+$0x490]  }
0xc8: {  	v10 =	vmax.f32 v10, v12;
	v3 =	vmax.f32 v6, v3;
	v25 =	vmin.f32 v2, v22;
	v23 =	vld [tilespmem:s10+$0x510]  }
0xc9: {  	v4 =	vmax.f32 v4, v7;
	v7 =	vmax.f32 v0, v3;
	v0 =	vmin.f32 v0, v3;
	v6 =	vld [tilespmem:s10+$0x590]  }
0xca: {  	v12 =	vmax.f32 v10, v4;
	v4 =	vmin.f32 v10, v4;
	v10 =	vmax.f32 v16, v19;
	v3 =	vld [tilespmem:s10+$0x610]  }
0xcb: {  	v18 =	vmax.f32 v18, v20;
	v56 =	vmax.f32 v7, v12;
	v55 =	vmin.f32 v7, v12;
	v16 =	vld [tilespmem:s10+$0x690]  }
0xcc: {  	v54 =	vmax.f32 v0, v4;
	v53 =	vmin.f32 v0, v4;
	v52 =	vmax.f32 v10, v18;
	v7 =	vld [tilespmem:s10+$0x710]  }
0xcd: {  	v51 =	vmin.f32 v10, v18;
	v50 =	vmax.f32 v2, v22;
	v0 =	vld [tilespmem:s10+$0x790]  }
0xce: {  	v2 =	vmax.f32 v9, v5;
	v4 =	vmin.f32 v9, v5;
	v5 =	vmax.f32 v11, v8  }
0xcf: {  	v8 =	vmin.f32 v11, v8;
	v9 =	vmax.f32 v13, v1;
	v1 =	vmin.f32 v13, v1  }
0xd0: {  	v10 =	vmax.f32 v14, v15;
	v11 =	vmin.f32 v14, v15;
	v12 =	vmax.f32 v17, v21  }
0xd1: {  	v13 =	vmin.f32 v17, v21;
	v14 =	vmax.f32 v23, v6;
	v6 =	vmin.f32 v23, v6  }
0xd2: {  	v15 =	vmax.f32 v3, v16;
	v3 =	vmin.f32 v3, v16;
	v16 =	vmax.f32 v7, v0  }
0xd3: {  	v18 =	vmin.f32 v4, v8;
	v17 =	vmax.f32 v2, v5;
	v0 =	vmin.f32 v7, v0  }
0xd4: {  	v19 =	vmin.f32 v1, v11;
	v20 =	vmax.f32 v12, v14;
	v7 =	vmax.f32 v9, v10  }
0xd5: {  	v21 =	vmin.f32 v13, v6;
	v22 =	vmax.f32 v15, v16;
	v23 =	vmin.f32 v3, v0  }
0xd6: {  	v4 =	vmax.f32 v4, v8;
	v2 =	vmin.f32 v2, v5;
	v5 =	vmin.f32 v9, v10  }
0xd7: {  	v1 =	vmax.f32 v1, v11;
	v8 =	vmin.f32 v12, v14;
	v6 =	vmax.f32 v13, v6  }
0xd8: {  	v9 =	vmax.f32 v17, v7;
	v10 =	vmin.f32 v15, v16;
	v0 =	vmax.f32 v3, v0  }
0xd9: {  	v3 =	vmin.f32 v18, v19;
	v11 =	vmax.f32 v20, v22;
	v12 =	vmin.f32 v21, v23  }
0xda: {  	v14 =	vmax.f32 v18, v19;
	v7 =	vmin.f32 v17, v7;
	v15 =	vmin.f32 v20, v22  }
0xdb: {  	v13 =	vmax.f32 v4, v2;
	v16 =	vmin.f32 v4, v2;
	v17 =	vmax.f32 v21, v23  }
0xdc: {  	v18 =	vmax.f32 v1, v5;
	v19 =	vmin.f32 v1, v5;
	v20 =	vmax.f32 v6, v8  }
0xdd: {  	v6 =	vmin.f32 v6, v8;
	v8 =	vmax.f32 v0, v10;
	v10 =	vmin.f32 v0, v10  }
0xde: {  	v2 =	vmin.f32 v13, v18;
	v1 =	vmax.f32 v9, v12;
	v0 =	vmax.f32 v3, v11  }
.Ltmp1:
0xdf: {  	v4 =	vmax.f32 v16, v19;
	v3 =	vmin.f32 v20, v8;
	v5 =	vmax.f32 v6, v10;
	(pc) =	sbr.rel @p1 .LBB2_5-.Ltmp1, $4  }
0xe0: {  	v16 =	vmin.f32 v16, v19;
	v11 =	vmax.f32 v13, v18;
	v18 =	vmax.f32 v20, v8  }
0xe1: {  	v9 =	vmin.f32 v14, v16;
	v19 =	vmin.f32 v6, v10;
	v8 =	vmax.f32 v11, v7  }
0xe2: {  	v6 =	vmin.f32 v11, v7;
	v12 =	vmax.f32 v18, v15;
	v13 =	vmin.f32 v17, v19  }
0xe3: {  	s9 =	sadd.s32 $0x2000, s9;
	v10 =	vmax.f32 v14, v16;
	v11 =	vmin.f32 v18, v15;
	v7 =	vmax.f32 v17, v19  }
0xe4: {  	v14 =	vmax.f32 v4, v6;
	v8 =	vmax.f32 v8, v13  }
0xe5: {  	v9 =	vmax.f32 v9, v12;
	v12 =	vmin.f32 v10, v2;
	v13 =	vmax.f32 v5, v11  }
0xe6: {  	v15 =	vmin.f32 v7, v3;
	v4 =	vmin.f32 v4, v6;
	v2 =	vmax.f32 v10, v2  }
0xe7: {  	v5 =	vmin.f32 v5, v11;
	v3 =	vmax.f32 v7, v3;
	v6 =	vmax.f32 v14, v15  }
0xe8: {  	v7 =	vmax.f32 v12, v13;
	v10 =	vmax.f32 v2, v4;
	v2 =	vmin.f32 v2, v4  }
0xe9: {  	v4 =	vmax.f32 v3, v5;
	v3 =	vmin.f32 v3, v5;
	v5 =	vmax.f32 v8, v7  }
0xea: {  	v7 =	vmin.f32 v8, v7;
	v2 =	vmax.f32 v2, v4;
	v4 =	vmax.f32 v6, v9  }
0xeb: {  	v6 =	vmin.f32 v6, v9;
	v3 =	vmax.f32 v10, v3;
	v8 =	vmax.f32 v1, v2  }
0xec: {  	v1 =	vmin.f32 v1, v2;
	v2 =	vmax.f32 v3, v0;
	v0 =	vmin.f32 v3, v0  }
0xed: {  	v3 =	vmax.f32 v8, v4;
	v4 =	vmin.f32 v8, v4;
	v8 =	vmax.f32 v5, v2  }
0xee: {  	v2 =	vmin.f32 v5, v2;
	v5 =	vmax.f32 v1, v6;
	v1 =	vmin.f32 v1, v6  }
0xef: {  	s9 =	simm.s32 $0x0;
	v10 =	vmax.f32 v7, v0;
	v0 =	vmin.f32 v7, v0;
	v7 =	vmax.f32 v3, v8  }
0xf0: {  	v11 =	vld [tilespmem:s9+$0x120];
	v3 =	vmin.f32 v3, v8;
	v8 =	vmax.f32 v4, v2;
	v2 =	vmin.f32 v4, v2  }
0xf1: {  	v14 =	vld [tilespmem:s9+$0x320];
	v12 =	vmax.f32 v5, v10;
	v13 =	vmax.f32 v1, v0;
	v0 =	vmin.f32 v1, v0  }
0xf2: {  	v15 =	vld [tilespmem:s9+$0x3A0];
	v5 =	vmin.f32 v5, v10;
	v0 =	vmax.f32 v56, v0;
	v10 =	vmax.f32 v55, v13  }
0xf3: {  	v19 =	vld [tilespmem:s9+$0x420];
	v5 =	vmax.f32 v54, v5;
	v12 =	vmax.f32 v53, v12;
	v2 =	vmax.f32 v52, v2  }
0xf4: {  	v21 =	vld [tilespmem:s9+$0x4A0];
	v8 =	vmax.f32 v51, v8;
	v3 =	vmax.f32 v50, v3;
	v7 =	vmax.f32 v25, v7  }
0xf5: {  	v9 =	vld [tilespmem:s9+$0x20];
	v16 =	vmin.f32 v0, v2;
	v17 =	vmin.f32 v10, v8;
	v18 =	vmin.f32 v5, v3  }
0xf6: {  	v6 =	vld [tilespmem:s9+$0xA0];
	v20 =	vmin.f32 v12, v7;
	v0 =	vmax.f32 v0, v2;
	v8 =	vmax.f32 v10, v8  }
0xf7: {  	v4 =	vld [tilespmem:s9+$0x1A0];
	v3 =	vmax.f32 v5, v3;
	v7 =	vmax.f32 v12, v7;
	v2 =	vmin.f32 v16, v18  }
0xf8: {  	v1 =	vld [tilespmem:s9+$0x220];
	v22 =	vmin.f32 v17, v20;
	v16 =	vmax.f32 v16, v18;
	v17 =	vmax.f32 v17, v20  }
0xf9: {  	v13 =	vld [tilespmem:s9+$0x2A0];
	v10 =	vmin.f32 v2, v22;
	v52 =	vmax.f32 v16, v17;
	v51 =	vmin.f32 v16, v17  }
0xfa: {  	v5 =	vld [tilespmem:s9+$0x520];
	[tilespmem:$0x1FFF0] =	vst v10;
	v10 =	vmax.f32 v0, v3;
	v0 =	vmin.f32 v0, v3;
	v3 =	vmax.f32 v8, v7  }
0xfb: {  	v12 =	vld [tilespmem:s9+$0x5A0];
	v50 =	vmax.f32 v2, v22;
	v7 =	vmin.f32 v8, v7;
	v56 =	vmax.f32 v10, v3  }
0xfc: {  	v55 =	vmin.f32 v10, v3;
	v54 =	vmax.f32 v0, v7;
	v53 =	vmin.f32 v0, v7  }
0xfd: {  	v32 =	vld [tilespmem:s9+$0x6A0];
	v3 =	vmax.f32 v9, v6;
	v6 =	vmin.f32 v9, v6;
	v7 =	vmax.f32 v11, v4  }
0xfe: {  	v2 =	vld [tilespmem:s9+$0x7A0];
	v4 =	vmin.f32 v11, v4;
	v9 =	vmax.f32 v1, v13;
	v1 =	vmin.f32 v1, v13  }
0xff: {  	v8 =	vld [tilespmem:s9+$0x620];
	v10 =	vmax.f32 v14, v15;
	v11 =	vmin.f32 v14, v15;
	v13 =	vmax.f32 v19, v21  }
0x100: {  	v0 =	vld [tilespmem:s9+$0x720];
	v14 =	vmin.f32 v19, v21;
	v15 =	vmax.f32 v5, v12;
	v5 =	vmin.f32 v5, v12  }
0x101: {  	v17 =	vmax.f32 v3, v7;
	v18 =	vmin.f32 v6, v4;
	v33 =	vmin.f32 v1, v11  }
0x102: {  	v3 =	vmin.f32 v3, v7;
	v4 =	vmax.f32 v6, v4;
	v6 =	vmin.f32 v9, v10  }
0x103: {  	v1 =	vmax.f32 v1, v11;
	v35 =	vmax.f32 v13, v15;
	v21 =	vmin.f32 v14, v5  }
0x104: {  	v7 =	vmin.f32 v13, v15;
	v5 =	vmax.f32 v14, v5;
	v14 =	vmax.f32 v18, v33  }
0x105: {  	v12 =	vmax.f32 v8, v32;
	v8 =	vmin.f32 v8, v32;
	v16 =	vmax.f32 v0, v2  }
0x106: {  	v0 =	vmin.f32 v0, v2;
	v2 =	vmax.f32 v9, v10;
	v32 =	vmax.f32 v12, v16  }
0x107: {  	v23 =	vmin.f32 v8, v0;
	v9 =	vmax.f32 v17, v2;
	v10 =	vmin.f32 v12, v16  }
0x108: {  	v0 =	vmax.f32 v8, v0;
	v8 =	vmin.f32 v18, v33;
	v13 =	vmin.f32 v17, v2  }
0x109: {  	v16 =	vmax.f32 v4, v3;
	v17 =	vmin.f32 v4, v3;
	v33 =	vmax.f32 v1, v6  }
0x10a: {  	v6 =	vmin.f32 v1, v6;
	v11 =	vmax.f32 v35, v32;
	v12 =	vmin.f32 v21, v23  }
0x10b: {  	v15 =	vmin.f32 v35, v32;
	v18 =	vmax.f32 v21, v23;
	v35 =	vmax.f32 v5, v7  }
0x10c: {  	v7 =	vmin.f32 v5, v7;
	v32 =	vmax.f32 v0, v10;
	v10 =	vmin.f32 v0, v10  }
0x10d: {  	v2 =	vmin.f32 v16, v33;
	v4 =	vmax.f32 v17, v6;
	v1 =	vmax.f32 v9, v12  }
0x10e: {  	v0 =	vmax.f32 v8, v11;
	v3 =	vmin.f32 v35, v32;
	v5 =	vmax.f32 v7, v10  }
0x10f: {  	v11 =	vmax.f32 v16, v33;
	v33 =	vmin.f32 v17, v6;
	v35 =	vmax.f32 v35, v32  }
0x110: {  	v7 =	vmin.f32 v7, v10;
	v8 =	vmax.f32 v11, v13;
	v9 =	vmin.f32 v14, v33  }
0x111: {  	v6 =	vmin.f32 v11, v13;
	v12 =	vmax.f32 v35, v15;
	v13 =	vmin.f32 v18, v7  }
0x112: {  	s10 =	simm.s32 $0x2000;
	v25 =	vld [tilespmem:$0x1FFE0];
	v10 =	vmax.f32 v14, v33;
	v11 =	vmin.f32 v35, v15;
	v7 =	vmax.f32 v18, v7;
	v33 =	vmovc v34  }
.LBB2_7:
0x113: {  	p1 =	sne.s32 s10, $0x3E000;
	v14 =	vmax.f32 v4, v6;
	v8 =	vmax.f32 v8, v13;
	v9 =	vmax.f32 v9, v12  }
0x114: {  	v12 =	vmin.f32 v10, v2;
	v13 =	vmax.f32 v5, v11;
	v15 =	vmin.f32 v7, v3  }
0x115: {  	v4 =	vmin.f32 v4, v6;
	v2 =	vmax.f32 v10, v2;
	v5 =	vmin.f32 v5, v11  }
0x116: {  	v3 =	vmax.f32 v7, v3;
	v6 =	vmax.f32 v14, v15;
	v7 =	vmax.f32 v12, v13  }
0x117: {  	v10 =	vmax.f32 v2, v4;
	v2 =	vmin.f32 v2, v4;
	v4 =	vmax.f32 v3, v5  }
0x118: {  	v3 =	vmin.f32 v3, v5;
	v5 =	vmax.f32 v8, v7;
	v7 =	vmin.f32 v8, v7  }
0x119: {  	v2 =	vmax.f32 v2, v4;
	v4 =	vmax.f32 v6, v9;
	v6 =	vmin.f32 v6, v9  }
0x11a: {  	v3 =	vmax.f32 v10, v3;
	v8 =	vmax.f32 v1, v2;
	v1 =	vmin.f32 v1, v2  }
0x11b: {  	s11 =	sshra.s32 s10, $0x2;
	v2 =	vmax.f32 v3, v0;
	v0 =	vmin.f32 v3, v0;
	v3 =	vmax.f32 v8, v4  }
0x11c: {  	v4 =	vmin.f32 v8, v4;
	v8 =	vmax.f32 v5, v2;
	v2 =	vmin.f32 v5, v2;
	v9 =	vld [tilespmem:s11+$0x20]  }
0x11d: {  	v10 =	vmax.f32 v1, v6;
	v1 =	vmin.f32 v1, v6;
	v6 =	vmax.f32 v7, v0;
	v5 =	vld [tilespmem:s11+$0xA0]  }
0x11e: {  	v0 =	vmin.f32 v7, v0;
	v7 =	vmax.f32 v3, v8;
	v3 =	vmin.f32 v3, v8;
	v11 =	vld [tilespmem:s11+$0x120]  }
0x11f: {  	v12 =	vmax.f32 v4, v2;
	v2 =	vmin.f32 v4, v2;
	v4 =	vmax.f32 v10, v6;
	v8 =	vld [tilespmem:s11+$0x1A0]  }
0x120: {  	v6 =	vmin.f32 v10, v6;
	v10 =	vmax.f32 v1, v0;
	v0 =	vmin.f32 v1, v0;
	v13 =	vld [tilespmem:s11+$0x220]  }
0x121: {  	v0 =	vmax.f32 v49, v0;
	v10 =	vmax.f32 v48, v10;
	v6 =	vmax.f32 v47, v6;
	v1 =	vld [tilespmem:s11+$0x2A0]  }
0x122: {  	v4 =	vmax.f32 v46, v4;
	v2 =	vmax.f32 v45, v2;
	v12 =	vmax.f32 v44, v12;
	v14 =	vld [tilespmem:s11+$0x320]  }
0x123: {  	v3 =	vmax.f32 v43, v3;
	v7 =	vmax.f32 v25, v7;
	v16 =	vmin.f32 v0, v2;
	v15 =	vld [tilespmem:s11+$0x3A0]  }
0x124: {  	v18 =	vmin.f32 v10, v12;
	v19 =	vmin.f32 v6, v3;
	v20 =	vmin.f32 v4, v7;
	v17 =	vld [tilespmem:s11+$0x420]  }
0x125: {  	v0 =	vmax.f32 v0, v2;
	v2 =	vmin.f32 v16, v19;
	v22 =	vmin.f32 v18, v20;
	v21 =	vld [tilespmem:s11+$0x4A0]  }
0x126: {  	v10 =	vmax.f32 v10, v12;
	v3 =	vmax.f32 v6, v3;
	v25 =	vmin.f32 v2, v22;
	v23 =	vld [tilespmem:s11+$0x520]  }
0x127: {  	v4 =	vmax.f32 v4, v7;
	v7 =	vmax.f32 v0, v3;
	v0 =	vmin.f32 v0, v3;
	v6 =	vld [tilespmem:s11+$0x5A0]  }
0x128: {  	v12 =	vmax.f32 v10, v4;
	v4 =	vmin.f32 v10, v4;
	v10 =	vmax.f32 v16, v19;
	v3 =	vld [tilespmem:s11+$0x620]  }
0x129: {  	v18 =	vmax.f32 v18, v20;
	v49 =	vmax.f32 v7, v12;
	v48 =	vmin.f32 v7, v12;
	v16 =	vld [tilespmem:s11+$0x6A0]  }
0x12a: {  	v47 =	vmax.f32 v0, v4;
	v46 =	vmin.f32 v0, v4;
	v45 =	vmax.f32 v10, v18;
	v7 =	vld [tilespmem:s11+$0x720]  }
0x12b: {  	v44 =	vmin.f32 v10, v18;
	v43 =	vmax.f32 v2, v22;
	v0 =	vld [tilespmem:s11+$0x7A0]  }
0x12c: {  	v2 =	vmax.f32 v9, v5;
	v4 =	vmin.f32 v9, v5;
	v5 =	vmax.f32 v11, v8  }
0x12d: {  	v8 =	vmin.f32 v11, v8;
	v9 =	vmax.f32 v13, v1;
	v1 =	vmin.f32 v13, v1  }
0x12e: {  	v10 =	vmax.f32 v14, v15;
	v11 =	vmin.f32 v14, v15;
	v12 =	vmax.f32 v17, v21  }
0x12f: {  	v13 =	vmin.f32 v17, v21;
	v14 =	vmax.f32 v23, v6;
	v6 =	vmin.f32 v23, v6  }
0x130: {  	v15 =	vmax.f32 v3, v16;
	v3 =	vmin.f32 v3, v16;
	v16 =	vmax.f32 v7, v0  }
0x131: {  	v18 =	vmin.f32 v4, v8;
	v17 =	vmax.f32 v2, v5;
	v0 =	vmin.f32 v7, v0  }
0x132: {  	v19 =	vmin.f32 v1, v11;
	v20 =	vmax.f32 v12, v14;
	v7 =	vmax.f32 v9, v10  }
0x133: {  	v21 =	vmin.f32 v13, v6;
	v22 =	vmax.f32 v15, v16;
	v23 =	vmin.f32 v3, v0  }
0x134: {  	v4 =	vmax.f32 v4, v8;
	v2 =	vmin.f32 v2, v5;
	v5 =	vmin.f32 v9, v10  }
0x135: {  	v1 =	vmax.f32 v1, v11;
	v8 =	vmin.f32 v12, v14;
	v6 =	vmax.f32 v13, v6  }
0x136: {  	v9 =	vmax.f32 v17, v7;
	v10 =	vmin.f32 v15, v16;
	v0 =	vmax.f32 v3, v0  }
0x137: {  	v3 =	vmin.f32 v18, v19;
	v11 =	vmax.f32 v20, v22;
	v12 =	vmin.f32 v21, v23  }
0x138: {  	v14 =	vmax.f32 v18, v19;
	v7 =	vmin.f32 v17, v7;
	v15 =	vmin.f32 v20, v22  }
0x139: {  	v13 =	vmax.f32 v4, v2;
	v16 =	vmin.f32 v4, v2;
	v17 =	vmax.f32 v21, v23  }
0x13a: {  	v18 =	vmax.f32 v1, v5;
	v19 =	vmin.f32 v1, v5;
	v20 =	vmax.f32 v6, v8  }
0x13b: {  	v6 =	vmin.f32 v6, v8;
	v8 =	vmax.f32 v0, v10;
	v10 =	vmin.f32 v0, v10  }
0x13c: {  	v2 =	vmin.f32 v13, v18;
	v1 =	vmax.f32 v9, v12;
	v0 =	vmax.f32 v3, v11  }
.Ltmp2:
0x13d: {  	v4 =	vmax.f32 v16, v19;
	v3 =	vmin.f32 v20, v8;
	v5 =	vmax.f32 v6, v10;
	(pc) =	sbr.rel @p1 .LBB2_7-.Ltmp2, $4  }
0x13e: {  	v16 =	vmin.f32 v16, v19;
	v11 =	vmax.f32 v13, v18;
	v18 =	vmax.f32 v20, v8  }
0x13f: {  	v9 =	vmin.f32 v14, v16;
	v19 =	vmin.f32 v6, v10;
	v8 =	vmax.f32 v11, v7  }
0x140: {  	v6 =	vmin.f32 v11, v7;
	v12 =	vmax.f32 v18, v15;
	v13 =	vmin.f32 v17, v19  }
0x141: {  	s10 =	sadd.s32 $0x2000, s10;
	v10 =	vmax.f32 v14, v16;
	v11 =	vmin.f32 v18, v15;
	v7 =	vmax.f32 v17, v19  }
0x142: {  	v14 =	vmax.f32 v4, v6;
	v8 =	vmax.f32 v8, v13  }
0x143: {  	v9 =	vmax.f32 v9, v12;
	v12 =	vmin.f32 v10, v2;
	v13 =	vmax.f32 v5, v11  }
0x144: {  	v15 =	vmin.f32 v7, v3;
	v4 =	vmin.f32 v4, v6;
	v2 =	vmax.f32 v10, v2  }
0x145: {  	v5 =	vmin.f32 v5, v11;
	v3 =	vmax.f32 v7, v3;
	v6 =	vmax.f32 v14, v15  }
0x146: {  	v7 =	vmax.f32 v12, v13;
	v10 =	vmax.f32 v2, v4;
	v2 =	vmin.f32 v2, v4  }
0x147: {  	v4 =	vmax.f32 v3, v5;
	v3 =	vmin.f32 v3, v5;
	v5 =	vmax.f32 v8, v7  }
0x148: {  	v7 =	vmin.f32 v8, v7;
	v2 =	vmax.f32 v2, v4;
	v4 =	vmax.f32 v6, v9  }
0x149: {  	v6 =	vmin.f32 v6, v9;
	v3 =	vmax.f32 v10, v3;
	v8 =	vmax.f32 v1, v2  }
0x14a: {  	v1 =	vmin.f32 v1, v2;
	v2 =	vmax.f32 v3, v0;
	v0 =	vmin.f32 v3, v0  }
0x14b: {  	v3 =	vmax.f32 v8, v4;
	v4 =	vmin.f32 v8, v4;
	v8 =	vmax.f32 v5, v2  }
0x14c: {  	v2 =	vmin.f32 v5, v2;
	v5 =	vmax.f32 v1, v6;
	v1 =	vmin.f32 v1, v6  }
0x14d: {  	v10 =	vmax.f32 v7, v0;
	v0 =	vmin.f32 v7, v0;
	v7 =	vmax.f32 v3, v8  }
0x14e: {  	v11 =	vld [tilespmem:s9+$0x130];
	v3 =	vmin.f32 v3, v8;
	v8 =	vmax.f32 v4, v2;
	v2 =	vmin.f32 v4, v2  }
0x14f: {  	v19 =	vld [tilespmem:s9+$0x430];
	v12 =	vmax.f32 v5, v10;
	v13 =	vmax.f32 v1, v0;
	v0 =	vmin.f32 v1, v0  }
0x150: {  	v21 =	vld [tilespmem:s9+$0x4B0];
	v5 =	vmin.f32 v5, v10;
	v0 =	vmax.f32 v49, v0;
	v10 =	vmax.f32 v48, v13  }
0x151: {  	v14 =	vld [tilespmem:s9+$0x330];
	v5 =	vmax.f32 v47, v5;
	v12 =	vmax.f32 v46, v12;
	v2 =	vmax.f32 v45, v2  }
0x152: {  	v15 =	vld [tilespmem:s9+$0x3B0];
	v8 =	vmax.f32 v44, v8;
	v3 =	vmax.f32 v43, v3;
	v7 =	vmax.f32 v25, v7  }
0x153: {  	v9 =	vld [tilespmem:s9+$0x30];
	v16 =	vmin.f32 v0, v2;
	v17 =	vmin.f32 v10, v8;
	v18 =	vmin.f32 v5, v3  }
0x154: {  	v6 =	vld [tilespmem:s9+$0xB0];
	v20 =	vmin.f32 v12, v7;
	v0 =	vmax.f32 v0, v2;
	v8 =	vmax.f32 v10, v8  }
0x155: {  	v4 =	vld [tilespmem:s9+$0x1B0];
	v3 =	vmax.f32 v5, v3;
	v7 =	vmax.f32 v12, v7;
	v2 =	vmin.f32 v16, v18  }
0x156: {  	v1 =	vld [tilespmem:s9+$0x230];
	v22 =	vmin.f32 v17, v20;
	v16 =	vmax.f32 v16, v18;
	v17 =	vmax.f32 v17, v20  }
0x157: {  	v13 =	vld [tilespmem:s9+$0x2B0];
	v10 =	vmin.f32 v2, v22;
	v45 =	vmax.f32 v16, v17;
	v44 =	vmin.f32 v16, v17  }
0x158: {  	v5 =	vld [tilespmem:s9+$0x530];
	[tilespmem:$0x1FFE0] =	vst v10;
	v10 =	vmax.f32 v0, v3;
	v0 =	vmin.f32 v0, v3;
	v3 =	vmax.f32 v8, v7  }
0x159: {  	v12 =	vld [tilespmem:s9+$0x5B0];
	v43 =	vmax.f32 v2, v22;
	v7 =	vmin.f32 v8, v7;
	v49 =	vmax.f32 v10, v3  }
0x15a: {  	v48 =	vmin.f32 v10, v3;
	v47 =	vmax.f32 v0, v7;
	v46 =	vmin.f32 v0, v7  }
0x15b: {  	v32 =	vld [tilespmem:s9+$0x6B0];
	v3 =	vmax.f32 v9, v6;
	v6 =	vmin.f32 v9, v6;
	v7 =	vmax.f32 v11, v4  }
0x15c: {  	v2 =	vld [tilespmem:s9+$0x7B0];
	v4 =	vmin.f32 v11, v4;
	v9 =	vmax.f32 v1, v13;
	v1 =	vmin.f32 v1, v13  }
0x15d: {  	v8 =	vld [tilespmem:s9+$0x630];
	v10 =	vmax.f32 v14, v15;
	v11 =	vmin.f32 v14, v15;
	v13 =	vmax.f32 v19, v21  }
0x15e: {  	v0 =	vld [tilespmem:s9+$0x730];
	v14 =	vmin.f32 v19, v21;
	v15 =	vmax.f32 v5, v12;
	v5 =	vmin.f32 v5, v12  }
0x15f: {  	v17 =	vmax.f32 v3, v7;
	v18 =	vmin.f32 v6, v4;
	v34 =	vmin.f32 v1, v11  }
0x160: {  	v3 =	vmin.f32 v3, v7;
	v4 =	vmax.f32 v6, v4;
	v6 =	vmin.f32 v9, v10  }
0x161: {  	v1 =	vmax.f32 v1, v11;
	v35 =	vmax.f32 v13, v15;
	v21 =	vmin.f32 v14, v5  }
0x162: {  	v7 =	vmin.f32 v13, v15;
	v5 =	vmax.f32 v14, v5;
	v14 =	vmax.f32 v18, v34  }
0x163: {  	v12 =	vmax.f32 v8, v32;
	v8 =	vmin.f32 v8, v32;
	v16 =	vmax.f32 v0, v2  }
0x164: {  	v0 =	vmin.f32 v0, v2;
	v2 =	vmax.f32 v9, v10;
	v32 =	vmax.f32 v12, v16  }
0x165: {  	v23 =	vmin.f32 v8, v0;
	v9 =	vmax.f32 v17, v2;
	v10 =	vmin.f32 v12, v16  }
0x166: {  	v0 =	vmax.f32 v8, v0;
	v8 =	vmin.f32 v18, v34;
	v13 =	vmin.f32 v17, v2  }
0x167: {  	v16 =	vmax.f32 v4, v3;
	v17 =	vmin.f32 v4, v3;
	v34 =	vmax.f32 v1, v6  }
0x168: {  	v6 =	vmin.f32 v1, v6;
	v11 =	vmax.f32 v35, v32;
	v12 =	vmin.f32 v21, v23  }
0x169: {  	v15 =	vmin.f32 v35, v32;
	v18 =	vmax.f32 v21, v23;
	v35 =	vmax.f32 v5, v7  }
0x16a: {  	v7 =	vmin.f32 v5, v7;
	v32 =	vmax.f32 v0, v10;
	v10 =	vmin.f32 v0, v10  }
0x16b: {  	v2 =	vmin.f32 v16, v34;
	v4 =	vmax.f32 v17, v6;
	v1 =	vmax.f32 v9, v12  }
0x16c: {  	v0 =	vmax.f32 v8, v11;
	v3 =	vmin.f32 v35, v32;
	v5 =	vmax.f32 v7, v10  }
0x16d: {  	v11 =	vmax.f32 v16, v34;
	v34 =	vmin.f32 v17, v6;
	v35 =	vmax.f32 v35, v32  }
0x16e: {  	v7 =	vmin.f32 v7, v10;
	v8 =	vmax.f32 v11, v13;
	v9 =	vmin.f32 v14, v34  }
0x16f: {  	v6 =	vmin.f32 v11, v13;
	v12 =	vmax.f32 v35, v15;
	v13 =	vmin.f32 v18, v7  }
0x170: {  	v25 =	vld [tilespmem:$0x1FFD0];
	s9 =	simm.s32 $0x2000;
	v10 =	vmax.f32 v14, v34;
	v11 =	vmin.f32 v35, v15;
	v7 =	vmax.f32 v18, v7  }
.LBB2_9:
0x171: {  	p1 =	sne.s32 s9, $0x3E000;
	v14 =	vmax.f32 v4, v6;
	v8 =	vmax.f32 v8, v13;
	v9 =	vmax.f32 v9, v12  }
0x172: {  	v12 =	vmin.f32 v10, v2;
	v13 =	vmax.f32 v5, v11;
	v15 =	vmin.f32 v7, v3  }
0x173: {  	v4 =	vmin.f32 v4, v6;
	v2 =	vmax.f32 v10, v2;
	v5 =	vmin.f32 v5, v11  }
0x174: {  	v3 =	vmax.f32 v7, v3;
	v6 =	vmax.f32 v14, v15;
	v7 =	vmax.f32 v12, v13  }
0x175: {  	v10 =	vmax.f32 v2, v4;
	v2 =	vmin.f32 v2, v4;
	v4 =	vmax.f32 v3, v5  }
0x176: {  	v3 =	vmin.f32 v3, v5;
	v5 =	vmax.f32 v8, v7;
	v7 =	vmin.f32 v8, v7  }
0x177: {  	v2 =	vmax.f32 v2, v4;
	v4 =	vmax.f32 v6, v9;
	v6 =	vmin.f32 v6, v9  }
0x178: {  	v3 =	vmax.f32 v10, v3;
	v8 =	vmax.f32 v1, v2;
	v1 =	vmin.f32 v1, v2  }
0x179: {  	s10 =	sshra.s32 s9, $0x2;
	v2 =	vmax.f32 v3, v0;
	v0 =	vmin.f32 v3, v0;
	v3 =	vmax.f32 v8, v4  }
0x17a: {  	v4 =	vmin.f32 v8, v4;
	v8 =	vmax.f32 v5, v2;
	v2 =	vmin.f32 v5, v2;
	v9 =	vld [tilespmem:s10+$0x30]  }
0x17b: {  	v10 =	vmax.f32 v1, v6;
	v1 =	vmin.f32 v1, v6;
	v6 =	vmax.f32 v7, v0;
	v5 =	vld [tilespmem:s10+$0xB0]  }
0x17c: {  	v0 =	vmin.f32 v7, v0;
	v7 =	vmax.f32 v3, v8;
	v3 =	vmin.f32 v3, v8;
	v11 =	vld [tilespmem:s10+$0x130]  }
0x17d: {  	v12 =	vmax.f32 v4, v2;
	v2 =	vmin.f32 v4, v2;
	v4 =	vmax.f32 v10, v6;
	v8 =	vld [tilespmem:s10+$0x1B0]  }
0x17e: {  	v6 =	vmin.f32 v10, v6;
	v10 =	vmax.f32 v1, v0;
	v0 =	vmin.f32 v1, v0;
	v13 =	vld [tilespmem:s10+$0x230]  }
0x17f: {  	v0 =	vmax.f32 v42, v0;
	v10 =	vmax.f32 v41, v10;
	v6 =	vmax.f32 v40, v6;
	v1 =	vld [tilespmem:s10+$0x2B0]  }
0x180: {  	v4 =	vmax.f32 v39, v4;
	v2 =	vmax.f32 v38, v2;
	v12 =	vmax.f32 v37, v12;
	v14 =	vld [tilespmem:s10+$0x330]  }
0x181: {  	v3 =	vmax.f32 v25, v3;
	v7 =	vmax.f32 v28, v7;
	v16 =	vmin.f32 v0, v2;
	v15 =	vld [tilespmem:s10+$0x3B0]  }
0x182: {  	v18 =	vmin.f32 v10, v12;
	v19 =	vmin.f32 v6, v3;
	v20 =	vmin.f32 v4, v7;
	v17 =	vld [tilespmem:s10+$0x430]  }
0x183: {  	v0 =	vmax.f32 v0, v2;
	v2 =	vmin.f32 v16, v19;
	v22 =	vmin.f32 v18, v20;
	v21 =	vld [tilespmem:s10+$0x4B0]  }
0x184: {  	v10 =	vmax.f32 v10, v12;
	v3 =	vmax.f32 v6, v3;
	v28 =	vmin.f32 v2, v22;
	v23 =	vld [tilespmem:s10+$0x530]  }
0x185: {  	v4 =	vmax.f32 v4, v7;
	v7 =	vmax.f32 v0, v3;
	v0 =	vmin.f32 v0, v3;
	v6 =	vld [tilespmem:s10+$0x5B0]  }
0x186: {  	v12 =	vmax.f32 v10, v4;
	v4 =	vmin.f32 v10, v4;
	v10 =	vmax.f32 v16, v19;
	v3 =	vld [tilespmem:s10+$0x630]  }
0x187: {  	v18 =	vmax.f32 v18, v20;
	v42 =	vmax.f32 v7, v12;
	v41 =	vmin.f32 v7, v12;
	v16 =	vld [tilespmem:s10+$0x6B0]  }
0x188: {  	v40 =	vmax.f32 v0, v4;
	v39 =	vmin.f32 v0, v4;
	v38 =	vmax.f32 v10, v18;
	v7 =	vld [tilespmem:s10+$0x730]  }
0x189: {  	v37 =	vmin.f32 v10, v18;
	v25 =	vmax.f32 v2, v22;
	v0 =	vld [tilespmem:s10+$0x7B0]  }
0x18a: {  	v2 =	vmax.f32 v9, v5;
	v4 =	vmin.f32 v9, v5;
	v5 =	vmax.f32 v11, v8  }
0x18b: {  	v8 =	vmin.f32 v11, v8;
	v9 =	vmax.f32 v13, v1;
	v1 =	vmin.f32 v13, v1  }
0x18c: {  	v10 =	vmax.f32 v14, v15;
	v11 =	vmin.f32 v14, v15;
	v12 =	vmax.f32 v17, v21  }
0x18d: {  	v13 =	vmin.f32 v17, v21;
	v14 =	vmax.f32 v23, v6;
	v6 =	vmin.f32 v23, v6  }
0x18e: {  	v15 =	vmax.f32 v3, v16;
	v3 =	vmin.f32 v3, v16;
	v16 =	vmax.f32 v7, v0  }
0x18f: {  	v18 =	vmin.f32 v4, v8;
	v17 =	vmax.f32 v2, v5;
	v0 =	vmin.f32 v7, v0  }
0x190: {  	v19 =	vmin.f32 v1, v11;
	v20 =	vmax.f32 v12, v14;
	v7 =	vmax.f32 v9, v10  }
0x191: {  	v21 =	vmin.f32 v13, v6;
	v22 =	vmax.f32 v15, v16;
	v23 =	vmin.f32 v3, v0  }
0x192: {  	v4 =	vmax.f32 v4, v8;
	v2 =	vmin.f32 v2, v5;
	v5 =	vmin.f32 v9, v10  }
0x193: {  	v1 =	vmax.f32 v1, v11;
	v8 =	vmin.f32 v12, v14;
	v6 =	vmax.f32 v13, v6  }
0x194: {  	v9 =	vmax.f32 v17, v7;
	v10 =	vmin.f32 v15, v16;
	v0 =	vmax.f32 v3, v0  }
0x195: {  	v3 =	vmin.f32 v18, v19;
	v11 =	vmax.f32 v20, v22;
	v12 =	vmin.f32 v21, v23  }
0x196: {  	v14 =	vmax.f32 v18, v19;
	v7 =	vmin.f32 v17, v7;
	v15 =	vmin.f32 v20, v22  }
0x197: {  	v13 =	vmax.f32 v4, v2;
	v16 =	vmin.f32 v4, v2;
	v17 =	vmax.f32 v21, v23  }
0x198: {  	v18 =	vmax.f32 v1, v5;
	v19 =	vmin.f32 v1, v5;
	v20 =	vmax.f32 v6, v8  }
0x199: {  	v6 =	vmin.f32 v6, v8;
	v8 =	vmax.f32 v0, v10;
	v10 =	vmin.f32 v0, v10  }
0x19a: {  	v2 =	vmin.f32 v13, v18;
	v1 =	vmax.f32 v9, v12;
	v0 =	vmax.f32 v3, v11  }
.Ltmp3:
0x19b: {  	v4 =	vmax.f32 v16, v19;
	v3 =	vmin.f32 v20, v8;
	v5 =	vmax.f32 v6, v10;
	(pc) =	sbr.rel @p1 .LBB2_9-.Ltmp3, $4  }
0x19c: {  	v16 =	vmin.f32 v16, v19;
	v11 =	vmax.f32 v13, v18;
	v18 =	vmax.f32 v20, v8  }
0x19d: {  	v9 =	vmin.f32 v14, v16;
	v19 =	vmin.f32 v6, v10;
	v8 =	vmax.f32 v11, v7  }
0x19e: {  	v6 =	vmin.f32 v11, v7;
	v12 =	vmax.f32 v18, v15;
	v13 =	vmin.f32 v17, v19  }
0x19f: {  	s9 =	sadd.s32 $0x2000, s9;
	v10 =	vmax.f32 v14, v16;
	v11 =	vmin.f32 v18, v15;
	v7 =	vmax.f32 v17, v19  }
0x1a0: {  	v14 =	vmax.f32 v4, v6;
	v8 =	vmax.f32 v8, v13  }
0x1a1: {  	v9 =	vmax.f32 v9, v12;
	v12 =	vmin.f32 v10, v2;
	v13 =	vmax.f32 v5, v11  }
0x1a2: {  	v15 =	vmin.f32 v7, v3;
	v4 =	vmin.f32 v4, v6;
	v2 =	vmax.f32 v10, v2  }
0x1a3: {  	v5 =	vmin.f32 v5, v11;
	v3 =	vmax.f32 v7, v3;
	v6 =	vmax.f32 v14, v15  }
0x1a4: {  	v7 =	vmax.f32 v12, v13;
	v10 =	vmax.f32 v2, v4;
	v2 =	vmin.f32 v2, v4  }
0x1a5: {  	v4 =	vmax.f32 v3, v5;
	v3 =	vmin.f32 v3, v5;
	v5 =	vmax.f32 v8, v7  }
0x1a6: {  	v7 =	vmin.f32 v8, v7;
	v2 =	vmax.f32 v2, v4;
	v4 =	vmax.f32 v6, v9  }
0x1a7: {  	v6 =	vmin.f32 v6, v9;
	v3 =	vmax.f32 v10, v3;
	v8 =	vmax.f32 v1, v2  }
0x1a8: {  	v1 =	vmin.f32 v1, v2;
	v2 =	vmax.f32 v3, v0;
	v0 =	vmin.f32 v3, v0  }
0x1a9: {  	v3 =	vmax.f32 v8, v4;
	v4 =	vmin.f32 v8, v4;
	v8 =	vmax.f32 v5, v2  }
0x1aa: {  	v2 =	vmin.f32 v5, v2;
	v5 =	vmax.f32 v1, v6;
	v1 =	vmin.f32 v1, v6  }
0x1ab: {  	s9 =	simm.s32 $0x0;
	v10 =	vmax.f32 v7, v0;
	v0 =	vmin.f32 v7, v0;
	v7 =	vmax.f32 v3, v8  }
0x1ac: {  	v11 =	vld [tilespmem:s9+$0x140];
	v3 =	vmin.f32 v3, v8;
	v8 =	vmax.f32 v4, v2;
	v2 =	vmin.f32 v4, v2  }
0x1ad: {  	v14 =	vld [tilespmem:s9+$0x340];
	v12 =	vmax.f32 v5, v10;
	v13 =	vmax.f32 v1, v0;
	v0 =	vmin.f32 v1, v0  }
0x1ae: {  	v15 =	vld [tilespmem:s9+$0x3C0];
	v5 =	vmin.f32 v5, v10;
	v0 =	vmax.f32 v42, v0;
	v10 =	vmax.f32 v41, v13  }
0x1af: {  	v19 =	vld [tilespmem:s9+$0x440];
	v5 =	vmax.f32 v40, v5;
	v12 =	vmax.f32 v39, v12;
	v2 =	vmax.f32 v38, v2  }
0x1b0: {  	v21 =	vld [tilespmem:s9+$0x4C0];
	v8 =	vmax.f32 v37, v8;
	v3 =	vmax.f32 v25, v3;
	v7 =	vmax.f32 v28, v7  }
0x1b1: {  	v9 =	vld [tilespmem:s9+$0x40];
	v16 =	vmin.f32 v0, v2;
	v17 =	vmin.f32 v10, v8;
	v18 =	vmin.f32 v5, v3  }
0x1b2: {  	v6 =	vld [tilespmem:s9+$0xC0];
	v20 =	vmin.f32 v12, v7;
	v0 =	vmax.f32 v0, v2;
	v8 =	vmax.f32 v10, v8  }
0x1b3: {  	v4 =	vld [tilespmem:s9+$0x1C0];
	v3 =	vmax.f32 v5, v3;
	v7 =	vmax.f32 v12, v7;
	v2 =	vmin.f32 v16, v18  }
0x1b4: {  	v1 =	vld [tilespmem:s9+$0x240];
	v22 =	vmin.f32 v17, v20;
	v16 =	vmax.f32 v16, v18;
	v17 =	vmax.f32 v17, v20  }
0x1b5: {  	v13 =	vld [tilespmem:s9+$0x2C0];
	v10 =	vmin.f32 v2, v22;
	v38 =	vmax.f32 v16, v17;
	v37 =	vmin.f32 v16, v17  }
0x1b6: {  	v5 =	vld [tilespmem:s9+$0x540];
	[tilespmem:$0x1FE30] =	vst v10;
	v10 =	vmax.f32 v0, v3;
	v0 =	vmin.f32 v0, v3;
	v3 =	vmax.f32 v8, v7  }
0x1b7: {  	v12 =	vld [tilespmem:s9+$0x5C0];
	v2 =	vmax.f32 v2, v22;
	v7 =	vmin.f32 v8, v7;
	v42 =	vmax.f32 v10, v3  }
0x1b8: {  	v41 =	vmin.f32 v10, v3;
	v40 =	vmax.f32 v0, v7;
	v39 =	vmin.f32 v0, v7  }
0x1b9: {  	[tilespmem:$0x1FE20] =	vst v33;
	v33 =	vld [tilespmem:s9+$0x6C0];
	v3 =	vmax.f32 v9, v6;
	v6 =	vmin.f32 v9, v6;
	v7 =	vmax.f32 v11, v4  }
0x1ba: {  	v8 =	vld [tilespmem:s9+$0x640];
	v4 =	vmin.f32 v11, v4;
	v9 =	vmax.f32 v1, v13;
	v1 =	vmin.f32 v1, v13  }
0x1bb: {  	[tilespmem:$0x1FFD0] =	vst v2;
	v2 =	vld [tilespmem:s9+$0x7C0];
	v10 =	vmax.f32 v14, v15;
	v11 =	vmin.f32 v14, v15;
	v13 =	vmax.f32 v19, v21  }
0x1bc: {  	v0 =	vld [tilespmem:s9+$0x740];
	v14 =	vmin.f32 v19, v21;
	v15 =	vmax.f32 v5, v12;
	v5 =	vmin.f32 v5, v12  }
0x1bd: {  	v17 =	vmax.f32 v3, v7;
	v34 =	vmin.f32 v6, v4;
	v35 =	vmin.f32 v1, v11  }
0x1be: {  	v3 =	vmin.f32 v3, v7;
	v4 =	vmax.f32 v6, v4;
	v6 =	vmin.f32 v9, v10  }
0x1bf: {  	v1 =	vmax.f32 v1, v11;
	v32 =	vmax.f32 v13, v15;
	v21 =	vmin.f32 v14, v5  }
0x1c0: {  	v7 =	vmin.f32 v13, v15;
	v5 =	vmax.f32 v14, v5;
	v14 =	vmax.f32 v34, v35  }
0x1c1: {  	v12 =	vmax.f32 v8, v33;
	v8 =	vmin.f32 v8, v33;
	v16 =	vmax.f32 v0, v2  }
0x1c2: {  	v0 =	vmin.f32 v0, v2;
	v2 =	vmax.f32 v9, v10;
	v33 =	vmax.f32 v12, v16  }
0x1c3: {  	v23 =	vmin.f32 v8, v0;
	v9 =	vmax.f32 v17, v2;
	v10 =	vmin.f32 v12, v16  }
0x1c4: {  	v0 =	vmax.f32 v8, v0;
	v8 =	vmin.f32 v34, v35;
	v13 =	vmin.f32 v17, v2  }
0x1c5: {  	v16 =	vmax.f32 v4, v3;
	v34 =	vmin.f32 v4, v3;
	v35 =	vmax.f32 v1, v6  }
0x1c6: {  	v6 =	vmin.f32 v1, v6;
	v11 =	vmax.f32 v32, v33;
	v12 =	vmin.f32 v21, v23  }
0x1c7: {  	v15 =	vmin.f32 v32, v33;
	v18 =	vmax.f32 v21, v23;
	v32 =	vmax.f32 v5, v7  }
0x1c8: {  	v7 =	vmin.f32 v5, v7;
	v33 =	vmax.f32 v0, v10;
	v10 =	vmin.f32 v0, v10  }
0x1c9: {  	v25 =	vld [tilespmem:$0x1FF70];
	v2 =	vmin.f32 v16, v35;
	v4 =	vmax.f32 v34, v6;
	v34 =	vmin.f32 v34, v6  }
0x1ca: {  	v28 =	vld [tilespmem:$0x1FF80];
	v1 =	vmax.f32 v9, v12;
	v0 =	vmax.f32 v8, v11;
	v3 =	vmin.f32 v32, v33  }
0x1cb: {  	v5 =	vmax.f32 v7, v10;
	v11 =	vmax.f32 v16, v35;
	v35 =	vmax.f32 v32, v33;
	v32 =	vld [tilespmem:$0x1FF90]  }
0x1cc: {  	v9 =	vmin.f32 v14, v34;
	v7 =	vmin.f32 v7, v10;
	v10 =	vmax.f32 v14, v34;
	v33 =	vld [tilespmem:$0x1FFA0]  }
0x1cd: {  	v34 =	vld [tilespmem:$0x1FFB0];
	v8 =	vmax.f32 v11, v13;
	v6 =	vmin.f32 v11, v13;
	v12 =	vmax.f32 v35, v15  }
0x1ce: {  	s10 =	simm.s32 $0x2000;
	v13 =	vmin.f32 v18, v7;
	v11 =	vmin.f32 v35, v15;
	v7 =	vmax.f32 v18, v7;
	v35 =	vld [tilespmem:$0x1FFC0]  }
.LBB2_11:
0x1cf: {  	p1 =	sne.s32 s10, $0x3E000;
	v14 =	vmax.f32 v4, v6;
	v8 =	vmax.f32 v8, v13;
	v9 =	vmax.f32 v9, v12  }
0x1d0: {  	v12 =	vmin.f32 v10, v2;
	v13 =	vmax.f32 v5, v11;
	v15 =	vmin.f32 v7, v3  }
0x1d1: {  	v4 =	vmin.f32 v4, v6;
	v2 =	vmax.f32 v10, v2;
	v5 =	vmin.f32 v5, v11  }
0x1d2: {  	v3 =	vmax.f32 v7, v3;
	v6 =	vmax.f32 v14, v15;
	v7 =	vmax.f32 v12, v13  }
0x1d3: {  	v10 =	vmax.f32 v2, v4;
	v2 =	vmin.f32 v2, v4;
	v4 =	vmax.f32 v3, v5  }
0x1d4: {  	v3 =	vmin.f32 v3, v5;
	v5 =	vmax.f32 v8, v7;
	v7 =	vmin.f32 v8, v7  }
0x1d5: {  	v2 =	vmax.f32 v2, v4;
	v4 =	vmax.f32 v6, v9;
	v6 =	vmin.f32 v6, v9  }
0x1d6: {  	v3 =	vmax.f32 v10, v3;
	v8 =	vmax.f32 v1, v2;
	v1 =	vmin.f32 v1, v2  }
0x1d7: {  	s11 =	sshra.s32 s10, $0x2;
	v2 =	vmax.f32 v3, v0;
	v0 =	vmin.f32 v3, v0;
	v3 =	vmax.f32 v8, v4  }
0x1d8: {  	v4 =	vmin.f32 v8, v4;
	v8 =	vmax.f32 v5, v2;
	v2 =	vmin.f32 v5, v2;
	v9 =	vld [tilespmem:s11+$0x40]  }
0x1d9: {  	v10 =	vmax.f32 v1, v6;
	v1 =	vmin.f32 v1, v6;
	v6 =	vmax.f32 v7, v0;
	v5 =	vld [tilespmem:s11+$0xC0]  }
0x1da: {  	v0 =	vmin.f32 v7, v0;
	v7 =	vmax.f32 v3, v8;
	v3 =	vmin.f32 v3, v8;
	v11 =	vld [tilespmem:s11+$0x140]  }
0x1db: {  	v12 =	vmax.f32 v4, v2;
	v2 =	vmin.f32 v4, v2;
	v4 =	vmax.f32 v10, v6;
	v8 =	vld [tilespmem:s11+$0x1C0]  }
0x1dc: {  	v6 =	vmin.f32 v10, v6;
	v10 =	vmax.f32 v1, v0;
	v0 =	vmin.f32 v1, v0;
	v13 =	vld [tilespmem:s11+$0x240]  }
0x1dd: {  	v0 =	vmax.f32 v35, v0;
	v10 =	vmax.f32 v34, v10;
	v6 =	vmax.f32 v33, v6;
	v1 =	vld [tilespmem:s11+$0x2C0]  }
0x1de: {  	v4 =	vmax.f32 v32, v4;
	v2 =	vmax.f32 v28, v2;
	v12 =	vmax.f32 v25, v12;
	v14 =	vld [tilespmem:s11+$0x340]  }
0x1df: {  	v3 =	vmax.f32 v36, v3;
	v7 =	vmax.f32 v26, v7;
	v16 =	vmin.f32 v0, v2;
	v15 =	vld [tilespmem:s11+$0x3C0]  }
0x1e0: {  	v18 =	vmin.f32 v10, v12;
	v19 =	vmin.f32 v6, v3;
	v20 =	vmin.f32 v4, v7;
	v17 =	vld [tilespmem:s11+$0x440]  }
0x1e1: {  	v0 =	vmax.f32 v0, v2;
	v2 =	vmin.f32 v16, v19;
	v22 =	vmin.f32 v18, v20;
	v21 =	vld [tilespmem:s11+$0x4C0]  }
0x1e2: {  	v10 =	vmax.f32 v10, v12;
	v3 =	vmax.f32 v6, v3;
	v26 =	vmin.f32 v2, v22;
	v23 =	vld [tilespmem:s11+$0x540]  }
0x1e3: {  	v4 =	vmax.f32 v4, v7;
	v7 =	vmax.f32 v0, v3;
	v0 =	vmin.f32 v0, v3;
	v6 =	vld [tilespmem:s11+$0x5C0]  }
0x1e4: {  	v12 =	vmax.f32 v10, v4;
	v4 =	vmin.f32 v10, v4;
	v10 =	vmax.f32 v16, v19;
	v3 =	vld [tilespmem:s11+$0x640]  }
0x1e5: {  	v18 =	vmax.f32 v18, v20;
	v35 =	vmax.f32 v7, v12;
	v34 =	vmin.f32 v7, v12;
	v16 =	vld [tilespmem:s11+$0x6C0]  }
0x1e6: {  	v33 =	vmax.f32 v0, v4;
	v32 =	vmin.f32 v0, v4;
	v28 =	vmax.f32 v10, v18;
	v7 =	vld [tilespmem:s11+$0x740]  }
0x1e7: {  	v25 =	vmin.f32 v10, v18;
	v36 =	vmax.f32 v2, v22;
	v0 =	vld [tilespmem:s11+$0x7C0]  }
0x1e8: {  	v2 =	vmax.f32 v9, v5;
	v4 =	vmin.f32 v9, v5;
	v5 =	vmax.f32 v11, v8  }
0x1e9: {  	v8 =	vmin.f32 v11, v8;
	v9 =	vmax.f32 v13, v1;
	v1 =	vmin.f32 v13, v1  }
0x1ea: {  	v10 =	vmax.f32 v14, v15;
	v11 =	vmin.f32 v14, v15;
	v12 =	vmax.f32 v17, v21  }
0x1eb: {  	v13 =	vmin.f32 v17, v21;
	v14 =	vmax.f32 v23, v6;
	v6 =	vmin.f32 v23, v6  }
0x1ec: {  	v15 =	vmax.f32 v3, v16;
	v3 =	vmin.f32 v3, v16;
	v16 =	vmax.f32 v7, v0  }
0x1ed: {  	v18 =	vmin.f32 v4, v8;
	v17 =	vmax.f32 v2, v5;
	v0 =	vmin.f32 v7, v0  }
0x1ee: {  	v19 =	vmin.f32 v1, v11;
	v20 =	vmax.f32 v12, v14;
	v7 =	vmax.f32 v9, v10  }
0x1ef: {  	v21 =	vmin.f32 v13, v6;
	v22 =	vmax.f32 v15, v16;
	v23 =	vmin.f32 v3, v0  }
0x1f0: {  	v4 =	vmax.f32 v4, v8;
	v2 =	vmin.f32 v2, v5;
	v5 =	vmin.f32 v9, v10  }
0x1f1: {  	v1 =	vmax.f32 v1, v11;
	v8 =	vmin.f32 v12, v14;
	v6 =	vmax.f32 v13, v6  }
0x1f2: {  	v9 =	vmax.f32 v17, v7;
	v10 =	vmin.f32 v15, v16;
	v0 =	vmax.f32 v3, v0  }
0x1f3: {  	v3 =	vmin.f32 v18, v19;
	v11 =	vmax.f32 v20, v22;
	v12 =	vmin.f32 v21, v23  }
0x1f4: {  	v14 =	vmax.f32 v18, v19;
	v7 =	vmin.f32 v17, v7;
	v15 =	vmin.f32 v20, v22  }
0x1f5: {  	v13 =	vmax.f32 v4, v2;
	v16 =	vmin.f32 v4, v2;
	v17 =	vmax.f32 v21, v23  }
0x1f6: {  	v18 =	vmax.f32 v1, v5;
	v19 =	vmin.f32 v1, v5;
	v20 =	vmax.f32 v6, v8  }
0x1f7: {  	v6 =	vmin.f32 v6, v8;
	v8 =	vmax.f32 v0, v10;
	v10 =	vmin.f32 v0, v10  }
0x1f8: {  	v2 =	vmin.f32 v13, v18;
	v1 =	vmax.f32 v9, v12;
	v0 =	vmax.f32 v3, v11  }
.Ltmp4:
0x1f9: {  	v4 =	vmax.f32 v16, v19;
	v3 =	vmin.f32 v20, v8;
	v5 =	vmax.f32 v6, v10;
	(pc) =	sbr.rel @p1 .LBB2_11-.Ltmp4, $4  }
0x1fa: {  	v16 =	vmin.f32 v16, v19;
	v11 =	vmax.f32 v13, v18;
	v18 =	vmax.f32 v20, v8  }
0x1fb: {  	v9 =	vmin.f32 v14, v16;
	v19 =	vmin.f32 v6, v10;
	v8 =	vmax.f32 v11, v7  }
0x1fc: {  	v6 =	vmin.f32 v11, v7;
	v12 =	vmax.f32 v18, v15;
	v13 =	vmin.f32 v17, v19  }
0x1fd: {  	s10 =	sadd.s32 $0x2000, s10;
	v10 =	vmax.f32 v14, v16;
	v11 =	vmin.f32 v18, v15;
	v7 =	vmax.f32 v17, v19  }
0x1fe: {  	v14 =	vmax.f32 v4, v6;
	v8 =	vmax.f32 v8, v13  }
0x1ff: {  	v9 =	vmax.f32 v9, v12;
	v12 =	vmin.f32 v10, v2;
	v13 =	vmax.f32 v5, v11  }
0x200: {  	v15 =	vmin.f32 v7, v3;
	v4 =	vmin.f32 v4, v6;
	v2 =	vmax.f32 v10, v2  }
0x201: {  	v5 =	vmin.f32 v5, v11;
	v3 =	vmax.f32 v7, v3;
	v6 =	vmax.f32 v14, v15  }
0x202: {  	v7 =	vmax.f32 v12, v13;
	v10 =	vmax.f32 v2, v4;
	v2 =	vmin.f32 v2, v4  }
0x203: {  	v4 =	vmax.f32 v3, v5;
	v3 =	vmin.f32 v3, v5;
	v5 =	vmax.f32 v8, v7  }
0x204: {  	v7 =	vmin.f32 v8, v7;
	v2 =	vmax.f32 v2, v4;
	v4 =	vmax.f32 v6, v9  }
0x205: {  	v6 =	vmin.f32 v6, v9;
	v3 =	vmax.f32 v10, v3;
	v8 =	vmax.f32 v1, v2  }
0x206: {  	v1 =	vmin.f32 v1, v2;
	v2 =	vmax.f32 v3, v0;
	v0 =	vmin.f32 v3, v0  }
0x207: {  	v3 =	vmax.f32 v8, v4;
	v4 =	vmin.f32 v8, v4;
	v8 =	vmax.f32 v5, v2  }
0x208: {  	v2 =	vmin.f32 v5, v2;
	v5 =	vmax.f32 v1, v6;
	v1 =	vmin.f32 v1, v6  }
0x209: {  	v11 =	vld [tilespmem:s9+$0x150];
	v10 =	vmax.f32 v7, v0;
	v0 =	vmin.f32 v7, v0;
	v7 =	vmax.f32 v3, v8  }
0x20a: {  	v19 =	vld [tilespmem:s9+$0x450];
	v3 =	vmin.f32 v3, v8;
	v8 =	vmax.f32 v4, v2;
	v2 =	vmin.f32 v4, v2  }
0x20b: {  	v21 =	vld [tilespmem:s9+$0x4D0];
	v12 =	vmax.f32 v5, v10;
	v13 =	vmax.f32 v1, v0;
	v0 =	vmin.f32 v1, v0  }
0x20c: {  	v14 =	vld [tilespmem:s9+$0x350];
	v5 =	vmin.f32 v5, v10;
	v0 =	vmax.f32 v35, v0;
	v10 =	vmax.f32 v34, v13  }
0x20d: {  	v15 =	vld [tilespmem:s9+$0x3D0];
	v5 =	vmax.f32 v33, v5;
	v12 =	vmax.f32 v32, v12;
	v2 =	vmax.f32 v28, v2  }
0x20e: {  	v9 =	vld [tilespmem:s9+$0x50];
	v8 =	vmax.f32 v25, v8;
	v3 =	vmax.f32 v36, v3;
	v7 =	vmax.f32 v26, v7  }
0x20f: {  	v6 =	vld [tilespmem:s9+$0xD0];
	v16 =	vmin.f32 v0, v2;
	v17 =	vmin.f32 v10, v8;
	v18 =	vmin.f32 v5, v3  }
0x210: {  	v4 =	vld [tilespmem:s9+$0x1D0];
	v20 =	vmin.f32 v12, v7;
	v0 =	vmax.f32 v0, v2;
	v8 =	vmax.f32 v10, v8  }
0x211: {  	v1 =	vld [tilespmem:s9+$0x250];
	v3 =	vmax.f32 v5, v3;
	v2 =	vmin.f32 v16, v18;
	v22 =	vmin.f32 v17, v20  }
0x212: {  	v5 =	vld [tilespmem:s9+$0x550];
	v7 =	vmax.f32 v12, v7;
	v16 =	vmax.f32 v16, v18;
	v10 =	vmin.f32 v2, v22  }
0x213: {  	v12 =	vld [tilespmem:s9+$0x5D0];
	v17 =	vmax.f32 v17, v20;
	v2 =	vmax.f32 v2, v22;
	[tilespmem:$0x1FE00] =	vst v10;
	v10 =	vmax.f32 v0, v3  }
0x214: {  	v13 =	vld [tilespmem:s9+$0x2D0];
	v0 =	vmin.f32 v0, v3;
	v3 =	vmax.f32 v8, v7;
	v7 =	vmin.f32 v8, v7  }
0x215: {  	v34 =	vld [tilespmem:s9+$0x6D0];
	[tilespmem:$0x1FE10] =	vst v2;
	v33 =	vmax.f32 v10, v3;
	v3 =	vmin.f32 v10, v3;
	v10 =	vmax.f32 v14, v15  }
0x216: {  	v8 =	vld [tilespmem:s9+$0x650];
	[tilespmem:$0x1FFB0] =	vst v3;
	v3 =	vmax.f32 v0, v7;
	v0 =	vmin.f32 v0, v7;
	v7 =	vmax.f32 v11, v4  }
0x217: {  	v4 =	vmin.f32 v11, v4;
	v11 =	vmin.f32 v14, v15;
	[tilespmem:$0x1FFA0] =	vst v3;
	v3 =	vmax.f32 v16, v17  }
0x218: {  	v14 =	vmin.f32 v19, v21;
	v15 =	vmax.f32 v5, v12;
	[tilespmem:$0x1FF80] =	vst v3;
	v3 =	vmin.f32 v16, v17  }
0x219: {  	v2 =	vld [tilespmem:s9+$0x7D0];
	v5 =	vmin.f32 v5, v12;
	[tilespmem:$0x1FF70] =	vst v3;
	v3 =	vmax.f32 v9, v6;
	v6 =	vmin.f32 v9, v6  }
0x21a: {  	[tilespmem:$0x1FF90] =	vst v0;
	v0 =	vld [tilespmem:s9+$0x750];
	v9 =	vmax.f32 v1, v13;
	v1 =	vmin.f32 v1, v13;
	v13 =	vmax.f32 v19, v21  }
0x21b: {  	v12 =	vmax.f32 v8, v34;
	v8 =	vmin.f32 v8, v34;
	v21 =	vmin.f32 v14, v5  }
0x21c: {  	v5 =	vmax.f32 v14, v5;
	v35 =	vmax.f32 v3, v7;
	v36 =	vmin.f32 v6, v4  }
0x21d: {  	[tilespmem:$0x1FFC0] =	vst v33;
	v32 =	vmin.f32 v1, v11;
	v33 =	vmax.f32 v13, v15;
	v3 =	vmin.f32 v3, v7  }
0x21e: {  	v4 =	vmax.f32 v6, v4;
	v6 =	vmin.f32 v9, v10;
	v1 =	vmax.f32 v1, v11  }
0x21f: {  	v7 =	vmin.f32 v13, v15;
	v14 =	vmax.f32 v36, v32;
	v16 =	vmax.f32 v0, v2  }
0x220: {  	v0 =	vmin.f32 v0, v2;
	v2 =	vmax.f32 v9, v10;
	v34 =	vmax.f32 v12, v16  }
0x221: {  	v23 =	vmin.f32 v8, v0;
	v9 =	vmax.f32 v35, v2;
	v10 =	vmin.f32 v12, v16  }
0x222: {  	v0 =	vmax.f32 v8, v0;
	v8 =	vmin.f32 v36, v32;
	v13 =	vmin.f32 v35, v2  }
0x223: {  	v35 =	vmax.f32 v4, v3;
	v36 =	vmin.f32 v4, v3;
	v32 =	vmax.f32 v1, v6  }
0x224: {  	v6 =	vmin.f32 v1, v6;
	v11 =	vmax.f32 v33, v34;
	v12 =	vmin.f32 v21, v23  }
0x225: {  	v25 =	vld [tilespmem:$0x1FF40];
	v15 =	vmin.f32 v33, v34;
	v18 =	vmax.f32 v21, v23;
	v33 =	vmax.f32 v5, v7  }
0x226: {  	v28 =	vld [tilespmem:$0x1FF50];
	v7 =	vmin.f32 v5, v7;
	v34 =	vmax.f32 v0, v10;
	v10 =	vmin.f32 v0, v10  }
0x227: {  	v26 =	vld [tilespmem:$0x1FE40];
	v2 =	vmin.f32 v35, v32;
	v4 =	vmax.f32 v36, v6;
	v1 =	vmax.f32 v9, v12  }
0x228: {  	v0 =	vmax.f32 v8, v11;
	v3 =	vmin.f32 v33, v34;
	v11 =	vmax.f32 v35, v32;
	v32 =	vld [tilespmem:$0x1FF60]  }
0x229: {  	v5 =	vmax.f32 v7, v10;
	v35 =	vmin.f32 v36, v6;
	v36 =	vmax.f32 v33, v34;
	v33 =	vld [tilespmem:$0x1FE20]  }
0x22a: {  	v7 =	vmin.f32 v7, v10;
	v34 =	vld [tilespmem:$0x1FE60];
	v8 =	vmax.f32 v11, v13;
	v9 =	vmin.f32 v14, v35  }
0x22b: {  	v6 =	vmin.f32 v11, v13;
	v12 =	vmax.f32 v36, v15;
	v10 =	vmax.f32 v14, v35;
	v35 =	vld [tilespmem:$0x1FE90]  }
0x22c: {  	s9 =	simm.s32 $0x2000;
	v13 =	vmin.f32 v18, v7;
	v11 =	vmin.f32 v36, v15;
	v7 =	vmax.f32 v18, v7;
	v36 =	vld [tilespmem:$0x1FE70]  }
.LBB2_13:
0x22d: {  	p1 =	sne.s32 s9, $0x3E000;
	v14 =	vmax.f32 v4, v6;
	v8 =	vmax.f32 v8, v13;
	v9 =	vmax.f32 v9, v12  }
0x22e: {  	v12 =	vmin.f32 v10, v2;
	v13 =	vmax.f32 v5, v11;
	v15 =	vmin.f32 v7, v3  }
0x22f: {  	v4 =	vmin.f32 v4, v6;
	v2 =	vmax.f32 v10, v2;
	v5 =	vmin.f32 v5, v11  }
0x230: {  	v3 =	vmax.f32 v7, v3;
	v6 =	vmax.f32 v14, v15;
	v7 =	vmax.f32 v12, v13  }
0x231: {  	v10 =	vmax.f32 v2, v4;
	v2 =	vmin.f32 v2, v4;
	v4 =	vmax.f32 v3, v5  }
0x232: {  	v3 =	vmin.f32 v3, v5;
	v5 =	vmax.f32 v8, v7;
	v7 =	vmin.f32 v8, v7  }
0x233: {  	v2 =	vmax.f32 v2, v4;
	v4 =	vmax.f32 v6, v9;
	v6 =	vmin.f32 v6, v9  }
0x234: {  	v3 =	vmax.f32 v10, v3;
	v8 =	vmax.f32 v1, v2;
	v1 =	vmin.f32 v1, v2  }
0x235: {  	s10 =	sshra.s32 s9, $0x2;
	v2 =	vmax.f32 v3, v0;
	v0 =	vmin.f32 v3, v0;
	v3 =	vmax.f32 v8, v4  }
0x236: {  	v4 =	vmin.f32 v8, v4;
	v8 =	vmax.f32 v5, v2;
	v2 =	vmin.f32 v5, v2;
	v9 =	vld [tilespmem:s10+$0x50]  }
0x237: {  	v10 =	vmax.f32 v1, v6;
	v1 =	vmin.f32 v1, v6;
	v6 =	vmax.f32 v7, v0;
	v5 =	vld [tilespmem:s10+$0xD0]  }
0x238: {  	v0 =	vmin.f32 v7, v0;
	v7 =	vmax.f32 v3, v8;
	v3 =	vmin.f32 v3, v8;
	v11 =	vld [tilespmem:s10+$0x150]  }
0x239: {  	v12 =	vmax.f32 v4, v2;
	v2 =	vmin.f32 v4, v2;
	v4 =	vmax.f32 v10, v6;
	v8 =	vld [tilespmem:s10+$0x1D0]  }
0x23a: {  	v6 =	vmin.f32 v10, v6;
	v10 =	vmax.f32 v1, v0;
	v0 =	vmin.f32 v1, v0;
	v13 =	vld [tilespmem:s10+$0x250]  }
0x23b: {  	v0 =	vmax.f32 v36, v0;
	v10 =	vmax.f32 v35, v10;
	v6 =	vmax.f32 v34, v6;
	v1 =	vld [tilespmem:s10+$0x2D0]  }
0x23c: {  	v4 =	vmax.f32 v33, v4;
	v2 =	vmax.f32 v32, v2;
	v12 =	vmax.f32 v26, v12;
	v14 =	vld [tilespmem:s10+$0x350]  }
0x23d: {  	v3 =	vmax.f32 v28, v3;
	v7 =	vmax.f32 v25, v7;
	v16 =	vmin.f32 v0, v2;
	v15 =	vld [tilespmem:s10+$0x3D0]  }
0x23e: {  	v18 =	vmin.f32 v10, v12;
	v19 =	vmin.f32 v6, v3;
	v20 =	vmin.f32 v4, v7;
	v17 =	vld [tilespmem:s10+$0x450]  }
0x23f: {  	v0 =	vmax.f32 v0, v2;
	v2 =	vmin.f32 v16, v19;
	v22 =	vmin.f32 v18, v20;
	v21 =	vld [tilespmem:s10+$0x4D0]  }
0x240: {  	v10 =	vmax.f32 v10, v12;
	v3 =	vmax.f32 v6, v3;
	v25 =	vmin.f32 v2, v22;
	v23 =	vld [tilespmem:s10+$0x550]  }
0x241: {  	v4 =	vmax.f32 v4, v7;
	v7 =	vmax.f32 v0, v3;
	v0 =	vmin.f32 v0, v3;
	v6 =	vld [tilespmem:s10+$0x5D0]  }
0x242: {  	v12 =	vmax.f32 v10, v4;
	v4 =	vmin.f32 v10, v4;
	v10 =	vmax.f32 v16, v19;
	v3 =	vld [tilespmem:s10+$0x650]  }
0x243: {  	v18 =	vmax.f32 v18, v20;
	v36 =	vmax.f32 v7, v12;
	v35 =	vmin.f32 v7, v12;
	v16 =	vld [tilespmem:s10+$0x6D0]  }
0x244: {  	v34 =	vmax.f32 v0, v4;
	v33 =	vmin.f32 v0, v4;
	v32 =	vmax.f32 v10, v18;
	v7 =	vld [tilespmem:s10+$0x750]  }
0x245: {  	v26 =	vmin.f32 v10, v18;
	v28 =	vmax.f32 v2, v22;
	v0 =	vld [tilespmem:s10+$0x7D0]  }
0x246: {  	v2 =	vmax.f32 v9, v5;
	v4 =	vmin.f32 v9, v5;
	v5 =	vmax.f32 v11, v8  }
0x247: {  	v8 =	vmin.f32 v11, v8;
	v9 =	vmax.f32 v13, v1;
	v1 =	vmin.f32 v13, v1  }
0x248: {  	v10 =	vmax.f32 v14, v15;
	v11 =	vmin.f32 v14, v15;
	v12 =	vmax.f32 v17, v21  }
0x249: {  	v13 =	vmin.f32 v17, v21;
	v14 =	vmax.f32 v23, v6;
	v6 =	vmin.f32 v23, v6  }
0x24a: {  	v15 =	vmax.f32 v3, v16;
	v3 =	vmin.f32 v3, v16;
	v16 =	vmax.f32 v7, v0  }
0x24b: {  	v18 =	vmin.f32 v4, v8;
	v17 =	vmax.f32 v2, v5;
	v0 =	vmin.f32 v7, v0  }
0x24c: {  	v19 =	vmin.f32 v1, v11;
	v20 =	vmax.f32 v12, v14;
	v7 =	vmax.f32 v9, v10  }
0x24d: {  	v21 =	vmin.f32 v13, v6;
	v22 =	vmax.f32 v15, v16;
	v23 =	vmin.f32 v3, v0  }
0x24e: {  	v4 =	vmax.f32 v4, v8;
	v2 =	vmin.f32 v2, v5;
	v5 =	vmin.f32 v9, v10  }
0x24f: {  	v1 =	vmax.f32 v1, v11;
	v8 =	vmin.f32 v12, v14;
	v6 =	vmax.f32 v13, v6  }
0x250: {  	v9 =	vmax.f32 v17, v7;
	v10 =	vmin.f32 v15, v16;
	v0 =	vmax.f32 v3, v0  }
0x251: {  	v3 =	vmin.f32 v18, v19;
	v11 =	vmax.f32 v20, v22;
	v12 =	vmin.f32 v21, v23  }
0x252: {  	v14 =	vmax.f32 v18, v19;
	v7 =	vmin.f32 v17, v7;
	v15 =	vmin.f32 v20, v22  }
0x253: {  	v13 =	vmax.f32 v4, v2;
	v16 =	vmin.f32 v4, v2;
	v17 =	vmax.f32 v21, v23  }
0x254: {  	v18 =	vmax.f32 v1, v5;
	v19 =	vmin.f32 v1, v5;
	v20 =	vmax.f32 v6, v8  }
0x255: {  	v6 =	vmin.f32 v6, v8;
	v8 =	vmax.f32 v0, v10;
	v10 =	vmin.f32 v0, v10  }
0x256: {  	v2 =	vmin.f32 v13, v18;
	v1 =	vmax.f32 v9, v12;
	v0 =	vmax.f32 v3, v11  }
.Ltmp5:
0x257: {  	v4 =	vmax.f32 v16, v19;
	v3 =	vmin.f32 v20, v8;
	v5 =	vmax.f32 v6, v10;
	(pc) =	sbr.rel @p1 .LBB2_13-.Ltmp5, $4  }
0x258: {  	v16 =	vmin.f32 v16, v19;
	v11 =	vmax.f32 v13, v18;
	v18 =	vmax.f32 v20, v8  }
0x259: {  	v9 =	vmin.f32 v14, v16;
	v19 =	vmin.f32 v6, v10;
	v8 =	vmax.f32 v11, v7  }
0x25a: {  	v6 =	vmin.f32 v11, v7;
	v12 =	vmax.f32 v18, v15;
	v13 =	vmin.f32 v17, v19  }
0x25b: {  	s9 =	sadd.s32 $0x2000, s9;
	v10 =	vmax.f32 v14, v16;
	v11 =	vmin.f32 v18, v15;
	v7 =	vmax.f32 v17, v19  }
0x25c: {  	v14 =	vmax.f32 v4, v6;
	v8 =	vmax.f32 v8, v13  }
0x25d: {  	v9 =	vmax.f32 v9, v12;
	v12 =	vmin.f32 v10, v2;
	v13 =	vmax.f32 v5, v11  }
0x25e: {  	v15 =	vmin.f32 v7, v3;
	v4 =	vmin.f32 v4, v6;
	v2 =	vmax.f32 v10, v2  }
0x25f: {  	v5 =	vmin.f32 v5, v11;
	v3 =	vmax.f32 v7, v3;
	v6 =	vmax.f32 v14, v15  }
0x260: {  	v7 =	vmax.f32 v12, v13;
	v10 =	vmax.f32 v2, v4;
	v2 =	vmin.f32 v2, v4  }
0x261: {  	v4 =	vmax.f32 v3, v5;
	v3 =	vmin.f32 v3, v5;
	v5 =	vmax.f32 v8, v7  }
0x262: {  	v7 =	vmin.f32 v8, v7;
	v2 =	vmax.f32 v2, v4;
	v4 =	vmax.f32 v6, v9  }
0x263: {  	v6 =	vmin.f32 v6, v9;
	v3 =	vmax.f32 v10, v3;
	v8 =	vmax.f32 v1, v2  }
0x264: {  	v1 =	vmin.f32 v1, v2;
	v2 =	vmax.f32 v3, v0;
	v0 =	vmin.f32 v3, v0  }
0x265: {  	v3 =	vmax.f32 v8, v4;
	v4 =	vmin.f32 v8, v4;
	v8 =	vmax.f32 v5, v2  }
0x266: {  	s9 =	simm.s32 $0x0;
	v2 =	vmin.f32 v5, v2;
	v5 =	vmax.f32 v1, v6;
	v1 =	vmin.f32 v1, v6  }
0x267: {  	v11 =	vld [tilespmem:s9+$0x160];
	v10 =	vmax.f32 v7, v0;
	v0 =	vmin.f32 v7, v0;
	v7 =	vmax.f32 v3, v8  }
0x268: {  	v14 =	vld [tilespmem:s9+$0x360];
	v3 =	vmin.f32 v3, v8;
	v8 =	vmax.f32 v4, v2;
	v2 =	vmin.f32 v4, v2  }
0x269: {  	v15 =	vld [tilespmem:s9+$0x3E0];
	v12 =	vmax.f32 v5, v10;
	v13 =	vmax.f32 v1, v0;
	v0 =	vmin.f32 v1, v0  }
0x26a: {  	v19 =	vld [tilespmem:s9+$0x460];
	v5 =	vmin.f32 v5, v10;
	v0 =	vmax.f32 v36, v0;
	v10 =	vmax.f32 v35, v13  }
0x26b: {  	v21 =	vld [tilespmem:s9+$0x4E0];
	v5 =	vmax.f32 v34, v5;
	v12 =	vmax.f32 v33, v12;
	v2 =	vmax.f32 v32, v2  }
0x26c: {  	v23 =	vld [tilespmem:s9+$0x6E0];
	v8 =	vmax.f32 v26, v8;
	v3 =	vmax.f32 v28, v3;
	v7 =	vmax.f32 v25, v7  }
0x26d: {  	v9 =	vld [tilespmem:s9+$0x60];
	v16 =	vmin.f32 v0, v2;
	v17 =	vmin.f32 v10, v8;
	v18 =	vmin.f32 v5, v3  }
0x26e: {  	v6 =	vld [tilespmem:s9+$0xE0];
	v20 =	vmin.f32 v12, v7;
	v0 =	vmax.f32 v0, v2;
	v8 =	vmax.f32 v10, v8  }
0x26f: {  	v4 =	vld [tilespmem:s9+$0x1E0];
	v3 =	vmax.f32 v5, v3;
	v2 =	vmin.f32 v16, v18;
	v22 =	vmin.f32 v17, v20  }
0x270: {  	v5 =	vld [tilespmem:s9+$0x560];
	v7 =	vmax.f32 v12, v7;
	v16 =	vmax.f32 v16, v18;
	v10 =	vmin.f32 v2, v22  }
0x271: {  	v12 =	vld [tilespmem:s9+$0x5E0];
	v17 =	vmax.f32 v17, v20;
	v2 =	vmax.f32 v2, v22;
	[tilespmem:$0x1FF40] =	vst v10;
	v10 =	vmax.f32 v0, v3  }
0x272: {  	v1 =	vld [tilespmem:s9+$0x260];
	v0 =	vmin.f32 v0, v3;
	v3 =	vmax.f32 v8, v7;
	v7 =	vmin.f32 v8, v7  }
0x273: {  	v13 =	vld [tilespmem:s9+$0x2E0];
	v32 =	vmax.f32 v10, v3;
	v3 =	vmin.f32 v10, v3;
	v35 =	vmax.f32 v0, v7  }
0x274: {  	v8 =	vld [tilespmem:s9+$0x660];
	[tilespmem:$0x1FF50] =	vst v2;
	v34 =	vmin.f32 v0, v7;
	v7 =	vmax.f32 v11, v4;
	v4 =	vmin.f32 v11, v4  }
0x275: {  	v10 =	vmax.f32 v14, v15;
	v11 =	vmin.f32 v14, v15;
	[tilespmem:$0x1FE90] =	vst v3;
	v3 =	vmax.f32 v16, v17  }
0x276: {  	v14 =	vmin.f32 v19, v21;
	v15 =	vmax.f32 v5, v12;
	[tilespmem:$0x1FF60] =	vst v3;
	v3 =	vmin.f32 v16, v17  }
0x277: {  	v2 =	vld [tilespmem:s9+$0x7E0];
	v5 =	vmin.f32 v5, v12;
	[tilespmem:$0x1FE40] =	vst v3;
	v3 =	vmax.f32 v9, v6;
	v6 =	vmin.f32 v9, v6  }
0x278: {  	v0 =	vld [tilespmem:s9+$0x760];
	v9 =	vmax.f32 v1, v13;
	v1 =	vmin.f32 v1, v13;
	v13 =	vmax.f32 v19, v21  }
0x279: {  	v21 =	vmin.f32 v14, v5;
	v5 =	vmax.f32 v14, v5;
	v12 =	vmax.f32 v8, v23  }
0x27a: {  	v8 =	vmin.f32 v8, v23;
	v17 =	vmax.f32 v3, v7;
	v18 =	vmin.f32 v6, v4  }
0x27b: {  	v19 =	vmin.f32 v1, v11;
	v33 =	vmax.f32 v13, v15;
	v3 =	vmin.f32 v3, v7  }
0x27c: {  	v4 =	vmax.f32 v6, v4;
	v6 =	vmin.f32 v9, v10;
	v1 =	vmax.f32 v1, v11  }
0x27d: {  	v7 =	vmin.f32 v13, v15;
	v16 =	vmax.f32 v0, v2;
	v0 =	vmin.f32 v0, v2  }
0x27e: {  	v2 =	vmax.f32 v9, v10;
	v14 =	vmax.f32 v18, v19;
	v20 =	vmax.f32 v5, v7  }
0x27f: {  	v7 =	vmin.f32 v5, v7;
	v36 =	vmax.f32 v12, v16;
	v23 =	vmin.f32 v8, v0  }
0x280: {  	v9 =	vmax.f32 v17, v2;
	v10 =	vmin.f32 v12, v16;
	v0 =	vmax.f32 v8, v0  }
0x281: {  	v8 =	vmin.f32 v18, v19;
	v13 =	vmin.f32 v17, v2;
	v16 =	vmax.f32 v4, v3  }
0x282: {  	v17 =	vmin.f32 v4, v3;
	v11 =	vmax.f32 v33, v36;
	v12 =	vmin.f32 v21, v23  }
0x283: {  	v15 =	vmin.f32 v33, v36;
	v18 =	vmax.f32 v21, v23;
	v33 =	vmax.f32 v1, v6  }
0x284: {  	v6 =	vmin.f32 v1, v6;
	v36 =	vmax.f32 v0, v10;
	v10 =	vmin.f32 v0, v10  }
0x285: {  	v2 =	vmin.f32 v16, v33;
	v1 =	vmax.f32 v9, v12;
	v0 =	vmax.f32 v8, v11  }
0x286: {  	v4 =	vmax.f32 v17, v6;
	v3 =	vmin.f32 v20, v36;
	v5 =	vmax.f32 v7, v10  }
0x287: {  	v11 =	vmax.f32 v16, v33;
	v33 =	vmin.f32 v17, v6;
	v36 =	vmax.f32 v20, v36  }
0x288: {  	v25 =	vld [tilespmem:$0x1FF10];
	v7 =	vmin.f32 v7, v10;
	v8 =	vmax.f32 v11, v13;
	v9 =	vmin.f32 v14, v33  }
0x289: {  	v26 =	vld [tilespmem:$0x1FF20];
	v6 =	vmin.f32 v11, v13;
	v12 =	vmax.f32 v36, v15;
	v13 =	vmin.f32 v18, v7  }
0x28a: {  	s10 =	simm.s32 $0x2000;
	v28 =	vld [tilespmem:$0x1FF30];
	v10 =	vmax.f32 v14, v33;
	v11 =	vmin.f32 v36, v15;
	v7 =	vmax.f32 v18, v7  }
.LBB2_15:
0x28b: {  	p1 =	sne.s32 s10, $0x3E000;
	v14 =	vmax.f32 v4, v6;
	v8 =	vmax.f32 v8, v13;
	v9 =	vmax.f32 v9, v12  }
0x28c: {  	v12 =	vmin.f32 v10, v2;
	v13 =	vmax.f32 v5, v11;
	v15 =	vmin.f32 v7, v3  }
0x28d: {  	v4 =	vmin.f32 v4, v6;
	v2 =	vmax.f32 v10, v2;
	v5 =	vmin.f32 v5, v11  }
0x28e: {  	v3 =	vmax.f32 v7, v3;
	v6 =	vmax.f32 v14, v15;
	v7 =	vmax.f32 v12, v13  }
0x28f: {  	v10 =	vmax.f32 v2, v4;
	v2 =	vmin.f32 v2, v4;
	v4 =	vmax.f32 v3, v5  }
0x290: {  	v3 =	vmin.f32 v3, v5;
	v5 =	vmax.f32 v8, v7;
	v7 =	vmin.f32 v8, v7  }
0x291: {  	v2 =	vmax.f32 v2, v4;
	v4 =	vmax.f32 v6, v9;
	v6 =	vmin.f32 v6, v9  }
0x292: {  	v3 =	vmax.f32 v10, v3;
	v8 =	vmax.f32 v1, v2;
	v1 =	vmin.f32 v1, v2  }
0x293: {  	s11 =	sshra.s32 s10, $0x2;
	v2 =	vmax.f32 v3, v0;
	v0 =	vmin.f32 v3, v0;
	v3 =	vmax.f32 v8, v4  }
0x294: {  	v4 =	vmin.f32 v8, v4;
	v8 =	vmax.f32 v5, v2;
	v2 =	vmin.f32 v5, v2;
	v9 =	vld [tilespmem:s11+$0x60]  }
0x295: {  	v10 =	vmax.f32 v1, v6;
	v1 =	vmin.f32 v1, v6;
	v6 =	vmax.f32 v7, v0;
	v5 =	vld [tilespmem:s11+$0xE0]  }
0x296: {  	v0 =	vmin.f32 v7, v0;
	v7 =	vmax.f32 v3, v8;
	v3 =	vmin.f32 v3, v8;
	v11 =	vld [tilespmem:s11+$0x160]  }
0x297: {  	v12 =	vmax.f32 v4, v2;
	v2 =	vmin.f32 v4, v2;
	v4 =	vmax.f32 v10, v6;
	v8 =	vld [tilespmem:s11+$0x1E0]  }
0x298: {  	v6 =	vmin.f32 v10, v6;
	v10 =	vmax.f32 v1, v0;
	v0 =	vmin.f32 v1, v0;
	v13 =	vld [tilespmem:s11+$0x260]  }
0x299: {  	v0 =	vmax.f32 v28, v0;
	v10 =	vmax.f32 v26, v10;
	v6 =	vmax.f32 v25, v6;
	v1 =	vld [tilespmem:s11+$0x2E0]  }
0x29a: {  	v4 =	vmax.f32 v31, v4;
	v2 =	vmax.f32 v30, v2;
	v12 =	vmax.f32 v29, v12;
	v14 =	vld [tilespmem:s11+$0x360]  }
0x29b: {  	v3 =	vmax.f32 v27, v3;
	v7 =	vmax.f32 v24, v7;
	v16 =	vmin.f32 v0, v2;
	v15 =	vld [tilespmem:s11+$0x3E0]  }
0x29c: {  	v18 =	vmin.f32 v10, v12;
	v19 =	vmin.f32 v6, v3;
	v20 =	vmin.f32 v4, v7;
	v17 =	vld [tilespmem:s11+$0x460]  }
0x29d: {  	v0 =	vmax.f32 v0, v2;
	v2 =	vmin.f32 v16, v19;
	v22 =	vmin.f32 v18, v20;
	v21 =	vld [tilespmem:s11+$0x4E0]  }
0x29e: {  	v10 =	vmax.f32 v10, v12;
	v3 =	vmax.f32 v6, v3;
	v24 =	vmin.f32 v2, v22;
	v23 =	vld [tilespmem:s11+$0x560]  }
0x29f: {  	v4 =	vmax.f32 v4, v7;
	v7 =	vmax.f32 v0, v3;
	v0 =	vmin.f32 v0, v3;
	v6 =	vld [tilespmem:s11+$0x5E0]  }
0x2a0: {  	v12 =	vmax.f32 v10, v4;
	v4 =	vmin.f32 v10, v4;
	v10 =	vmax.f32 v16, v19;
	v3 =	vld [tilespmem:s11+$0x660]  }
0x2a1: {  	v18 =	vmax.f32 v18, v20;
	v28 =	vmax.f32 v7, v12;
	v26 =	vmin.f32 v7, v12;
	v16 =	vld [tilespmem:s11+$0x6E0]  }
0x2a2: {  	v25 =	vmax.f32 v0, v4;
	v31 =	vmin.f32 v0, v4;
	v30 =	vmax.f32 v10, v18;
	v7 =	vld [tilespmem:s11+$0x760]  }
0x2a3: {  	v29 =	vmin.f32 v10, v18;
	v27 =	vmax.f32 v2, v22;
	v0 =	vld [tilespmem:s11+$0x7E0]  }
0x2a4: {  	v2 =	vmax.f32 v9, v5;
	v4 =	vmin.f32 v9, v5;
	v5 =	vmax.f32 v11, v8  }
0x2a5: {  	v8 =	vmin.f32 v11, v8;
	v9 =	vmax.f32 v13, v1;
	v1 =	vmin.f32 v13, v1  }
0x2a6: {  	v10 =	vmax.f32 v14, v15;
	v11 =	vmin.f32 v14, v15;
	v12 =	vmax.f32 v17, v21  }
0x2a7: {  	v13 =	vmin.f32 v17, v21;
	v14 =	vmax.f32 v23, v6;
	v6 =	vmin.f32 v23, v6  }
0x2a8: {  	v15 =	vmax.f32 v3, v16;
	v3 =	vmin.f32 v3, v16;
	v16 =	vmax.f32 v7, v0  }
0x2a9: {  	v18 =	vmin.f32 v4, v8;
	v17 =	vmax.f32 v2, v5;
	v0 =	vmin.f32 v7, v0  }
0x2aa: {  	v19 =	vmin.f32 v1, v11;
	v20 =	vmax.f32 v12, v14;
	v7 =	vmax.f32 v9, v10  }
0x2ab: {  	v21 =	vmin.f32 v13, v6;
	v22 =	vmax.f32 v15, v16;
	v23 =	vmin.f32 v3, v0  }
0x2ac: {  	v4 =	vmax.f32 v4, v8;
	v2 =	vmin.f32 v2, v5;
	v5 =	vmin.f32 v9, v10  }
0x2ad: {  	v1 =	vmax.f32 v1, v11;
	v8 =	vmin.f32 v12, v14;
	v6 =	vmax.f32 v13, v6  }
0x2ae: {  	v9 =	vmax.f32 v17, v7;
	v10 =	vmin.f32 v15, v16;
	v0 =	vmax.f32 v3, v0  }
0x2af: {  	v3 =	vmin.f32 v18, v19;
	v11 =	vmax.f32 v20, v22;
	v12 =	vmin.f32 v21, v23  }
0x2b0: {  	v14 =	vmax.f32 v18, v19;
	v7 =	vmin.f32 v17, v7;
	v15 =	vmin.f32 v20, v22  }
0x2b1: {  	v13 =	vmax.f32 v4, v2;
	v16 =	vmin.f32 v4, v2;
	v17 =	vmax.f32 v21, v23  }
0x2b2: {  	v18 =	vmax.f32 v1, v5;
	v19 =	vmin.f32 v1, v5;
	v20 =	vmax.f32 v6, v8  }
0x2b3: {  	v6 =	vmin.f32 v6, v8;
	v8 =	vmax.f32 v0, v10;
	v10 =	vmin.f32 v0, v10  }
0x2b4: {  	v2 =	vmin.f32 v13, v18;
	v1 =	vmax.f32 v9, v12;
	v0 =	vmax.f32 v3, v11  }
.Ltmp6:
0x2b5: {  	v4 =	vmax.f32 v16, v19;
	v3 =	vmin.f32 v20, v8;
	v5 =	vmax.f32 v6, v10;
	(pc) =	sbr.rel @p1 .LBB2_15-.Ltmp6, $4  }
0x2b6: {  	v16 =	vmin.f32 v16, v19;
	v11 =	vmax.f32 v13, v18;
	v18 =	vmax.f32 v20, v8  }
0x2b7: {  	v9 =	vmin.f32 v14, v16;
	v19 =	vmin.f32 v6, v10;
	v8 =	vmax.f32 v11, v7  }
0x2b8: {  	v6 =	vmin.f32 v11, v7;
	v12 =	vmax.f32 v18, v15;
	v13 =	vmin.f32 v17, v19  }
0x2b9: {  	s10 =	sadd.s32 $0x2000, s10;
	v10 =	vmax.f32 v14, v16;
	v11 =	vmin.f32 v18, v15;
	v7 =	vmax.f32 v17, v19  }
0x2ba: {  	v14 =	vmax.f32 v4, v6;
	v8 =	vmax.f32 v8, v13  }
0x2bb: {  	v9 =	vmax.f32 v9, v12;
	v12 =	vmin.f32 v10, v2;
	v13 =	vmax.f32 v5, v11  }
0x2bc: {  	v15 =	vmin.f32 v7, v3;
	v4 =	vmin.f32 v4, v6;
	v2 =	vmax.f32 v10, v2  }
0x2bd: {  	v5 =	vmin.f32 v5, v11;
	v3 =	vmax.f32 v7, v3;
	v6 =	vmax.f32 v14, v15  }
0x2be: {  	v7 =	vmax.f32 v12, v13;
	v10 =	vmax.f32 v2, v4;
	v2 =	vmin.f32 v2, v4  }
0x2bf: {  	v4 =	vmax.f32 v3, v5;
	v3 =	vmin.f32 v3, v5;
	v5 =	vmax.f32 v8, v7  }
0x2c0: {  	v7 =	vmin.f32 v8, v7;
	v2 =	vmax.f32 v2, v4;
	v4 =	vmax.f32 v6, v9  }
0x2c1: {  	v6 =	vmin.f32 v6, v9;
	v3 =	vmax.f32 v10, v3;
	v8 =	vmax.f32 v1, v2  }
0x2c2: {  	v1 =	vmin.f32 v1, v2;
	v2 =	vmax.f32 v3, v0;
	v0 =	vmin.f32 v3, v0  }
0x2c3: {  	v3 =	vmax.f32 v8, v4;
	v4 =	vmin.f32 v8, v4;
	v8 =	vmax.f32 v5, v2  }
0x2c4: {  	v2 =	vmin.f32 v5, v2;
	v5 =	vmax.f32 v1, v6;
	v1 =	vmin.f32 v1, v6  }
0x2c5: {  	v11 =	vld [tilespmem:s9+$0x170];
	v10 =	vmax.f32 v7, v0;
	v0 =	vmin.f32 v7, v0;
	v7 =	vmax.f32 v3, v8  }
0x2c6: {  	v19 =	vld [tilespmem:s9+$0x470];
	v3 =	vmin.f32 v3, v8;
	v8 =	vmax.f32 v4, v2;
	v2 =	vmin.f32 v4, v2  }
0x2c7: {  	v21 =	vld [tilespmem:s9+$0x4F0];
	v12 =	vmax.f32 v5, v10;
	v13 =	vmax.f32 v1, v0;
	v0 =	vmin.f32 v1, v0  }
0x2c8: {  	v23 =	vld [tilespmem:s9+$0x6F0];
	v5 =	vmin.f32 v5, v10;
	v0 =	vmax.f32 v28, v0;
	v10 =	vmax.f32 v26, v13  }
0x2c9: {  	v14 =	vld [tilespmem:s9+$0x370];
	v5 =	vmax.f32 v25, v5;
	v12 =	vmax.f32 v31, v12;
	v2 =	vmax.f32 v30, v2  }
0x2ca: {  	v15 =	vld [tilespmem:s9+$0x3F0];
	v8 =	vmax.f32 v29, v8;
	v3 =	vmax.f32 v27, v3;
	v7 =	vmax.f32 v24, v7  }
0x2cb: {  	v9 =	vld [tilespmem:s9+$0x70];
	v16 =	vmin.f32 v0, v2;
	v17 =	vmin.f32 v10, v8;
	v18 =	vmin.f32 v5, v3  }
0x2cc: {  	v6 =	vld [tilespmem:s9+$0xF0];
	v20 =	vmin.f32 v12, v7;
	v0 =	vmax.f32 v0, v2;
	v8 =	vmax.f32 v10, v8  }
0x2cd: {  	v4 =	vld [tilespmem:s9+$0x1F0];
	v3 =	vmax.f32 v5, v3;
	v2 =	vmin.f32 v16, v18;
	v22 =	vmin.f32 v17, v20  }
0x2ce: {  	v5 =	vld [tilespmem:s9+$0x570];
	v7 =	vmax.f32 v12, v7;
	v16 =	vmax.f32 v16, v18;
	v10 =	vmin.f32 v2, v22  }
0x2cf: {  	v12 =	vld [tilespmem:s9+$0x5F0];
	v17 =	vmax.f32 v17, v20;
	v2 =	vmax.f32 v2, v22;
	[tilespmem:$0x1FDB0] =	vst v10;
	v10 =	vmax.f32 v0, v3  }
0x2d0: {  	v1 =	vld [tilespmem:s9+$0x270];
	v0 =	vmin.f32 v0, v3;
	v3 =	vmax.f32 v8, v7;
	v7 =	vmin.f32 v8, v7  }
0x2d1: {  	v13 =	vld [tilespmem:s9+$0x2F0];
	v36 =	vmax.f32 v10, v3;
	v3 =	vmin.f32 v10, v3;
	v10 =	vmax.f32 v14, v15  }
0x2d2: {  	v8 =	vld [tilespmem:s9+$0x670];
	[tilespmem:$0x1FF20] =	vst v3;
	v3 =	vmax.f32 v0, v7;
	v0 =	vmin.f32 v0, v7;
	v7 =	vmax.f32 v11, v4  }
0x2d3: {  	v4 =	vmin.f32 v11, v4;
	v11 =	vmin.f32 v14, v15;
	[tilespmem:$0x1FF10] =	vst v3;
	v3 =	vmax.f32 v16, v17  }
0x2d4: {  	v14 =	vmin.f32 v19, v21;
	v15 =	vmax.f32 v5, v12;
	[tilespmem:$0x1FDD0] =	vst v3;
	v3 =	vmin.f32 v16, v17  }
0x2d5: {  	v5 =	vmin.f32 v5, v12;
	[tilespmem:$0x1FDE0] =	vst v3;
	v3 =	vmax.f32 v9, v6;
	v6 =	vmin.f32 v9, v6  }
0x2d6: {  	[tilespmem:$0x1FDF0] =	vst v2;
	v2 =	vld [tilespmem:s9+$0x7F0];
	v9 =	vmax.f32 v1, v13;
	v1 =	vmin.f32 v1, v13;
	v13 =	vmax.f32 v19, v21  }
0x2d7: {  	[tilespmem:$0x1FDC0] =	vst v0;
	v0 =	vld [tilespmem:s9+$0x770];
	v12 =	vmax.f32 v8, v23;
	v8 =	vmin.f32 v8, v23;
	v21 =	vmin.f32 v14, v5  }
0x2d8: {  	v5 =	vmax.f32 v14, v5;
	v17 =	vmax.f32 v3, v7;
	v18 =	vmin.f32 v6, v4  }
0x2d9: {  	v19 =	vmin.f32 v1, v11;
	v33 =	vmax.f32 v13, v15;
	v3 =	vmin.f32 v3, v7  }
0x2da: {  	v4 =	vmax.f32 v6, v4;
	v6 =	vmin.f32 v9, v10;
	v7 =	vmin.f32 v13, v15  }
0x2db: {  	v1 =	vmax.f32 v1, v11;
	v14 =	vmax.f32 v18, v19;
	v20 =	vmax.f32 v5, v7  }
0x2dc: {  	v7 =	vmin.f32 v5, v7;
	v16 =	vmax.f32 v0, v2;
	v0 =	vmin.f32 v0, v2  }
0x2dd: {  	[tilespmem:$0x1FF30] =	vst v36;
	v2 =	vmax.f32 v9, v10;
	v36 =	vmax.f32 v12, v16;
	v23 =	vmin.f32 v8, v0  }
0x2de: {  	v9 =	vmax.f32 v17, v2;
	v10 =	vmin.f32 v12, v16;
	v0 =	vmax.f32 v8, v0  }
0x2df: {  	v8 =	vmin.f32 v18, v19;
	v13 =	vmin.f32 v17, v2;
	v16 =	vmax.f32 v4, v3  }
0x2e0: {  	v24 =	vld [tilespmem:$0x1FF00];
	v17 =	vmin.f32 v4, v3;
	v11 =	vmax.f32 v33, v36;
	v12 =	vmin.f32 v21, v23  }
0x2e1: {  	v25 =	vld [tilespmem:$0x1FE80];
	v15 =	vmin.f32 v33, v36;
	v18 =	vmax.f32 v21, v23;
	v33 =	vmax.f32 v1, v6  }
0x2e2: {  	v26 =	vld [tilespmem:$0x1FEF0];
	v6 =	vmin.f32 v1, v6;
	v36 =	vmax.f32 v0, v10;
	v10 =	vmin.f32 v0, v10  }
0x2e3: {  	v27 =	vld [tilespmem:$0x1FEE0];
	v2 =	vmin.f32 v16, v33;
	v1 =	vmax.f32 v9, v12;
	v0 =	vmax.f32 v8, v11  }
0x2e4: {  	v28 =	vld [tilespmem:$0x1FED0];
	v4 =	vmax.f32 v17, v6;
	v3 =	vmin.f32 v20, v36;
	v5 =	vmax.f32 v7, v10  }
0x2e5: {  	v29 =	vld [tilespmem:$0x1FEC0];
	v11 =	vmax.f32 v16, v33;
	v33 =	vmin.f32 v17, v6;
	v36 =	vmax.f32 v20, v36  }
0x2e6: {  	v30 =	vld [tilespmem:$0x1FEB0];
	v7 =	vmin.f32 v7, v10;
	v8 =	vmax.f32 v11, v13;
	v9 =	vmin.f32 v14, v33  }
0x2e7: {  	v31 =	vld [tilespmem:$0x1FEA0];
	v6 =	vmin.f32 v11, v13;
	v12 =	vmax.f32 v36, v15;
	v13 =	vmin.f32 v18, v7  }
0x2e8: {  	s9 =	simm.s32 $0x2000;
	v10 =	vmax.f32 v14, v33;
	v11 =	vmin.f32 v36, v15;
	v7 =	vmax.f32 v18, v7;
	v36 =	vld [tilespmem:$0x1FE10]  }
.LBB2_17:
0x2e9: {  	p1 =	sne.s32 s9, $0x3E000;
	v14 =	vmax.f32 v4, v6;
	v8 =	vmax.f32 v8, v13;
	v9 =	vmax.f32 v9, v12  }
0x2ea: {  	v12 =	vmin.f32 v10, v2;
	v13 =	vmax.f32 v5, v11;
	v15 =	vmin.f32 v7, v3  }
0x2eb: {  	v4 =	vmin.f32 v4, v6;
	v2 =	vmax.f32 v10, v2;
	v5 =	vmin.f32 v5, v11  }
0x2ec: {  	v3 =	vmax.f32 v7, v3;
	v6 =	vmax.f32 v14, v15;
	v7 =	vmax.f32 v12, v13  }
0x2ed: {  	v10 =	vmax.f32 v2, v4;
	v2 =	vmin.f32 v2, v4;
	v4 =	vmax.f32 v3, v5  }
0x2ee: {  	v3 =	vmin.f32 v3, v5;
	v5 =	vmax.f32 v8, v7;
	v7 =	vmin.f32 v8, v7  }
0x2ef: {  	v2 =	vmax.f32 v2, v4;
	v4 =	vmax.f32 v6, v9;
	v6 =	vmin.f32 v6, v9  }
0x2f0: {  	v3 =	vmax.f32 v10, v3;
	v8 =	vmax.f32 v1, v2;
	v1 =	vmin.f32 v1, v2  }
0x2f1: {  	s10 =	sshra.s32 s9, $0x2;
	v2 =	vmax.f32 v3, v0;
	v0 =	vmin.f32 v3, v0;
	v3 =	vmax.f32 v8, v4  }
0x2f2: {  	v4 =	vmin.f32 v8, v4;
	v8 =	vmax.f32 v5, v2;
	v2 =	vmin.f32 v5, v2;
	v9 =	vld [tilespmem:s10+$0x70]  }
0x2f3: {  	v10 =	vmax.f32 v1, v6;
	v1 =	vmin.f32 v1, v6;
	v6 =	vmax.f32 v7, v0;
	v5 =	vld [tilespmem:s10+$0xF0]  }
0x2f4: {  	v0 =	vmin.f32 v7, v0;
	v7 =	vmax.f32 v3, v8;
	v3 =	vmin.f32 v3, v8;
	v11 =	vld [tilespmem:s10+$0x170]  }
0x2f5: {  	v12 =	vmax.f32 v4, v2;
	v2 =	vmin.f32 v4, v2;
	v4 =	vmax.f32 v10, v6;
	v8 =	vld [tilespmem:s10+$0x1F0]  }
0x2f6: {  	v6 =	vmin.f32 v10, v6;
	v10 =	vmax.f32 v1, v0;
	v0 =	vmin.f32 v1, v0;
	v13 =	vld [tilespmem:s10+$0x270]  }
0x2f7: {  	v0 =	vmax.f32 v31, v0;
	v10 =	vmax.f32 v29, v10;
	v6 =	vmax.f32 v30, v6;
	v1 =	vld [tilespmem:s10+$0x2F0]  }
0x2f8: {  	v4 =	vmax.f32 v28, v4;
	v2 =	vmax.f32 v26, v2;
	v12 =	vmax.f32 v27, v12;
	v14 =	vld [tilespmem:s10+$0x370]  }
0x2f9: {  	v3 =	vmax.f32 v25, v3;
	v7 =	vmax.f32 v24, v7;
	v16 =	vmin.f32 v0, v2;
	v15 =	vld [tilespmem:s10+$0x3F0]  }
0x2fa: {  	v18 =	vmin.f32 v10, v12;
	v19 =	vmin.f32 v6, v3;
	v20 =	vmin.f32 v4, v7;
	v17 =	vld [tilespmem:s10+$0x470]  }
0x2fb: {  	v0 =	vmax.f32 v0, v2;
	v2 =	vmin.f32 v16, v19;
	v22 =	vmin.f32 v18, v20;
	v21 =	vld [tilespmem:s10+$0x4F0]  }
0x2fc: {  	v10 =	vmax.f32 v10, v12;
	v3 =	vmax.f32 v6, v3;
	v24 =	vmin.f32 v2, v22;
	v23 =	vld [tilespmem:s10+$0x570]  }
0x2fd: {  	v4 =	vmax.f32 v4, v7;
	v7 =	vmax.f32 v0, v3;
	v0 =	vmin.f32 v0, v3;
	v6 =	vld [tilespmem:s10+$0x5F0]  }
0x2fe: {  	v12 =	vmax.f32 v10, v4;
	v4 =	vmin.f32 v10, v4;
	v10 =	vmax.f32 v16, v19;
	v3 =	vld [tilespmem:s10+$0x670]  }
0x2ff: {  	v18 =	vmax.f32 v18, v20;
	v31 =	vmax.f32 v7, v12;
	v29 =	vmin.f32 v7, v12;
	v16 =	vld [tilespmem:s10+$0x6F0]  }
0x300: {  	v30 =	vmax.f32 v0, v4;
	v28 =	vmin.f32 v0, v4;
	v26 =	vmax.f32 v10, v18;
	v7 =	vld [tilespmem:s10+$0x770]  }
0x301: {  	v27 =	vmin.f32 v10, v18;
	v25 =	vmax.f32 v2, v22;
	v0 =	vld [tilespmem:s10+$0x7F0]  }
0x302: {  	v2 =	vmax.f32 v9, v5;
	v4 =	vmin.f32 v9, v5;
	v5 =	vmax.f32 v11, v8  }
0x303: {  	v8 =	vmin.f32 v11, v8;
	v9 =	vmax.f32 v13, v1;
	v1 =	vmin.f32 v13, v1  }
0x304: {  	v10 =	vmax.f32 v14, v15;
	v11 =	vmin.f32 v14, v15;
	v12 =	vmax.f32 v17, v21  }
0x305: {  	v13 =	vmin.f32 v17, v21;
	v14 =	vmax.f32 v23, v6;
	v6 =	vmin.f32 v23, v6  }
0x306: {  	v15 =	vmax.f32 v3, v16;
	v3 =	vmin.f32 v3, v16;
	v16 =	vmax.f32 v7, v0  }
0x307: {  	v18 =	vmin.f32 v4, v8;
	v17 =	vmax.f32 v2, v5;
	v0 =	vmin.f32 v7, v0  }
0x308: {  	v19 =	vmin.f32 v1, v11;
	v20 =	vmax.f32 v12, v14;
	v7 =	vmax.f32 v9, v10  }
0x309: {  	v21 =	vmin.f32 v13, v6;
	v22 =	vmax.f32 v15, v16;
	v23 =	vmin.f32 v3, v0  }
0x30a: {  	v4 =	vmax.f32 v4, v8;
	v2 =	vmin.f32 v2, v5;
	v5 =	vmin.f32 v9, v10  }
0x30b: {  	v1 =	vmax.f32 v1, v11;
	v8 =	vmin.f32 v12, v14;
	v6 =	vmax.f32 v13, v6  }
0x30c: {  	v9 =	vmax.f32 v17, v7;
	v10 =	vmin.f32 v15, v16;
	v0 =	vmax.f32 v3, v0  }
0x30d: {  	v3 =	vmin.f32 v18, v19;
	v11 =	vmax.f32 v20, v22;
	v12 =	vmin.f32 v21, v23  }
0x30e: {  	v14 =	vmax.f32 v18, v19;
	v7 =	vmin.f32 v17, v7;
	v15 =	vmin.f32 v20, v22  }
0x30f: {  	v13 =	vmax.f32 v4, v2;
	v16 =	vmin.f32 v4, v2;
	v17 =	vmax.f32 v21, v23  }
0x310: {  	v18 =	vmax.f32 v1, v5;
	v19 =	vmin.f32 v1, v5;
	v20 =	vmax.f32 v6, v8  }
0x311: {  	v6 =	vmin.f32 v6, v8;
	v8 =	vmax.f32 v0, v10;
	v10 =	vmin.f32 v0, v10  }
0x312: {  	v2 =	vmin.f32 v13, v18;
	v1 =	vmax.f32 v9, v12;
	v0 =	vmax.f32 v3, v11  }
.Ltmp7:
0x313: {  	v4 =	vmax.f32 v16, v19;
	v3 =	vmin.f32 v20, v8;
	v5 =	vmax.f32 v6, v10;
	(pc) =	sbr.rel @p1 .LBB2_17-.Ltmp7, $4  }
0x314: {  	v16 =	vmin.f32 v16, v19;
	v11 =	vmax.f32 v13, v18;
	v18 =	vmax.f32 v20, v8  }
0x315: {  	v9 =	vmin.f32 v14, v16;
	v19 =	vmin.f32 v6, v10;
	v8 =	vmax.f32 v11, v7  }
0x316: {  	v6 =	vmin.f32 v11, v7;
	v12 =	vmax.f32 v18, v15;
	v13 =	vmin.f32 v17, v19  }
0x317: {  	s9 =	sadd.s32 $0x2000, s9;
	v10 =	vmax.f32 v14, v16;
	v11 =	vmin.f32 v18, v15;
	v7 =	vmax.f32 v17, v19  }
0x318: {  	v14 =	vmax.f32 v4, v6;
	v8 =	vmax.f32 v8, v13;
	v9 =	vmax.f32 v9, v12  }
0x319: {  	v12 =	vmin.f32 v10, v2;
	v13 =	vmax.f32 v5, v11;
	v15 =	vmin.f32 v7, v3  }
0x31a: {  	v4 =	vmin.f32 v4, v6;
	v2 =	vmax.f32 v10, v2;
	v5 =	vmin.f32 v5, v11  }
0x31b: {  	v3 =	vmax.f32 v7, v3;
	v6 =	vmax.f32 v14, v15;
	v7 =	vmax.f32 v12, v13  }
0x31c: {  	v10 =	vmax.f32 v2, v4;
	v2 =	vmin.f32 v2, v4;
	v4 =	vmax.f32 v3, v5  }
0x31d: {  	v3 =	vmin.f32 v3, v5;
	v5 =	vmax.f32 v8, v7;
	v7 =	vmin.f32 v8, v7  }
0x31e: {  	v2 =	vmax.f32 v2, v4;
	v4 =	vmax.f32 v6, v9;
	v6 =	vmin.f32 v6, v9  }
0x31f: {  	v3 =	vmax.f32 v10, v3;
	v8 =	vmax.f32 v1, v2;
	v1 =	vmin.f32 v1, v2  }
0x320: {  	v2 =	vmax.f32 v3, v0;
	v0 =	vmin.f32 v3, v0;
	v3 =	vmax.f32 v8, v4  }
0x321: {  	v4 =	vmin.f32 v8, v4;
	v8 =	vmax.f32 v5, v2;
	v2 =	vmin.f32 v5, v2  }
0x322: {  	v5 =	vmax.f32 v1, v6;
	v1 =	vmin.f32 v1, v6;
	v6 =	vmax.f32 v7, v0  }
0x323: {  	v0 =	vmin.f32 v7, v0;
	v7 =	vmax.f32 v3, v8;
	v3 =	vmin.f32 v3, v8  }
0x324: {  	v8 =	vmax.f32 v4, v2;
	v2 =	vmin.f32 v4, v2;
	v4 =	vmax.f32 v5, v6  }
0x325: {  	v9 =	vmax.f32 v1, v0;
	v0 =	vmin.f32 v1, v0;
	v1 =	vmin.f32 v5, v6  }
0x326: {  	v0 =	vmax.f32 v31, v0;
	v5 =	vmax.f32 v29, v9;
	v1 =	vmax.f32 v30, v1  }
0x327: {  	v33 =	vld [tilespmem:$0x1FE40];
	v4 =	vmax.f32 v28, v4;
	v2 =	vmax.f32 v26, v2;
	v6 =	vmax.f32 v27, v8  }
0x328: {  	v16 =	vld [tilespmem:$0x1FE50];
	v3 =	vmax.f32 v25, v3;
	v7 =	vmax.f32 v24, v7;
	v8 =	vmin.f32 v0, v2  }
0x329: {  	v24 =	vld [tilespmem:$0x1FDB0];
	v9 =	vmin.f32 v5, v6;
	v10 =	vmin.f32 v1, v3;
	v11 =	vmin.f32 v4, v7  }
0x32a: {  	v26 =	vld [tilespmem:$0x1FE00];
	v0 =	vmax.f32 v0, v2;
	v5 =	vmax.f32 v5, v6;
	v1 =	vmax.f32 v1, v3  }
0x32b: {  	v27 =	vld [tilespmem:$0x1FDF0];
	v3 =	vmax.f32 v4, v7;
	v2 =	vmin.f32 v8, v10;
	v12 =	vmin.f32 v9, v11  }
.Ltmp8:
0x32c: {  	v28 =	vld [tilespmem:$0x1FE30];
	v4 =	vmax.f32 v0, v1;
	v0 =	vmin.f32 v0, v1;
	v1 =	vmax.f32 v5, v3;
	(pc) =	sbr.rel @p0 .LBB2_2-.Ltmp8, $4  }
0x32d: {  	v29 =	vld [tilespmem:$0x1FDE0];
	v3 =	vmin.f32 v5, v3;
	v5 =	vmax.f32 v8, v10;
	v6 =	vmax.f32 v9, v11  }
0x32e: {  	v30 =	vld [tilespmem:$0x1FDD0];
	v9 =	vmax.f32 v4, v1;
	v7 =	vmin.f32 v4, v1;
	v8 =	vmax.f32 v0, v3  }
0x32f: {  	v4 =	vmin.f32 v0, v3;
	v1 =	vmax.f32 v5, v6;
	v3 =	vmin.f32 v5, v6;
	v5 =	vld [tilespmem:$0x1FE90]  }
0x330: {  	s9 =	simm.s32 $0x2000;
	p1 =	por $0x0, $0x0;
	v31 =	vld [tilespmem:$0x1FDC0];
	v13 =	vmin.f32 v2, v12;
	v2 =	vmax.f32 v2, v12  }
0x331: {  	[tilespmem:$0x10000] =	vst v63  }
0x332: {  	[tilespmem:$0x10080] =	vst v62  }
0x333: {  	[tilespmem:$0x10100] =	vst v61  }
0x334: {  	[tilespmem:$0x10180] =	vst v60  }
0x335: {  	[tilespmem:$0x10200] =	vst v59  }
0x336: {  	[tilespmem:$0x10280] =	vst v58  }
0x337: {  	[tilespmem:$0x10300] =	vst v57  }
0x338: {  	[tilespmem:$0x10380] =	vst v16  }
0x339: {  	[tilespmem:$0x10010] =	vst v56  }
0x33a: {  	[tilespmem:$0x10090] =	vst v55  }
0x33b: {  	[tilespmem:$0x10110] =	vst v54  }
0x33c: {  	[tilespmem:$0x10190] =	vst v53  }
0x33d: {  	[tilespmem:$0x10210] =	vst v52  }
0x33e: {  	[tilespmem:$0x10290] =	vst v51  }
0x33f: {  	[tilespmem:$0x10310] =	vst v50  }
0x340: {  	[tilespmem:$0x10020] =	vst v49  }
0x341: {  	[tilespmem:$0x100A0] =	vst v48  }
0x342: {  	[tilespmem:$0x10120] =	vst v47  }
0x343: {  	[tilespmem:$0x101A0] =	vst v46  }
0x344: {  	[tilespmem:$0x10220] =	vst v45  }
0x345: {  	[tilespmem:$0x102A0] =	vst v44  }
0x346: {  	[tilespmem:$0x10320] =	vst v43  }
0x347: {  	[tilespmem:$0x10030] =	vst v42  }
0x348: {  	[tilespmem:$0x100B0] =	vst v41  }
0x349: {  	[tilespmem:$0x10130] =	vst v40  }
0x34a: {  	[tilespmem:$0x101B0] =	vst v39  }
0x34b: {  	[tilespmem:$0x10230] =	vst v38  }
0x34c: {  	[tilespmem:$0x102B0] =	vst v37  }
0x34d: {  	[tilespmem:$0x103B0] =	vst v28  }
0x34e: {  	[tilespmem:$0x10340] =	vst v36  }
0x34f: {  	[tilespmem:$0x103C0] =	vst v26  }
0x350: {  	[tilespmem:$0x10050] =	vst v32  }
0x351: {  	[tilespmem:$0x10150] =	vst v35  }
0x352: {  	[tilespmem:$0x101D0] =	vst v34  }
0x353: {  	[tilespmem:$0x102D0] =	vst v33  }
0x354: {  	[tilespmem:$0x10360] =	vst v27  }
0x355: {  	[tilespmem:$0x103E0] =	vst v24  }
0x356: {  	[tilespmem:$0x10070] =	vst v9  }
0x357: {  	[tilespmem:$0x100F0] =	vst v7  }
0x358: {  	[tilespmem:$0x10170] =	vst v8  }
0x359: {  	[tilespmem:$0x101F0] =	vst v4  }
0x35a: {  	[tilespmem:$0x10270] =	vst v1  }
0x35b: {  	[tilespmem:$0x102F0] =	vst v3  }
0x35c: {  	[tilespmem:$0x10370] =	vst v2  }
0x35d: {  	v0 =	vld [tilespmem:$0x1FFF0];
	[tilespmem:$0x103F0] =	vst v13  }
0x35e: {  	v50 =	vld [tilespmem:$0x1FFE0];
	[tilespmem:$0x102E0] =	vst v29  }
0x35f: {  	v51 =	vld [tilespmem:$0x1FFD0];
	[tilespmem:$0x10260] =	vst v30  }
0x360: {  	v52 =	vld [tilespmem:$0x1FFC0];
	[tilespmem:$0x100D0] =	vst v5  }
0x361: {  	v53 =	vld [tilespmem:$0x1FFB0];
	[tilespmem:$0x101E0] =	vst v31  }
0x362: {  	v54 =	vld [tilespmem:$0x1FFA0];
	[tilespmem:$0x10390] =	vst v0  }
0x363: {  	v55 =	vld [tilespmem:$0x1FF90];
	[tilespmem:$0x103A0] =	vst v50  }
0x364: {  	v56 =	vld [tilespmem:$0x1FF80];
	[tilespmem:$0x10330] =	vst v51  }
0x365: {  	v57 =	vld [tilespmem:$0x1FF70];
	[tilespmem:$0x10040] =	vst v52  }
0x366: {  	v58 =	vld [tilespmem:$0x1FF60];
	[tilespmem:$0x100C0] =	vst v53  }
0x367: {  	v59 =	vld [tilespmem:$0x1FF50];
	[tilespmem:$0x10140] =	vst v54  }
0x368: {  	v60 =	vld [tilespmem:$0x1FF40];
	[tilespmem:$0x101C0] =	vst v55  }
0x369: {  	v61 =	vld [tilespmem:$0x1FF30];
	[tilespmem:$0x10240] =	vst v56  }
0x36a: {  	v62 =	vld [tilespmem:$0x1FF20];
	[tilespmem:$0x102C0] =	vst v57  }
0x36b: {  	v63 =	vld [tilespmem:$0x1FF10];
	[tilespmem:$0x10250] =	vst v58  }
0x36c: {  	[tilespmem:$0x10350] =	vst v59  }
0x36d: {  	[tilespmem:$0x103D0] =	vst v60  }
0x36e: {  	s8 =	sadd.s32 $0x1, s8;
	[tilespmem:$0x10060] =	vst v61  }
0x36f: {  	p0 =	sne.s32 s8, s5;
	[tilespmem:$0x100E0] =	vst v62  }
.Ltmp9:
0x370: {  	[tilespmem:$0x10160] =	vst v63;
	(pc) =	sbr.rel @p0 .LBB2_1-.Ltmp9, $4  }
0x371: {  	[hbm4b:s4+s2] =	stream.linear.scatter [tilespmem:s7], [sflag:$0x1], $0x400, $0x38;
	[tilespmem:$0x10400] =	vst v63  }
0x372: {  	_ =	swait.ge [sflag:s6], $0x400  }
0x373: {  	[sflag:s6] =	ssyncset.done $0x0  }
0x374: {  	[sflag:s6] =	ssyncadd.s32 $0xFFFFFC00  }
0x375: {  	_ =	sfence.sel $0x180000  }
0x376: {  	[bflag:$0x0] =	sbarrier.arrive $0xFFFF  }
0x377: {  	p0 =	sne.s32 s1, $0x0;
	_ =	strace $0x90000047  }
0x378: {  	s0 =	sadd.s32 @!p0 $0x100000, s0;
	[bflag:$0x2] =	sbarrier.arrive $0xFFFF  }
0x379: {  	[sflag:s0] =	ssyncadd.tile.s32 @!p0 $0x1;
	_ =	shalt  }
.Lfunc_end2:
_tile_overlayer_lowered:
.L_overlay_start_2:
0x37a: {  	(tag) =	ssettag $0x2  }
0x37b: {  	s0 =	rddreg [dreg:$0x0];
	s2 =	stileid.u32  }
0x37c: {  	s1 =	rddreg [dreg:$0x1];
	p0 =	sne.s32 s2, $0x0  }
0x37d: {  	s3 =	rddreg [dreg:$0x2];
	[bflag:$0x3] =	sbarrier.arrive $0xFFFF;
	s2 =	simm.s32 @!p0 $0x1C01  }
0x37e: {  	[timem:s3], [sflag:s2] =	dma.local @!p0 [hbm:s0], s1  }
0x37f: {  	s0 =	simm.s32 @!p0 $0x1  }
0x380: {  	_ =	swait.ge @!p0 [sflag:s0], s1  }
0x381: {  	s1 =	ssub.s32 @!p0 $0x0, s1;
	[sflag:s0] =	ssyncset.done @!p0 $0x0  }
0x382: {  	[sflag:s0] =	ssyncadd.s32 @!p0 s1  }
0x383: {  	[bflag:$0x3] =	sbarrier.arrive $0xFFFF  }
0x384: {  	_ =	shalt  }

</sc_bundles>
